<compile_context>
chip_gen: v7x
topology: tpu7x:2x2x1
jax: 0.10.2.dev20260603
libtpu: 0.0.44.dev20260713+nightly
codegen_flags: <defaults>
</compile_context>

<pallas_src>
import functools

import jax
import jax.numpy as jnp
from jax import lax
from jax.experimental import pallas as pl
from jax.experimental.pallas import tpu as pltpu
from jax.experimental.pallas import tpu_sc as plsc

N_NODES = 10000
N_EDGES = 320000
D = 128
H = 64
NC = 2
NS = 16
L = 16
CHUNK = 128
CHUNKS = 158
ALLOC_CHUNKS = CHUNKS + 2
EPT = CHUNKS * CHUNK
PAD_E = EPT * NS
DUMMY = N_NODES
ACC_ROWS = 10240
ZROWS = 128
PAIRS = CHUNKS // 2


def _sc_body(x2, edges, lbl, out_a, out_b,
             ebuf, gbuf, abuf, dbuf, rows, lbuf, zbuf, acc_a, acc_b,
             sem_i, sem_g, sem_s):
    cid = lax.axis_index("c")
    sid = lax.axis_index("s")

    idx0 = pltpu.async_copy(edges.at[sid, 0], ebuf.at[0], sem_i.at[0])
    idx1 = pltpu.async_copy(edges.at[sid, 1], ebuf.at[1], sem_i.at[1])

    zero = jnp.zeros((L,), jnp.float32)
    for r in range(ZROWS):
        for c in range(H // L):
            zbuf[r, pl.ds(c * L, L)] = zero
    slab = ACC_ROWS // NS
    for k in range(slab // ZROWS):
        pltpu.sync_copy(zbuf, acc_a.at[pl.ds(sid * slab + k * ZROWS, ZROWS)])
        pltpu.sync_copy(zbuf, acc_b.at[pl.ds(sid * slab + k * ZROWS, ZROWS)])

    pltpu.sync_copy(lbl, lbuf)

    plsc.subcore_barrier()

    def stage(j, p, first):
        pltpu.make_async_copy(edges.at[sid, 0], ebuf.at[p], sem_i.at[p]).wait()
        if not first:
            for _ in range(2):
                pltpu.make_async_copy(
                    x2.at[pl.ds(0, CHUNK)], rows.at[p], sem_s.at[p]).wait()
        for g in range(CHUNK // L):
            s = ebuf[p, 0, pl.ds(g * L, L)]
            d = ebuf[p, 1, pl.ds(g * L, L)]
            lv = plsc.load_gather(lbuf, [s])
            gbuf[p, pl.ds(g * L, L)] = s * 2 + cid
            dbuf[p, pl.ds(g * L, L)] = d
            abuf[p, pl.ds(g * L, L)] = jnp.where(lv == 1, d, DUMMY)
        pltpu.async_copy(edges.at[sid, j + 2], ebuf.at[p], sem_i.at[p])
        return pltpu.async_copy(x2.at[gbuf.at[p]], rows.at[p], sem_g.at[p])

    def scatters(p):
        pltpu.async_copy(rows.at[p], acc_b.at[dbuf.at[p]], sem_s.at[p],
                         add=True)
        pltpu.async_copy(rows.at[p], acc_a.at[abuf.at[p]], sem_s.at[p],
                         add=True)

    def pair(i, first):
        g0 = stage(2 * i, 0, first)
        g1 = stage(2 * i + 1, 1, first)
        g0.wait()
        scatters(0)
        g1.wait()
        scatters(1)
        return 0

    pair(0, True)
    lax.fori_loop(1, PAIRS, lambda i, _: pair(i, False), 0)

    for p in range(2):
        for _ in range(2):
            pltpu.make_async_copy(
                x2.at[pl.ds(0, CHUNK)], rows.at[p], sem_s.at[p]).wait()
        pltpu.make_async_copy(edges.at[sid, 0], ebuf.at[p],
                              sem_i.at[p]).wait()

    plsc.subcore_barrier()

    r0 = sid * (ACC_ROWS // NS)
    pltpu.sync_copy(acc_a.at[pl.ds(r0, ACC_ROWS // NS)],
                    out_a.at[cid, pl.ds(r0, ACC_ROWS // NS)])
    pltpu.sync_copy(acc_b.at[pl.ds(r0, ACC_ROWS // NS)],
                    out_b.at[cid, pl.ds(r0, ACC_ROWS // NS)])


_sc_scatter = functools.partial(
    pl.kernel,
    out_type=[
        jax.ShapeDtypeStruct((NC, ACC_ROWS, H), jnp.float32),
        jax.ShapeDtypeStruct((NC, ACC_ROWS, H), jnp.float32),
    ],
    mesh=plsc.VectorSubcoreMesh(core_axis_name="c", subcore_axis_name="s"),
    compiler_params=pltpu.CompilerParams(needs_layout_passes=False,
                                         use_tc_tiling_on_sc=False),
    scratch_types=[
        pltpu.VMEM((2, 2, CHUNK), jnp.int32),
        pltpu.VMEM((2, CHUNK), jnp.int32),
        pltpu.VMEM((2, CHUNK), jnp.int32),
        pltpu.VMEM((2, CHUNK), jnp.int32),
        pltpu.VMEM((2, CHUNK, H), jnp.float32),
        pltpu.VMEM((N_NODES,), jnp.int32),
        pltpu.VMEM((ZROWS, H), jnp.float32),
        pltpu.VMEM_SHARED((ACC_ROWS, H), jnp.float32),
        pltpu.VMEM_SHARED((ACC_ROWS, H), jnp.float32),
        pltpu.SemaphoreType.DMA((2,)),
        pltpu.SemaphoreType.DMA((2,)),
        pltpu.SemaphoreType.DMA((2,)),
    ],
)(_sc_body)


BM = 1000


def _tc_body(ep_ref, en_ref, x_ref, a_ref, b_ref, ws_ref, wp_ref, wn_ref,
             out_ref):
    t = jnp.concatenate([a_ref[0], a_ref[1]], axis=1)
    s = jnp.concatenate([b_ref[0], b_ref[1]], axis=1)
    hp = s + t
    ep = ep_ref[0, 0]
    en = en_ref[0, 0]
    hf = x_ref[...] + (1.0 + ep) * hp + (1.0 + en) * t
    o1 = jnp.dot(hf, ws_ref[...], preferred_element_type=jnp.float32)
    o2 = jnp.dot(hp, wp_ref[...], preferred_element_type=jnp.float32)
    o3 = jnp.dot(t, wn_ref[...], preferred_element_type=jnp.float32)
    out_ref[...] = jnp.maximum(jnp.concatenate([o1, o2, o3], axis=1), 0.0)


_tc_finish = pl.pallas_call(
    _tc_body,
    grid=(N_NODES // BM,),
    in_specs=[
        pl.BlockSpec(memory_space=pltpu.SMEM),
        pl.BlockSpec(memory_space=pltpu.SMEM),
        pl.BlockSpec((BM, D), lambda i: (i, 0)),
        pl.BlockSpec((NC, BM, H), lambda i: (0, i, 0)),
        pl.BlockSpec((NC, BM, H), lambda i: (0, i, 0)),
        pl.BlockSpec((D, D), lambda i: (0, 0)),
        pl.BlockSpec((D, D), lambda i: (0, 0)),
        pl.BlockSpec((D, D), lambda i: (0, 0)),
    ],
    out_specs=pl.BlockSpec((BM, 3 * D), lambda i: (i, 0)),
    out_shape=jax.ShapeDtypeStruct((N_NODES, 3 * D), jnp.float32),
)


@jax.jit
def kernel(x, edge_index, label, eps_pos, eps_neg,
           weight_self, weight_pos, weight_neg):
    src = edge_index[0].astype(jnp.int32)
    dst = edge_index[1].astype(jnp.int32)
    lbl = label.astype(jnp.int32)
    x2 = x.reshape(2 * N_NODES, H)

    pad = PAD_E - N_EDGES
    src_p = jnp.concatenate([src, jnp.zeros((pad,), jnp.int32)])
    dst_p = jnp.concatenate([dst, jnp.full((pad,), DUMMY, jnp.int32)])
    edges = jnp.stack([src_p.reshape(NS, CHUNKS, CHUNK),
                       dst_p.reshape(NS, CHUNKS, CHUNK)], axis=2)
    extra = jnp.broadcast_to(
        jnp.stack([jnp.zeros((CHUNK,), jnp.int32),
                   jnp.full((CHUNK,), DUMMY, jnp.int32)]),
        (NS, 2, 2, CHUNK))
    edges = jnp.concatenate([edges, extra], axis=1)

    t_half, s_half = _sc_scatter(x2, edges, lbl)

    return _tc_finish(eps_pos.reshape(1, 1), eps_neg.reshape(1, 1),
                      x, t_half, s_half,
                      weight_self, weight_pos, weight_neg)

# --- scband reference (transcript-rebuilt; emitter-appended) ---
"""Pipeline reference for scband-split-message-pass-11965778886799 (READ-ONLY COPY).

The authoritative reference and input builder live on the scoring server;
editing this copy changes nothing except your own understanding.
"""

import jax, jax.numpy as jnp
import numpy as np

N_NODES = 10000
N_EDGES = 320000
IN_FEATS = 128
OUT_FEATS = 128


def _xavier_uniform(key, shape):
    fan_in, fan_out = shape[0], shape[1]
    limit = float(np.sqrt(6.0 / (fan_in + fan_out)))
    return jax.random.uniform(key, shape, dtype=jnp.float32, minval=-limit, maxval=limit)


def setup_inputs(seed: int = 0) -> dict:
    key = jax.random.key(seed)
    k_x, k_e, k_l, k_ws, k_wp, k_wn = jax.random.split(key, 6)
    x = jax.random.normal(k_x, (N_NODES, IN_FEATS), dtype=jnp.float32)
    edge_index = jax.random.randint(k_e, (2, N_EDGES), 0, N_NODES, dtype=jnp.int64)
    label = jax.random.randint(k_l, (N_NODES,), 0, 2, dtype=jnp.int64)
    eps_pos = jnp.zeros((1,), dtype=jnp.float32)
    eps_neg = jnp.zeros((1,), dtype=jnp.float32)
    weight_self = _xavier_uniform(k_ws, (IN_FEATS, OUT_FEATS))
    weight_pos = _xavier_uniform(k_wp, (IN_FEATS, OUT_FEATS))
    weight_neg = _xavier_uniform(k_wn, (IN_FEATS, OUT_FEATS))
    return {"x": x, "edge_index": edge_index, "label": label,
            "eps_pos": eps_pos, "eps_neg": eps_neg,
            "weight_self": weight_self, "weight_pos": weight_pos, "weight_neg": weight_neg}


def reference(x, edge_index, label, eps_pos, eps_neg, weight_self, weight_pos, weight_neg):
    src = edge_index[0]
    dst = edge_index[1]
    lbl = label.astype(jnp.float32)
    # Message: m = cat([h_src * (lbl - 1 * -1), h_src * lbl], dim=1)
    # note torch precedence: lbl - (1 * -1) = lbl + 1
    h_src = jnp.take(x, src, axis=0)            # gather [E, d]
    lbl_src = jnp.take(lbl, src, axis=0)        # gather [E]
    m_pos = h_src * (lbl_src + 1.0)[:, None]
    m_neg = h_src * lbl_src[:, None]
    # fn.sum('m','h_sum') -> scatter-add onto dst nodes
    h_sum_pos = jax.ops.segment_sum(m_pos, dst, num_segments=N_NODES)
    h_sum_neg = jax.ops.segment_sum(m_neg, dst, num_segments=N_NODES)
    h_self = x
    h_self_fin = h_self + (1.0 + eps_pos) * h_sum_pos + (1.0 + eps_neg) * h_sum_neg
    h_self_mult = jnp.matmul(h_self_fin, weight_self)
    h_sum_pos_mult = jnp.matmul(h_sum_pos, weight_pos)
    h_sum_neg_mult = jnp.matmul(h_sum_neg, weight_neg)
    rst = jnp.concatenate([h_self_mult, h_sum_pos_mult, h_sum_neg_mult], axis=1)
    rst = jax.nn.relu(rst)
    return rst

if __name__ == "__main__":
    import jax
    _d = setup_inputs()
    print(jax.jit(kernel)(*tuple(_d.values())))

</pallas_src>

<mosaic_0001>
#map = affine_map<(d0, d1) -> (0, 0)>
#map1 = affine_map<(d0, d1) -> (0, 0, 0, 0)>
#map2 = affine_map<(d0, d1) -> (0)>
#map3 = affine_map<(d0, d1) -> (0, 0, 0)>
module attributes {stable_mosaic.version = 14 : i64} {
  func.func @_sc_body(%arg0: i32, %arg1: i32, %arg2: memref<20000x64xf32, #tpu.memory_space<hbm>>, %arg3: memref<16x160x2x128xi32, #tpu.memory_space<hbm>>, %arg4: memref<10000xi32, #tpu.memory_space<hbm>>, %arg5: memref<2x10240x64xf32, #tpu.memory_space<hbm>>, %arg6: memref<2x10240x64xf32, #tpu.memory_space<hbm>>, %arg7: memref<2x2x128xi32, #tpu.memory_space<vmem>>, %arg8: memref<2x128xi32, #tpu.memory_space<vmem>>, %arg9: memref<2x128xi32, #tpu.memory_space<vmem>>, %arg10: memref<2x128xi32, #tpu.memory_space<vmem>>, %arg11: memref<2x128x64xf32, #tpu.memory_space<vmem>>, %arg12: memref<10000xi32, #tpu.memory_space<vmem>>, %arg13: memref<128x64xf32, #tpu.memory_space<vmem>>, %arg14: memref<10240x64xf32, #tpu.memory_space<vmem_shared>>, %arg15: memref<10240x64xf32, #tpu.memory_space<vmem_shared>>, %arg16: memref<2x!tpu.dma_semaphore, #tpu.memory_space<semaphore_mem>>, %arg17: memref<2x!tpu.dma_semaphore, #tpu.memory_space<semaphore_mem>>, %arg18: memref<2x!tpu.dma_semaphore, #tpu.memory_space<semaphore_mem>>) attributes {dimension_semantics = [#tpu.dimension_semantics<core_parallel>, #tpu.dimension_semantics<subcore_parallel>], iteration_bounds = array<i64: 2, 16>, scalar_prefetch = 0 : i64, scratch_operands = 12 : i64, tpu.core_type = #tpu.core_type<sc_vector_subcore>, window_params = [{transform_indices = #map}, {transform_indices = #map1}, {transform_indices = #map2}, {transform_indices = #map3}, {transform_indices = #map3}]} {
    %dma_start3A = arith.constant 0 : i32
    %dma_start3A_0 = arith.constant 0 : i32
    %dma_start3A_1 = arith.constant 0 : i32
    %dma_start3A_2 = arith.constant 0 : i32
    %dma_start3A_3 = arith.constant 0 : i32
    %dma_start3A_4 = tpu.memref_slice %arg7[%dma_start3A_0, %dma_start3A_2, %dma_start3A_3] : memref<2x2x128xi32, #tpu.memory_space<vmem>> -> memref<1x2x128xi32, #tpu.memory_space<vmem>>
    %dma_start3A_5 = tpu.memref_squeeze %dma_start3A_4 : memref<1x2x128xi32, #tpu.memory_space<vmem>> -> memref<2x128xi32, #tpu.memory_space<vmem>>
    %dma_start3A_6 = arith.constant 0 : i32
    %dma_start3A_7 = arith.constant 0 : i32
    %dma_start3A_8 = tpu.memref_slice %arg3[%arg1, %dma_start3A, %dma_start3A_6, %dma_start3A_7] : memref<16x160x2x128xi32, #tpu.memory_space<hbm>> -> memref<1x1x2x128xi32, #tpu.memory_space<hbm>>
    %dma_start3A_9 = tpu.memref_squeeze %dma_start3A_8 : memref<1x1x2x128xi32, #tpu.memory_space<hbm>> -> memref<2x128xi32, #tpu.memory_space<hbm>>
    %dma_start3A_10 = tpu.memref_slice %arg16[%dma_start3A_1] : memref<2x!tpu.dma_semaphore, #tpu.memory_space<semaphore_mem>> -> memref<1x!tpu.dma_semaphore, #tpu.memory_space<semaphore_mem>>
    %dma_start3A_11 = tpu.memref_squeeze %dma_start3A_10 : memref<1x!tpu.dma_semaphore, #tpu.memory_space<semaphore_mem>> -> memref<!tpu.dma_semaphore, #tpu.memory_space<semaphore_mem>>
    %dma_start3A_12 = arith.constant 0 : i32
    %dma_start3A_13 = arith.constant 0 : i32
    %dma_start3A_14 = tpu.memref_slice %arg7[%dma_start3A_0, %dma_start3A_12, %dma_start3A_13] : memref<2x2x128xi32, #tpu.memory_space<vmem>> -> memref<1x2x128xi32, #tpu.memory_space<vmem>>
    %dma_start3A_15 = tpu.memref_squeeze %dma_start3A_14 : memref<1x2x128xi32, #tpu.memory_space<vmem>> -> memref<2x128xi32, #tpu.memory_space<vmem>>
    %dma_start3A_16 = arith.constant 0 : i32
    %dma_start3A_17 = arith.constant 0 : i32
    %dma_start3A_18 = tpu.memref_slice %arg3[%arg1, %dma_start3A, %dma_start3A_16, %dma_start3A_17] : memref<16x160x2x128xi32, #tpu.memory_space<hbm>> -> memref<1x1x2x128xi32, #tpu.memory_space<hbm>>
    %dma_start3A_19 = tpu.memref_squeeze %dma_start3A_18 : memref<1x1x2x128xi32, #tpu.memory_space<hbm>> -> memref<2x128xi32, #tpu.memory_space<hbm>>
    tpu.enqueue_dma source(%dma_start3A_19 : memref<2x128xi32, #tpu.memory_space<hbm>>) target(%dma_start3A_15 : memref<2x128xi32, #tpu.memory_space<vmem>>) target_semaphore(%dma_start3A_11 : memref<!tpu.dma_semaphore, #tpu.memory_space<semaphore_mem>>)
    %dma_start3A_20 = arith.constant 1 : i32
    %dma_start3A_21 = arith.constant 1 : i32
    %dma_start3A_22 = arith.constant 1 : i32
    %dma_start3A_23 = arith.constant 0 : i32
    %dma_start3A_24 = arith.constant 0 : i32
    %dma_start3A_25 = tpu.memref_slice %arg7[%dma_start3A_21, %dma_start3A_23, %dma_start3A_24] : memref<2x2x128xi32, #tpu.memory_space<vmem>> -> memref<1x2x128xi32, #tpu.memory_space<vmem>>
    %dma_start3A_26 = tpu.memref_squeeze %dma_start3A_25 : memref<1x2x128xi32, #tpu.memory_space<vmem>> -> memref<2x128xi32, #tpu.memory_space<vmem>>
    %dma_start3A_27 = arith.constant 0 : i32
    %dma_start3A_28 = arith.constant 0 : i32
    %dma_start3A_29 = tpu.memref_slice %arg3[%arg1, %dma_start3A_20, %dma_start3A_27, %dma_start3A_28] : memref<16x160x2x128xi32, #tpu.memory_space<hbm>> -> memref<1x1x2x128xi32, #tpu.memory_space<hbm>>
    %dma_start3A_30 = tpu.memref_squeeze %dma_start3A_29 : memref<1x1x2x128xi32, #tpu.memory_space<hbm>> -> memref<2x128xi32, #tpu.memory_space<hbm>>
    %dma_start3A_31 = tpu.memref_slice %arg16[%dma_start3A_22] : memref<2x!tpu.dma_semaphore, #tpu.memory_space<semaphore_mem>> -> memref<1x!tpu.dma_semaphore, #tpu.memory_space<semaphore_mem>>
    %dma_start3A_32 = tpu.memref_squeeze %dma_start3A_31 : memref<1x!tpu.dma_semaphore, #tpu.memory_space<semaphore_mem>> -> memref<!tpu.dma_semaphore, #tpu.memory_space<semaphore_mem>>
    %dma_start3A_33 = arith.constant 0 : i32
    %dma_start3A_34 = arith.constant 0 : i32
    %dma_start3A_35 = tpu.memref_slice %arg7[%dma_start3A_21, %dma_start3A_33, %dma_start3A_34] : memref<2x2x128xi32, #tpu.memory_space<vmem>> -> memref<1x2x128xi32, #tpu.memory_space<vmem>>
    %dma_start3A_36 = tpu.memref_squeeze %dma_start3A_35 : memref<1x2x128xi32, #tpu.memory_space<vmem>> -> memref<2x128xi32, #tpu.memory_space<vmem>>
    %dma_start3A_37 = arith.constant 0 : i32
    %dma_start3A_38 = arith.constant 0 : i32
    %dma_start3A_39 = tpu.memref_slice %arg3[%arg1, %dma_start3A_20, %dma_start3A_37, %dma_start3A_38] : memref<16x160x2x128xi32, #tpu.memory_space<hbm>> -> memref<1x1x2x128xi32, #tpu.memory_space<hbm>>
    %dma_start3A_40 = tpu.memref_squeeze %dma_start3A_39 : memref<1x1x2x128xi32, #tpu.memory_space<hbm>> -> memref<2x128xi32, #tpu.memory_space<hbm>>
    tpu.enqueue_dma source(%dma_start3A_40 : memref<2x128xi32, #tpu.memory_space<hbm>>) target(%dma_start3A_36 : memref<2x128xi32, #tpu.memory_space<vmem>>) target_semaphore(%dma_start3A_32 : memref<!tpu.dma_semaphore, #tpu.memory_space<semaphore_mem>>)
    %broadcast_in_dim3A = arith.constant 0.000000e+00 : f32
    %broadcast_in_dim3A_41 = vector.broadcast %broadcast_in_dim3A : f32 to vector<16xf32>
    %swap3A = arith.constant 0 : i32
    %swap3A_42 = arith.index_cast %swap3A : i32 to index
    %swap3A_43 = arith.constant 0 : index
    %swap3A_44 = tpu.vector_load %arg13[%swap3A_42, %swap3A_43] {strides = array<i32>} : memref<128x64xf32, #tpu.memory_space<vmem>>, vector<16xf32>,
    tpu.vector_store %arg13[%swap3A_42, %swap3A_43], %broadcast_in_dim3A_41 {strides = array<i32>} : memref<128x64xf32, #tpu.memory_space<vmem>>, vector<16xf32>,
    %swap3A_45 = arith.constant 0 : i32
    %swap3A_46 = arith.index_cast %swap3A_45 : i32 to index
    %swap3A_47 = arith.constant 16 : index
    %swap3A_48 = tpu.vector_load %arg13[%swap3A_46, %swap3A_47] {strides = array<i32>} : memref<128x64xf32, #tpu.memory_space<vmem>>, vector<16xf32>,
    tpu.vector_store %arg13[%swap3A_46, %swap3A_47], %broadcast_in_dim3A_41 {strides = array<i32>} : memref<128x64xf32, #tpu.memory_space<vmem>>, vector<16xf32>,
    %swap3A_49 = arith.constant 0 : i32
    %swap3A_50 = arith.index_cast %swap3A_49 : i32 to index
    %swap3A_51 = arith.constant 32 : index
    %swap3A_52 = tpu.vector_load %arg13[%swap3A_50, %swap3A_51] {strides = array<i32>} : memref<128x64xf32, #tpu.memory_space<vmem>>, vector<16xf32>,
    tpu.vector_store %arg13[%swap3A_50, %swap3A_51], %broadcast_in_dim3A_41 {strides = array<i32>} : memref<128x64xf32, #tpu.memory_space<vmem>>, vector<16xf32>,
    %swap3A_53 = arith.constant 0 : i32
    %swap3A_54 = arith.index_cast %swap3A_53 : i32 to index
    %swap3A_55 = arith.constant 48 : index
    %swap3A_56 = tpu.vector_load %arg13[%swap3A_54, %swap3A_55] {strides = array<i32>} : memref<128x64xf32, #tpu.memory_space<vmem>>, vector<16xf32>,
    tpu.vector_store %arg13[%swap3A_54, %swap3A_55], %broadcast_in_dim3A_41 {strides = array<i32>} : memref<128x64xf32, #tpu.memory_space<vmem>>, vector<16xf32>,
    %swap3A_57 = arith.constant 1 : i32
    %swap3A_58 = arith.index_cast %swap3A_57 : i32 to index
    %swap3A_59 = arith.constant 0 : index
    %swap3A_60 = tpu.vector_load %arg13[%swap3A_58, %swap3A_59] {strides = array<i32>} : memref<128x64xf32, #tpu.memory_space<vmem>>, vector<16xf32>,
    tpu.vector_store %arg13[%swap3A_58, %swap3A_59], %broadcast_in_dim3A_41 {strides = array<i32>} : memref<128x64xf32, #tpu.memory_space<vmem>>, vector<16xf32>,
    %swap3A_61 = arith.constant 1 : i32
    %swap3A_62 = arith.index_cast %swap3A_61 : i32 to index
    %swap3A_63 = arith.constant 16 : index
    %swap3A_64 = tpu.vector_load %arg13[%swap3A_62, %swap3A_63] {strides = array<i32>} : memref<128x64xf32, #tpu.memory_space<vmem>>, vector<16xf32>,
    tpu.vector_store %arg13[%swap3A_62, %swap3A_63], %broadcast_in_dim3A_41 {strides = array<i32>} : memref<128x64xf32, #tpu.memory_space<vmem>>, vector<16xf32>,
    %swap3A_65 = arith.constant 1 : i32
    %swap3A_66 = arith.index_cast %swap3A_65 : i32 to index
    %swap3A_67 = arith.constant 32 : index
    %swap3A_68 = tpu.vector_load %arg13[%swap3A_66, %swap3A_67] {strides = array<i32>} : memref<128x64xf32, #tpu.memory_space<vmem>>, vector<16xf32>,
    tpu.vector_store %arg13[%swap3A_66, %swap3A_67], %broadcast_in_dim3A_41 {strides = array<i32>} : memref<128x64xf32, #tpu.memory_space<vmem>>, vector<16xf32>,
    %swap3A_69 = arith.constant 1 : i32
    %swap3A_70 = arith.index_cast %swap3A_69 : i32 to index
    %swap3A_71 = arith.constant 48 : index
    %swap3A_72 = tpu.vector_load %arg13[%swap3A_70, %swap3A_71] {strides = array<i32>} : memref<128x64xf32, #tpu.memory_space<vmem>>, vector<16xf32>,
    tpu.vector_store %arg13[%swap3A_70, %swap3A_71], %broadcast_in_dim3A_41 {strides = array<i32>} : memref<128x64xf32, #tpu.memory_space<vmem>>, vector<16xf32>,
    %swap3A_73 = arith.constant 2 : i32
    %swap3A_74 = arith.index_cast %swap3A_73 : i32 to index
    %swap3A_75 = arith.constant 0 : index
    %swap3A_76 = tpu.vector_load %arg13[%swap3A_74, %swap3A_75] {strides = array<i32>} : memref<128x64xf32, #tpu.memory_space<vmem>>, vector<16xf32>,
    tpu.vector_store %arg13[%swap3A_74, %swap3A_75], %broadcast_in_dim3A_41 {strides = array<i32>} : memref<128x64xf32, #tpu.memory_space<vmem>>, vector<16xf32>,
    %swap3A_77 = arith.constant 2 : i32
    %swap3A_78 = arith.index_cast %swap3A_77 : i32 to index
    %swap3A_79 = arith.constant 16 : index
    %swap3A_80 = tpu.vector_load %arg13[%swap3A_78, %swap3A_79] {strides = array<i32>} : memref<128x64xf32, #tpu.memory_space<vmem>>, vector<16xf32>,
    tpu.vector_store %arg13[%swap3A_78, %swap3A_79], %broadcast_in_dim3A_41 {strides = array<i32>} : memref<128x64xf32, #tpu.memory_space<vmem>>, vector<16xf32>,
    %swap3A_81 = arith.constant 2 : i32
    %swap3A_82 = arith.index_cast %swap3A_81 : i32 to index
    %swap3A_83 = arith.constant 32 : index
    %swap3A_84 = tpu.vector_load %arg13[%swap3A_82, %swap3A_83] {strides = array<i32>} : memref<128x64xf32, #tpu.memory_space<vmem>>, vector<16xf32>,
    tpu.vector_store %arg13[%swap3A_82, %swap3A_83], %broadcast_in_dim3A_41 {strides = array<i32>} : memref<128x64xf32, #tpu.memory_space<vmem>>, vector<16xf32>,
    %swap3A_85 = arith.constant 2 : i32
    %swap3A_86 = arith.index_cast %swap3A_85 : i32 to index
    %swap3A_87 = arith.constant 48 : index
    %swap3A_88 = tpu.vector_load %arg13[%swap3A_86, %swap3A_87] {strides = array<i32>} : memref<128x64xf32, #tpu.memory_space<vmem>>, vector<16xf32>,
    tpu.vector_store %arg13[%swap3A_86, %swap3A_87], %broadcast_in_dim3A_41 {strides = array<i32>} : memref<128x64xf32, #tpu.memory_space<vmem>>, vector<16xf32>,
    %swap3A_89 = arith.constant 3 : i32
    %swap3A_90 = arith.index_cast %swap3A_89 : i32 to index
    %swap3A_91 = arith.constant 0 : index
    %swap3A_92 = tpu.vector_load %arg13[%swap3A_90, %swap3A_91] {strides = array<i32>} : memref<128x64xf32, #tpu.memory_space<vmem>>, vector<16xf32>,
    tpu.vector_store %arg13[%swap3A_90, %swap3A_91], %broadcast_in_dim3A_41 {strides = array<i32>} : memref<128x64xf32, #tpu.memory_space<vmem>>, vector<16xf32>,
    %swap3A_93 = arith.constant 3 : i32
    %swap3A_94 = arith.index_cast %swap3A_93 : i32 to index
    %swap3A_95 = arith.constant 16 : index
    %swap3A_96 = tpu.vector_load %arg13[%swap3A_94, %swap3A_95] {strides = array<i32>} : memref<128x64xf32, #tpu.memory_space<vmem>>, vector<16xf32>,
    tpu.vector_store %arg13[%swap3A_94, %swap3A_95], %broadcast_in_dim3A_41 {strides = array<i32>} : memref<128x64xf32, #tpu.memory_space<vmem>>, vector<16xf32>,
    %swap3A_97 = arith.constant 3 : i32
    %swap3A_98 = arith.index_cast %swap3A_97 : i32 to index
    %swap3A_99 = arith.constant 32 : index
    %swap3A_100 = tpu.vector_load %arg13[%swap3A_98, %swap3A_99] {strides = array<i32>} : memref<128x64xf32, #tpu.memory_space<vmem>>, vector<16xf32>,
    tpu.vector_store %arg13[%swap3A_98, %swap3A_99], %broadcast_in_dim3A_41 {strides = array<i32>} : memref<128x64xf32, #tpu.memory_space<vmem>>, vector<16xf32>,
    %swap3A_101 = arith.constant 3 : i32
    %swap3A_102 = arith.index_cast %swap3A_101 : i32 to index
    %swap3A_103 = arith.constant 48 : index
    %swap3A_104 = tpu.vector_load %arg13[%swap3A_102, %swap3A_103] {strides = array<i32>} : memref<128x64xf32, #tpu.memory_space<vmem>>, vector<16xf32>,
    tpu.vector_store %arg13[%swap3A_102, %swap3A_103], %broadcast_in_dim3A_41 {strides = array<i32>} : memref<128x64xf32, #tpu.memory_space<vmem>>, vector<16xf32>,
    %swap3A_105 = arith.constant 4 : i32
    %swap3A_106 = arith.index_cast %swap3A_105 : i32 to index
    %swap3A_107 = arith.constant 0 : index
    %swap3A_108 = tpu.vector_load %arg13[%swap3A_106, %swap3A_107] {strides = array<i32>} : memref<128x64xf32, #tpu.memory_space<vmem>>, vector<16xf32>,
    tpu.vector_store %arg13[%swap3A_106, %swap3A_107], %broadcast_in_dim3A_41 {strides = array<i32>} : memref<128x64xf32, #tpu.memory_space<vmem>>, vector<16xf32>,
    %swap3A_109 = arith.constant 4 : i32
    %swap3A_110 = arith.index_cast %swap3A_109 : i32 to index
    %swap3A_111 = arith.constant 16 : index
    %swap3A_112 = tpu.vector_load %arg13[%swap3A_110, %swap3A_111] {strides = array<i32>} : memref<128x64xf32, #tpu.memory_space<vmem>>, vector<16xf32>,
    tpu.vector_store %arg13[%swap3A_110, %swap3A_111], %broadcast_in_dim3A_41 {strides = array<i32>} : memref<128x64xf32, #tpu.memory_space<vmem>>, vector<16xf32>,
    %swap3A_113 = arith.constant 4 : i32
    %swap3A_114 = arith.index_cast %swap3A_113 : i32 to index
    %swap3A_115 = arith.constant 32 : index
    %swap3A_116 = tpu.vector_load %arg13[%swap3A_114, %swap3A_115] {strides = array<i32>} : memref<128x64xf32, #tpu.memory_space<vmem>>, vector<16xf32>,
    tpu.vector_store %arg13[%swap3A_114, %swap3A_115], %broadcast_in_dim3A_41 {strides = array<i32>} : memref<128x64xf32, #tpu.memory_space<vmem>>, vector<16xf32>,
    %swap3A_117 = arith.constant 4 : i32
    %swap3A_118 = arith.index_cast %swap3A_117 : i32 to index
    %swap3A_119 = arith.constant 48 : index
    %swap3A_120 = tpu.vector_load %arg13[%swap3A_118, %swap3A_119] {strides = array<i32>} : memref<128x64xf32, #tpu.memory_space<vmem>>, vector<16xf32>,
    tpu.vector_store %arg13[%swap3A_118, %swap3A_119], %broadcast_in_dim3A_41 {strides = array<i32>} : memref<128x64xf32, #tpu.memory_space<vmem>>, vector<16xf32>,
    %swap3A_121 = arith.constant 5 : i32
    %swap3A_122 = arith.index_cast %swap3A_121 : i32 to index
    %swap3A_123 = arith.constant 0 : index
    %swap3A_124 = tpu.vector_load %arg13[%swap3A_122, %swap3A_123] {strides = array<i32>} : memref<128x64xf32, #tpu.memory_space<vmem>>, vector<16xf32>,
    tpu.vector_store %arg13[%swap3A_122, %swap3A_123], %broadcast_in_dim3A_41 {strides = array<i32>} : memref<128x64xf32, #tpu.memory_space<vmem>>, vector<16xf32>,
    %swap3A_125 = arith.constant 5 : i32
    %swap3A_126 = arith.index_cast %swap3A_125 : i32 to index
    %swap3A_127 = arith.constant 16 : index
    %swap3A_128 = tpu.vector_load %arg13[%swap3A_126, %swap3A_127] {strides = array<i32>} : memref<128x64xf32, #tpu.memory_space<vmem>>, vector<16xf32>,
    tpu.vector_store %arg13[%swap3A_126, %swap3A_127], %broadcast_in_dim3A_41 {strides = array<i32>} : memref<128x64xf32, #tpu.memory_space<vmem>>, vector<16xf32>,
    %swap3A_129 = arith.constant 5 : i32
    %swap3A_130 = arith.index_cast %swap3A_129 : i32 to index
    %swap3A_131 = arith.constant 32 : index
    %swap3A_132 = tpu.vector_load %arg13[%swap3A_130, %swap3A_131] {strides = array<i32>} : memref<128x64xf32, #tpu.memory_space<vmem>>, vector<16xf32>,
    tpu.vector_store %arg13[%swap3A_130, %swap3A_131], %broadcast_in_dim3A_41 {strides = array<i32>} : memref<128x64xf32, #tpu.memory_space<vmem>>, vector<16xf32>,
    %swap3A_133 = arith.constant 5 : i32
    %swap3A_134 = arith.index_cast %swap3A_133 : i32 to index
    %swap3A_135 = arith.constant 48 : index
    %swap3A_136 = tpu.vector_load %arg13[%swap3A_134, %swap3A_135] {strides = array<i32>} : memref<128x64xf32, #tpu.memory_space<vmem>>, vector<16xf32>,
    tpu.vector_store %arg13[%swap3A_134, %swap3A_135], %broadcast_in_dim3A_41 {strides = array<i32>} : memref<128x64xf32, #tpu.memory_space<vmem>>, vector<16xf32>,
    %swap3A_137 = arith.constant 6 : i32
    %swap3A_138 = arith.index_cast %swap3A_137 : i32 to index
    %swap3A_139 = arith.constant 0 : index
    %swap3A_140 = tpu.vector_load %arg13[%swap3A_138, %swap3A_139] {strides = array<i32>} : memref<128x64xf32, #tpu.memory_space<vmem>>, vector<16xf32>,
    tpu.vector_store %arg13[%swap3A_138, %swap3A_139], %broadcast_in_dim3A_41 {strides = array<i32>} : memref<128x64xf32, #tpu.memory_space<vmem>>, vector<16xf32>,
    %swap3A_141 = arith.constant 6 : i32
    %swap3A_142 = arith.index_cast %swap3A_141 : i32 to index
    %swap3A_143 = arith.constant 16 : index
    %swap3A_144 = tpu.vector_load %arg13[%swap3A_142, %swap3A_143] {strides = array<i32>} : memref<128x64xf32, #tpu.memory_space<vmem>>, vector<16xf32>,
    tpu.vector_store %arg13[%swap3A_142, %swap3A_143], %broadcast_in_dim3A_41 {strides = array<i32>} : memref<128x64xf32, #tpu.memory_space<vmem>>, vector<16xf32>,
    %swap3A_145 = arith.constant 6 : i32
    %swap3A_146 = arith.index_cast %swap3A_145 : i32 to index
    %swap3A_147 = arith.constant 32 : index
    %swap3A_148 = tpu.vector_load %arg13[%swap3A_146, %swap3A_147] {strides = array<i32>} : memref<128x64xf32, #tpu.memory_space<vmem>>, vector<16xf32>,
    tpu.vector_store %arg13[%swap3A_146, %swap3A_147], %broadcast_in_dim3A_41 {strides = array<i32>} : memref<128x64xf32, #tpu.memory_space<vmem>>, vector<16xf32>,
    %swap3A_149 = arith.constant 6 : i32
    %swap3A_150 = arith.index_cast %swap3A_149 : i32 to index
    %swap3A_151 = arith.constant 48 : index
    %swap3A_152 = tpu.vector_load %arg13[%swap3A_150, %swap3A_151] {strides = array<i32>} : memref<128x64xf32, #tpu.memory_space<vmem>>, vector<16xf32>,
    tpu.vector_store %arg13[%swap3A_150, %swap3A_151], %broadcast_in_dim3A_41 {strides = array<i32>} : memref<128x64xf32, #tpu.memory_space<vmem>>, vector<16xf32>,
    %swap3A_153 = arith.constant 7 : i32
    %swap3A_154 = arith.index_cast %swap3A_153 : i32 to index
    %swap3A_155 = arith.constant 0 : index
    %swap3A_156 = tpu.vector_load %arg13[%swap3A_154, %swap3A_155] {strides = array<i32>} : memref<128x64xf32, #tpu.memory_space<vmem>>, vector<16xf32>,
    tpu.vector_store %arg13[%swap3A_154, %swap3A_155], %broadcast_in_dim3A_41 {strides = array<i32>} : memref<128x64xf32, #tpu.memory_space<vmem>>, vector<16xf32>,
    %swap3A_157 = arith.constant 7 : i32
    %swap3A_158 = arith.index_cast %swap3A_157 : i32 to index
    %swap3A_159 = arith.constant 16 : index
    %swap3A_160 = tpu.vector_load %arg13[%swap3A_158, %swap3A_159] {strides = array<i32>} : memref<128x64xf32, #tpu.memory_space<vmem>>, vector<16xf32>,
    tpu.vector_store %arg13[%swap3A_158, %swap3A_159], %broadcast_in_dim3A_41 {strides = array<i32>} : memref<128x64xf32, #tpu.memory_space<vmem>>, vector<16xf32>,
    %swap3A_161 = arith.constant 7 : i32
    %swap3A_162 = arith.index_cast %swap3A_161 : i32 to index
    %swap3A_163 = arith.constant 32 : index
    %swap3A_164 = tpu.vector_load %arg13[%swap3A_162, %swap3A_163] {strides = array<i32>} : memref<128x64xf32, #tpu.memory_space<vmem>>, vector<16xf32>,
    tpu.vector_store %arg13[%swap3A_162, %swap3A_163], %broadcast_in_dim3A_41 {strides = array<i32>} : memref<128x64xf32, #tpu.memory_space<vmem>>, vector<16xf32>,
    %swap3A_165 = arith.constant 7 : i32
    %swap3A_166 = arith.index_cast %swap3A_165 : i32 to index
    %swap3A_167 = arith.constant 48 : index
    %swap3A_168 = tpu.vector_load %arg13[%swap3A_166, %swap3A_167] {strides = array<i32>} : memref<128x64xf32, #tpu.memory_space<vmem>>, vector<16xf32>,
    tpu.vector_store %arg13[%swap3A_166, %swap3A_167], %broadcast_in_dim3A_41 {strides = array<i32>} : memref<128x64xf32, #tpu.memory_space<vmem>>, vector<16xf32>,
    %swap3A_169 = arith.constant 8 : i32
    %swap3A_170 = arith.index_cast %swap3A_169 : i32 to index
    %swap3A_171 = arith.constant 0 : index
    %swap3A_172 = tpu.vector_load %arg13[%swap3A_170, %swap3A_171] {strides = array<i32>} : memref<128x64xf32, #tpu.memory_space<vmem>>, vector<16xf32>,
    tpu.vector_store %arg13[%swap3A_170, %swap3A_171], %broadcast_in_dim3A_41 {strides = array<i32>} : memref<128x64xf32, #tpu.memory_space<vmem>>, vector<16xf32>,
    %swap3A_173 = arith.constant 8 : i32
    %swap3A_174 = arith.index_cast %swap3A_173 : i32 to index
    %swap3A_175 = arith.constant 16 : index
    %swap3A_176 = tpu.vector_load %arg13[%swap3A_174, %swap3A_175] {strides = array<i32>} : memref<128x64xf32, #tpu.memory_space<vmem>>, vector<16xf32>,
    tpu.vector_store %arg13[%swap3A_174, %swap3A_175], %broadcast_in_dim3A_41 {strides = array<i32>} : memref<128x64xf32, #tpu.memory_space<vmem>>, vector<16xf32>,
    %swap3A_177 = arith.constant 8 : i32
    %swap3A_178 = arith.index_cast %swap3A_177 : i32 to index
    %swap3A_179 = arith.constant 32 : index
    %swap3A_180 = tpu.vector_load %arg13[%swap3A_178, %swap3A_179] {strides = array<i32>} : memref<128x64xf32, #tpu.memory_space<vmem>>, vector<16xf32>,
    tpu.vector_store %arg13[%swap3A_178, %swap3A_179], %broadcast_in_dim3A_41 {strides = array<i32>} : memref<128x64xf32, #tpu.memory_space<vmem>>, vector<16xf32>,
    %swap3A_181 = arith.constant 8 : i32
    %swap3A_182 = arith.index_cast %swap3A_181 : i32 to index
    %swap3A_183 = arith.constant 48 : index
    %swap3A_184 = tpu.vector_load %arg13[%swap3A_182, %swap3A_183] {strides = array<i32>} : memref<128x64xf32, #tpu.memory_space<vmem>>, vector<16xf32>,
    tpu.vector_store %arg13[%swap3A_182, %swap3A_183], %broadcast_in_dim3A_41 {strides = array<i32>} : memref<128x64xf32, #tpu.memory_space<vmem>>, vector<16xf32>,
    %swap3A_185 = arith.constant 9 : i32
    %swap3A_186 = arith.index_cast %swap3A_185 : i32 to index
    %swap3A_187 = arith.constant 0 : index
    %swap3A_188 = tpu.vector_load %arg13[%swap3A_186, %swap3A_187] {strides = array<i32>} : memref<128x64xf32, #tpu.memory_space<vmem>>, vector<16xf32>,
    tpu.vector_store %arg13[%swap3A_186, %swap3A_187], %broadcast_in_dim3A_41 {strides = array<i32>} : memref<128x64xf32, #tpu.memory_space<vmem>>, vector<16xf32>,
    %swap3A_189 = arith.constant 9 : i32
    %swap3A_190 = arith.index_cast %swap3A_189 : i32 to index
    %swap3A_191 = arith.constant 16 : index
    %swap3A_192 = tpu.vector_load %arg13[%swap3A_190, %swap3A_191] {strides = array<i32>} : memref<128x64xf32, #tpu.memory_space<vmem>>, vector<16xf32>,
    tpu.vector_store %arg13[%swap3A_190, %swap3A_191], %broadcast_in_dim3A_41 {strides = array<i32>} : memref<128x64xf32, #tpu.memory_space<vmem>>, vector<16xf32>,
    %swap3A_193 = arith.constant 9 : i32
    %swap3A_194 = arith.index_cast %swap3A_193 : i32 to index
    %swap3A_195 = arith.constant 32 : index
    %swap3A_196 = tpu.vector_load %arg13[%swap3A_194, %swap3A_195] {strides = array<i32>} : memref<128x64xf32, #tpu.memory_space<vmem>>, vector<16xf32>,
    tpu.vector_store %arg13[%swap3A_194, %swap3A_195], %broadcast_in_dim3A_41 {strides = array<i32>} : memref<128x64xf32, #tpu.memory_space<vmem>>, vector<16xf32>,
    %swap3A_197 = arith.constant 9 : i32
    %swap3A_198 = arith.index_cast %swap3A_197 : i32 to index
    %swap3A_199 = arith.constant 48 : index
    %swap3A_200 = tpu.vector_load %arg13[%swap3A_198, %swap3A_199] {strides = array<i32>} : memref<128x64xf32, #tpu.memory_space<vmem>>, vector<16xf32>,
    tpu.vector_store %arg13[%swap3A_198, %swap3A_199], %broadcast_in_dim3A_41 {strides = array<i32>} : memref<128x64xf32, #tpu.memory_space<vmem>>, vector<16xf32>,
    %swap3A_201 = arith.constant 10 : i32
    %swap3A_202 = arith.index_cast %swap3A_201 : i32 to index
    %swap3A_203 = arith.constant 0 : index
    %swap3A_204 = tpu.vector_load %arg13[%swap3A_202, %swap3A_203] {strides = array<i32>} : memref<128x64xf32, #tpu.memory_space<vmem>>, vector<16xf32>,
    tpu.vector_store %arg13[%swap3A_202, %swap3A_203], %broadcast_in_dim3A_41 {strides = array<i32>} : memref<128x64xf32, #tpu.memory_space<vmem>>, vector<16xf32>,
    %swap3A_205 = arith.constant 10 : i32
    %swap3A_206 = arith.index_cast %swap3A_205 : i32 to index
    %swap3A_207 = arith.constant 16 : index
    %swap3A_208 = tpu.vector_load %arg13[%swap3A_206, %swap3A_207] {strides = array<i32>} : memref<128x64xf32, #tpu.memory_space<vmem>>, vector<16xf32>,
    tpu.vector_store %arg13[%swap3A_206, %swap3A_207], %broadcast_in_dim3A_41 {strides = array<i32>} : memref<128x64xf32, #tpu.memory_space<vmem>>, vector<16xf32>,
    %swap3A_209 = arith.constant 10 : i32
    %swap3A_210 = arith.index_cast %swap3A_209 : i32 to index
    %swap3A_211 = arith.constant 32 : index
    %swap3A_212 = tpu.vector_load %arg13[%swap3A_210, %swap3A_211] {strides = array<i32>} : memref<128x64xf32, #tpu.memory_space<vmem>>, vector<16xf32>,
    tpu.vector_store %arg13[%swap3A_210, %swap3A_211], %broadcast_in_dim3A_41 {strides = array<i32>} : memref<128x64xf32, #tpu.memory_space<vmem>>, vector<16xf32>,
    %swap3A_213 = arith.constant 10 : i32
    %swap3A_214 = arith.index_cast %swap3A_213 : i32 to index
    %swap3A_215 = arith.constant 48 : index
    %swap3A_216 = tpu.vector_load %arg13[%swap3A_214, %swap3A_215] {strides = array<i32>} : memref<128x64xf32, #tpu.memory_space<vmem>>, vector<16xf32>,
    tpu.vector_store %arg13[%swap3A_214, %swap3A_215], %broadcast_in_dim3A_41 {strides = array<i32>} : memref<128x64xf32, #tpu.memory_space<vmem>>, vector<16xf32>,
    %swap3A_217 = arith.constant 11 : i32
    %swap3A_218 = arith.index_cast %swap3A_217 : i32 to index
    %swap3A_219 = arith.constant 0 : index
    %swap3A_220 = tpu.vector_load %arg13[%swap3A_218, %swap3A_219] {strides = array<i32>} : memref<128x64xf32, #tpu.memory_space<vmem>>, vector<16xf32>,
    tpu.vector_store %arg13[%swap3A_218, %swap3A_219], %broadcast_in_dim3A_41 {strides = array<i32>} : memref<128x64xf32, #tpu.memory_space<vmem>>, vector<16xf32>,
    %swap3A_221 = arith.constant 11 : i32
    %swap3A_222 = arith.index_cast %swap3A_221 : i32 to index
    %swap3A_223 = arith.constant 16 : index
    %swap3A_224 = tpu.vector_load %arg13[%swap3A_222, %swap3A_223] {strides = array<i32>} : memref<128x64xf32, #tpu.memory_space<vmem>>, vector<16xf32>,
    tpu.vector_store %arg13[%swap3A_222, %swap3A_223], %broadcast_in_dim3A_41 {strides = array<i32>} : memref<128x64xf32, #tpu.memory_space<vmem>>, vector<16xf32>,
    %swap3A_225 = arith.constant 11 : i32
    %swap3A_226 = arith.index_cast %swap3A_225 : i32 to index
    %swap3A_227 = arith.constant 32 : index
    %swap3A_228 = tpu.vector_load %arg13[%swap3A_226, %swap3A_227] {strides = array<i32>} : memref<128x64xf32, #tpu.memory_space<vmem>>, vector<16xf32>,
    tpu.vector_store %arg13[%swap3A_226, %swap3A_227], %broadcast_in_dim3A_41 {strides = array<i32>} : memref<128x64xf32, #tpu.memory_space<vmem>>, vector<16xf32>,
    %swap3A_229 = arith.constant 11 : i32
    %swap3A_230 = arith.index_cast %swap3A_229 : i32 to index
    %swap3A_231 = arith.constant 48 : index
    %swap3A_232 = tpu.vector_load %arg13[%swap3A_230, %swap3A_231] {strides = array<i32>} : memref<128x64xf32, #tpu.memory_space<vmem>>, vector<16xf32>,
    tpu.vector_store %arg13[%swap3A_230, %swap3A_231], %broadcast_in_dim3A_41 {strides = array<i32>} : memref<128x64xf32, #tpu.memory_space<vmem>>, vector<16xf32>,
    %swap3A_233 = arith.constant 12 : i32
    %swap3A_234 = arith.index_cast %swap3A_233 : i32 to index
    %swap3A_235 = arith.constant 0 : index
    %swap3A_236 = tpu.vector_load %arg13[%swap3A_234, %swap3A_235] {strides = array<i32>} : memref<128x64xf32, #tpu.memory_space<vmem>>, vector<16xf32>,
    tpu.vector_store %arg13[%swap3A_234, %swap3A_235], %broadcast_in_dim3A_41 {strides = array<i32>} : memref<128x64xf32, #tpu.memory_space<vmem>>, vector<16xf32>,
    %swap3A_237 = arith.constant 12 : i32
    %swap3A_238 = arith.index_cast %swap3A_237 : i32 to index
    %swap3A_239 = arith.constant 16 : index
    %swap3A_240 = tpu.vector_load %arg13[%swap3A_238, %swap3A_239] {strides = array<i32>} : memref<128x64xf32, #tpu.memory_space<vmem>>, vector<16xf32>,
    tpu.vector_store %arg13[%swap3A_238, %swap3A_239], %broadcast_in_dim3A_41 {strides = array<i32>} : memref<128x64xf32, #tpu.memory_space<vmem>>, vector<16xf32>,
    %swap3A_241 = arith.constant 12 : i32
    %swap3A_242 = arith.index_cast %swap3A_241 : i32 to index
    %swap3A_243 = arith.constant 32 : index
    %swap3A_244 = tpu.vector_load %arg13[%swap3A_242, %swap3A_243] {strides = array<i32>} : memref<128x64xf32, #tpu.memory_space<vmem>>, vector<16xf32>,
    tpu.vector_store %arg13[%swap3A_242, %swap3A_243], %broadcast_in_dim3A_41 {strides = array<i32>} : memref<128x64xf32, #tpu.memory_space<vmem>>, vector<16xf32>,
    %swap3A_245 = arith.constant 12 : i32
    %swap3A_246 = arith.index_cast %swap3A_245 : i32 to index
    %swap3A_247 = arith.constant 48 : index
    %swap3A_248 = tpu.vector_load %arg13[%swap3A_246, %swap3A_247] {strides = array<i32>} : memref<128x64xf32, #tpu.memory_space<vmem>>, vector<16xf32>,
    tpu.vector_store %arg13[%swap3A_246, %swap3A_247], %broadcast_in_dim3A_41 {strides = array<i32>} : memref<128x64xf32, #tpu.memory_space<vmem>>, vector<16xf32>,
    %swap3A_249 = arith.constant 13 : i32
    %swap3A_250 = arith.index_cast %swap3A_249 : i32 to index
    %swap3A_251 = arith.constant 0 : index
    %swap3A_252 = tpu.vector_load %arg13[%swap3A_250, %swap3A_251] {strides = array<i32>} : memref<128x64xf32, #tpu.memory_space<vmem>>, vector<16xf32>,
    tpu.vector_store %arg13[%swap3A_250, %swap3A_251], %broadcast_in_dim3A_41 {strides = array<i32>} : memref<128x64xf32, #tpu.memory_space<vmem>>, vector<16xf32>,
    %swap3A_253 = arith.constant 13 : i32
    %swap3A_254 = arith.index_cast %swap3A_253 : i32 to index
    %swap3A_255 = arith.constant 16 : index
    %swap3A_256 = tpu.vector_load %arg13[%swap3A_254, %swap3A_255] {strides = array<i32>} : memref<128x64xf32, #tpu.memory_space<vmem>>, vector<16xf32>,
    tpu.vector_store %arg13[%swap3A_254, %swap3A_255], %broadcast_in_dim3A_41 {strides = array<i32>} : memref<128x64xf32, #tpu.memory_space<vmem>>, vector<16xf32>,
    %swap3A_257 = arith.constant 13 : i32
    %swap3A_258 = arith.index_cast %swap3A_257 : i32 to index
    %swap3A_259 = arith.constant 32 : index
    %swap3A_260 = tpu.vector_load %arg13[%swap3A_258, %swap3A_259] {strides = array<i32>} : memref<128x64xf32, #tpu.memory_space<vmem>>, vector<16xf32>,
    tpu.vector_store %arg13[%swap3A_258, %swap3A_259], %broadcast_in_dim3A_41 {strides = array<i32>} : memref<128x64xf32, #tpu.memory_space<vmem>>, vector<16xf32>,
    %swap3A_261 = arith.constant 13 : i32
    %swap3A_262 = arith.index_cast %swap3A_261 : i32 to index
    %swap3A_263 = arith.constant 48 : index
    %swap3A_264 = tpu.vector_load %arg13[%swap3A_262, %swap3A_263] {strides = array<i32>} : memref<128x64xf32, #tpu.memory_space<vmem>>, vector<16xf32>,
    tpu.vector_store %arg13[%swap3A_262, %swap3A_263], %broadcast_in_dim3A_41 {strides = array<i32>} : memref<128x64xf32, #tpu.memory_space<vmem>>, vector<16xf32>,
    %swap3A_265 = arith.constant 14 : i32
    %swap3A_266 = arith.index_cast %swap3A_265 : i32 to index
    %swap3A_267 = arith.constant 0 : index
    %swap3A_268 = tpu.vector_load %arg13[%swap3A_266, %swap3A_267] {strides = array<i32>} : memref<128x64xf32, #tpu.memory_space<vmem>>, vector<16xf32>,
    tpu.vector_store %arg13[%swap3A_266, %swap3A_267], %broadcast_in_dim3A_41 {strides = array<i32>} : memref<128x64xf32, #tpu.memory_space<vmem>>, vector<16xf32>,
    %swap3A_269 = arith.constant 14 : i32
    %swap3A_270 = arith.index_cast %swap3A_269 : i32 to index
    %swap3A_271 = arith.constant 16 : index
    %swap3A_272 = tpu.vector_load %arg13[%swap3A_270, %swap3A_271] {strides = array<i32>} : memref<128x64xf32, #tpu.memory_space<vmem>>, vector<16xf32>,
    tpu.vector_store %arg13[%swap3A_270, %swap3A_271], %broadcast_in_dim3A_41 {strides = array<i32>} : memref<128x64xf32, #tpu.memory_space<vmem>>, vector<16xf32>,
    %swap3A_273 = arith.constant 14 : i32
    %swap3A_274 = arith.index_cast %swap3A_273 : i32 to index
    %swap3A_275 = arith.constant 32 : index
    %swap3A_276 = tpu.vector_load %arg13[%swap3A_274, %swap3A_275] {strides = array<i32>} : memref<128x64xf32, #tpu.memory_space<vmem>>, vector<16xf32>,
    tpu.vector_store %arg13[%swap3A_274, %swap3A_275], %broadcast_in_dim3A_41 {strides = array<i32>} : memref<128x64xf32, #tpu.memory_space<vmem>>, vector<16xf32>,
    %swap3A_277 = arith.constant 14 : i32
    %swap3A_278 = arith.index_cast %swap3A_277 : i32 to index
    %swap3A_279 = arith.constant 48 : index
    %swap3A_280 = tpu.vector_load %arg13[%swap3A_278, %swap3A_279] {strides = array<i32>} : memref<128x64xf32, #tpu.memory_space<vmem>>, vector<16xf32>,
    tpu.vector_store %arg13[%swap3A_278, %swap3A_279], %broadcast_in_dim3A_41 {strides = array<i32>} : memref<128x64xf32, #tpu.memory_space<vmem>>, vector<16xf32>,
    %swap3A_281 = arith.constant 15 : i32
    %swap3A_282 = arith.index_cast %swap3A_281 : i32 to index
    %swap3A_283 = arith.constant 0 : index
    %swap3A_284 = tpu.vector_load %arg13[%swap3A_282, %swap3A_283] {strides = array<i32>} : memref<128x64xf32, #tpu.memory_space<vmem>>, vector<16xf32>,
    tpu.vector_store %arg13[%swap3A_282, %swap3A_283], %broadcast_in_dim3A_41 {strides = array<i32>} : memref<128x64xf32, #tpu.memory_space<vmem>>, vector<16xf32>,
    %swap3A_285 = arith.constant 15 : i32
    %swap3A_286 = arith.index_cast %swap3A_285 : i32 to index
    %swap3A_287 = arith.constant 16 : index
    %swap3A_288 = tpu.vector_load %arg13[%swap3A_286, %swap3A_287] {strides = array<i32>} : memref<128x64xf32, #tpu.memory_space<vmem>>, vector<16xf32>,
    tpu.vector_store %arg13[%swap3A_286, %swap3A_287], %broadcast_in_dim3A_41 {strides = array<i32>} : memref<128x64xf32, #tpu.memory_space<vmem>>, vector<16xf32>,
    %swap3A_289 = arith.constant 15 : i32
    %swap3A_290 = arith.index_cast %swap3A_289 : i32 to index
    %swap3A_291 = arith.constant 32 : index
    %swap3A_292 = tpu.vector_load %arg13[%swap3A_290, %swap3A_291] {strides = array<i32>} : memref<128x64xf32, #tpu.memory_space<vmem>>, vector<16xf32>,
    tpu.vector_store %arg13[%swap3A_290, %swap3A_291], %broadcast_in_dim3A_41 {strides = array<i32>} : memref<128x64xf32, #tpu.memory_space<vmem>>, vector<16xf32>,
    %swap3A_293 = arith.constant 15 : i32
    %swap3A_294 = arith.index_cast %swap3A_293 : i32 to index
    %swap3A_295 = arith.constant 48 : index
    %swap3A_296 = tpu.vector_load %arg13[%swap3A_294, %swap3A_295] {strides = array<i32>} : memref<128x64xf32, #tpu.memory_space<vmem>>, vector<16xf32>,
    tpu.vector_store %arg13[%swap3A_294, %swap3A_295], %broadcast_in_dim3A_41 {strides = array<i32>} : memref<128x64xf32, #tpu.memory_space<vmem>>, vector<16xf32>,
    %swap3A_297 = arith.constant 16 : i32
    %swap3A_298 = arith.index_cast %swap3A_297 : i32 to index
    %swap3A_299 = arith.constant 0 : index
    %swap3A_300 = tpu.vector_load %arg13[%swap3A_298, %swap3A_299] {strides = array<i32>} : memref<128x64xf32, #tpu.memory_space<vmem>>, vector<16xf32>,
    tpu.vector_store %arg13[%swap3A_298, %swap3A_299], %broadcast_in_dim3A_41 {strides = array<i32>} : memref<128x64xf32, #tpu.memory_space<vmem>>, vector<16xf32>,
    %swap3A_301 = arith.constant 16 : i32
    %swap3A_302 = arith.index_cast %swap3A_301 : i32 to index
    %swap3A_303 = arith.constant 16 : index
    %swap3A_304 = tpu.vector_load %arg13[%swap3A_302, %swap3A_303] {strides = array<i32>} : memref<128x64xf32, #tpu.memory_space<vmem>>, vector<16xf32>,
    tpu.vector_store %arg13[%swap3A_302, %swap3A_303], %broadcast_in_dim3A_41 {strides = array<i32>} : memref<128x64xf32, #tpu.memory_space<vmem>>, vector<16xf32>,
    %swap3A_305 = arith.constant 16 : i32
    %swap3A_306 = arith.index_cast %swap3A_305 : i32 to index
    %swap3A_307 = arith.constant 32 : index
    %swap3A_308 = tpu.vector_load %arg13[%swap3A_306, %swap3A_307] {strides = array<i32>} : memref<128x64xf32, #tpu.memory_space<vmem>>, vector<16xf32>,
    tpu.vector_store %arg13[%swap3A_306, %swap3A_307], %broadcast_in_dim3A_41 {strides = array<i32>} : memref<128x64xf32, #tpu.memory_space<vmem>>, vector<16xf32>,
    %swap3A_309 = arith.constant 16 : i32
    %swap3A_310 = arith.index_cast %swap3A_309 : i32 to index
    %swap3A_311 = arith.constant 48 : index
    %swap3A_312 = tpu.vector_load %arg13[%swap3A_310, %swap3A_311] {strides = array<i32>} : memref<128x64xf32, #tpu.memory_space<vmem>>, vector<16xf32>,
    tpu.vector_store %arg13[%swap3A_310, %swap3A_311], %broadcast_in_dim3A_41 {strides = array<i32>} : memref<128x64xf32, #tpu.memory_space<vmem>>, vector<16xf32>,
    %swap3A_313 = arith.constant 17 : i32
    %swap3A_314 = arith.index_cast %swap3A_313 : i32 to index
    %swap3A_315 = arith.constant 0 : index
    %swap3A_316 = tpu.vector_load %arg13[%swap3A_314, %swap3A_315] {strides = array<i32>} : memref<128x64xf32, #tpu.memory_space<vmem>>, vector<16xf32>,
    tpu.vector_store %arg13[%swap3A_314, %swap3A_315], %broadcast_in_dim3A_41 {strides = array<i32>} : memref<128x64xf32, #tpu.memory_space<vmem>>, vector<16xf32>,
    %swap3A_317 = arith.constant 17 : i32
    %swap3A_318 = arith.index_cast %swap3A_317 : i32 to index
    %swap3A_319 = arith.constant 16 : index
    %swap3A_320 = tpu.vector_load %arg13[%swap3A_318, %swap3A_319] {strides = array<i32>} : memref<128x64xf32, #tpu.memory_space<vmem>>, vector<16xf32>,
    tpu.vector_store %arg13[%swap3A_318, %swap3A_319], %broadcast_in_dim3A_41 {strides = array<i32>} : memref<128x64xf32, #tpu.memory_space<vmem>>, vector<16xf32>,
    %swap3A_321 = arith.constant 17 : i32
    %swap3A_322 = arith.index_cast %swap3A_321 : i32 to index
    %swap3A_323 = arith.constant 32 : index
    %swap3A_324 = tpu.vector_load %arg13[%swap3A_322, %swap3A_323] {strides = array<i32>} : memref<128x64xf32, #tpu.memory_space<vmem>>, vector<16xf32>,
    tpu.vector_store %arg13[%swap3A_322, %swap3A_323], %broadcast_in_dim3A_41 {strides = array<i32>} : memref<128x64xf32, #tpu.memory_space<vmem>>, vector<16xf32>,
    %swap3A_325 = arith.constant 17 : i32
    %swap3A_326 = arith.index_cast %swap3A_325 : i32 to index
    %swap3A_327 = arith.constant 48 : index
    %swap3A_328 = tpu.vector_load %arg13[%swap3A_326, %swap3A_327] {strides = array<i32>} : memref<128x64xf32, #tpu.memory_space<vmem>>, vector<16xf32>,
    tpu.vector_store %arg13[%swap3A_326, %swap3A_327], %broadcast_in_dim3A_41 {strides = array<i32>} : memref<128x64xf32, #tpu.memory_space<vmem>>, vector<16xf32>,
    %swap3A_329 = arith.constant 18 : i32
    %swap3A_330 = arith.index_cast %swap3A_329 : i32 to index
    %swap3A_331 = arith.constant 0 : index
    %swap3A_332 = tpu.vector_load %arg13[%swap3A_330, %swap3A_331] {strides = array<i32>} : memref<128x64xf32, #tpu.memory_space<vmem>>, vector<16xf32>,
    tpu.vector_store %arg13[%swap3A_330, %swap3A_331], %broadcast_in_dim3A_41 {strides = array<i32>} : memref<128x64xf32, #tpu.memory_space<vmem>>, vector<16xf32>,
    %swap3A_333 = arith.constant 18 : i32
    %swap3A_334 = arith.index_cast %swap3A_333 : i32 to index
    %swap3A_335 = arith.constant 16 : index
    %swap3A_336 = tpu.vector_load %arg13[%swap3A_334, %swap3A_335] {strides = array<i32>} : memref<128x64xf32, #tpu.memory_space<vmem>>, vector<16xf32>,
    tpu.vector_store %arg13[%swap3A_334, %swap3A_335], %broadcast_in_dim3A_41 {strides = array<i32>} : memref<128x64xf32, #tpu.memory_space<vmem>>, vector<16xf32>,
    %swap3A_337 = arith.constant 18 : i32
    %swap3A_338 = arith.index_cast %swap3A_337 : i32 to index
    %swap3A_339 = arith.constant 32 : index
    %swap3A_340 = tpu.vector_load %arg13[%swap3A_338, %swap3A_339] {strides = array<i32>} : memref<128x64xf32, #tpu.memory_space<vmem>>, vector<16xf32>,
    tpu.vector_store %arg13[%swap3A_338, %swap3A_339], %broadcast_in_dim3A_41 {strides = array<i32>} : memref<128x64xf32, #tpu.memory_space<vmem>>, vector<16xf32>,
    %swap3A_341 = arith.constant 18 : i32
    %swap3A_342 = arith.index_cast %swap3A_341 : i32 to index
    %swap3A_343 = arith.constant 48 : index
    %swap3A_344 = tpu.vector_load %arg13[%swap3A_342, %swap3A_343] {strides = array<i32>} : memref<128x64xf32, #tpu.memory_space<vmem>>, vector<16xf32>,
    tpu.vector_store %arg13[%swap3A_342, %swap3A_343], %broadcast_in_dim3A_41 {strides = array<i32>} : memref<128x64xf32, #tpu.memory_space<vmem>>, vector<16xf32>,
    %swap3A_345 = arith.constant 19 : i32
    %swap3A_346 = arith.index_cast %swap3A_345 : i32 to index
    %swap3A_347 = arith.constant 0 : index
    %swap3A_348 = tpu.vector_load %arg13[%swap3A_346, %swap3A_347] {strides = array<i32>} : memref<128x64xf32, #tpu.memory_space<vmem>>, vector<16xf32>,
    tpu.vector_store %arg13[%swap3A_346, %swap3A_347], %broadcast_in_dim3A_41 {strides = array<i32>} : memref<128x64xf32, #tpu.memory_space<vmem>>, vector<16xf32>,
    %swap3A_349 = arith.constant 19 : i32
    %swap3A_350 = arith.index_cast %swap3A_349 : i32 to index
    %swap3A_351 = arith.constant 16 : index
    %swap3A_352 = tpu.vector_load %arg13[%swap3A_350, %swap3A_351] {strides = array<i32>} : memref<128x64xf32, #tpu.memory_space<vmem>>, vector<16xf32>,
    tpu.vector_store %arg13[%swap3A_350, %swap3A_351], %broadcast_in_dim3A_41 {strides = array<i32>} : memref<128x64xf32, #tpu.memory_space<vmem>>, vector<16xf32>,
    %swap3A_353 = arith.constant 19 : i32
    %swap3A_354 = arith.index_cast %swap3A_353 : i32 to index
    %swap3A_355 = arith.constant 32 : index
    %swap3A_356 = tpu.vector_load %arg13[%swap3A_354, %swap3A_355] {strides = array<i32>} : memref<128x64xf32, #tpu.memory_space<vmem>>, vector<16xf32>,
    tpu.vector_store %arg13[%swap3A_354, %swap3A_355], %broadcast_in_dim3A_41 {strides = array<i32>} : memref<128x64xf32, #tpu.memory_space<vmem>>, vector<16xf32>,
    %swap3A_357 = arith.constant 19 : i32
    %swap3A_358 = arith.index_cast %swap3A_357 : i32 to index
    %swap3A_359 = arith.constant 48 : index
    %swap3A_360 = tpu.vector_load %arg13[%swap3A_358, %swap3A_359] {strides = array<i32>} : memref<128x64xf32, #tpu.memory_space<vmem>>, vector<16xf32>,
    tpu.vector_store %arg13[%swap3A_358, %swap3A_359], %broadcast_in_dim3A_41 {strides = array<i32>} : memref<128x64xf32, #tpu.memory_space<vmem>>, vector<16xf32>,
    %swap3A_361 = arith.constant 20 : i32
    %swap3A_362 = arith.index_cast %swap3A_361 : i32 to index
    %swap3A_363 = arith.constant 0 : index
    %swap3A_364 = tpu.vector_load %arg13[%swap3A_362, %swap3A_363] {strides = array<i32>} : memref<128x64xf32, #tpu.memory_space<vmem>>, vector<16xf32>,
    tpu.vector_store %arg13[%swap3A_362, %swap3A_363], %broadcast_in_dim3A_41 {strides = array<i32>} : memref<128x64xf32, #tpu.memory_space<vmem>>, vector<16xf32>,
    %swap3A_365 = arith.constant 20 : i32
    %swap3A_366 = arith.index_cast %swap3A_365 : i32 to index
    %swap3A_367 = arith.constant 16 : index
    %swap3A_368 = tpu.vector_load %arg13[%swap3A_366, %swap3A_367] {strides = array<i32>} : memref<128x64xf32, #tpu.memory_space<vmem>>, vector<16xf32>,
    tpu.vector_store %arg13[%swap3A_366, %swap3A_367], %broadcast_in_dim3A_41 {strides = array<i32>} : memref<128x64xf32, #tpu.memory_space<vmem>>, vector<16xf32>,
    %swap3A_369 = arith.constant 20 : i32
    %swap3A_370 = arith.index_cast %swap3A_369 : i32 to index
    %swap3A_371 = arith.constant 32 : index
    %swap3A_372 = tpu.vector_load %arg13[%swap3A_370, %swap3A_371] {strides = array<i32>} : memref<128x64xf32, #tpu.memory_space<vmem>>, vector<16xf32>,
    tpu.vector_store %arg13[%swap3A_370, %swap3A_371], %broadcast_in_dim3A_41 {strides = array<i32>} : memref<128x64xf32, #tpu.memory_space<vmem>>, vector<16xf32>,
    %swap3A_373 = arith.constant 20 : i32
    %swap3A_374 = arith.index_cast %swap3A_373 : i32 to index
    %swap3A_375 = arith.constant 48 : index
    %swap3A_376 = tpu.vector_load %arg13[%swap3A_374, %swap3A_375] {strides = array<i32>} : memref<128x64xf32, #tpu.memory_space<vmem>>, vector<16xf32>,
    tpu.vector_store %arg13[%swap3A_374, %swap3A_375], %broadcast_in_dim3A_41 {strides = array<i32>} : memref<128x64xf32, #tpu.memory_space<vmem>>, vector<16xf32>,
    %swap3A_377 = arith.constant 21 : i32
    %swap3A_378 = arith.index_cast %swap3A_377 : i32 to index
    %swap3A_379 = arith.constant 0 : index
    %swap3A_380 = tpu.vector_load %arg13[%swap3A_378, %swap3A_379] {strides = array<i32>} : memref<128x64xf32, #tpu.memory_space<vmem>>, vector<16xf32>,
    tpu.vector_store %arg13[%swap3A_378, %swap3A_379], %broadcast_in_dim3A_41 {strides = array<i32>} : memref<128x64xf32, #tpu.memory_space<vmem>>, vector<16xf32>,
    %swap3A_381 = arith.constant 21 : i32
    %swap3A_382 = arith.index_cast %swap3A_381 : i32 to index
    %swap3A_383 = arith.constant 16 : index
    %swap3A_384 = tpu.vector_load %arg13[%swap3A_382, %swap3A_383] {strides = array<i32>} : memref<128x64xf32, #tpu.memory_space<vmem>>, vector<16xf32>,
    tpu.vector_store %arg13[%swap3A_382, %swap3A_383], %broadcast_in_dim3A_41 {strides = array<i32>} : memref<128x64xf32, #tpu.memory_space<vmem>>, vector<16xf32>,
    %swap3A_385 = arith.constant 21 : i32
    %swap3A_386 = arith.index_cast %swap3A_385 : i32 to index
    %swap3A_387 = arith.constant 32 : index
    %swap3A_388 = tpu.vector_load %arg13[%swap3A_386, %swap3A_387] {strides = array<i32>} : memref<128x64xf32, #tpu.memory_space<vmem>>, vector<16xf32>,
    tpu.vector_store %arg13[%swap3A_386, %swap3A_387], %broadcast_in_dim3A_41 {strides = array<i32>} : memref<128x64xf32, #tpu.memory_space<vmem>>, vector<16xf32>,
    %swap3A_389 = arith.constant 21 : i32
    %swap3A_390 = arith.index_cast %swap3A_389 : i32 to index
    %swap3A_391 = arith.constant 48 : index
    %swap3A_392 = tpu.vector_load %arg13[%swap3A_390, %swap3A_391] {strides = array<i32>} : memref<128x64xf32, #tpu.memory_space<vmem>>, vector<16xf32>,
    tpu.vector_store %arg13[%swap3A_390, %swap3A_391], %broadcast_in_dim3A_41 {strides = array<i32>} : memref<128x64xf32, #tpu.memory_space<vmem>>, vector<16xf32>,
    %swap3A_393 = arith.constant 22 : i32
    %swap3A_394 = arith.index_cast %swap3A_393 : i32 to index
    %swap3A_395 = arith.constant 0 : index
    %swap3A_396 = tpu.vector_load %arg13[%swap3A_394, %swap3A_395] {strides = array<i32>} : memref<128x64xf32, #tpu.memory_space<vmem>>, vector<16xf32>,
    tpu.vector_store %arg13[%swap3A_394, %swap3A_395], %broadcast_in_dim3A_41 {strides = array<i32>} : memref<128x64xf32, #tpu.memory_space<vmem>>, vector<16xf32>,
    %swap3A_397 = arith.constant 22 : i32
    %swap3A_398 = arith.index_cast %swap3A_397 : i32 to index
    %swap3A_399 = arith.constant 16 : index
    %swap3A_400 = tpu.vector_load %arg13[%swap3A_398, %swap3A_399] {strides = array<i32>} : memref<128x64xf32, #tpu.memory_space<vmem>>, vector<16xf32>,
    tpu.vector_store %arg13[%swap3A_398, %swap3A_399], %broadcast_in_dim3A_41 {strides = array<i32>} : memref<128x64xf32, #tpu.memory_space<vmem>>, vector<16xf32>,
    %swap3A_401 = arith.constant 22 : i32
    %swap3A_402 = arith.index_cast %swap3A_401 : i32 to index
    %swap3A_403 = arith.constant 32 : index
    %swap3A_404 = tpu.vector_load %arg13[%swap3A_402, %swap3A_403] {strides = array<i32>} : memref<128x64xf32, #tpu.memory_space<vmem>>, vector<16xf32>,
    tpu.vector_store %arg13[%swap3A_402, %swap3A_403], %broadcast_in_dim3A_41 {strides = array<i32>} : memref<128x64xf32, #tpu.memory_space<vmem>>, vector<16xf32>,
    %swap3A_405 = arith.constant 22 : i32
    %swap3A_406 = arith.index_cast %swap3A_405 : i32 to index
    %swap3A_407 = arith.constant 48 : index
    %swap3A_408 = tpu.vector_load %arg13[%swap3A_406, %swap3A_407] {strides = array<i32>} : memref<128x64xf32, #tpu.memory_space<vmem>>, vector<16xf32>,
    tpu.vector_store %arg13[%swap3A_406, %swap3A_407], %broadcast_in_dim3A_41 {strides = array<i32>} : memref<128x64xf32, #tpu.memory_space<vmem>>, vector<16xf32>,
    %swap3A_409 = arith.constant 23 : i32
    %swap3A_410 = arith.index_cast %swap3A_409 : i32 to index
    %swap3A_411 = arith.constant 0 : index
    %swap3A_412 = tpu.vector_load %arg13[%swap3A_410, %swap3A_411] {strides = array<i32>} : memref<128x64xf32, #tpu.memory_space<vmem>>, vector<16xf32>,
    tpu.vector_store %arg13[%swap3A_410, %swap3A_411], %broadcast_in_dim3A_41 {strides = array<i32>} : memref<128x64xf32, #tpu.memory_space<vmem>>, vector<16xf32>,
    %swap3A_413 = arith.constant 23 : i32
    %swap3A_414 = arith.index_cast %swap3A_413 : i32 to index
    %swap3A_415 = arith.constant 16 : index
    %swap3A_416 = tpu.vector_load %arg13[%swap3A_414, %swap3A_415] {strides = array<i32>} : memref<128x64xf32, #tpu.memory_space<vmem>>, vector<16xf32>,
    tpu.vector_store %arg13[%swap3A_414, %swap3A_415], %broadcast_in_dim3A_41 {strides = array<i32>} : memref<128x64xf32, #tpu.memory_space<vmem>>, vector<16xf32>,
    %swap3A_417 = arith.constant 23 : i32
    %swap3A_418 = arith.index_cast %swap3A_417 : i32 to index
    %swap3A_419 = arith.constant 32 : index
    %swap3A_420 = tpu.vector_load %arg13[%swap3A_418, %swap3A_419] {strides = array<i32>} : memref<128x64xf32, #tpu.memory_space<vmem>>, vector<16xf32>,
    tpu.vector_store %arg13[%swap3A_418, %swap3A_419], %broadcast_in_dim3A_41 {strides = array<i32>} : memref<128x64xf32, #tpu.memory_space<vmem>>, vector<16xf32>,
    %swap3A_421 = arith.constant 23 : i32
    %swap3A_422 = arith.index_cast %swap3A_421 : i32 to index
    %swap3A_423 = arith.constant 48 : index
    %swap3A_424 = tpu.vector_load %arg13[%swap3A_422, %swap3A_423] {strides = array<i32>} : memref<128x64xf32, #tpu.memory_space<vmem>>, vector<16xf32>,
    tpu.vector_store %arg13[%swap3A_422, %swap3A_423], %broadcast_in_dim3A_41 {strides = array<i32>} : memref<128x64xf32, #tpu.memory_space<vmem>>, vector<16xf32>,
    %swap3A_425 = arith.constant 24 : i32
    %swap3A_426 = arith.index_cast %swap3A_425 : i32 to index
    %swap3A_427 = arith.constant 0 : index
    %swap3A_428 = tpu.vector_load %arg13[%swap3A_426, %swap3A_427] {strides = array<i32>} : memref<128x64xf32, #tpu.memory_space<vmem>>, vector<16xf32>,
    tpu.vector_store %arg13[%swap3A_426, %swap3A_427], %broadcast_in_dim3A_41 {strides = array<i32>} : memref<128x64xf32, #tpu.memory_space<vmem>>, vector<16xf32>,
    %swap3A_429 = arith.constant 24 : i32
    %swap3A_430 = arith.index_cast %swap3A_429 : i32 to index
    %swap3A_431 = arith.constant 16 : index
    %swap3A_432 = tpu.vector_load %arg13[%swap3A_430, %swap3A_431] {strides = array<i32>} : memref<128x64xf32, #tpu.memory_space<vmem>>, vector<16xf32>,
    tpu.vector_store %arg13[%swap3A_430, %swap3A_431], %broadcast_in_dim3A_41 {strides = array<i32>} : memref<128x64xf32, #tpu.memory_space<vmem>>, vector<16xf32>,
    %swap3A_433 = arith.constant 24 : i32
    %swap3A_434 = arith.index_cast %swap3A_433 : i32 to index
    %swap3A_435 = arith.constant 32 : index
    %swap3A_436 = tpu.vector_load %arg13[%swap3A_434, %swap3A_435] {strides = array<i32>} : memref<128x64xf32, #tpu.memory_space<vmem>>, vector<16xf32>,
    tpu.vector_store %arg13[%swap3A_434, %swap3A_435], %broadcast_in_dim3A_41 {strides = array<i32>} : memref<128x64xf32, #tpu.memory_space<vmem>>, vector<16xf32>,
    %swap3A_437 = arith.constant 24 : i32
    %swap3A_438 = arith.index_cast %swap3A_437 : i32 to index
    %swap3A_439 = arith.constant 48 : index
    %swap3A_440 = tpu.vector_load %arg13[%swap3A_438, %swap3A_439] {strides = array<i32>} : memref<128x64xf32, #tpu.memory_space<vmem>>, vector<16xf32>,
    tpu.vector_store %arg13[%swap3A_438, %swap3A_439], %broadcast_in_dim3A_41 {strides = array<i32>} : memref<128x64xf32, #tpu.memory_space<vmem>>, vector<16xf32>,
    %swap3A_441 = arith.constant 25 : i32
    %swap3A_442 = arith.index_cast %swap3A_441 : i32 to index
    %swap3A_443 = arith.constant 0 : index
    %swap3A_444 = tpu.vector_load %arg13[%swap3A_442, %swap3A_443] {strides = array<i32>} : memref<128x64xf32, #tpu.memory_space<vmem>>, vector<16xf32>,
    tpu.vector_store %arg13[%swap3A_442, %swap3A_443], %broadcast_in_dim3A_41 {strides = array<i32>} : memref<128x64xf32, #tpu.memory_space<vmem>>, vector<16xf32>,
    %swap3A_445 = arith.constant 25 : i32
    %swap3A_446 = arith.index_cast %swap3A_445 : i32 to index
    %swap3A_447 = arith.constant 16 : index
    %swap3A_448 = tpu.vector_load %arg13[%swap3A_446, %swap3A_447] {strides = array<i32>} : memref<128x64xf32, #tpu.memory_space<vmem>>, vector<16xf32>,
    tpu.vector_store %arg13[%swap3A_446, %swap3A_447], %broadcast_in_dim3A_41 {strides = array<i32>} : memref<128x64xf32, #tpu.memory_space<vmem>>, vector<16xf32>,
    %swap3A_449 = arith.constant 25 : i32
    %swap3A_450 = arith.index_cast %swap3A_449 : i32 to index
    %swap3A_451 = arith.constant 32 : index
    %swap3A_452 = tpu.vector_load %arg13[%swap3A_450, %swap3A_451] {strides = array<i32>} : memref<128x64xf32, #tpu.memory_space<vmem>>, vector<16xf32>,
    tpu.vector_store %arg13[%swap3A_450, %swap3A_451], %broadcast_in_dim3A_41 {strides = array<i32>} : memref<128x64xf32, #tpu.memory_space<vmem>>, vector<16xf32>,
    %swap3A_453 = arith.constant 25 : i32
    %swap3A_454 = arith.index_cast %swap3A_453 : i32 to index
    %swap3A_455 = arith.constant 48 : index
    %swap3A_456 = tpu.vector_load %arg13[%swap3A_454, %swap3A_455] {strides = array<i32>} : memref<128x64xf32, #tpu.memory_space<vmem>>, vector<16xf32>,
    tpu.vector_store %arg13[%swap3A_454, %swap3A_455], %broadcast_in_dim3A_41 {strides = array<i32>} : memref<128x64xf32, #tpu.memory_space<vmem>>, vector<16xf32>,
    %swap3A_457 = arith.constant 26 : i32
    %swap3A_458 = arith.index_cast %swap3A_457 : i32 to index
    %swap3A_459 = arith.constant 0 : index
    %swap3A_460 = tpu.vector_load %arg13[%swap3A_458, %swap3A_459] {strides = array<i32>} : memref<128x64xf32, #tpu.memory_space<vmem>>, vector<16xf32>,
    tpu.vector_store %arg13[%swap3A_458, %swap3A_459], %broadcast_in_dim3A_41 {strides = array<i32>} : memref<128x64xf32, #tpu.memory_space<vmem>>, vector<16xf32>,
    %swap3A_461 = arith.constant 26 : i32
    %swap3A_462 = arith.index_cast %swap3A_461 : i32 to index
    %swap3A_463 = arith.constant 16 : index
    %swap3A_464 = tpu.vector_load %arg13[%swap3A_462, %swap3A_463] {strides = array<i32>} : memref<128x64xf32, #tpu.memory_space<vmem>>, vector<16xf32>,
    tpu.vector_store %arg13[%swap3A_462, %swap3A_463], %broadcast_in_dim3A_41 {strides = array<i32>} : memref<128x64xf32, #tpu.memory_space<vmem>>, vector<16xf32>,
    %swap3A_465 = arith.constant 26 : i32
    %swap3A_466 = arith.index_cast %swap3A_465 : i32 to index
    %swap3A_467 = arith.constant 32 : index
    %swap3A_468 = tpu.vector_load %arg13[%swap3A_466, %swap3A_467] {strides = array<i32>} : memref<128x64xf32, #tpu.memory_space<vmem>>, vector<16xf32>,
    tpu.vector_store %arg13[%swap3A_466, %swap3A_467], %broadcast_in_dim3A_41 {strides = array<i32>} : memref<128x64xf32, #tpu.memory_space<vmem>>, vector<16xf32>,
    %swap3A_469 = arith.constant 26 : i32
    %swap3A_470 = arith.index_cast %swap3A_469 : i32 to index
    %swap3A_471 = arith.constant 48 : index
    %swap3A_472 = tpu.vector_load %arg13[%swap3A_470, %swap3A_471] {strides = array<i32>} : memref<128x64xf32, #tpu.memory_space<vmem>>, vector<16xf32>,
    tpu.vector_store %arg13[%swap3A_470, %swap3A_471], %broadcast_in_dim3A_41 {strides = array<i32>} : memref<128x64xf32, #tpu.memory_space<vmem>>, vector<16xf32>,
    %swap3A_473 = arith.constant 27 : i32
    %swap3A_474 = arith.index_cast %swap3A_473 : i32 to index
    %swap3A_475 = arith.constant 0 : index
    %swap3A_476 = tpu.vector_load %arg13[%swap3A_474, %swap3A_475] {strides = array<i32>} : memref<128x64xf32, #tpu.memory_space<vmem>>, vector<16xf32>,
    tpu.vector_store %arg13[%swap3A_474, %swap3A_475], %broadcast_in_dim3A_41 {strides = array<i32>} : memref<128x64xf32, #tpu.memory_space<vmem>>, vector<16xf32>,
    %swap3A_477 = arith.constant 27 : i32
    %swap3A_478 = arith.index_cast %swap3A_477 : i32 to index
    %swap3A_479 = arith.constant 16 : index
    %swap3A_480 = tpu.vector_load %arg13[%swap3A_478, %swap3A_479] {strides = array<i32>} : memref<128x64xf32, #tpu.memory_space<vmem>>, vector<16xf32>,
    tpu.vector_store %arg13[%swap3A_478, %swap3A_479], %broadcast_in_dim3A_41 {strides = array<i32>} : memref<128x64xf32, #tpu.memory_space<vmem>>, vector<16xf32>,
    %swap3A_481 = arith.constant 27 : i32
    %swap3A_482 = arith.index_cast %swap3A_481 : i32 to index
    %swap3A_483 = arith.constant 32 : index
    %swap3A_484 = tpu.vector_load %arg13[%swap3A_482, %swap3A_483] {strides = array<i32>} : memref<128x64xf32, #tpu.memory_space<vmem>>, vector<16xf32>,
    tpu.vector_store %arg13[%swap3A_482, %swap3A_483], %broadcast_in_dim3A_41 {strides = array<i32>} : memref<128x64xf32, #tpu.memory_space<vmem>>, vector<16xf32>,
    %swap3A_485 = arith.constant 27 : i32
    %swap3A_486 = arith.index_cast %swap3A_485 : i32 to index
    %swap3A_487 = arith.constant 48 : index
    %swap3A_488 = tpu.vector_load %arg13[%swap3A_486, %swap3A_487] {strides = array<i32>} : memref<128x64xf32, #tpu.memory_space<vmem>>, vector<16xf32>,
    tpu.vector_store %arg13[%swap3A_486, %swap3A_487], %broadcast_in_dim3A_41 {strides = array<i32>} : memref<128x64xf32, #tpu.memory_space<vmem>>, vector<16xf32>,
    %swap3A_489 = arith.constant 28 : i32
    %swap3A_490 = arith.index_cast %swap3A_489 : i32 to index
    %swap3A_491 = arith.constant 0 : index
    %swap3A_492 = tpu.vector_load %arg13[%swap3A_490, %swap3A_491] {strides = array<i32>} : memref<128x64xf32, #tpu.memory_space<vmem>>, vector<16xf32>,
    tpu.vector_store %arg13[%swap3A_490, %swap3A_491], %broadcast_in_dim3A_41 {strides = array<i32>} : memref<128x64xf32, #tpu.memory_space<vmem>>, vector<16xf32>,
    %swap3A_493 = arith.constant 28 : i32
    %swap3A_494 = arith.index_cast %swap3A_493 : i32 to index
    %swap3A_495 = arith.constant 16 : index
    %swap3A_496 = tpu.vector_load %arg13[%swap3A_494, %swap3A_495] {strides = array<i32>} : memref<128x64xf32, #tpu.memory_space<vmem>>, vector<16xf32>,
    tpu.vector_store %arg13[%swap3A_494, %swap3A_495], %broadcast_in_dim3A_41 {strides = array<i32>} : memref<128x64xf32, #tpu.memory_space<vmem>>, vector<16xf32>,
    %swap3A_497 = arith.constant 28 : i32
    %swap3A_498 = arith.index_cast %swap3A_497 : i32 to index
    %swap3A_499 = arith.constant 32 : index
    %swap3A_500 = tpu.vector_load %arg13[%swap3A_498, %swap3A_499] {strides = array<i32>} : memref<128x64xf32, #tpu.memory_space<vmem>>, vector<16xf32>,
    tpu.vector_store %arg13[%swap3A_498, %swap3A_499], %broadcast_in_dim3A_41 {strides = array<i32>} : memref<128x64xf32, #tpu.memory_space<vmem>>, vector<16xf32>,
    %swap3A_501 = arith.constant 28 : i32
    %swap3A_502 = arith.index_cast %swap3A_501 : i32 to index
    %swap3A_503 = arith.constant 48 : index
    %swap3A_504 = tpu.vector_load %arg13[%swap3A_502, %swap3A_503] {strides = array<i32>} : memref<128x64xf32, #tpu.memory_space<vmem>>, vector<16xf32>,
    tpu.vector_store %arg13[%swap3A_502, %swap3A_503], %broadcast_in_dim3A_41 {strides = array<i32>} : memref<128x64xf32, #tpu.memory_space<vmem>>, vector<16xf32>,
    %swap3A_505 = arith.constant 29 : i32
    %swap3A_506 = arith.index_cast %swap3A_505 : i32 to index
    %swap3A_507 = arith.constant 0 : index
    %swap3A_508 = tpu.vector_load %arg13[%swap3A_506, %swap3A_507] {strides = array<i32>} : memref<128x64xf32, #tpu.memory_space<vmem>>, vector<16xf32>,
    tpu.vector_store %arg13[%swap3A_506, %swap3A_507], %broadcast_in_dim3A_41 {strides = array<i32>} : memref<128x64xf32, #tpu.memory_space<vmem>>, vector<16xf32>,
    %swap3A_509 = arith.constant 29 : i32
    %swap3A_510 = arith.index_cast %swap3A_509 : i32 to index
    %swap3A_511 = arith.constant 16 : index
    %swap3A_512 = tpu.vector_load %arg13[%swap3A_510, %swap3A_511] {strides = array<i32>} : memref<128x64xf32, #tpu.memory_space<vmem>>, vector<16xf32>,
    tpu.vector_store %arg13[%swap3A_510, %swap3A_511], %broadcast_in_dim3A_41 {strides = array<i32>} : memref<128x64xf32, #tpu.memory_space<vmem>>, vector<16xf32>,
    %swap3A_513 = arith.constant 29 : i32
    %swap3A_514 = arith.index_cast %swap3A_513 : i32 to index
    %swap3A_515 = arith.constant 32 : index
    %swap3A_516 = tpu.vector_load %arg13[%swap3A_514, %swap3A_515] {strides = array<i32>} : memref<128x64xf32, #tpu.memory_space<vmem>>, vector<16xf32>,
    tpu.vector_store %arg13[%swap3A_514, %swap3A_515], %broadcast_in_dim3A_41 {strides = array<i32>} : memref<128x64xf32, #tpu.memory_space<vmem>>, vector<16xf32>,
    %swap3A_517 = arith.constant 29 : i32
    %swap3A_518 = arith.index_cast %swap3A_517 : i32 to index
    %swap3A_519 = arith.constant 48 : index
    %swap3A_520 = tpu.vector_load %arg13[%swap3A_518, %swap3A_519] {strides = array<i32>} : memref<128x64xf32, #tpu.memory_space<vmem>>, vector<16xf32>,
    tpu.vector_store %arg13[%swap3A_518, %swap3A_519], %broadcast_in_dim3A_41 {strides = array<i32>} : memref<128x64xf32, #tpu.memory_space<vmem>>, vector<16xf32>,
    %swap3A_521 = arith.constant 30 : i32
    %swap3A_522 = arith.index_cast %swap3A_521 : i32 to index
    %swap3A_523 = arith.constant 0 : index
    %swap3A_524 = tpu.vector_load %arg13[%swap3A_522, %swap3A_523] {strides = array<i32>} : memref<128x64xf32, #tpu.memory_space<vmem>>, vector<16xf32>,
    tpu.vector_store %arg13[%swap3A_522, %swap3A_523], %broadcast_in_dim3A_41 {strides = array<i32>} : memref<128x64xf32, #tpu.memory_space<vmem>>, vector<16xf32>,
    %swap3A_525 = arith.constant 30 : i32
    %swap3A_526 = arith.index_cast %swap3A_525 : i32 to index
    %swap3A_527 = arith.constant 16 : index
    %swap3A_528 = tpu.vector_load %arg13[%swap3A_526, %swap3A_527] {strides = array<i32>} : memref<128x64xf32, #tpu.memory_space<vmem>>, vector<16xf32>,
    tpu.vector_store %arg13[%swap3A_526, %swap3A_527], %broadcast_in_dim3A_41 {strides = array<i32>} : memref<128x64xf32, #tpu.memory_space<vmem>>, vector<16xf32>,
    %swap3A_529 = arith.constant 30 : i32
    %swap3A_530 = arith.index_cast %swap3A_529 : i32 to index
    %swap3A_531 = arith.constant 32 : index
    %swap3A_532 = tpu.vector_load %arg13[%swap3A_530, %swap3A_531] {strides = array<i32>} : memref<128x64xf32, #tpu.memory_space<vmem>>, vector<16xf32>,
    tpu.vector_store %arg13[%swap3A_530, %swap3A_531], %broadcast_in_dim3A_41 {strides = array<i32>} : memref<128x64xf32, #tpu.memory_space<vmem>>, vector<16xf32>,
    %swap3A_533 = arith.constant 30 : i32
    %swap3A_534 = arith.index_cast %swap3A_533 : i32 to index
    %swap3A_535 = arith.constant 48 : index
    %swap3A_536 = tpu.vector_load %arg13[%swap3A_534, %swap3A_535] {strides = array<i32>} : memref<128x64xf32, #tpu.memory_space<vmem>>, vector<16xf32>,
    tpu.vector_store %arg13[%swap3A_534, %swap3A_535], %broadcast_in_dim3A_41 {strides = array<i32>} : memref<128x64xf32, #tpu.memory_space<vmem>>, vector<16xf32>,
    %swap3A_537 = arith.constant 31 : i32
    %swap3A_538 = arith.index_cast %swap3A_537 : i32 to index
    %swap3A_539 = arith.constant 0 : index
    %swap3A_540 = tpu.vector_load %arg13[%swap3A_538, %swap3A_539] {strides = array<i32>} : memref<128x64xf32, #tpu.memory_space<vmem>>, vector<16xf32>,
    tpu.vector_store %arg13[%swap3A_538, %swap3A_539], %broadcast_in_dim3A_41 {strides = array<i32>} : memref<128x64xf32, #tpu.memory_space<vmem>>, vector<16xf32>,
    %swap3A_541 = arith.constant 31 : i32
    %swap3A_542 = arith.index_cast %swap3A_541 : i32 to index
    %swap3A_543 = arith.constant 16 : index
    %swap3A_544 = tpu.vector_load %arg13[%swap3A_542, %swap3A_543] {strides = array<i32>} : memref<128x64xf32, #tpu.memory_space<vmem>>, vector<16xf32>,
    tpu.vector_store %arg13[%swap3A_542, %swap3A_543], %broadcast_in_dim3A_41 {strides = array<i32>} : memref<128x64xf32, #tpu.memory_space<vmem>>, vector<16xf32>,
    %swap3A_545 = arith.constant 31 : i32
    %swap3A_546 = arith.index_cast %swap3A_545 : i32 to index
    %swap3A_547 = arith.constant 32 : index
    %swap3A_548 = tpu.vector_load %arg13[%swap3A_546, %swap3A_547] {strides = array<i32>} : memref<128x64xf32, #tpu.memory_space<vmem>>, vector<16xf32>,
    tpu.vector_store %arg13[%swap3A_546, %swap3A_547], %broadcast_in_dim3A_41 {strides = array<i32>} : memref<128x64xf32, #tpu.memory_space<vmem>>, vector<16xf32>,
    %swap3A_549 = arith.constant 31 : i32
    %swap3A_550 = arith.index_cast %swap3A_549 : i32 to index
    %swap3A_551 = arith.constant 48 : index
    %swap3A_552 = tpu.vector_load %arg13[%swap3A_550, %swap3A_551] {strides = array<i32>} : memref<128x64xf32, #tpu.memory_space<vmem>>, vector<16xf32>,
    tpu.vector_store %arg13[%swap3A_550, %swap3A_551], %broadcast_in_dim3A_41 {strides = array<i32>} : memref<128x64xf32, #tpu.memory_space<vmem>>, vector<16xf32>,
    %swap3A_553 = arith.constant 32 : i32
    %swap3A_554 = arith.index_cast %swap3A_553 : i32 to index
    %swap3A_555 = arith.constant 0 : index
    %swap3A_556 = tpu.vector_load %arg13[%swap3A_554, %swap3A_555] {strides = array<i32>} : memref<128x64xf32, #tpu.memory_space<vmem>>, vector<16xf32>,
    tpu.vector_store %arg13[%swap3A_554, %swap3A_555], %broadcast_in_dim3A_41 {strides = array<i32>} : memref<128x64xf32, #tpu.memory_space<vmem>>, vector<16xf32>,
    %swap3A_557 = arith.constant 32 : i32
    %swap3A_558 = arith.index_cast %swap3A_557 : i32 to index
    %swap3A_559 = arith.constant 16 : index
    %swap3A_560 = tpu.vector_load %arg13[%swap3A_558, %swap3A_559] {strides = array<i32>} : memref<128x64xf32, #tpu.memory_space<vmem>>, vector<16xf32>,
    tpu.vector_store %arg13[%swap3A_558, %swap3A_559], %broadcast_in_dim3A_41 {strides = array<i32>} : memref<128x64xf32, #tpu.memory_space<vmem>>, vector<16xf32>,
    %swap3A_561 = arith.constant 32 : i32
    %swap3A_562 = arith.index_cast %swap3A_561 : i32 to index
    %swap3A_563 = arith.constant 32 : index
    %swap3A_564 = tpu.vector_load %arg13[%swap3A_562, %swap3A_563] {strides = array<i32>} : memref<128x64xf32, #tpu.memory_space<vmem>>, vector<16xf32>,
    tpu.vector_store %arg13[%swap3A_562, %swap3A_563], %broadcast_in_dim3A_41 {strides = array<i32>} : memref<128x64xf32, #tpu.memory_space<vmem>>, vector<16xf32>,
    %swap3A_565 = arith.constant 32 : i32
    %swap3A_566 = arith.index_cast %swap3A_565 : i32 to index
    %swap3A_567 = arith.constant 48 : index
    %swap3A_568 = tpu.vector_load %arg13[%swap3A_566, %swap3A_567] {strides = array<i32>} : memref<128x64xf32, #tpu.memory_space<vmem>>, vector<16xf32>,
    tpu.vector_store %arg13[%swap3A_566, %swap3A_567], %broadcast_in_dim3A_41 {strides = array<i32>} : memref<128x64xf32, #tpu.memory_space<vmem>>, vector<16xf32>,
    %swap3A_569 = arith.constant 33 : i32
    %swap3A_570 = arith.index_cast %swap3A_569 : i32 to index
    %swap3A_571 = arith.constant 0 : index
    %swap3A_572 = tpu.vector_load %arg13[%swap3A_570, %swap3A_571] {strides = array<i32>} : memref<128x64xf32, #tpu.memory_space<vmem>>, vector<16xf32>,
    tpu.vector_store %arg13[%swap3A_570, %swap3A_571], %broadcast_in_dim3A_41 {strides = array<i32>} : memref<128x64xf32, #tpu.memory_space<vmem>>, vector<16xf32>,
    %swap3A_573 = arith.constant 33 : i32
    %swap3A_574 = arith.index_cast %swap3A_573 : i32 to index
    %swap3A_575 = arith.constant 16 : index
    %swap3A_576 = tpu.vector_load %arg13[%swap3A_574, %swap3A_575] {strides = array<i32>} : memref<128x64xf32, #tpu.memory_space<vmem>>, vector<16xf32>,
    tpu.vector_store %arg13[%swap3A_574, %swap3A_575], %broadcast_in_dim3A_41 {strides = array<i32>} : memref<128x64xf32, #tpu.memory_space<vmem>>, vector<16xf32>,
    %swap3A_577 = arith.constant 33 : i32
    %swap3A_578 = arith.index_cast %swap3A_577 : i32 to index
    %swap3A_579 = arith.constant 32 : index
    %swap3A_580 = tpu.vector_load %arg13[%swap3A_578, %swap3A_579] {strides = array<i32>} : memref<128x64xf32, #tpu.memory_space<vmem>>, vector<16xf32>,
    tpu.vector_store %arg13[%swap3A_578, %swap3A_579], %broadcast_in_dim3A_41 {strides = array<i32>} : memref<128x64xf32, #tpu.memory_space<vmem>>, vector<16xf32>,
    %swap3A_581 = arith.constant 33 : i32
    %swap3A_582 = arith.index_cast %swap3A_581 : i32 to index
    %swap3A_583 = arith.constant 48 : index
    %swap3A_584 = tpu.vector_load %arg13[%swap3A_582, %swap3A_583] {strides = array<i32>} : memref<128x64xf32, #tpu.memory_space<vmem>>, vector<16xf32>,
    tpu.vector_store %arg13[%swap3A_582, %swap3A_583], %broadcast_in_dim3A_41 {strides = array<i32>} : memref<128x64xf32, #tpu.memory_space<vmem>>, vector<16xf32>,
    %swap3A_585 = arith.constant 34 : i32
    %swap3A_586 = arith.index_cast %swap3A_585 : i32 to index
    %swap3A_587 = arith.constant 0 : index
    %swap3A_588 = tpu.vector_load %arg13[%swap3A_586, %swap3A_587] {strides = array<i32>} : memref<128x64xf32, #tpu.memory_space<vmem>>, vector<16xf32>,
    tpu.vector_store %arg13[%swap3A_586, %swap3A_587], %broadcast_in_dim3A_41 {strides = array<i32>} : memref<128x64xf32, #tpu.memory_space<vmem>>, vector<16xf32>,
    %swap3A_589 = arith.constant 34 : i32
    %swap3A_590 = arith.index_cast %swap3A_589 : i32 to index
    %swap3A_591 = arith.constant 16 : index
    %swap3A_592 = tpu.vector_load %arg13[%swap3A_590, %swap3A_591] {strides = array<i32>} : memref<128x64xf32, #tpu.memory_space<vmem>>, vector<16xf32>,
    tpu.vector_store %arg13[%swap3A_590, %swap3A_591], %broadcast_in_dim3A_41 {strides = array<i32>} : memref<128x64xf32, #tpu.memory_space<vmem>>, vector<16xf32>,
    %swap3A_593 = arith.constant 34 : i32
    %swap3A_594 = arith.index_cast %swap3A_593 : i32 to index
    %swap3A_595 = arith.constant 32 : index
    %swap3A_596 = tpu.vector_load %arg13[%swap3A_594, %swap3A_595] {strides = array<i32>} : memref<128x64xf32, #tpu.memory_space<vmem>>, vector<16xf32>,
    tpu.vector_store %arg13[%swap3A_594, %swap3A_595], %broadcast_in_dim3A_41 {strides = array<i32>} : memref<128x64xf32, #tpu.memory_space<vmem>>, vector<16xf32>,
    %swap3A_597 = arith.constant 34 : i32
    %swap3A_598 = arith.index_cast %swap3A_597 : i32 to index
    %swap3A_599 = arith.constant 48 : index
    %swap3A_600 = tpu.vector_load %arg13[%swap3A_598, %swap3A_599] {strides = array<i32>} : memref<128x64xf32, #tpu.memory_space<vmem>>, vector<16xf32>,
    tpu.vector_store %arg13[%swap3A_598, %swap3A_599], %broadcast_in_dim3A_41 {strides = array<i32>} : memref<128x64xf32, #tpu.memory_space<vmem>>, vector<16xf32>,
    %swap3A_601 = arith.constant 35 : i32
    %swap3A_602 = arith.index_cast %swap3A_601 : i32 to index
    %swap3A_603 = arith.constant 0 : index
    %swap3A_604 = tpu.vector_load %arg13[%swap3A_602, %swap3A_603] {strides = array<i32>} : memref<128x64xf32, #tpu.memory_space<vmem>>, vector<16xf32>,
    tpu.vector_store %arg13[%swap3A_602, %swap3A_603], %broadcast_in_dim3A_41 {strides = array<i32>} : memref<128x64xf32, #tpu.memory_space<vmem>>, vector<16xf32>,
    %swap3A_605 = arith.constant 35 : i32
    %swap3A_606 = arith.index_cast %swap3A_605 : i32 to index
    %swap3A_607 = arith.constant 16 : index
    %swap3A_608 = tpu.vector_load %arg13[%swap3A_606, %swap3A_607] {strides = array<i32>} : memref<128x64xf32, #tpu.memory_space<vmem>>, vector<16xf32>,
    tpu.vector_store %arg13[%swap3A_606, %swap3A_607], %broadcast_in_dim3A_41 {strides = array<i32>} : memref<128x64xf32, #tpu.memory_space<vmem>>, vector<16xf32>,
    %swap3A_609 = arith.constant 35 : i32
    %swap3A_610 = arith.index_cast %swap3A_609 : i32 to index
    %swap3A_611 = arith.constant 32 : index
    %swap3A_612 = tpu.vector_load %arg13[%swap3A_610, %swap3A_611] {strides = array<i32>} : memref<128x64xf32, #tpu.memory_space<vmem>>, vector<16xf32>,
    tpu.vector_store %arg13[%swap3A_610, %swap3A_611], %broadcast_in_dim3A_41 {strides = array<i32>} : memref<128x64xf32, #tpu.memory_space<vmem>>, vector<16xf32>,
    %swap3A_613 = arith.constant 35 : i32
    %swap3A_614 = arith.index_cast %swap3A_613 : i32 to index
    %swap3A_615 = arith.constant 48 : index
    %swap3A_616 = tpu.vector_load %arg13[%swap3A_614, %swap3A_615] {strides = array<i32>} : memref<128x64xf32, #tpu.memory_space<vmem>>, vector<16xf32>,
    tpu.vector_store %arg13[%swap3A_614, %swap3A_615], %broadcast_in_dim3A_41 {strides = array<i32>} : memref<128x64xf32, #tpu.memory_space<vmem>>, vector<16xf32>,
    %swap3A_617 = arith.constant 36 : i32
    %swap3A_618 = arith.index_cast %swap3A_617 : i32 to index
    %swap3A_619 = arith.constant 0 : index
    %swap3A_620 = tpu.vector_load %arg13[%swap3A_618, %swap3A_619] {strides = array<i32>} : memref<128x64xf32, #tpu.memory_space<vmem>>, vector<16xf32>,
    tpu.vector_store %arg13[%swap3A_618, %swap3A_619], %broadcast_in_dim3A_41 {strides = array<i32>} : memref<128x64xf32, #tpu.memory_space<vmem>>, vector<16xf32>,
    %swap3A_621 = arith.constant 36 : i32
    %swap3A_622 = arith.index_cast %swap3A_621 : i32 to index
    %swap3A_623 = arith.constant 16 : index
    %swap3A_624 = tpu.vector_load %arg13[%swap3A_622, %swap3A_623] {strides = array<i32>} : memref<128x64xf32, #tpu.memory_space<vmem>>, vector<16xf32>,
    tpu.vector_store %arg13[%swap3A_622, %swap3A_623], %broadcast_in_dim3A_41 {strides = array<i32>} : memref<128x64xf32, #tpu.memory_space<vmem>>, vector<16xf32>,
    %swap3A_625 = arith.constant 36 : i32
    %swap3A_626 = arith.index_cast %swap3A_625 : i32 to index
    %swap3A_627 = arith.constant 32 : index
    %swap3A_628 = tpu.vector_load %arg13[%swap3A_626, %swap3A_627] {strides = array<i32>} : memref<128x64xf32, #tpu.memory_space<vmem>>, vector<16xf32>,
    tpu.vector_store %arg13[%swap3A_626, %swap3A_627], %broadcast_in_dim3A_41 {strides = array<i32>} : memref<128x64xf32, #tpu.memory_space<vmem>>, vector<16xf32>,
    %swap3A_629 = arith.constant 36 : i32
    %swap3A_630 = arith.index_cast %swap3A_629 : i32 to index
    %swap3A_631 = arith.constant 48 : index
    %swap3A_632 = tpu.vector_load %arg13[%swap3A_630, %swap3A_631] {strides = array<i32>} : memref<128x64xf32, #tpu.memory_space<vmem>>, vector<16xf32>,
    tpu.vector_store %arg13[%swap3A_630, %swap3A_631], %broadcast_in_dim3A_41 {strides = array<i32>} : memref<128x64xf32, #tpu.memory_space<vmem>>, vector<16xf32>,
    %swap3A_633 = arith.constant 37 : i32
    %swap3A_634 = arith.index_cast %swap3A_633 : i32 to index
    %swap3A_635 = arith.constant 0 : index
    %swap3A_636 = tpu.vector_load %arg13[%swap3A_634, %swap3A_635] {strides = array<i32>} : memref<128x64xf32, #tpu.memory_space<vmem>>, vector<16xf32>,
    tpu.vector_store %arg13[%swap3A_634, %swap3A_635], %broadcast_in_dim3A_41 {strides = array<i32>} : memref<128x64xf32, #tpu.memory_space<vmem>>, vector<16xf32>,
    %swap3A_637 = arith.constant 37 : i32
    %swap3A_638 = arith.index_cast %swap3A_637 : i32 to index
    %swap3A_639 = arith.constant 16 : index
    %swap3A_640 = tpu.vector_load %arg13[%swap3A_638, %swap3A_639] {strides = array<i32>} : memref<128x64xf32, #tpu.memory_space<vmem>>, vector<16xf32>,
    tpu.vector_store %arg13[%swap3A_638, %swap3A_639], %broadcast_in_dim3A_41 {strides = array<i32>} : memref<128x64xf32, #tpu.memory_space<vmem>>, vector<16xf32>,
    %swap3A_641 = arith.constant 37 : i32
    %swap3A_642 = arith.index_cast %swap3A_641 : i32 to index
    %swap3A_643 = arith.constant 32 : index
    %swap3A_644 = tpu.vector_load %arg13[%swap3A_642, %swap3A_643] {strides = array<i32>} : memref<128x64xf32, #tpu.memory_space<vmem>>, vector<16xf32>,
    tpu.vector_store %arg13[%swap3A_642, %swap3A_643], %broadcast_in_dim3A_41 {strides = array<i32>} : memref<128x64xf32, #tpu.memory_space<vmem>>, vector<16xf32>,
    %swap3A_645 = arith.constant 37 : i32
    %swap3A_646 = arith.index_cast %swap3A_645 : i32 to index
    %swap3A_647 = arith.constant 48 : index
    %swap3A_648 = tpu.vector_load %arg13[%swap3A_646, %swap3A_647] {strides = array<i32>} : memref<128x64xf32, #tpu.memory_space<vmem>>, vector<16xf32>,
    tpu.vector_store %arg13[%swap3A_646, %swap3A_647], %broadcast_in_dim3A_41 {strides = array<i32>} : memref<128x64xf32, #tpu.memory_space<vmem>>, vector<16xf32>,
    %swap3A_649 = arith.constant 38 : i32
    %swap3A_650 = arith.index_cast %swap3A_649 : i32 to index
    %swap3A_651 = arith.constant 0 : index
    %swap3A_652 = tpu.vector_load %arg13[%swap3A_650, %swap3A_651] {strides = array<i32>} : memref<128x64xf32, #tpu.memory_space<vmem>>, vector<16xf32>,
    tpu.vector_store %arg13[%swap3A_650, %swap3A_651], %broadcast_in_dim3A_41 {strides = array<i32>} : memref<128x64xf32, #tpu.memory_space<vmem>>, vector<16xf32>,
    %swap3A_653 = arith.constant 38 : i32
    %swap3A_654 = arith.index_cast %swap3A_653 : i32 to index
    %swap3A_655 = arith.constant 16 : index
    %swap3A_656 = tpu.vector_load %arg13[%swap3A_654, %swap3A_655] {strides = array<i32>} : memref<128x64xf32, #tpu.memory_space<vmem>>, vector<16xf32>,
    tpu.vector_store %arg13[%swap3A_654, %swap3A_655], %broadcast_in_dim3A_41 {strides = array<i32>} : memref<128x64xf32, #tpu.memory_space<vmem>>, vector<16xf32>,
    %swap3A_657 = arith.constant 38 : i32
    %swap3A_658 = arith.index_cast %swap3A_657 : i32 to index
    %swap3A_659 = arith.constant 32 : index
    %swap3A_660 = tpu.vector_load %arg13[%swap3A_658, %swap3A_659] {strides = array<i32>} : memref<128x64xf32, #tpu.memory_space<vmem>>, vector<16xf32>,
    tpu.vector_store %arg13[%swap3A_658, %swap3A_659], %broadcast_in_dim3A_41 {strides = array<i32>} : memref<128x64xf32, #tpu.memory_space<vmem>>, vector<16xf32>,
    %swap3A_661 = arith.constant 38 : i32
    %swap3A_662 = arith.index_cast %swap3A_661 : i32 to index
    %swap3A_663 = arith.constant 48 : index
    %swap3A_664 = tpu.vector_load %arg13[%swap3A_662, %swap3A_663] {strides = array<i32>} : memref<128x64xf32, #tpu.memory_space<vmem>>, vector<16xf32>,
    tpu.vector_store %arg13[%swap3A_662, %swap3A_663], %broadcast_in_dim3A_41 {strides = array<i32>} : memref<128x64xf32, #tpu.memory_space<vmem>>, vector<16xf32>,
    %swap3A_665 = arith.constant 39 : i32
    %swap3A_666 = arith.index_cast %swap3A_665 : i32 to index
    %swap3A_667 = arith.constant 0 : index
    %swap3A_668 = tpu.vector_load %arg13[%swap3A_666, %swap3A_667] {strides = array<i32>} : memref<128x64xf32, #tpu.memory_space<vmem>>, vector<16xf32>,
    tpu.vector_store %arg13[%swap3A_666, %swap3A_667], %broadcast_in_dim3A_41 {strides = array<i32>} : memref<128x64xf32, #tpu.memory_space<vmem>>, vector<16xf32>,
    %swap3A_669 = arith.constant 39 : i32
    %swap3A_670 = arith.index_cast %swap3A_669 : i32 to index
    %swap3A_671 = arith.constant 16 : index
    %swap3A_672 = tpu.vector_load %arg13[%swap3A_670, %swap3A_671] {strides = array<i32>} : memref<128x64xf32, #tpu.memory_space<vmem>>, vector<16xf32>,
    tpu.vector_store %arg13[%swap3A_670, %swap3A_671], %broadcast_in_dim3A_41 {strides = array<i32>} : memref<128x64xf32, #tpu.memory_space<vmem>>, vector<16xf32>,
    %swap3A_673 = arith.constant 39 : i32
    %swap3A_674 = arith.index_cast %swap3A_673 : i32 to index
    %swap3A_675 = arith.constant 32 : index
    %swap3A_676 = tpu.vector_load %arg13[%swap3A_674, %swap3A_675] {strides = array<i32>} : memref<128x64xf32, #tpu.memory_space<vmem>>, vector<16xf32>,
    tpu.vector_store %arg13[%swap3A_674, %swap3A_675], %broadcast_in_dim3A_41 {strides = array<i32>} : memref<128x64xf32, #tpu.memory_space<vmem>>, vector<16xf32>,
    %swap3A_677 = arith.constant 39 : i32
    %swap3A_678 = arith.index_cast %swap3A_677 : i32 to index
    %swap3A_679 = arith.constant 48 : index
    %swap3A_680 = tpu.vector_load %arg13[%swap3A_678, %swap3A_679] {strides = array<i32>} : memref<128x64xf32, #tpu.memory_space<vmem>>, vector<16xf32>,
    tpu.vector_store %arg13[%swap3A_678, %swap3A_679], %broadcast_in_dim3A_41 {strides = array<i32>} : memref<128x64xf32, #tpu.memory_space<vmem>>, vector<16xf32>,
    %swap3A_681 = arith.constant 40 : i32
    %swap3A_682 = arith.index_cast %swap3A_681 : i32 to index
    %swap3A_683 = arith.constant 0 : index
    %swap3A_684 = tpu.vector_load %arg13[%swap3A_682, %swap3A_683] {strides = array<i32>} : memref<128x64xf32, #tpu.memory_space<vmem>>, vector<16xf32>,
    tpu.vector_store %arg13[%swap3A_682, %swap3A_683], %broadcast_in_dim3A_41 {strides = array<i32>} : memref<128x64xf32, #tpu.memory_space<vmem>>, vector<16xf32>,
    %swap3A_685 = arith.constant 40 : i32
    %swap3A_686 = arith.index_cast %swap3A_685 : i32 to index
    %swap3A_687 = arith.constant 16 : index
    %swap3A_688 = tpu.vector_load %arg13[%swap3A_686, %swap3A_687] {strides = array<i32>} : memref<128x64xf32, #tpu.memory_space<vmem>>, vector<16xf32>,
    tpu.vector_store %arg13[%swap3A_686, %swap3A_687], %broadcast_in_dim3A_41 {strides = array<i32>} : memref<128x64xf32, #tpu.memory_space<vmem>>, vector<16xf32>,
    %swap3A_689 = arith.constant 40 : i32
    %swap3A_690 = arith.index_cast %swap3A_689 : i32 to index
    %swap3A_691 = arith.constant 32 : index
    %swap3A_692 = tpu.vector_load %arg13[%swap3A_690, %swap3A_691] {strides = array<i32>} : memref<128x64xf32, #tpu.memory_space<vmem>>, vector<16xf32>,
    tpu.vector_store %arg13[%swap3A_690, %swap3A_691], %broadcast_in_dim3A_41 {strides = array<i32>} : memref<128x64xf32, #tpu.memory_space<vmem>>, vector<16xf32>,
    %swap3A_693 = arith.constant 40 : i32
    %swap3A_694 = arith.index_cast %swap3A_693 : i32 to index
    %swap3A_695 = arith.constant 48 : index
    %swap3A_696 = tpu.vector_load %arg13[%swap3A_694, %swap3A_695] {strides = array<i32>} : memref<128x64xf32, #tpu.memory_space<vmem>>, vector<16xf32>,
    tpu.vector_store %arg13[%swap3A_694, %swap3A_695], %broadcast_in_dim3A_41 {strides = array<i32>} : memref<128x64xf32, #tpu.memory_space<vmem>>, vector<16xf32>,
    %swap3A_697 = arith.constant 41 : i32
    %swap3A_698 = arith.index_cast %swap3A_697 : i32 to index
    %swap3A_699 = arith.constant 0 : index
    %swap3A_700 = tpu.vector_load %arg13[%swap3A_698, %swap3A_699] {strides = array<i32>} : memref<128x64xf32, #tpu.memory_space<vmem>>, vector<16xf32>,
    tpu.vector_store %arg13[%swap3A_698, %swap3A_699], %broadcast_in_dim3A_41 {strides = array<i32>} : memref<128x64xf32, #tpu.memory_space<vmem>>, vector<16xf32>,
    %swap3A_701 = arith.constant 41 : i32
    %swap3A_702 = arith.index_cast %swap3A_701 : i32 to index
    %swap3A_703 = arith.constant 16 : index
    %swap3A_704 = tpu.vector_load %arg13[%swap3A_702, %swap3A_703] {strides = array<i32>} : memref<128x64xf32, #tpu.memory_space<vmem>>, vector<16xf32>,
    tpu.vector_store %arg13[%swap3A_702, %swap3A_703], %broadcast_in_dim3A_41 {strides = array<i32>} : memref<128x64xf32, #tpu.memory_space<vmem>>, vector<16xf32>,
    %swap3A_705 = arith.constant 41 : i32
    %swap3A_706 = arith.index_cast %swap3A_705 : i32 to index
    %swap3A_707 = arith.constant 32 : index
    %swap3A_708 = tpu.vector_load %arg13[%swap3A_706, %swap3A_707] {strides = array<i32>} : memref<128x64xf32, #tpu.memory_space<vmem>>, vector<16xf32>,
    tpu.vector_store %arg13[%swap3A_706, %swap3A_707], %broadcast_in_dim3A_41 {strides = array<i32>} : memref<128x64xf32, #tpu.memory_space<vmem>>, vector<16xf32>,
    %swap3A_709 = arith.constant 41 : i32
    %swap3A_710 = arith.index_cast %swap3A_709 : i32 to index
    %swap3A_711 = arith.constant 48 : index
    %swap3A_712 = tpu.vector_load %arg13[%swap3A_710, %swap3A_711] {strides = array<i32>} : memref<128x64xf32, #tpu.memory_space<vmem>>, vector<16xf32>,
    tpu.vector_store %arg13[%swap3A_710, %swap3A_711], %broadcast_in_dim3A_41 {strides = array<i32>} : memref<128x64xf32, #tpu.memory_space<vmem>>, vector<16xf32>,
    %swap3A_713 = arith.constant 42 : i32
    %swap3A_714 = arith.index_cast %swap3A_713 : i32 to index
    %swap3A_715 = arith.constant 0 : index
    %swap3A_716 = tpu.vector_load %arg13[%swap3A_714, %swap3A_715] {strides = array<i32>} : memref<128x64xf32, #tpu.memory_space<vmem>>, vector<16xf32>,
    tpu.vector_store %arg13[%swap3A_714, %swap3A_715], %broadcast_in_dim3A_41 {strides = array<i32>} : memref<128x64xf32, #tpu.memory_space<vmem>>, vector<16xf32>,
    %swap3A_717 = arith.constant 42 : i32
    %swap3A_718 = arith.index_cast %swap3A_717 : i32 to index
    %swap3A_719 = arith.constant 16 : index
    %swap3A_720 = tpu.vector_load %arg13[%swap3A_718, %swap3A_719] {strides = array<i32>} : memref<128x64xf32, #tpu.memory_space<vmem>>, vector<16xf32>,
    tpu.vector_store %arg13[%swap3A_718, %swap3A_719], %broadcast_in_dim3A_41 {strides = array<i32>} : memref<128x64xf32, #tpu.memory_space<vmem>>, vector<16xf32>,
    %swap3A_721 = arith.constant 42 : i32
    %swap3A_722 = arith.index_cast %swap3A_721 : i32 to index
    %swap3A_723 = arith.constant 32 : index
    %swap3A_724 = tpu.vector_load %arg13[%swap3A_722, %swap3A_723] {strides = array<i32>} : memref<128x64xf32, #tpu.memory_space<vmem>>, vector<16xf32>,
    tpu.vector_store %arg13[%swap3A_722, %swap3A_723], %broadcast_in_dim3A_41 {strides = array<i32>} : memref<128x64xf32, #tpu.memory_space<vmem>>, vector<16xf32>,
    %swap3A_725 = arith.constant 42 : i32
    %swap3A_726 = arith.index_cast %swap3A_725 : i32 to index
    %swap3A_727 = arith.constant 48 : index
    %swap3A_728 = tpu.vector_load %arg13[%swap3A_726, %swap3A_727] {strides = array<i32>} : memref<128x64xf32, #tpu.memory_space<vmem>>, vector<16xf32>,
    tpu.vector_store %arg13[%swap3A_726, %swap3A_727], %broadcast_in_dim3A_41 {strides = array<i32>} : memref<128x64xf32, #tpu.memory_space<vmem>>, vector<16xf32>,
    %swap3A_729 = arith.constant 43 : i32
    %swap3A_730 = arith.index_cast %swap3A_729 : i32 to index
    %swap3A_731 = arith.constant 0 : index
    %swap3A_732 = tpu.vector_load %arg13[%swap3A_730, %swap3A_731] {strides = array<i32>} : memref<128x64xf32, #tpu.memory_space<vmem>>, vector<16xf32>,
    tpu.vector_store %arg13[%swap3A_730, %swap3A_731], %broadcast_in_dim3A_41 {strides = array<i32>} : memref<128x64xf32, #tpu.memory_space<vmem>>, vector<16xf32>,
    %swap3A_733 = arith.constant 43 : i32
    %swap3A_734 = arith.index_cast %swap3A_733 : i32 to index
    %swap3A_735 = arith.constant 16 : index
    %swap3A_736 = tpu.vector_load %arg13[%swap3A_734, %swap3A_735] {strides = array<i32>} : memref<128x64xf32, #tpu.memory_space<vmem>>, vector<16xf32>,
    tpu.vector_store %arg13[%swap3A_734, %swap3A_735], %broadcast_in_dim3A_41 {strides = array<i32>} : memref<128x64xf32, #tpu.memory_space<vmem>>, vector<16xf32>,
    %swap3A_737 = arith.constant 43 : i32
    %swap3A_738 = arith.index_cast %swap3A_737 : i32 to index
    %swap3A_739 = arith.constant 32 : index
    %swap3A_740 = tpu.vector_load %arg13[%swap3A_738, %swap3A_739] {strides = array<i32>} : memref<128x64xf32, #tpu.memory_space<vmem>>, vector<16xf32>,
    tpu.vector_store %arg13[%swap3A_738, %swap3A_739], %broadcast_in_dim3A_41 {strides = array<i32>} : memref<128x64xf32, #tpu.memory_space<vmem>>, vector<16xf32>,
    %swap3A_741 = arith.constant 43 : i32
    %swap3A_742 = arith.index_cast %swap3A_741 : i32 to index
    %swap3A_743 = arith.constant 48 : index
    %swap3A_744 = tpu.vector_load %arg13[%swap3A_742, %swap3A_743] {strides = array<i32>} : memref<128x64xf32, #tpu.memory_space<vmem>>, vector<16xf32>,
    tpu.vector_store %arg13[%swap3A_742, %swap3A_743], %broadcast_in_dim3A_41 {strides = array<i32>} : memref<128x64xf32, #tpu.memory_space<vmem>>, vector<16xf32>,
    %swap3A_745 = arith.constant 44 : i32
    %swap3A_746 = arith.index_cast %swap3A_745 : i32 to index
    %swap3A_747 = arith.constant 0 : index
    %swap3A_748 = tpu.vector_load %arg13[%swap3A_746, %swap3A_747] {strides = array<i32>} : memref<128x64xf32, #tpu.memory_space<vmem>>, vector<16xf32>,
    tpu.vector_store %arg13[%swap3A_746, %swap3A_747], %broadcast_in_dim3A_41 {strides = array<i32>} : memref<128x64xf32, #tpu.memory_space<vmem>>, vector<16xf32>,
    %swap3A_749 = arith.constant 44 : i32
    %swap3A_750 = arith.index_cast %swap3A_749 : i32 to index
    %swap3A_751 = arith.constant 16 : index
    %swap3A_752 = tpu.vector_load %arg13[%swap3A_750, %swap3A_751] {strides = array<i32>} : memref<128x64xf32, #tpu.memory_space<vmem>>, vector<16xf32>,
    tpu.vector_store %arg13[%swap3A_750, %swap3A_751], %broadcast_in_dim3A_41 {strides = array<i32>} : memref<128x64xf32, #tpu.memory_space<vmem>>, vector<16xf32>,
    %swap3A_753 = arith.constant 44 : i32
    %swap3A_754 = arith.index_cast %swap3A_753 : i32 to index
    %swap3A_755 = arith.constant 32 : index
    %swap3A_756 = tpu.vector_load %arg13[%swap3A_754, %swap3A_755] {strides = array<i32>} : memref<128x64xf32, #tpu.memory_space<vmem>>, vector<16xf32>,
    tpu.vector_store %arg13[%swap3A_754, %swap3A_755], %broadcast_in_dim3A_41 {strides = array<i32>} : memref<128x64xf32, #tpu.memory_space<vmem>>, vector<16xf32>,
    %swap3A_757 = arith.constant 44 : i32
    %swap3A_758 = arith.index_cast %swap3A_757 : i32 to index
    %swap3A_759 = arith.constant 48 : index
    %swap3A_760 = tpu.vector_load %arg13[%swap3A_758, %swap3A_759] {strides = array<i32>} : memref<128x64xf32, #tpu.memory_space<vmem>>, vector<16xf32>,
    tpu.vector_store %arg13[%swap3A_758, %swap3A_759], %broadcast_in_dim3A_41 {strides = array<i32>} : memref<128x64xf32, #tpu.memory_space<vmem>>, vector<16xf32>,
    %swap3A_761 = arith.constant 45 : i32
    %swap3A_762 = arith.index_cast %swap3A_761 : i32 to index
    %swap3A_763 = arith.constant 0 : index
    %swap3A_764 = tpu.vector_load %arg13[%swap3A_762, %swap3A_763] {strides = array<i32>} : memref<128x64xf32, #tpu.memory_space<vmem>>, vector<16xf32>,
    tpu.vector_store %arg13[%swap3A_762, %swap3A_763], %broadcast_in_dim3A_41 {strides = array<i32>} : memref<128x64xf32, #tpu.memory_space<vmem>>, vector<16xf32>,
    %swap3A_765 = arith.constant 45 : i32
    %swap3A_766 = arith.index_cast %swap3A_765 : i32 to index
    %swap3A_767 = arith.constant 16 : index
    %swap3A_768 = tpu.vector_load %arg13[%swap3A_766, %swap3A_767] {strides = array<i32>} : memref<128x64xf32, #tpu.memory_space<vmem>>, vector<16xf32>,
    tpu.vector_store %arg13[%swap3A_766, %swap3A_767], %broadcast_in_dim3A_41 {strides = array<i32>} : memref<128x64xf32, #tpu.memory_space<vmem>>, vector<16xf32>,
    %swap3A_769 = arith.constant 45 : i32
    %swap3A_770 = arith.index_cast %swap3A_769 : i32 to index
    %swap3A_771 = arith.constant 32 : index
    %swap3A_772 = tpu.vector_load %arg13[%swap3A_770, %swap3A_771] {strides = array<i32>} : memref<128x64xf32, #tpu.memory_space<vmem>>, vector<16xf32>,
    tpu.vector_store %arg13[%swap3A_770, %swap3A_771], %broadcast_in_dim3A_41 {strides = array<i32>} : memref<128x64xf32, #tpu.memory_space<vmem>>, vector<16xf32>,
    %swap3A_773 = arith.constant 45 : i32
    %swap3A_774 = arith.index_cast %swap3A_773 : i32 to index
    %swap3A_775 = arith.constant 48 : index
    %swap3A_776 = tpu.vector_load %arg13[%swap3A_774, %swap3A_775] {strides = array<i32>} : memref<128x64xf32, #tpu.memory_space<vmem>>, vector<16xf32>,
    tpu.vector_store %arg13[%swap3A_774, %swap3A_775], %broadcast_in_dim3A_41 {strides = array<i32>} : memref<128x64xf32, #tpu.memory_space<vmem>>, vector<16xf32>,
    %swap3A_777 = arith.constant 46 : i32
    %swap3A_778 = arith.index_cast %swap3A_777 : i32 to index
    %swap3A_779 = arith.constant 0 : index
    %swap3A_780 = tpu.vector_load %arg13[%swap3A_778, %swap3A_779] {strides = array<i32>} : memref<128x64xf32, #tpu.memory_space<vmem>>, vector<16xf32>,
    tpu.vector_store %arg13[%swap3A_778, %swap3A_779], %broadcast_in_dim3A_41 {strides = array<i32>} : memref<128x64xf32, #tpu.memory_space<vmem>>, vector<16xf32>,
    %swap3A_781 = arith.constant 46 : i32
    %swap3A_782 = arith.index_cast %swap3A_781 : i32 to index
    %swap3A_783 = arith.constant 16 : index
    %swap3A_784 = tpu.vector_load %arg13[%swap3A_782, %swap3A_783] {strides = array<i32>} : memref<128x64xf32, #tpu.memory_space<vmem>>, vector<16xf32>,
    tpu.vector_store %arg13[%swap3A_782, %swap3A_783], %broadcast_in_dim3A_41 {strides = array<i32>} : memref<128x64xf32, #tpu.memory_space<vmem>>, vector<16xf32>,
    %swap3A_785 = arith.constant 46 : i32
    %swap3A_786 = arith.index_cast %swap3A_785 : i32 to index
    %swap3A_787 = arith.constant 32 : index
    %swap3A_788 = tpu.vector_load %arg13[%swap3A_786, %swap3A_787] {strides = array<i32>} : memref<128x64xf32, #tpu.memory_space<vmem>>, vector<16xf32>,
    tpu.vector_store %arg13[%swap3A_786, %swap3A_787], %broadcast_in_dim3A_41 {strides = array<i32>} : memref<128x64xf32, #tpu.memory_space<vmem>>, vector<16xf32>,
    %swap3A_789 = arith.constant 46 : i32
    %swap3A_790 = arith.index_cast %swap3A_789 : i32 to index
    %swap3A_791 = arith.constant 48 : index
    %swap3A_792 = tpu.vector_load %arg13[%swap3A_790, %swap3A_791] {strides = array<i32>} : memref<128x64xf32, #tpu.memory_space<vmem>>, vector<16xf32>,
    tpu.vector_store %arg13[%swap3A_790, %swap3A_791], %broadcast_in_dim3A_41 {strides = array<i32>} : memref<128x64xf32, #tpu.memory_space<vmem>>, vector<16xf32>,
    %swap3A_793 = arith.constant 47 : i32
    %swap3A_794 = arith.index_cast %swap3A_793 : i32 to index
    %swap3A_795 = arith.constant 0 : index
    %swap3A_796 = tpu.vector_load %arg13[%swap3A_794, %swap3A_795] {strides = array<i32>} : memref<128x64xf32, #tpu.memory_space<vmem>>, vector<16xf32>,
    tpu.vector_store %arg13[%swap3A_794, %swap3A_795], %broadcast_in_dim3A_41 {strides = array<i32>} : memref<128x64xf32, #tpu.memory_space<vmem>>, vector<16xf32>,
    %swap3A_797 = arith.constant 47 : i32
    %swap3A_798 = arith.index_cast %swap3A_797 : i32 to index
    %swap3A_799 = arith.constant 16 : index
    %swap3A_800 = tpu.vector_load %arg13[%swap3A_798, %swap3A_799] {strides = array<i32>} : memref<128x64xf32, #tpu.memory_space<vmem>>, vector<16xf32>,
    tpu.vector_store %arg13[%swap3A_798, %swap3A_799], %broadcast_in_dim3A_41 {strides = array<i32>} : memref<128x64xf32, #tpu.memory_space<vmem>>, vector<16xf32>,
    %swap3A_801 = arith.constant 47 : i32
    %swap3A_802 = arith.index_cast %swap3A_801 : i32 to index
    %swap3A_803 = arith.constant 32 : index
    %swap3A_804 = tpu.vector_load %arg13[%swap3A_802, %swap3A_803] {strides = array<i32>} : memref<128x64xf32, #tpu.memory_space<vmem>>, vector<16xf32>,
    tpu.vector_store %arg13[%swap3A_802, %swap3A_803], %broadcast_in_dim3A_41 {strides = array<i32>} : memref<128x64xf32, #tpu.memory_space<vmem>>, vector<16xf32>,
    %swap3A_805 = arith.constant 47 : i32
    %swap3A_806 = arith.index_cast %swap3A_805 : i32 to index
    %swap3A_807 = arith.constant 48 : index
    %swap3A_808 = tpu.vector_load %arg13[%swap3A_806, %swap3A_807] {strides = array<i32>} : memref<128x64xf32, #tpu.memory_space<vmem>>, vector<16xf32>,
    tpu.vector_store %arg13[%swap3A_806, %swap3A_807], %broadcast_in_dim3A_41 {strides = array<i32>} : memref<128x64xf32, #tpu.memory_space<vmem>>, vector<16xf32>,
    %swap3A_809 = arith.constant 48 : i32
    %swap3A_810 = arith.index_cast %swap3A_809 : i32 to index
    %swap3A_811 = arith.constant 0 : index
    %swap3A_812 = tpu.vector_load %arg13[%swap3A_810, %swap3A_811] {strides = array<i32>} : memref<128x64xf32, #tpu.memory_space<vmem>>, vector<16xf32>,
    tpu.vector_store %arg13[%swap3A_810, %swap3A_811], %broadcast_in_dim3A_41 {strides = array<i32>} : memref<128x64xf32, #tpu.memory_space<vmem>>, vector<16xf32>,
    %swap3A_813 = arith.constant 48 : i32
    %swap3A_814 = arith.index_cast %swap3A_813 : i32 to index
    %swap3A_815 = arith.constant 16 : index
    %swap3A_816 = tpu.vector_load %arg13[%swap3A_814, %swap3A_815] {strides = array<i32>} : memref<128x64xf32, #tpu.memory_space<vmem>>, vector<16xf32>,
    tpu.vector_store %arg13[%swap3A_814, %swap3A_815], %broadcast_in_dim3A_41 {strides = array<i32>} : memref<128x64xf32, #tpu.memory_space<vmem>>, vector<16xf32>,
    %swap3A_817 = arith.constant 48 : i32
    %swap3A_818 = arith.index_cast %swap3A_817 : i32 to index
    %swap3A_819 = arith.constant 32 : index
    %swap3A_820 = tpu.vector_load %arg13[%swap3A_818, %swap3A_819] {strides = array<i32>} : memref<128x64xf32, #tpu.memory_space<vmem>>, vector<16xf32>,
    tpu.vector_store %arg13[%swap3A_818, %swap3A_819], %broadcast_in_dim3A_41 {strides = array<i32>} : memref<128x64xf32, #tpu.memory_space<vmem>>, vector<16xf32>,
    %swap3A_821 = arith.constant 48 : i32
    %swap3A_822 = arith.index_cast %swap3A_821 : i32 to index
    %swap3A_823 = arith.constant 48 : index
    %swap3A_824 = tpu.vector_load %arg13[%swap3A_822, %swap3A_823] {strides = array<i32>} : memref<128x64xf32, #tpu.memory_space<vmem>>, vector<16xf32>,
    tpu.vector_store %arg13[%swap3A_822, %swap3A_823], %broadcast_in_dim3A_41 {strides = array<i32>} : memref<128x64xf32, #tpu.memory_space<vmem>>, vector<16xf32>,
    %swap3A_825 = arith.constant 49 : i32
    %swap3A_826 = arith.index_cast %swap3A_825 : i32 to index
    %swap3A_827 = arith.constant 0 : index
    %swap3A_828 = tpu.vector_load %arg13[%swap3A_826, %swap3A_827] {strides = array<i32>} : memref<128x64xf32, #tpu.memory_space<vmem>>, vector<16xf32>,
    tpu.vector_store %arg13[%swap3A_826, %swap3A_827], %broadcast_in_dim3A_41 {strides = array<i32>} : memref<128x64xf32, #tpu.memory_space<vmem>>, vector<16xf32>,
    %swap3A_829 = arith.constant 49 : i32
    %swap3A_830 = arith.index_cast %swap3A_829 : i32 to index
    %swap3A_831 = arith.constant 16 : index
    %swap3A_832 = tpu.vector_load %arg13[%swap3A_830, %swap3A_831] {strides = array<i32>} : memref<128x64xf32, #tpu.memory_space<vmem>>, vector<16xf32>,
    tpu.vector_store %arg13[%swap3A_830, %swap3A_831], %broadcast_in_dim3A_41 {strides = array<i32>} : memref<128x64xf32, #tpu.memory_space<vmem>>, vector<16xf32>,
    %swap3A_833 = arith.constant 49 : i32
    %swap3A_834 = arith.index_cast %swap3A_833 : i32 to index
    %swap3A_835 = arith.constant 32 : index
    %swap3A_836 = tpu.vector_load %arg13[%swap3A_834, %swap3A_835] {strides = array<i32>} : memref<128x64xf32, #tpu.memory_space<vmem>>, vector<16xf32>,
    tpu.vector_store %arg13[%swap3A_834, %swap3A_835], %broadcast_in_dim3A_41 {strides = array<i32>} : memref<128x64xf32, #tpu.memory_space<vmem>>, vector<16xf32>,
    %swap3A_837 = arith.constant 49 : i32
    %swap3A_838 = arith.index_cast %swap3A_837 : i32 to index
    %swap3A_839 = arith.constant 48 : index
    %swap3A_840 = tpu.vector_load %arg13[%swap3A_838, %swap3A_839] {strides = array<i32>} : memref<128x64xf32, #tpu.memory_space<vmem>>, vector<16xf32>,
    tpu.vector_store %arg13[%swap3A_838, %swap3A_839], %broadcast_in_dim3A_41 {strides = array<i32>} : memref<128x64xf32, #tpu.memory_space<vmem>>, vector<16xf32>,
    %swap3A_841 = arith.constant 50 : i32
    %swap3A_842 = arith.index_cast %swap3A_841 : i32 to index
    %swap3A_843 = arith.constant 0 : index
    %swap3A_844 = tpu.vector_load %arg13[%swap3A_842, %swap3A_843] {strides = array<i32>} : memref<128x64xf32, #tpu.memory_space<vmem>>, vector<16xf32>,
    tpu.vector_store %arg13[%swap3A_842, %swap3A_843], %broadcast_in_dim3A_41 {strides = array<i32>} : memref<128x64xf32, #tpu.memory_space<vmem>>, vector<16xf32>,
    %swap3A_845 = arith.constant 50 : i32
    %swap3A_846 = arith.index_cast %swap3A_845 : i32 to index
    %swap3A_847 = arith.constant 16 : index
    %swap3A_848 = tpu.vector_load %arg13[%swap3A_846, %swap3A_847] {strides = array<i32>} : memref<128x64xf32, #tpu.memory_space<vmem>>, vector<16xf32>,
    tpu.vector_store %arg13[%swap3A_846, %swap3A_847], %broadcast_in_dim3A_41 {strides = array<i32>} : memref<128x64xf32, #tpu.memory_space<vmem>>, vector<16xf32>,
    %swap3A_849 = arith.constant 50 : i32
    %swap3A_850 = arith.index_cast %swap3A_849 : i32 to index
    %swap3A_851 = arith.constant 32 : index
    %swap3A_852 = tpu.vector_load %arg13[%swap3A_850, %swap3A_851] {strides = array<i32>} : memref<128x64xf32, #tpu.memory_space<vmem>>, vector<16xf32>,
    tpu.vector_store %arg13[%swap3A_850, %swap3A_851], %broadcast_in_dim3A_41 {strides = array<i32>} : memref<128x64xf32, #tpu.memory_space<vmem>>, vector<16xf32>,
    %swap3A_853 = arith.constant 50 : i32
    %swap3A_854 = arith.index_cast %swap3A_853 : i32 to index
    %swap3A_855 = arith.constant 48 : index
    %swap3A_856 = tpu.vector_load %arg13[%swap3A_854, %swap3A_855] {strides = array<i32>} : memref<128x64xf32, #tpu.memory_space<vmem>>, vector<16xf32>,
    tpu.vector_store %arg13[%swap3A_854, %swap3A_855], %broadcast_in_dim3A_41 {strides = array<i32>} : memref<128x64xf32, #tpu.memory_space<vmem>>, vector<16xf32>,
    %swap3A_857 = arith.constant 51 : i32
    %swap3A_858 = arith.index_cast %swap3A_857 : i32 to index
    %swap3A_859 = arith.constant 0 : index
    %swap3A_860 = tpu.vector_load %arg13[%swap3A_858, %swap3A_859] {strides = array<i32>} : memref<128x64xf32, #tpu.memory_space<vmem>>, vector<16xf32>,
    tpu.vector_store %arg13[%swap3A_858, %swap3A_859], %broadcast_in_dim3A_41 {strides = array<i32>} : memref<128x64xf32, #tpu.memory_space<vmem>>, vector<16xf32>,
    %swap3A_861 = arith.constant 51 : i32
    %swap3A_862 = arith.index_cast %swap3A_861 : i32 to index
    %swap3A_863 = arith.constant 16 : index
    %swap3A_864 = tpu.vector_load %arg13[%swap3A_862, %swap3A_863] {strides = array<i32>} : memref<128x64xf32, #tpu.memory_space<vmem>>, vector<16xf32>,
    tpu.vector_store %arg13[%swap3A_862, %swap3A_863], %broadcast_in_dim3A_41 {strides = array<i32>} : memref<128x64xf32, #tpu.memory_space<vmem>>, vector<16xf32>,
    %swap3A_865 = arith.constant 51 : i32
    %swap3A_866 = arith.index_cast %swap3A_865 : i32 to index
    %swap3A_867 = arith.constant 32 : index
    %swap3A_868 = tpu.vector_load %arg13[%swap3A_866, %swap3A_867] {strides = array<i32>} : memref<128x64xf32, #tpu.memory_space<vmem>>, vector<16xf32>,
    tpu.vector_store %arg13[%swap3A_866, %swap3A_867], %broadcast_in_dim3A_41 {strides = array<i32>} : memref<128x64xf32, #tpu.memory_space<vmem>>, vector<16xf32>,
    %swap3A_869 = arith.constant 51 : i32
    %swap3A_870 = arith.index_cast %swap3A_869 : i32 to index
    %swap3A_871 = arith.constant 48 : index
    %swap3A_872 = tpu.vector_load %arg13[%swap3A_870, %swap3A_871] {strides = array<i32>} : memref<128x64xf32, #tpu.memory_space<vmem>>, vector<16xf32>,
    tpu.vector_store %arg13[%swap3A_870, %swap3A_871], %broadcast_in_dim3A_41 {strides = array<i32>} : memref<128x64xf32, #tpu.memory_space<vmem>>, vector<16xf32>,
    %swap3A_873 = arith.constant 52 : i32
    %swap3A_874 = arith.index_cast %swap3A_873 : i32 to index
    %swap3A_875 = arith.constant 0 : index
    %swap3A_876 = tpu.vector_load %arg13[%swap3A_874, %swap3A_875] {strides = array<i32>} : memref<128x64xf32, #tpu.memory_space<vmem>>, vector<16xf32>,
    tpu.vector_store %arg13[%swap3A_874, %swap3A_875], %broadcast_in_dim3A_41 {strides = array<i32>} : memref<128x64xf32, #tpu.memory_space<vmem>>, vector<16xf32>,
    %swap3A_877 = arith.constant 52 : i32
    %swap3A_878 = arith.index_cast %swap3A_877 : i32 to index
    %swap3A_879 = arith.constant 16 : index
    %swap3A_880 = tpu.vector_load %arg13[%swap3A_878, %swap3A_879] {strides = array<i32>} : memref<128x64xf32, #tpu.memory_space<vmem>>, vector<16xf32>,
    tpu.vector_store %arg13[%swap3A_878, %swap3A_879], %broadcast_in_dim3A_41 {strides = array<i32>} : memref<128x64xf32, #tpu.memory_space<vmem>>, vector<16xf32>,
    %swap3A_881 = arith.constant 52 : i32
    %swap3A_882 = arith.index_cast %swap3A_881 : i32 to index
    %swap3A_883 = arith.constant 32 : index
    %swap3A_884 = tpu.vector_load %arg13[%swap3A_882, %swap3A_883] {strides = array<i32>} : memref<128x64xf32, #tpu.memory_space<vmem>>, vector<16xf32>,
    tpu.vector_store %arg13[%swap3A_882, %swap3A_883], %broadcast_in_dim3A_41 {strides = array<i32>} : memref<128x64xf32, #tpu.memory_space<vmem>>, vector<16xf32>,
    %swap3A_885 = arith.constant 52 : i32
    %swap3A_886 = arith.index_cast %swap3A_885 : i32 to index
    %swap3A_887 = arith.constant 48 : index
    %swap3A_888 = tpu.vector_load %arg13[%swap3A_886, %swap3A_887] {strides = array<i32>} : memref<128x64xf32, #tpu.memory_space<vmem>>, vector<16xf32>,
    tpu.vector_store %arg13[%swap3A_886, %swap3A_887], %broadcast_in_dim3A_41 {strides = array<i32>} : memref<128x64xf32, #tpu.memory_space<vmem>>, vector<16xf32>,
    %swap3A_889 = arith.constant 53 : i32
    %swap3A_890 = arith.index_cast %swap3A_889 : i32 to index
    %swap3A_891 = arith.constant 0 : index
    %swap3A_892 = tpu.vector_load %arg13[%swap3A_890, %swap3A_891] {strides = array<i32>} : memref<128x64xf32, #tpu.memory_space<vmem>>, vector<16xf32>,
    tpu.vector_store %arg13[%swap3A_890, %swap3A_891], %broadcast_in_dim3A_41 {strides = array<i32>} : memref<128x64xf32, #tpu.memory_space<vmem>>, vector<16xf32>,
    %swap3A_893 = arith.constant 53 : i32
    %swap3A_894 = arith.index_cast %swap3A_893 : i32 to index
    %swap3A_895 = arith.constant 16 : index
    %swap3A_896 = tpu.vector_load %arg13[%swap3A_894, %swap3A_895] {strides = array<i32>} : memref<128x64xf32, #tpu.memory_space<vmem>>, vector<16xf32>,
    tpu.vector_store %arg13[%swap3A_894, %swap3A_895], %broadcast_in_dim3A_41 {strides = array<i32>} : memref<128x64xf32, #tpu.memory_space<vmem>>, vector<16xf32>,
    %swap3A_897 = arith.constant 53 : i32
    %swap3A_898 = arith.index_cast %swap3A_897 : i32 to index
    %swap3A_899 = arith.constant 32 : index
    %swap3A_900 = tpu.vector_load %arg13[%swap3A_898, %swap3A_899] {strides = array<i32>} : memref<128x64xf32, #tpu.memory_space<vmem>>, vector<16xf32>,
    tpu.vector_store %arg13[%swap3A_898, %swap3A_899], %broadcast_in_dim3A_41 {strides = array<i32>} : memref<128x64xf32, #tpu.memory_space<vmem>>, vector<16xf32>,
    %swap3A_901 = arith.constant 53 : i32
    %swap3A_902 = arith.index_cast %swap3A_901 : i32 to index
    %swap3A_903 = arith.constant 48 : index
    %swap3A_904 = tpu.vector_load %arg13[%swap3A_902, %swap3A_903] {strides = array<i32>} : memref<128x64xf32, #tpu.memory_space<vmem>>, vector<16xf32>,
    tpu.vector_store %arg13[%swap3A_902, %swap3A_903], %broadcast_in_dim3A_41 {strides = array<i32>} : memref<128x64xf32, #tpu.memory_space<vmem>>, vector<16xf32>,
    %swap3A_905 = arith.constant 54 : i32
    %swap3A_906 = arith.index_cast %swap3A_905 : i32 to index
    %swap3A_907 = arith.constant 0 : index
    %swap3A_908 = tpu.vector_load %arg13[%swap3A_906, %swap3A_907] {strides = array<i32>} : memref<128x64xf32, #tpu.memory_space<vmem>>, vector<16xf32>,
    tpu.vector_store %arg13[%swap3A_906, %swap3A_907], %broadcast_in_dim3A_41 {strides = array<i32>} : memref<128x64xf32, #tpu.memory_space<vmem>>, vector<16xf32>,
    %swap3A_909 = arith.constant 54 : i32
    %swap3A_910 = arith.index_cast %swap3A_909 : i32 to index
    %swap3A_911 = arith.constant 16 : index
    %swap3A_912 = tpu.vector_load %arg13[%swap3A_910, %swap3A_911] {strides = array<i32>} : memref<128x64xf32, #tpu.memory_space<vmem>>, vector<16xf32>,
    tpu.vector_store %arg13[%swap3A_910, %swap3A_911], %broadcast_in_dim3A_41 {strides = array<i32>} : memref<128x64xf32, #tpu.memory_space<vmem>>, vector<16xf32>,
    %swap3A_913 = arith.constant 54 : i32
    %swap3A_914 = arith.index_cast %swap3A_913 : i32 to index
    %swap3A_915 = arith.constant 32 : index
    %swap3A_916 = tpu.vector_load %arg13[%swap3A_914, %swap3A_915] {strides = array<i32>} : memref<128x64xf32, #tpu.memory_space<vmem>>, vector<16xf32>,
    tpu.vector_store %arg13[%swap3A_914, %swap3A_915], %broadcast_in_dim3A_41 {strides = array<i32>} : memref<128x64xf32, #tpu.memory_space<vmem>>, vector<16xf32>,
    %swap3A_917 = arith.constant 54 : i32
    %swap3A_918 = arith.index_cast %swap3A_917 : i32 to index
    %swap3A_919 = arith.constant 48 : index
    %swap3A_920 = tpu.vector_load %arg13[%swap3A_918, %swap3A_919] {strides = array<i32>} : memref<128x64xf32, #tpu.memory_space<vmem>>, vector<16xf32>,
    tpu.vector_store %arg13[%swap3A_918, %swap3A_919], %broadcast_in_dim3A_41 {strides = array<i32>} : memref<128x64xf32, #tpu.memory_space<vmem>>, vector<16xf32>,
    %swap3A_921 = arith.constant 55 : i32
    %swap3A_922 = arith.index_cast %swap3A_921 : i32 to index
    %swap3A_923 = arith.constant 0 : index
    %swap3A_924 = tpu.vector_load %arg13[%swap3A_922, %swap3A_923] {strides = array<i32>} : memref<128x64xf32, #tpu.memory_space<vmem>>, vector<16xf32>,
    tpu.vector_store %arg13[%swap3A_922, %swap3A_923], %broadcast_in_dim3A_41 {strides = array<i32>} : memref<128x64xf32, #tpu.memory_space<vmem>>, vector<16xf32>,
    %swap3A_925 = arith.constant 55 : i32
    %swap3A_926 = arith.index_cast %swap3A_925 : i32 to index
    %swap3A_927 = arith.constant 16 : index
    %swap3A_928 = tpu.vector_load %arg13[%swap3A_926, %swap3A_927] {strides = array<i32>} : memref<128x64xf32, #tpu.memory_space<vmem>>, vector<16xf32>,
    tpu.vector_store %arg13[%swap3A_926, %swap3A_927], %broadcast_in_dim3A_41 {strides = array<i32>} : memref<128x64xf32, #tpu.memory_space<vmem>>, vector<16xf32>,
    %swap3A_929 = arith.constant 55 : i32
    %swap3A_930 = arith.index_cast %swap3A_929 : i32 to index
    %swap3A_931 = arith.constant 32 : index
    %swap3A_932 = tpu.vector_load %arg13[%swap3A_930, %swap3A_931] {strides = array<i32>} : memref<128x64xf32, #tpu.memory_space<vmem>>, vector<16xf32>,
    tpu.vector_store %arg13[%swap3A_930, %swap3A_931], %broadcast_in_dim3A_41 {strides = array<i32>} : memref<128x64xf32, #tpu.memory_space<vmem>>, vector<16xf32>,
    %swap3A_933 = arith.constant 55 : i32
    %swap3A_934 = arith.index_cast %swap3A_933 : i32 to index
    %swap3A_935 = arith.constant 48 : index
    %swap3A_936 = tpu.vector_load %arg13[%swap3A_934, %swap3A_935] {strides = array<i32>} : memref<128x64xf32, #tpu.memory_space<vmem>>, vector<16xf32>,
    tpu.vector_store %arg13[%swap3A_934, %swap3A_935], %broadcast_in_dim3A_41 {strides = array<i32>} : memref<128x64xf32, #tpu.memory_space<vmem>>, vector<16xf32>,
    %swap3A_937 = arith.constant 56 : i32
    %swap3A_938 = arith.index_cast %swap3A_937 : i32 to index
    %swap3A_939 = arith.constant 0 : index
    %swap3A_940 = tpu.vector_load %arg13[%swap3A_938, %swap3A_939] {strides = array<i32>} : memref<128x64xf32, #tpu.memory_space<vmem>>, vector<16xf32>,
    tpu.vector_store %arg13[%swap3A_938, %swap3A_939], %broadcast_in_dim3A_41 {strides = array<i32>} : memref<128x64xf32, #tpu.memory_space<vmem>>, vector<16xf32>,
    %swap3A_941 = arith.constant 56 : i32
    %swap3A_942 = arith.index_cast %swap3A_941 : i32 to index
    %swap3A_943 = arith.constant 16 : index
    %swap3A_944 = tpu.vector_load %arg13[%swap3A_942, %swap3A_943] {strides = array<i32>} : memref<128x64xf32, #tpu.memory_space<vmem>>, vector<16xf32>,
    tpu.vector_store %arg13[%swap3A_942, %swap3A_943], %broadcast_in_dim3A_41 {strides = array<i32>} : memref<128x64xf32, #tpu.memory_space<vmem>>, vector<16xf32>,
    %swap3A_945 = arith.constant 56 : i32
    %swap3A_946 = arith.index_cast %swap3A_945 : i32 to index
    %swap3A_947 = arith.constant 32 : index
    %swap3A_948 = tpu.vector_load %arg13[%swap3A_946, %swap3A_947] {strides = array<i32>} : memref<128x64xf32, #tpu.memory_space<vmem>>, vector<16xf32>,
    tpu.vector_store %arg13[%swap3A_946, %swap3A_947], %broadcast_in_dim3A_41 {strides = array<i32>} : memref<128x64xf32, #tpu.memory_space<vmem>>, vector<16xf32>,
    %swap3A_949 = arith.constant 56 : i32
    %swap3A_950 = arith.index_cast %swap3A_949 : i32 to index
    %swap3A_951 = arith.constant 48 : index
    %swap3A_952 = tpu.vector_load %arg13[%swap3A_950, %swap3A_951] {strides = array<i32>} : memref<128x64xf32, #tpu.memory_space<vmem>>, vector<16xf32>,
    tpu.vector_store %arg13[%swap3A_950, %swap3A_951], %broadcast_in_dim3A_41 {strides = array<i32>} : memref<128x64xf32, #tpu.memory_space<vmem>>, vector<16xf32>,
    %swap3A_953 = arith.constant 57 : i32
    %swap3A_954 = arith.index_cast %swap3A_953 : i32 to index
    %swap3A_955 = arith.constant 0 : index
    %swap3A_956 = tpu.vector_load %arg13[%swap3A_954, %swap3A_955] {strides = array<i32>} : memref<128x64xf32, #tpu.memory_space<vmem>>, vector<16xf32>,
    tpu.vector_store %arg13[%swap3A_954, %swap3A_955], %broadcast_in_dim3A_41 {strides = array<i32>} : memref<128x64xf32, #tpu.memory_space<vmem>>, vector<16xf32>,
    %swap3A_957 = arith.constant 57 : i32
    %swap3A_958 = arith.index_cast %swap3A_957 : i32 to index
    %swap3A_959 = arith.constant 16 : index
    %swap3A_960 = tpu.vector_load %arg13[%swap3A_958, %swap3A_959] {strides = array<i32>} : memref<128x64xf32, #tpu.memory_space<vmem>>, vector<16xf32>,
    tpu.vector_store %arg13[%swap3A_958, %swap3A_959], %broadcast_in_dim3A_41 {strides = array<i32>} : memref<128x64xf32, #tpu.memory_space<vmem>>, vector<16xf32>,
    %swap3A_961 = arith.constant 57 : i32
    %swap3A_962 = arith.index_cast %swap3A_961 : i32 to index
    %swap3A_963 = arith.constant 32 : index
    %swap3A_964 = tpu.vector_load %arg13[%swap3A_962, %swap3A_963] {strides = array<i32>} : memref<128x64xf32, #tpu.memory_space<vmem>>, vector<16xf32>,
    tpu.vector_store %arg13[%swap3A_962, %swap3A_963], %broadcast_in_dim3A_41 {strides = array<i32>} : memref<128x64xf32, #tpu.memory_space<vmem>>, vector<16xf32>,
    %swap3A_965 = arith.constant 57 : i32
    %swap3A_966 = arith.index_cast %swap3A_965 : i32 to index
    %swap3A_967 = arith.constant 48 : index
    %swap3A_968 = tpu.vector_load %arg13[%swap3A_966, %swap3A_967] {strides = array<i32>} : memref<128x64xf32, #tpu.memory_space<vmem>>, vector<16xf32>,
    tpu.vector_store %arg13[%swap3A_966, %swap3A_967], %broadcast_in_dim3A_41 {strides = array<i32>} : memref<128x64xf32, #tpu.memory_space<vmem>>, vector<16xf32>,
    %swap3A_969 = arith.constant 58 : i32
    %swap3A_970 = arith.index_cast %swap3A_969 : i32 to index
    %swap3A_971 = arith.constant 0 : index
    %swap3A_972 = tpu.vector_load %arg13[%swap3A_970, %swap3A_971] {strides = array<i32>} : memref<128x64xf32, #tpu.memory_space<vmem>>, vector<16xf32>,
    tpu.vector_store %arg13[%swap3A_970, %swap3A_971], %broadcast_in_dim3A_41 {strides = array<i32>} : memref<128x64xf32, #tpu.memory_space<vmem>>, vector<16xf32>,
    %swap3A_973 = arith.constant 58 : i32
    %swap3A_974 = arith.index_cast %swap3A_973 : i32 to index
    %swap3A_975 = arith.constant 16 : index
    %swap3A_976 = tpu.vector_load %arg13[%swap3A_974, %swap3A_975] {strides = array<i32>} : memref<128x64xf32, #tpu.memory_space<vmem>>, vector<16xf32>,
    tpu.vector_store %arg13[%swap3A_974, %swap3A_975], %broadcast_in_dim3A_41 {strides = array<i32>} : memref<128x64xf32, #tpu.memory_space<vmem>>, vector<16xf32>,
    %swap3A_977 = arith.constant 58 : i32
    %swap3A_978 = arith.index_cast %swap3A_977 : i32 to index
    %swap3A_979 = arith.constant 32 : index
    %swap3A_980 = tpu.vector_load %arg13[%swap3A_978, %swap3A_979] {strides = array<i32>} : memref<128x64xf32, #tpu.memory_space<vmem>>, vector<16xf32>,
    tpu.vector_store %arg13[%swap3A_978, %swap3A_979], %broadcast_in_dim3A_41 {strides = array<i32>} : memref<128x64xf32, #tpu.memory_space<vmem>>, vector<16xf32>,
    %swap3A_981 = arith.constant 58 : i32
    %swap3A_982 = arith.index_cast %swap3A_981 : i32 to index
    %swap3A_983 = arith.constant 48 : index
    %swap3A_984 = tpu.vector_load %arg13[%swap3A_982, %swap3A_983] {strides = array<i32>} : memref<128x64xf32, #tpu.memory_space<vmem>>, vector<16xf32>,
    tpu.vector_store %arg13[%swap3A_982, %swap3A_983], %broadcast_in_dim3A_41 {strides = array<i32>} : memref<128x64xf32, #tpu.memory_space<vmem>>, vector<16xf32>,
    %swap3A_985 = arith.constant 59 : i32
    %swap3A_986 = arith.index_cast %swap3A_985 : i32 to index
    %swap3A_987 = arith.constant 0 : index
    %swap3A_988 = tpu.vector_load %arg13[%swap3A_986, %swap3A_987] {strides = array<i32>} : memref<128x64xf32, #tpu.memory_space<vmem>>, vector<16xf32>,
    tpu.vector_store %arg13[%swap3A_986, %swap3A_987], %broadcast_in_dim3A_41 {strides = array<i32>} : memref<128x64xf32, #tpu.memory_space<vmem>>, vector<16xf32>,
    %swap3A_989 = arith.constant 59 : i32
    %swap3A_990 = arith.index_cast %swap3A_989 : i32 to index
    %swap3A_991 = arith.constant 16 : index
    %swap3A_992 = tpu.vector_load %arg13[%swap3A_990, %swap3A_991] {strides = array<i32>} : memref<128x64xf32, #tpu.memory_space<vmem>>, vector<16xf32>,
    tpu.vector_store %arg13[%swap3A_990, %swap3A_991], %broadcast_in_dim3A_41 {strides = array<i32>} : memref<128x64xf32, #tpu.memory_space<vmem>>, vector<16xf32>,
    %swap3A_993 = arith.constant 59 : i32
    %swap3A_994 = arith.index_cast %swap3A_993 : i32 to index
    %swap3A_995 = arith.constant 32 : index
    %swap3A_996 = tpu.vector_load %arg13[%swap3A_994, %swap3A_995] {strides = array<i32>} : memref<128x64xf32, #tpu.memory_space<vmem>>, vector<16xf32>,
    tpu.vector_store %arg13[%swap3A_994, %swap3A_995], %broadcast_in_dim3A_41 {strides = array<i32>} : memref<128x64xf32, #tpu.memory_space<vmem>>, vector<16xf32>,
    %swap3A_997 = arith.constant 59 : i32
    %swap3A_998 = arith.index_cast %swap3A_997 : i32 to index
    %swap3A_999 = arith.constant 48 : index
    %swap3A_1000 = tpu.vector_load %arg13[%swap3A_998, %swap3A_999] {strides = array<i32>} : memref<128x64xf32, #tpu.memory_space<vmem>>, vector<16xf32>,
    tpu.vector_store %arg13[%swap3A_998, %swap3A_999], %broadcast_in_dim3A_41 {strides = array<i32>} : memref<128x64xf32, #tpu.memory_space<vmem>>, vector<16xf32>,
    %swap3A_1001 = arith.constant 60 : i32
    %swap3A_1002 = arith.index_cast %swap3A_1001 : i32 to index
    %swap3A_1003 = arith.constant 0 : index
    %swap3A_1004 = tpu.vector_load %arg13[%swap3A_1002, %swap3A_1003] {strides = array<i32>} : memref<128x64xf32, #tpu.memory_space<vmem>>, vector<16xf32>,
    tpu.vector_store %arg13[%swap3A_1002, %swap3A_1003], %broadcast_in_dim3A_41 {strides = array<i32>} : memref<128x64xf32, #tpu.memory_space<vmem>>, vector<16xf32>,
    %swap3A_1005 = arith.constant 60 : i32
    %swap3A_1006 = arith.index_cast %swap3A_1005 : i32 to index
    %swap3A_1007 = arith.constant 16 : index
    %swap3A_1008 = tpu.vector_load %arg13[%swap3A_1006, %swap3A_1007] {strides = array<i32>} : memref<128x64xf32, #tpu.memory_space<vmem>>, vector<16xf32>,
    tpu.vector_store %arg13[%swap3A_1006, %swap3A_1007], %broadcast_in_dim3A_41 {strides = array<i32>} : memref<128x64xf32, #tpu.memory_space<vmem>>, vector<16xf32>,
    %swap3A_1009 = arith.constant 60 : i32
    %swap3A_1010 = arith.index_cast %swap3A_1009 : i32 to index
    %swap3A_1011 = arith.constant 32 : index
    %swap3A_1012 = tpu.vector_load %arg13[%swap3A_1010, %swap3A_1011] {strides = array<i32>} : memref<128x64xf32, #tpu.memory_space<vmem>>, vector<16xf32>,
    tpu.vector_store %arg13[%swap3A_1010, %swap3A_1011], %broadcast_in_dim3A_41 {strides = array<i32>} : memref<128x64xf32, #tpu.memory_space<vmem>>, vector<16xf32>,
    %swap3A_1013 = arith.constant 60 : i32
    %swap3A_1014 = arith.index_cast %swap3A_1013 : i32 to index
    %swap3A_1015 = arith.constant 48 : index
    %swap3A_1016 = tpu.vector_load %arg13[%swap3A_1014, %swap3A_1015] {strides = array<i32>} : memref<128x64xf32, #tpu.memory_space<vmem>>, vector<16xf32>,
    tpu.vector_store %arg13[%swap3A_1014, %swap3A_1015], %broadcast_in_dim3A_41 {strides = array<i32>} : memref<128x64xf32, #tpu.memory_space<vmem>>, vector<16xf32>,
    %swap3A_1017 = arith.constant 61 : i32
    %swap3A_1018 = arith.index_cast %swap3A_1017 : i32 to index
    %swap3A_1019 = arith.constant 0 : index
    %swap3A_1020 = tpu.vector_load %arg13[%swap3A_1018, %swap3A_1019] {strides = array<i32>} : memref<128x64xf32, #tpu.memory_space<vmem>>, vector<16xf32>,
    tpu.vector_store %arg13[%swap3A_1018, %swap3A_1019], %broadcast_in_dim3A_41 {strides = array<i32>} : memref<128x64xf32, #tpu.memory_space<vmem>>, vector<16xf32>,
    %swap3A_1021 = arith.constant 61 : i32
    %swap3A_1022 = arith.index_cast %swap3A_1021 : i32 to index
    %swap3A_1023 = arith.constant 16 : index
    %swap3A_1024 = tpu.vector_load %arg13[%swap3A_1022, %swap3A_1023] {strides = array<i32>} : memref<128x64xf32, #tpu.memory_space<vmem>>, vector<16xf32>,
    tpu.vector_store %arg13[%swap3A_1022, %swap3A_1023], %broadcast_in_dim3A_41 {strides = array<i32>} : memref<128x64xf32, #tpu.memory_space<vmem>>, vector<16xf32>,
    %swap3A_1025 = arith.constant 61 : i32
    %swap3A_1026 = arith.index_cast %swap3A_1025 : i32 to index
    %swap3A_1027 = arith.constant 32 : index
    %swap3A_1028 = tpu.vector_load %arg13[%swap3A_1026, %swap3A_1027] {strides = array<i32>} : memref<128x64xf32, #tpu.memory_space<vmem>>, vector<16xf32>,
    tpu.vector_store %arg13[%swap3A_1026, %swap3A_1027], %broadcast_in_dim3A_41 {strides = array<i32>} : memref<128x64xf32, #tpu.memory_space<vmem>>, vector<16xf32>,
    %swap3A_1029 = arith.constant 61 : i32
    %swap3A_1030 = arith.index_cast %swap3A_1029 : i32 to index
    %swap3A_1031 = arith.constant 48 : index
    %swap3A_1032 = tpu.vector_load %arg13[%swap3A_1030, %swap3A_1031] {strides = array<i32>} : memref<128x64xf32, #tpu.memory_space<vmem>>, vector<16xf32>,
    tpu.vector_store %arg13[%swap3A_1030, %swap3A_1031], %broadcast_in_dim3A_41 {strides = array<i32>} : memref<128x64xf32, #tpu.memory_space<vmem>>, vector<16xf32>,
    %swap3A_1033 = arith.constant 62 : i32
    %swap3A_1034 = arith.index_cast %swap3A_1033 : i32 to index
    %swap3A_1035 = arith.constant 0 : index
    %swap3A_1036 = tpu.vector_load %arg13[%swap3A_1034, %swap3A_1035] {strides = array<i32>} : memref<128x64xf32, #tpu.memory_space<vmem>>, vector<16xf32>,
    tpu.vector_store %arg13[%swap3A_1034, %swap3A_1035], %broadcast_in_dim3A_41 {strides = array<i32>} : memref<128x64xf32, #tpu.memory_space<vmem>>, vector<16xf32>,
    %swap3A_1037 = arith.constant 62 : i32
    %swap3A_1038 = arith.index_cast %swap3A_1037 : i32 to index
    %swap3A_1039 = arith.constant 16 : index
    %swap3A_1040 = tpu.vector_load %arg13[%swap3A_1038, %swap3A_1039] {strides = array<i32>} : memref<128x64xf32, #tpu.memory_space<vmem>>, vector<16xf32>,
    tpu.vector_store %arg13[%swap3A_1038, %swap3A_1039], %broadcast_in_dim3A_41 {strides = array<i32>} : memref<128x64xf32, #tpu.memory_space<vmem>>, vector<16xf32>,
    %swap3A_1041 = arith.constant 62 : i32
    %swap3A_1042 = arith.index_cast %swap3A_1041 : i32 to index
    %swap3A_1043 = arith.constant 32 : index
    %swap3A_1044 = tpu.vector_load %arg13[%swap3A_1042, %swap3A_1043] {strides = array<i32>} : memref<128x64xf32, #tpu.memory_space<vmem>>, vector<16xf32>,
    tpu.vector_store %arg13[%swap3A_1042, %swap3A_1043], %broadcast_in_dim3A_41 {strides = array<i32>} : memref<128x64xf32, #tpu.memory_space<vmem>>, vector<16xf32>,
    %swap3A_1045 = arith.constant 62 : i32
    %swap3A_1046 = arith.index_cast %swap3A_1045 : i32 to index
    %swap3A_1047 = arith.constant 48 : index
    %swap3A_1048 = tpu.vector_load %arg13[%swap3A_1046, %swap3A_1047] {strides = array<i32>} : memref<128x64xf32, #tpu.memory_space<vmem>>, vector<16xf32>,
    tpu.vector_store %arg13[%swap3A_1046, %swap3A_1047], %broadcast_in_dim3A_41 {strides = array<i32>} : memref<128x64xf32, #tpu.memory_space<vmem>>, vector<16xf32>,
    %swap3A_1049 = arith.constant 63 : i32
    %swap3A_1050 = arith.index_cast %swap3A_1049 : i32 to index
    %swap3A_1051 = arith.constant 0 : index
    %swap3A_1052 = tpu.vector_load %arg13[%swap3A_1050, %swap3A_1051] {strides = array<i32>} : memref<128x64xf32, #tpu.memory_space<vmem>>, vector<16xf32>,
    tpu.vector_store %arg13[%swap3A_1050, %swap3A_1051], %broadcast_in_dim3A_41 {strides = array<i32>} : memref<128x64xf32, #tpu.memory_space<vmem>>, vector<16xf32>,
    %swap3A_1053 = arith.constant 63 : i32
    %swap3A_1054 = arith.index_cast %swap3A_1053 : i32 to index
    %swap3A_1055 = arith.constant 16 : index
    %swap3A_1056 = tpu.vector_load %arg13[%swap3A_1054, %swap3A_1055] {strides = array<i32>} : memref<128x64xf32, #tpu.memory_space<vmem>>, vector<16xf32>,
    tpu.vector_store %arg13[%swap3A_1054, %swap3A_1055], %broadcast_in_dim3A_41 {strides = array<i32>} : memref<128x64xf32, #tpu.memory_space<vmem>>, vector<16xf32>,
    %swap3A_1057 = arith.constant 63 : i32
    %swap3A_1058 = arith.index_cast %swap3A_1057 : i32 to index
    %swap3A_1059 = arith.constant 32 : index
    %swap3A_1060 = tpu.vector_load %arg13[%swap3A_1058, %swap3A_1059] {strides = array<i32>} : memref<128x64xf32, #tpu.memory_space<vmem>>, vector<16xf32>,
    tpu.vector_store %arg13[%swap3A_1058, %swap3A_1059], %broadcast_in_dim3A_41 {strides = array<i32>} : memref<128x64xf32, #tpu.memory_space<vmem>>, vector<16xf32>,
    %swap3A_1061 = arith.constant 63 : i32
    %swap3A_1062 = arith.index_cast %swap3A_1061 : i32 to index
    %swap3A_1063 = arith.constant 48 : index
    %swap3A_1064 = tpu.vector_load %arg13[%swap3A_1062, %swap3A_1063] {strides = array<i32>} : memref<128x64xf32, #tpu.memory_space<vmem>>, vector<16xf32>,
    tpu.vector_store %arg13[%swap3A_1062, %swap3A_1063], %broadcast_in_dim3A_41 {strides = array<i32>} : memref<128x64xf32, #tpu.memory_space<vmem>>, vector<16xf32>,
    %swap3A_1065 = arith.constant 64 : i32
    %swap3A_1066 = arith.index_cast %swap3A_1065 : i32 to index
    %swap3A_1067 = arith.constant 0 : index
    %swap3A_1068 = tpu.vector_load %arg13[%swap3A_1066, %swap3A_1067] {strides = array<i32>} : memref<128x64xf32, #tpu.memory_space<vmem>>, vector<16xf32>,
    tpu.vector_store %arg13[%swap3A_1066, %swap3A_1067], %broadcast_in_dim3A_41 {strides = array<i32>} : memref<128x64xf32, #tpu.memory_space<vmem>>, vector<16xf32>,
    %swap3A_1069 = arith.constant 64 : i32
    %swap3A_1070 = arith.index_cast %swap3A_1069 : i32 to index
    %swap3A_1071 = arith.constant 16 : index
    %swap3A_1072 = tpu.vector_load %arg13[%swap3A_1070, %swap3A_1071] {strides = array<i32>} : memref<128x64xf32, #tpu.memory_space<vmem>>, vector<16xf32>,
    tpu.vector_store %arg13[%swap3A_1070, %swap3A_1071], %broadcast_in_dim3A_41 {strides = array<i32>} : memref<128x64xf32, #tpu.memory_space<vmem>>, vector<16xf32>,
    %swap3A_1073 = arith.constant 64 : i32
    %swap3A_1074 = arith.index_cast %swap3A_1073 : i32 to index
    %swap3A_1075 = arith.constant 32 : index
    %swap3A_1076 = tpu.vector_load %arg13[%swap3A_1074, %swap3A_1075] {strides = array<i32>} : memref<128x64xf32, #tpu.memory_space<vmem>>, vector<16xf32>,
    tpu.vector_store %arg13[%swap3A_1074, %swap3A_1075], %broadcast_in_dim3A_41 {strides = array<i32>} : memref<128x64xf32, #tpu.memory_space<vmem>>, vector<16xf32>,
    %swap3A_1077 = arith.constant 64 : i32
    %swap3A_1078 = arith.index_cast %swap3A_1077 : i32 to index
    %swap3A_1079 = arith.constant 48 : index
    %swap3A_1080 = tpu.vector_load %arg13[%swap3A_1078, %swap3A_1079] {strides = array<i32>} : memref<128x64xf32, #tpu.memory_space<vmem>>, vector<16xf32>,
    tpu.vector_store %arg13[%swap3A_1078, %swap3A_1079], %broadcast_in_dim3A_41 {strides = array<i32>} : memref<128x64xf32, #tpu.memory_space<vmem>>, vector<16xf32>,
    %swap3A_1081 = arith.constant 65 : i32
    %swap3A_1082 = arith.index_cast %swap3A_1081 : i32 to index
    %swap3A_1083 = arith.constant 0 : index
    %swap3A_1084 = tpu.vector_load %arg13[%swap3A_1082, %swap3A_1083] {strides = array<i32>} : memref<128x64xf32, #tpu.memory_space<vmem>>, vector<16xf32>,
    tpu.vector_store %arg13[%swap3A_1082, %swap3A_1083], %broadcast_in_dim3A_41 {strides = array<i32>} : memref<128x64xf32, #tpu.memory_space<vmem>>, vector<16xf32>,
    %swap3A_1085 = arith.constant 65 : i32
    %swap3A_1086 = arith.index_cast %swap3A_1085 : i32 to index
    %swap3A_1087 = arith.constant 16 : index
    %swap3A_1088 = tpu.vector_load %arg13[%swap3A_1086, %swap3A_1087] {strides = array<i32>} : memref<128x64xf32, #tpu.memory_space<vmem>>, vector<16xf32>,
    tpu.vector_store %arg13[%swap3A_1086, %swap3A_1087], %broadcast_in_dim3A_41 {strides = array<i32>} : memref<128x64xf32, #tpu.memory_space<vmem>>, vector<16xf32>,
    %swap3A_1089 = arith.constant 65 : i32
    %swap3A_1090 = arith.index_cast %swap3A_1089 : i32 to index
    %swap3A_1091 = arith.constant 32 : index
    %swap3A_1092 = tpu.vector_load %arg13[%swap3A_1090, %swap3A_1091] {strides = array<i32>} : memref<128x64xf32, #tpu.memory_space<vmem>>, vector<16xf32>,
    tpu.vector_store %arg13[%swap3A_1090, %swap3A_1091], %broadcast_in_dim3A_41 {strides = array<i32>} : memref<128x64xf32, #tpu.memory_space<vmem>>, vector<16xf32>,
    %swap3A_1093 = arith.constant 65 : i32
    %swap3A_1094 = arith.index_cast %swap3A_1093 : i32 to index
    %swap3A_1095 = arith.constant 48 : index
    %swap3A_1096 = tpu.vector_load %arg13[%swap3A_1094, %swap3A_1095] {strides = array<i32>} : memref<128x64xf32, #tpu.memory_space<vmem>>, vector<16xf32>,
    tpu.vector_store %arg13[%swap3A_1094, %swap3A_1095], %broadcast_in_dim3A_41 {strides = array<i32>} : memref<128x64xf32, #tpu.memory_space<vmem>>, vector<16xf32>,
    %swap3A_1097 = arith.constant 66 : i32
    %swap3A_1098 = arith.index_cast %swap3A_1097 : i32 to index
    %swap3A_1099 = arith.constant 0 : index
    %swap3A_1100 = tpu.vector_load %arg13[%swap3A_1098, %swap3A_1099] {strides = array<i32>} : memref<128x64xf32, #tpu.memory_space<vmem>>, vector<16xf32>,
    tpu.vector_store %arg13[%swap3A_1098, %swap3A_1099], %broadcast_in_dim3A_41 {strides = array<i32>} : memref<128x64xf32, #tpu.memory_space<vmem>>, vector<16xf32>,
    %swap3A_1101 = arith.constant 66 : i32
    %swap3A_1102 = arith.index_cast %swap3A_1101 : i32 to index
    %swap3A_1103 = arith.constant 16 : index
    %swap3A_1104 = tpu.vector_load %arg13[%swap3A_1102, %swap3A_1103] {strides = array<i32>} : memref<128x64xf32, #tpu.memory_space<vmem>>, vector<16xf32>,
    tpu.vector_store %arg13[%swap3A_1102, %swap3A_1103], %broadcast_in_dim3A_41 {strides = array<i32>} : memref<128x64xf32, #tpu.memory_space<vmem>>, vector<16xf32>,
    %swap3A_1105 = arith.constant 66 : i32
    %swap3A_1106 = arith.index_cast %swap3A_1105 : i32 to index
    %swap3A_1107 = arith.constant 32 : index
    %swap3A_1108 = tpu.vector_load %arg13[%swap3A_1106, %swap3A_1107] {strides = array<i32>} : memref<128x64xf32, #tpu.memory_space<vmem>>, vector<16xf32>,
    tpu.vector_store %arg13[%swap3A_1106, %swap3A_1107], %broadcast_in_dim3A_41 {strides = array<i32>} : memref<128x64xf32, #tpu.memory_space<vmem>>, vector<16xf32>,
    %swap3A_1109 = arith.constant 66 : i32
    %swap3A_1110 = arith.index_cast %swap3A_1109 : i32 to index
    %swap3A_1111 = arith.constant 48 : index
    %swap3A_1112 = tpu.vector_load %arg13[%swap3A_1110, %swap3A_1111] {strides = array<i32>} : memref<128x64xf32, #tpu.memory_space<vmem>>, vector<16xf32>,
    tpu.vector_store %arg13[%swap3A_1110, %swap3A_1111], %broadcast_in_dim3A_41 {strides = array<i32>} : memref<128x64xf32, #tpu.memory_space<vmem>>, vector<16xf32>,
    %swap3A_1113 = arith.constant 67 : i32
    %swap3A_1114 = arith.index_cast %swap3A_1113 : i32 to index
    %swap3A_1115 = arith.constant 0 : index
    %swap3A_1116 = tpu.vector_load %arg13[%swap3A_1114, %swap3A_1115] {strides = array<i32>} : memref<128x64xf32, #tpu.memory_space<vmem>>, vector<16xf32>,
    tpu.vector_store %arg13[%swap3A_1114, %swap3A_1115], %broadcast_in_dim3A_41 {strides = array<i32>} : memref<128x64xf32, #tpu.memory_space<vmem>>, vector<16xf32>,
    %swap3A_1117 = arith.constant 67 : i32
    %swap3A_1118 = arith.index_cast %swap3A_1117 : i32 to index
    %swap3A_1119 = arith.constant 16 : index
    %swap3A_1120 = tpu.vector_load %arg13[%swap3A_1118, %swap3A_1119] {strides = array<i32>} : memref<128x64xf32, #tpu.memory_space<vmem>>, vector<16xf32>,
    tpu.vector_store %arg13[%swap3A_1118, %swap3A_1119], %broadcast_in_dim3A_41 {strides = array<i32>} : memref<128x64xf32, #tpu.memory_space<vmem>>, vector<16xf32>,
    %swap3A_1121 = arith.constant 67 : i32
    %swap3A_1122 = arith.index_cast %swap3A_1121 : i32 to index
    %swap3A_1123 = arith.constant 32 : index
    %swap3A_1124 = tpu.vector_load %arg13[%swap3A_1122, %swap3A_1123] {strides = array<i32>} : memref<128x64xf32, #tpu.memory_space<vmem>>, vector<16xf32>,
    tpu.vector_store %arg13[%swap3A_1122, %swap3A_1123], %broadcast_in_dim3A_41 {strides = array<i32>} : memref<128x64xf32, #tpu.memory_space<vmem>>, vector<16xf32>,
    %swap3A_1125 = arith.constant 67 : i32
    %swap3A_1126 = arith.index_cast %swap3A_1125 : i32 to index
    %swap3A_1127 = arith.constant 48 : index
    %swap3A_1128 = tpu.vector_load %arg13[%swap3A_1126, %swap3A_1127] {strides = array<i32>} : memref<128x64xf32, #tpu.memory_space<vmem>>, vector<16xf32>,
    tpu.vector_store %arg13[%swap3A_1126, %swap3A_1127], %broadcast_in_dim3A_41 {strides = array<i32>} : memref<128x64xf32, #tpu.memory_space<vmem>>, vector<16xf32>,
    %swap3A_1129 = arith.constant 68 : i32
    %swap3A_1130 = arith.index_cast %swap3A_1129 : i32 to index
    %swap3A_1131 = arith.constant 0 : index
    %swap3A_1132 = tpu.vector_load %arg13[%swap3A_1130, %swap3A_1131] {strides = array<i32>} : memref<128x64xf32, #tpu.memory_space<vmem>>, vector<16xf32>,
    tpu.vector_store %arg13[%swap3A_1130, %swap3A_1131], %broadcast_in_dim3A_41 {strides = array<i32>} : memref<128x64xf32, #tpu.memory_space<vmem>>, vector<16xf32>,
    %swap3A_1133 = arith.constant 68 : i32
    %swap3A_1134 = arith.index_cast %swap3A_1133 : i32 to index
    %swap3A_1135 = arith.constant 16 : index
    %swap3A_1136 = tpu.vector_load %arg13[%swap3A_1134, %swap3A_1135] {strides = array<i32>} : memref<128x64xf32, #tpu.memory_space<vmem>>, vector<16xf32>,
    tpu.vector_store %arg13[%swap3A_1134, %swap3A_1135], %broadcast_in_dim3A_41 {strides = array<i32>} : memref<128x64xf32, #tpu.memory_space<vmem>>, vector<16xf32>,
    %swap3A_1137 = arith.constant 68 : i32
    %swap3A_1138 = arith.index_cast %swap3A_1137 : i32 to index
    %swap3A_1139 = arith.constant 32 : index
    %swap3A_1140 = tpu.vector_load %arg13[%swap3A_1138, %swap3A_1139] {strides = array<i32>} : memref<128x64xf32, #tpu.memory_space<vmem>>, vector<16xf32>,
    tpu.vector_store %arg13[%swap3A_1138, %swap3A_1139], %broadcast_in_dim3A_41 {strides = array<i32>} : memref<128x64xf32, #tpu.memory_space<vmem>>, vector<16xf32>,
    %swap3A_1141 = arith.constant 68 : i32
    %swap3A_1142 = arith.index_cast %swap3A_1141 : i32 to index
    %swap3A_1143 = arith.constant 48 : index
    %swap3A_1144 = tpu.vector_load %arg13[%swap3A_1142, %swap3A_1143] {strides = array<i32>} : memref<128x64xf32, #tpu.memory_space<vmem>>, vector<16xf32>,
    tpu.vector_store %arg13[%swap3A_1142, %swap3A_1143], %broadcast_in_dim3A_41 {strides = array<i32>} : memref<128x64xf32, #tpu.memory_space<vmem>>, vector<16xf32>,
    %swap3A_1145 = arith.constant 69 : i32
    %swap3A_1146 = arith.index_cast %swap3A_1145 : i32 to index
    %swap3A_1147 = arith.constant 0 : index
    %swap3A_1148 = tpu.vector_load %arg13[%swap3A_1146, %swap3A_1147] {strides = array<i32>} : memref<128x64xf32, #tpu.memory_space<vmem>>, vector<16xf32>,
    tpu.vector_store %arg13[%swap3A_1146, %swap3A_1147], %broadcast_in_dim3A_41 {strides = array<i32>} : memref<128x64xf32, #tpu.memory_space<vmem>>, vector<16xf32>,
    %swap3A_1149 = arith.constant 69 : i32
    %swap3A_1150 = arith.index_cast %swap3A_1149 : i32 to index
    %swap3A_1151 = arith.constant 16 : index
    %swap3A_1152 = tpu.vector_load %arg13[%swap3A_1150, %swap3A_1151] {strides = array<i32>} : memref<128x64xf32, #tpu.memory_space<vmem>>, vector<16xf32>,
    tpu.vector_store %arg13[%swap3A_1150, %swap3A_1151], %broadcast_in_dim3A_41 {strides = array<i32>} : memref<128x64xf32, #tpu.memory_space<vmem>>, vector<16xf32>,
    %swap3A_1153 = arith.constant 69 : i32
    %swap3A_1154 = arith.index_cast %swap3A_1153 : i32 to index
    %swap3A_1155 = arith.constant 32 : index
    %swap3A_1156 = tpu.vector_load %arg13[%swap3A_1154, %swap3A_1155] {strides = array<i32>} : memref<128x64xf32, #tpu.memory_space<vmem>>, vector<16xf32>,
    tpu.vector_store %arg13[%swap3A_1154, %swap3A_1155], %broadcast_in_dim3A_41 {strides = array<i32>} : memref<128x64xf32, #tpu.memory_space<vmem>>, vector<16xf32>,
    %swap3A_1157 = arith.constant 69 : i32
    %swap3A_1158 = arith.index_cast %swap3A_1157 : i32 to index
    %swap3A_1159 = arith.constant 48 : index
    %swap3A_1160 = tpu.vector_load %arg13[%swap3A_1158, %swap3A_1159] {strides = array<i32>} : memref<128x64xf32, #tpu.memory_space<vmem>>, vector<16xf32>,
    tpu.vector_store %arg13[%swap3A_1158, %swap3A_1159], %broadcast_in_dim3A_41 {strides = array<i32>} : memref<128x64xf32, #tpu.memory_space<vmem>>, vector<16xf32>,
    %swap3A_1161 = arith.constant 70 : i32
    %swap3A_1162 = arith.index_cast %swap3A_1161 : i32 to index
    %swap3A_1163 = arith.constant 0 : index
    %swap3A_1164 = tpu.vector_load %arg13[%swap3A_1162, %swap3A_1163] {strides = array<i32>} : memref<128x64xf32, #tpu.memory_space<vmem>>, vector<16xf32>,
    tpu.vector_store %arg13[%swap3A_1162, %swap3A_1163], %broadcast_in_dim3A_41 {strides = array<i32>} : memref<128x64xf32, #tpu.memory_space<vmem>>, vector<16xf32>,
    %swap3A_1165 = arith.constant 70 : i32
    %swap3A_1166 = arith.index_cast %swap3A_1165 : i32 to index
    %swap3A_1167 = arith.constant 16 : index
    %swap3A_1168 = tpu.vector_load %arg13[%swap3A_1166, %swap3A_1167] {strides = array<i32>} : memref<128x64xf32, #tpu.memory_space<vmem>>, vector<16xf32>,
    tpu.vector_store %arg13[%swap3A_1166, %swap3A_1167], %broadcast_in_dim3A_41 {strides = array<i32>} : memref<128x64xf32, #tpu.memory_space<vmem>>, vector<16xf32>,
    %swap3A_1169 = arith.constant 70 : i32
    %swap3A_1170 = arith.index_cast %swap3A_1169 : i32 to index
    %swap3A_1171 = arith.constant 32 : index
    %swap3A_1172 = tpu.vector_load %arg13[%swap3A_1170, %swap3A_1171] {strides = array<i32>} : memref<128x64xf32, #tpu.memory_space<vmem>>, vector<16xf32>,
    tpu.vector_store %arg13[%swap3A_1170, %swap3A_1171], %broadcast_in_dim3A_41 {strides = array<i32>} : memref<128x64xf32, #tpu.memory_space<vmem>>, vector<16xf32>,
    %swap3A_1173 = arith.constant 70 : i32
    %swap3A_1174 = arith.index_cast %swap3A_1173 : i32 to index
    %swap3A_1175 = arith.constant 48 : index
    %swap3A_1176 = tpu.vector_load %arg13[%swap3A_1174, %swap3A_1175] {strides = array<i32>} : memref<128x64xf32, #tpu.memory_space<vmem>>, vector<16xf32>,
    tpu.vector_store %arg13[%swap3A_1174, %swap3A_1175], %broadcast_in_dim3A_41 {strides = array<i32>} : memref<128x64xf32, #tpu.memory_space<vmem>>, vector<16xf32>,
    %swap3A_1177 = arith.constant 71 : i32
    %swap3A_1178 = arith.index_cast %swap3A_1177 : i32 to index
    %swap3A_1179 = arith.constant 0 : index
    %swap3A_1180 = tpu.vector_load %arg13[%swap3A_1178, %swap3A_1179] {strides = array<i32>} : memref<128x64xf32, #tpu.memory_space<vmem>>, vector<16xf32>,
    tpu.vector_store %arg13[%swap3A_1178, %swap3A_1179], %broadcast_in_dim3A_41 {strides = array<i32>} : memref<128x64xf32, #tpu.memory_space<vmem>>, vector<16xf32>,
    %swap3A_1181 = arith.constant 71 : i32
    %swap3A_1182 = arith.index_cast %swap3A_1181 : i32 to index
    %swap3A_1183 = arith.constant 16 : index
    %swap3A_1184 = tpu.vector_load %arg13[%swap3A_1182, %swap3A_1183] {strides = array<i32>} : memref<128x64xf32, #tpu.memory_space<vmem>>, vector<16xf32>,
    tpu.vector_store %arg13[%swap3A_1182, %swap3A_1183], %broadcast_in_dim3A_41 {strides = array<i32>} : memref<128x64xf32, #tpu.memory_space<vmem>>, vector<16xf32>,
    %swap3A_1185 = arith.constant 71 : i32
    %swap3A_1186 = arith.index_cast %swap3A_1185 : i32 to index
    %swap3A_1187 = arith.constant 32 : index
    %swap3A_1188 = tpu.vector_load %arg13[%swap3A_1186, %swap3A_1187] {strides = array<i32>} : memref<128x64xf32, #tpu.memory_space<vmem>>, vector<16xf32>,
    tpu.vector_store %arg13[%swap3A_1186, %swap3A_1187], %broadcast_in_dim3A_41 {strides = array<i32>} : memref<128x64xf32, #tpu.memory_space<vmem>>, vector<16xf32>,
    %swap3A_1189 = arith.constant 71 : i32
    %swap3A_1190 = arith.index_cast %swap3A_1189 : i32 to index
    %swap3A_1191 = arith.constant 48 : index
    %swap3A_1192 = tpu.vector_load %arg13[%swap3A_1190, %swap3A_1191] {strides = array<i32>} : memref<128x64xf32, #tpu.memory_space<vmem>>, vector<16xf32>,
    tpu.vector_store %arg13[%swap3A_1190, %swap3A_1191], %broadcast_in_dim3A_41 {strides = array<i32>} : memref<128x64xf32, #tpu.memory_space<vmem>>, vector<16xf32>,
    %swap3A_1193 = arith.constant 72 : i32
    %swap3A_1194 = arith.index_cast %swap3A_1193 : i32 to index
    %swap3A_1195 = arith.constant 0 : index
    %swap3A_1196 = tpu.vector_load %arg13[%swap3A_1194, %swap3A_1195] {strides = array<i32>} : memref<128x64xf32, #tpu.memory_space<vmem>>, vector<16xf32>,
    tpu.vector_store %arg13[%swap3A_1194, %swap3A_1195], %broadcast_in_dim3A_41 {strides = array<i32>} : memref<128x64xf32, #tpu.memory_space<vmem>>, vector<16xf32>,
    %swap3A_1197 = arith.constant 72 : i32
    %swap3A_1198 = arith.index_cast %swap3A_1197 : i32 to index
    %swap3A_1199 = arith.constant 16 : index
    %swap3A_1200 = tpu.vector_load %arg13[%swap3A_1198, %swap3A_1199] {strides = array<i32>} : memref<128x64xf32, #tpu.memory_space<vmem>>, vector<16xf32>,
    tpu.vector_store %arg13[%swap3A_1198, %swap3A_1199], %broadcast_in_dim3A_41 {strides = array<i32>} : memref<128x64xf32, #tpu.memory_space<vmem>>, vector<16xf32>,
    %swap3A_1201 = arith.constant 72 : i32
    %swap3A_1202 = arith.index_cast %swap3A_1201 : i32 to index
    %swap3A_1203 = arith.constant 32 : index
    %swap3A_1204 = tpu.vector_load %arg13[%swap3A_1202, %swap3A_1203] {strides = array<i32>} : memref<128x64xf32, #tpu.memory_space<vmem>>, vector<16xf32>,
    tpu.vector_store %arg13[%swap3A_1202, %swap3A_1203], %broadcast_in_dim3A_41 {strides = array<i32>} : memref<128x64xf32, #tpu.memory_space<vmem>>, vector<16xf32>,
    %swap3A_1205 = arith.constant 72 : i32
    %swap3A_1206 = arith.index_cast %swap3A_1205 : i32 to index
    %swap3A_1207 = arith.constant 48 : index
    %swap3A_1208 = tpu.vector_load %arg13[%swap3A_1206, %swap3A_1207] {strides = array<i32>} : memref<128x64xf32, #tpu.memory_space<vmem>>, vector<16xf32>,
    tpu.vector_store %arg13[%swap3A_1206, %swap3A_1207], %broadcast_in_dim3A_41 {strides = array<i32>} : memref<128x64xf32, #tpu.memory_space<vmem>>, vector<16xf32>,
    %swap3A_1209 = arith.constant 73 : i32
    %swap3A_1210 = arith.index_cast %swap3A_1209 : i32 to index
    %swap3A_1211 = arith.constant 0 : index
    %swap3A_1212 = tpu.vector_load %arg13[%swap3A_1210, %swap3A_1211] {strides = array<i32>} : memref<128x64xf32, #tpu.memory_space<vmem>>, vector<16xf32>,
    tpu.vector_store %arg13[%swap3A_1210, %swap3A_1211], %broadcast_in_dim3A_41 {strides = array<i32>} : memref<128x64xf32, #tpu.memory_space<vmem>>, vector<16xf32>,
    %swap3A_1213 = arith.constant 73 : i32
    %swap3A_1214 = arith.index_cast %swap3A_1213 : i32 to index
    %swap3A_1215 = arith.constant 16 : index
    %swap3A_1216 = tpu.vector_load %arg13[%swap3A_1214, %swap3A_1215] {strides = array<i32>} : memref<128x64xf32, #tpu.memory_space<vmem>>, vector<16xf32>,
    tpu.vector_store %arg13[%swap3A_1214, %swap3A_1215], %broadcast_in_dim3A_41 {strides = array<i32>} : memref<128x64xf32, #tpu.memory_space<vmem>>, vector<16xf32>,
    %swap3A_1217 = arith.constant 73 : i32
    %swap3A_1218 = arith.index_cast %swap3A_1217 : i32 to index
    %swap3A_1219 = arith.constant 32 : index
    %swap3A_1220 = tpu.vector_load %arg13[%swap3A_1218, %swap3A_1219] {strides = array<i32>} : memref<128x64xf32, #tpu.memory_space<vmem>>, vector<16xf32>,
    tpu.vector_store %arg13[%swap3A_1218, %swap3A_1219], %broadcast_in_dim3A_41 {strides = array<i32>} : memref<128x64xf32, #tpu.memory_space<vmem>>, vector<16xf32>,
    %swap3A_1221 = arith.constant 73 : i32
    %swap3A_1222 = arith.index_cast %swap3A_1221 : i32 to index
    %swap3A_1223 = arith.constant 48 : index
    %swap3A_1224 = tpu.vector_load %arg13[%swap3A_1222, %swap3A_1223] {strides = array<i32>} : memref<128x64xf32, #tpu.memory_space<vmem>>, vector<16xf32>,
    tpu.vector_store %arg13[%swap3A_1222, %swap3A_1223], %broadcast_in_dim3A_41 {strides = array<i32>} : memref<128x64xf32, #tpu.memory_space<vmem>>, vector<16xf32>,
    %swap3A_1225 = arith.constant 74 : i32
    %swap3A_1226 = arith.index_cast %swap3A_1225 : i32 to index
    %swap3A_1227 = arith.constant 0 : index
    %swap3A_1228 = tpu.vector_load %arg13[%swap3A_1226, %swap3A_1227] {strides = array<i32>} : memref<128x64xf32, #tpu.memory_space<vmem>>, vector<16xf32>,
    tpu.vector_store %arg13[%swap3A_1226, %swap3A_1227], %broadcast_in_dim3A_41 {strides = array<i32>} : memref<128x64xf32, #tpu.memory_space<vmem>>, vector<16xf32>,
    %swap3A_1229 = arith.constant 74 : i32
    %swap3A_1230 = arith.index_cast %swap3A_1229 : i32 to index
    %swap3A_1231 = arith.constant 16 : index
    %swap3A_1232 = tpu.vector_load %arg13[%swap3A_1230, %swap3A_1231] {strides = array<i32>} : memref<128x64xf32, #tpu.memory_space<vmem>>, vector<16xf32>,
    tpu.vector_store %arg13[%swap3A_1230, %swap3A_1231], %broadcast_in_dim3A_41 {strides = array<i32>} : memref<128x64xf32, #tpu.memory_space<vmem>>, vector<16xf32>,
    %swap3A_1233 = arith.constant 74 : i32
    %swap3A_1234 = arith.index_cast %swap3A_1233 : i32 to index
    %swap3A_1235 = arith.constant 32 : index
    %swap3A_1236 = tpu.vector_load %arg13[%swap3A_1234, %swap3A_1235] {strides = array<i32>} : memref<128x64xf32, #tpu.memory_space<vmem>>, vector<16xf32>,
    tpu.vector_store %arg13[%swap3A_1234, %swap3A_1235], %broadcast_in_dim3A_41 {strides = array<i32>} : memref<128x64xf32, #tpu.memory_space<vmem>>, vector<16xf32>,
    %swap3A_1237 = arith.constant 74 : i32
    %swap3A_1238 = arith.index_cast %swap3A_1237 : i32 to index
    %swap3A_1239 = arith.constant 48 : index
    %swap3A_1240 = tpu.vector_load %arg13[%swap3A_1238, %swap3A_1239] {strides = array<i32>} : memref<128x64xf32, #tpu.memory_space<vmem>>, vector<16xf32>,
    tpu.vector_store %arg13[%swap3A_1238, %swap3A_1239], %broadcast_in_dim3A_41 {strides = array<i32>} : memref<128x64xf32, #tpu.memory_space<vmem>>, vector<16xf32>,
    %swap3A_1241 = arith.constant 75 : i32
    %swap3A_1242 = arith.index_cast %swap3A_1241 : i32 to index
    %swap3A_1243 = arith.constant 0 : index
    %swap3A_1244 = tpu.vector_load %arg13[%swap3A_1242, %swap3A_1243] {strides = array<i32>} : memref<128x64xf32, #tpu.memory_space<vmem>>, vector<16xf32>,
    tpu.vector_store %arg13[%swap3A_1242, %swap3A_1243], %broadcast_in_dim3A_41 {strides = array<i32>} : memref<128x64xf32, #tpu.memory_space<vmem>>, vector<16xf32>,
    %swap3A_1245 = arith.constant 75 : i32
    %swap3A_1246 = arith.index_cast %swap3A_1245 : i32 to index
    %swap3A_1247 = arith.constant 16 : index
    %swap3A_1248 = tpu.vector_load %arg13[%swap3A_1246, %swap3A_1247] {strides = array<i32>} : memref<128x64xf32, #tpu.memory_space<vmem>>, vector<16xf32>,
    tpu.vector_store %arg13[%swap3A_1246, %swap3A_1247], %broadcast_in_dim3A_41 {strides = array<i32>} : memref<128x64xf32, #tpu.memory_space<vmem>>, vector<16xf32>,
    %swap3A_1249 = arith.constant 75 : i32
    %swap3A_1250 = arith.index_cast %swap3A_1249 : i32 to index
    %swap3A_1251 = arith.constant 32 : index
    %swap3A_1252 = tpu.vector_load %arg13[%swap3A_1250, %swap3A_1251] {strides = array<i32>} : memref<128x64xf32, #tpu.memory_space<vmem>>, vector<16xf32>,
    tpu.vector_store %arg13[%swap3A_1250, %swap3A_1251], %broadcast_in_dim3A_41 {strides = array<i32>} : memref<128x64xf32, #tpu.memory_space<vmem>>, vector<16xf32>,
    %swap3A_1253 = arith.constant 75 : i32
    %swap3A_1254 = arith.index_cast %swap3A_1253 : i32 to index
    %swap3A_1255 = arith.constant 48 : index
    %swap3A_1256 = tpu.vector_load %arg13[%swap3A_1254, %swap3A_1255] {strides = array<i32>} : memref<128x64xf32, #tpu.memory_space<vmem>>, vector<16xf32>,
    tpu.vector_store %arg13[%swap3A_1254, %swap3A_1255], %broadcast_in_dim3A_41 {strides = array<i32>} : memref<128x64xf32, #tpu.memory_space<vmem>>, vector<16xf32>,
    %swap3A_1257 = arith.constant 76 : i32
    %swap3A_1258 = arith.index_cast %swap3A_1257 : i32 to index
    %swap3A_1259 = arith.constant 0 : index
    %swap3A_1260 = tpu.vector_load %arg13[%swap3A_1258, %swap3A_1259] {strides = array<i32>} : memref<128x64xf32, #tpu.memory_space<vmem>>, vector<16xf32>,
    tpu.vector_store %arg13[%swap3A_1258, %swap3A_1259], %broadcast_in_dim3A_41 {strides = array<i32>} : memref<128x64xf32, #tpu.memory_space<vmem>>, vector<16xf32>,
    %swap3A_1261 = arith.constant 76 : i32
    %swap3A_1262 = arith.index_cast %swap3A_1261 : i32 to index
    %swap3A_1263 = arith.constant 16 : index
    %swap3A_1264 = tpu.vector_load %arg13[%swap3A_1262, %swap3A_1263] {strides = array<i32>} : memref<128x64xf32, #tpu.memory_space<vmem>>, vector<16xf32>,
    tpu.vector_store %arg13[%swap3A_1262, %swap3A_1263], %broadcast_in_dim3A_41 {strides = array<i32>} : memref<128x64xf32, #tpu.memory_space<vmem>>, vector<16xf32>,
    %swap3A_1265 = arith.constant 76 : i32
    %swap3A_1266 = arith.index_cast %swap3A_1265 : i32 to index
    %swap3A_1267 = arith.constant 32 : index
    %swap3A_1268 = tpu.vector_load %arg13[%swap3A_1266, %swap3A_1267] {strides = array<i32>} : memref<128x64xf32, #tpu.memory_space<vmem>>, vector<16xf32>,
    tpu.vector_store %arg13[%swap3A_1266, %swap3A_1267], %broadcast_in_dim3A_41 {strides = array<i32>} : memref<128x64xf32, #tpu.memory_space<vmem>>, vector<16xf32>,
    %swap3A_1269 = arith.constant 76 : i32
    %swap3A_1270 = arith.index_cast %swap3A_1269 : i32 to index
    %swap3A_1271 = arith.constant 48 : index
    %swap3A_1272 = tpu.vector_load %arg13[%swap3A_1270, %swap3A_1271] {strides = array<i32>} : memref<128x64xf32, #tpu.memory_space<vmem>>, vector<16xf32>,
    tpu.vector_store %arg13[%swap3A_1270, %swap3A_1271], %broadcast_in_dim3A_41 {strides = array<i32>} : memref<128x64xf32, #tpu.memory_space<vmem>>, vector<16xf32>,
    %swap3A_1273 = arith.constant 77 : i32
    %swap3A_1274 = arith.index_cast %swap3A_1273 : i32 to index
    %swap3A_1275 = arith.constant 0 : index
    %swap3A_1276 = tpu.vector_load %arg13[%swap3A_1274, %swap3A_1275] {strides = array<i32>} : memref<128x64xf32, #tpu.memory_space<vmem>>, vector<16xf32>,
    tpu.vector_store %arg13[%swap3A_1274, %swap3A_1275], %broadcast_in_dim3A_41 {strides = array<i32>} : memref<128x64xf32, #tpu.memory_space<vmem>>, vector<16xf32>,
    %swap3A_1277 = arith.constant 77 : i32
    %swap3A_1278 = arith.index_cast %swap3A_1277 : i32 to index
    %swap3A_1279 = arith.constant 16 : index
    %swap3A_1280 = tpu.vector_load %arg13[%swap3A_1278, %swap3A_1279] {strides = array<i32>} : memref<128x64xf32, #tpu.memory_space<vmem>>, vector<16xf32>,
    tpu.vector_store %arg13[%swap3A_1278, %swap3A_1279], %broadcast_in_dim3A_41 {strides = array<i32>} : memref<128x64xf32, #tpu.memory_space<vmem>>, vector<16xf32>,
    %swap3A_1281 = arith.constant 77 : i32
    %swap3A_1282 = arith.index_cast %swap3A_1281 : i32 to index
    %swap3A_1283 = arith.constant 32 : index
    %swap3A_1284 = tpu.vector_load %arg13[%swap3A_1282, %swap3A_1283] {strides = array<i32>} : memref<128x64xf32, #tpu.memory_space<vmem>>, vector<16xf32>,
    tpu.vector_store %arg13[%swap3A_1282, %swap3A_1283], %broadcast_in_dim3A_41 {strides = array<i32>} : memref<128x64xf32, #tpu.memory_space<vmem>>, vector<16xf32>,
    %swap3A_1285 = arith.constant 77 : i32
    %swap3A_1286 = arith.index_cast %swap3A_1285 : i32 to index
    %swap3A_1287 = arith.constant 48 : index
    %swap3A_1288 = tpu.vector_load %arg13[%swap3A_1286, %swap3A_1287] {strides = array<i32>} : memref<128x64xf32, #tpu.memory_space<vmem>>, vector<16xf32>,
    tpu.vector_store %arg13[%swap3A_1286, %swap3A_1287], %broadcast_in_dim3A_41 {strides = array<i32>} : memref<128x64xf32, #tpu.memory_space<vmem>>, vector<16xf32>,
    %swap3A_1289 = arith.constant 78 : i32
    %swap3A_1290 = arith.index_cast %swap3A_1289 : i32 to index
    %swap3A_1291 = arith.constant 0 : index
    %swap3A_1292 = tpu.vector_load %arg13[%swap3A_1290, %swap3A_1291] {strides = array<i32>} : memref<128x64xf32, #tpu.memory_space<vmem>>, vector<16xf32>,
    tpu.vector_store %arg13[%swap3A_1290, %swap3A_1291], %broadcast_in_dim3A_41 {strides = array<i32>} : memref<128x64xf32, #tpu.memory_space<vmem>>, vector<16xf32>,
    %swap3A_1293 = arith.constant 78 : i32
    %swap3A_1294 = arith.index_cast %swap3A_1293 : i32 to index
    %swap3A_1295 = arith.constant 16 : index
    %swap3A_1296 = tpu.vector_load %arg13[%swap3A_1294, %swap3A_1295] {strides = array<i32>} : memref<128x64xf32, #tpu.memory_space<vmem>>, vector<16xf32>,
    tpu.vector_store %arg13[%swap3A_1294, %swap3A_1295], %broadcast_in_dim3A_41 {strides = array<i32>} : memref<128x64xf32, #tpu.memory_space<vmem>>, vector<16xf32>,
    %swap3A_1297 = arith.constant 78 : i32
    %swap3A_1298 = arith.index_cast %swap3A_1297 : i32 to index
    %swap3A_1299 = arith.constant 32 : index
    %swap3A_1300 = tpu.vector_load %arg13[%swap3A_1298, %swap3A_1299] {strides = array<i32>} : memref<128x64xf32, #tpu.memory_space<vmem>>, vector<16xf32>,
    tpu.vector_store %arg13[%swap3A_1298, %swap3A_1299], %broadcast_in_dim3A_41 {strides = array<i32>} : memref<128x64xf32, #tpu.memory_space<vmem>>, vector<16xf32>,
    %swap3A_1301 = arith.constant 78 : i32
    %swap3A_1302 = arith.index_cast %swap3A_1301 : i32 to index
    %swap3A_1303 = arith.constant 48 : index
    %swap3A_1304 = tpu.vector_load %arg13[%swap3A_1302, %swap3A_1303] {strides = array<i32>} : memref<128x64xf32, #tpu.memory_space<vmem>>, vector<16xf32>,
    tpu.vector_store %arg13[%swap3A_1302, %swap3A_1303], %broadcast_in_dim3A_41 {strides = array<i32>} : memref<128x64xf32, #tpu.memory_space<vmem>>, vector<16xf32>,
    %swap3A_1305 = arith.constant 79 : i32
    %swap3A_1306 = arith.index_cast %swap3A_1305 : i32 to index
    %swap3A_1307 = arith.constant 0 : index
    %swap3A_1308 = tpu.vector_load %arg13[%swap3A_1306, %swap3A_1307] {strides = array<i32>} : memref<128x64xf32, #tpu.memory_space<vmem>>, vector<16xf32>,
    tpu.vector_store %arg13[%swap3A_1306, %swap3A_1307], %broadcast_in_dim3A_41 {strides = array<i32>} : memref<128x64xf32, #tpu.memory_space<vmem>>, vector<16xf32>,
    %swap3A_1309 = arith.constant 79 : i32
    %swap3A_1310 = arith.index_cast %swap3A_1309 : i32 to index
    %swap3A_1311 = arith.constant 16 : index
    %swap3A_1312 = tpu.vector_load %arg13[%swap3A_1310, %swap3A_1311] {strides = array<i32>} : memref<128x64xf32, #tpu.memory_space<vmem>>, vector<16xf32>,
    tpu.vector_store %arg13[%swap3A_1310, %swap3A_1311], %broadcast_in_dim3A_41 {strides = array<i32>} : memref<128x64xf32, #tpu.memory_space<vmem>>, vector<16xf32>,
    %swap3A_1313 = arith.constant 79 : i32
    %swap3A_1314 = arith.index_cast %swap3A_1313 : i32 to index
    %swap3A_1315 = arith.constant 32 : index
    %swap3A_1316 = tpu.vector_load %arg13[%swap3A_1314, %swap3A_1315] {strides = array<i32>} : memref<128x64xf32, #tpu.memory_space<vmem>>, vector<16xf32>,
    tpu.vector_store %arg13[%swap3A_1314, %swap3A_1315], %broadcast_in_dim3A_41 {strides = array<i32>} : memref<128x64xf32, #tpu.memory_space<vmem>>, vector<16xf32>,
    %swap3A_1317 = arith.constant 79 : i32
    %swap3A_1318 = arith.index_cast %swap3A_1317 : i32 to index
    %swap3A_1319 = arith.constant 48 : index
    %swap3A_1320 = tpu.vector_load %arg13[%swap3A_1318, %swap3A_1319] {strides = array<i32>} : memref<128x64xf32, #tpu.memory_space<vmem>>, vector<16xf32>,
    tpu.vector_store %arg13[%swap3A_1318, %swap3A_1319], %broadcast_in_dim3A_41 {strides = array<i32>} : memref<128x64xf32, #tpu.memory_space<vmem>>, vector<16xf32>,
    %swap3A_1321 = arith.constant 80 : i32
    %swap3A_1322 = arith.index_cast %swap3A_1321 : i32 to index
    %swap3A_1323 = arith.constant 0 : index
    %swap3A_1324 = tpu.vector_load %arg13[%swap3A_1322, %swap3A_1323] {strides = array<i32>} : memref<128x64xf32, #tpu.memory_space<vmem>>, vector<16xf32>,
    tpu.vector_store %arg13[%swap3A_1322, %swap3A_1323], %broadcast_in_dim3A_41 {strides = array<i32>} : memref<128x64xf32, #tpu.memory_space<vmem>>, vector<16xf32>,
    %swap3A_1325 = arith.constant 80 : i32
    %swap3A_1326 = arith.index_cast %swap3A_1325 : i32 to index
    %swap3A_1327 = arith.constant 16 : index
    %swap3A_1328 = tpu.vector_load %arg13[%swap3A_1326, %swap3A_1327] {strides = array<i32>} : memref<128x64xf32, #tpu.memory_space<vmem>>, vector<16xf32>,
    tpu.vector_store %arg13[%swap3A_1326, %swap3A_1327], %broadcast_in_dim3A_41 {strides = array<i32>} : memref<128x64xf32, #tpu.memory_space<vmem>>, vector<16xf32>,
    %swap3A_1329 = arith.constant 80 : i32
    %swap3A_1330 = arith.index_cast %swap3A_1329 : i32 to index
    %swap3A_1331 = arith.constant 32 : index
    %swap3A_1332 = tpu.vector_load %arg13[%swap3A_1330, %swap3A_1331] {strides = array<i32>} : memref<128x64xf32, #tpu.memory_space<vmem>>, vector<16xf32>,
    tpu.vector_store %arg13[%swap3A_1330, %swap3A_1331], %broadcast_in_dim3A_41 {strides = array<i32>} : memref<128x64xf32, #tpu.memory_space<vmem>>, vector<16xf32>,
    %swap3A_1333 = arith.constant 80 : i32
    %swap3A_1334 = arith.index_cast %swap3A_1333 : i32 to index
    %swap3A_1335 = arith.constant 48 : index
    %swap3A_1336 = tpu.vector_load %arg13[%swap3A_1334, %swap3A_1335] {strides = array<i32>} : memref<128x64xf32, #tpu.memory_space<vmem>>, vector<16xf32>,
    tpu.vector_store %arg13[%swap3A_1334, %swap3A_1335], %broadcast_in_dim3A_41 {strides = array<i32>} : memref<128x64xf32, #tpu.memory_space<vmem>>, vector<16xf32>,
    %swap3A_1337 = arith.constant 81 : i32
    %swap3A_1338 = arith.index_cast %swap3A_1337 : i32 to index
    %swap3A_1339 = arith.constant 0 : index
    %swap3A_1340 = tpu.vector_load %arg13[%swap3A_1338, %swap3A_1339] {strides = array<i32>} : memref<128x64xf32, #tpu.memory_space<vmem>>, vector<16xf32>,
    tpu.vector_store %arg13[%swap3A_1338, %swap3A_1339], %broadcast_in_dim3A_41 {strides = array<i32>} : memref<128x64xf32, #tpu.memory_space<vmem>>, vector<16xf32>,
    %swap3A_1341 = arith.constant 81 : i32
    %swap3A_1342 = arith.index_cast %swap3A_1341 : i32 to index
    %swap3A_1343 = arith.constant 16 : index
    %swap3A_1344 = tpu.vector_load %arg13[%swap3A_1342, %swap3A_1343] {strides = array<i32>} : memref<128x64xf32, #tpu.memory_space<vmem>>, vector<16xf32>,
    tpu.vector_store %arg13[%swap3A_1342, %swap3A_1343], %broadcast_in_dim3A_41 {strides = array<i32>} : memref<128x64xf32, #tpu.memory_space<vmem>>, vector<16xf32>,
    %swap3A_1345 = arith.constant 81 : i32
    %swap3A_1346 = arith.index_cast %swap3A_1345 : i32 to index
    %swap3A_1347 = arith.constant 32 : index
    %swap3A_1348 = tpu.vector_load %arg13[%swap3A_1346, %swap3A_1347] {strides = array<i32>} : memref<128x64xf32, #tpu.memory_space<vmem>>, vector<16xf32>,
    tpu.vector_store %arg13[%swap3A_1346, %swap3A_1347], %broadcast_in_dim3A_41 {strides = array<i32>} : memref<128x64xf32, #tpu.memory_space<vmem>>, vector<16xf32>,
    %swap3A_1349 = arith.constant 81 : i32
    %swap3A_1350 = arith.index_cast %swap3A_1349 : i32 to index
    %swap3A_1351 = arith.constant 48 : index
    %swap3A_1352 = tpu.vector_load %arg13[%swap3A_1350, %swap3A_1351] {strides = array<i32>} : memref<128x64xf32, #tpu.memory_space<vmem>>, vector<16xf32>,
    tpu.vector_store %arg13[%swap3A_1350, %swap3A_1351], %broadcast_in_dim3A_41 {strides = array<i32>} : memref<128x64xf32, #tpu.memory_space<vmem>>, vector<16xf32>,
    %swap3A_1353 = arith.constant 82 : i32
    %swap3A_1354 = arith.index_cast %swap3A_1353 : i32 to index
    %swap3A_1355 = arith.constant 0 : index
    %swap3A_1356 = tpu.vector_load %arg13[%swap3A_1354, %swap3A_1355] {strides = array<i32>} : memref<128x64xf32, #tpu.memory_space<vmem>>, vector<16xf32>,
    tpu.vector_store %arg13[%swap3A_1354, %swap3A_1355], %broadcast_in_dim3A_41 {strides = array<i32>} : memref<128x64xf32, #tpu.memory_space<vmem>>, vector<16xf32>,
    %swap3A_1357 = arith.constant 82 : i32
    %swap3A_1358 = arith.index_cast %swap3A_1357 : i32 to index
    %swap3A_1359 = arith.constant 16 : index
    %swap3A_1360 = tpu.vector_load %arg13[%swap3A_1358, %swap3A_1359] {strides = array<i32>} : memref<128x64xf32, #tpu.memory_space<vmem>>, vector<16xf32>,
    tpu.vector_store %arg13[%swap3A_1358, %swap3A_1359], %broadcast_in_dim3A_41 {strides = array<i32>} : memref<128x64xf32, #tpu.memory_space<vmem>>, vector<16xf32>,
    %swap3A_1361 = arith.constant 82 : i32
    %swap3A_1362 = arith.index_cast %swap3A_1361 : i32 to index
    %swap3A_1363 = arith.constant 32 : index
    %swap3A_1364 = tpu.vector_load %arg13[%swap3A_1362, %swap3A_1363] {strides = array<i32>} : memref<128x64xf32, #tpu.memory_space<vmem>>, vector<16xf32>,
    tpu.vector_store %arg13[%swap3A_1362, %swap3A_1363], %broadcast_in_dim3A_41 {strides = array<i32>} : memref<128x64xf32, #tpu.memory_space<vmem>>, vector<16xf32>,
    %swap3A_1365 = arith.constant 82 : i32
    %swap3A_1366 = arith.index_cast %swap3A_1365 : i32 to index
    %swap3A_1367 = arith.constant 48 : index
    %swap3A_1368 = tpu.vector_load %arg13[%swap3A_1366, %swap3A_1367] {strides = array<i32>} : memref<128x64xf32, #tpu.memory_space<vmem>>, vector<16xf32>,
    tpu.vector_store %arg13[%swap3A_1366, %swap3A_1367], %broadcast_in_dim3A_41 {strides = array<i32>} : memref<128x64xf32, #tpu.memory_space<vmem>>, vector<16xf32>,
    %swap3A_1369 = arith.constant 83 : i32
    %swap3A_1370 = arith.index_cast %swap3A_1369 : i32 to index
    %swap3A_1371 = arith.constant 0 : index
    %swap3A_1372 = tpu.vector_load %arg13[%swap3A_1370, %swap3A_1371] {strides = array<i32>} : memref<128x64xf32, #tpu.memory_space<vmem>>, vector<16xf32>,
    tpu.vector_store %arg13[%swap3A_1370, %swap3A_1371], %broadcast_in_dim3A_41 {strides = array<i32>} : memref<128x64xf32, #tpu.memory_space<vmem>>, vector<16xf32>,
    %swap3A_1373 = arith.constant 83 : i32
    %swap3A_1374 = arith.index_cast %swap3A_1373 : i32 to index
    %swap3A_1375 = arith.constant 16 : index
    %swap3A_1376 = tpu.vector_load %arg13[%swap3A_1374, %swap3A_1375] {strides = array<i32>} : memref<128x64xf32, #tpu.memory_space<vmem>>, vector<16xf32>,
    tpu.vector_store %arg13[%swap3A_1374, %swap3A_1375], %broadcast_in_dim3A_41 {strides = array<i32>} : memref<128x64xf32, #tpu.memory_space<vmem>>, vector<16xf32>,
    %swap3A_1377 = arith.constant 83 : i32
    %swap3A_1378 = arith.index_cast %swap3A_1377 : i32 to index
    %swap3A_1379 = arith.constant 32 : index
    %swap3A_1380 = tpu.vector_load %arg13[%swap3A_1378, %swap3A_1379] {strides = array<i32>} : memref<128x64xf32, #tpu.memory_space<vmem>>, vector<16xf32>,
    tpu.vector_store %arg13[%swap3A_1378, %swap3A_1379], %broadcast_in_dim3A_41 {strides = array<i32>} : memref<128x64xf32, #tpu.memory_space<vmem>>, vector<16xf32>,
    %swap3A_1381 = arith.constant 83 : i32
    %swap3A_1382 = arith.index_cast %swap3A_1381 : i32 to index
    %swap3A_1383 = arith.constant 48 : index
    %swap3A_1384 = tpu.vector_load %arg13[%swap3A_1382, %swap3A_1383] {strides = array<i32>} : memref<128x64xf32, #tpu.memory_space<vmem>>, vector<16xf32>,
    tpu.vector_store %arg13[%swap3A_1382, %swap3A_1383], %broadcast_in_dim3A_41 {strides = array<i32>} : memref<128x64xf32, #tpu.memory_space<vmem>>, vector<16xf32>,
    %swap3A_1385 = arith.constant 84 : i32
    %swap3A_1386 = arith.index_cast %swap3A_1385 : i32 to index
    %swap3A_1387 = arith.constant 0 : index
    %swap3A_1388 = tpu.vector_load %arg13[%swap3A_1386, %swap3A_1387] {strides = array<i32>} : memref<128x64xf32, #tpu.memory_space<vmem>>, vector<16xf32>,
    tpu.vector_store %arg13[%swap3A_1386, %swap3A_1387], %broadcast_in_dim3A_41 {strides = array<i32>} : memref<128x64xf32, #tpu.memory_space<vmem>>, vector<16xf32>,
    %swap3A_1389 = arith.constant 84 : i32
    %swap3A_1390 = arith.index_cast %swap3A_1389 : i32 to index
    %swap3A_1391 = arith.constant 16 : index
    %swap3A_1392 = tpu.vector_load %arg13[%swap3A_1390, %swap3A_1391] {strides = array<i32>} : memref<128x64xf32, #tpu.memory_space<vmem>>, vector<16xf32>,
    tpu.vector_store %arg13[%swap3A_1390, %swap3A_1391], %broadcast_in_dim3A_41 {strides = array<i32>} : memref<128x64xf32, #tpu.memory_space<vmem>>, vector<16xf32>,
    %swap3A_1393 = arith.constant 84 : i32
    %swap3A_1394 = arith.index_cast %swap3A_1393 : i32 to index
    %swap3A_1395 = arith.constant 32 : index
    %swap3A_1396 = tpu.vector_load %arg13[%swap3A_1394, %swap3A_1395] {strides = array<i32>} : memref<128x64xf32, #tpu.memory_space<vmem>>, vector<16xf32>,
    tpu.vector_store %arg13[%swap3A_1394, %swap3A_1395], %broadcast_in_dim3A_41 {strides = array<i32>} : memref<128x64xf32, #tpu.memory_space<vmem>>, vector<16xf32>,
    %swap3A_1397 = arith.constant 84 : i32
    %swap3A_1398 = arith.index_cast %swap3A_1397 : i32 to index
    %swap3A_1399 = arith.constant 48 : index
    %swap3A_1400 = tpu.vector_load %arg13[%swap3A_1398, %swap3A_1399] {strides = array<i32>} : memref<128x64xf32, #tpu.memory_space<vmem>>, vector<16xf32>,
    tpu.vector_store %arg13[%swap3A_1398, %swap3A_1399], %broadcast_in_dim3A_41 {strides = array<i32>} : memref<128x64xf32, #tpu.memory_space<vmem>>, vector<16xf32>,
    %swap3A_1401 = arith.constant 85 : i32
    %swap3A_1402 = arith.index_cast %swap3A_1401 : i32 to index
    %swap3A_1403 = arith.constant 0 : index
    %swap3A_1404 = tpu.vector_load %arg13[%swap3A_1402, %swap3A_1403] {strides = array<i32>} : memref<128x64xf32, #tpu.memory_space<vmem>>, vector<16xf32>,
    tpu.vector_store %arg13[%swap3A_1402, %swap3A_1403], %broadcast_in_dim3A_41 {strides = array<i32>} : memref<128x64xf32, #tpu.memory_space<vmem>>, vector<16xf32>,
    %swap3A_1405 = arith.constant 85 : i32
    %swap3A_1406 = arith.index_cast %swap3A_1405 : i32 to index
    %swap3A_1407 = arith.constant 16 : index
    %swap3A_1408 = tpu.vector_load %arg13[%swap3A_1406, %swap3A_1407] {strides = array<i32>} : memref<128x64xf32, #tpu.memory_space<vmem>>, vector<16xf32>,
    tpu.vector_store %arg13[%swap3A_1406, %swap3A_1407], %broadcast_in_dim3A_41 {strides = array<i32>} : memref<128x64xf32, #tpu.memory_space<vmem>>, vector<16xf32>,
    %swap3A_1409 = arith.constant 85 : i32
    %swap3A_1410 = arith.index_cast %swap3A_1409 : i32 to index
    %swap3A_1411 = arith.constant 32 : index
    %swap3A_1412 = tpu.vector_load %arg13[%swap3A_1410, %swap3A_1411] {strides = array<i32>} : memref<128x64xf32, #tpu.memory_space<vmem>>, vector<16xf32>,
    tpu.vector_store %arg13[%swap3A_1410, %swap3A_1411], %broadcast_in_dim3A_41 {strides = array<i32>} : memref<128x64xf32, #tpu.memory_space<vmem>>, vector<16xf32>,
    %swap3A_1413 = arith.constant 85 : i32
    %swap3A_1414 = arith.index_cast %swap3A_1413 : i32 to index
    %swap3A_1415 = arith.constant 48 : index
    %swap3A_1416 = tpu.vector_load %arg13[%swap3A_1414, %swap3A_1415] {strides = array<i32>} : memref<128x64xf32, #tpu.memory_space<vmem>>, vector<16xf32>,
    tpu.vector_store %arg13[%swap3A_1414, %swap3A_1415], %broadcast_in_dim3A_41 {strides = array<i32>} : memref<128x64xf32, #tpu.memory_space<vmem>>, vector<16xf32>,
    %swap3A_1417 = arith.constant 86 : i32
    %swap3A_1418 = arith.index_cast %swap3A_1417 : i32 to index
    %swap3A_1419 = arith.constant 0 : index
    %swap3A_1420 = tpu.vector_load %arg13[%swap3A_1418, %swap3A_1419] {strides = array<i32>} : memref<128x64xf32, #tpu.memory_space<vmem>>, vector<16xf32>,
    tpu.vector_store %arg13[%swap3A_1418, %swap3A_1419], %broadcast_in_dim3A_41 {strides = array<i32>} : memref<128x64xf32, #tpu.memory_space<vmem>>, vector<16xf32>,
    %swap3A_1421 = arith.constant 86 : i32
    %swap3A_1422 = arith.index_cast %swap3A_1421 : i32 to index
    %swap3A_1423 = arith.constant 16 : index
    %swap3A_1424 = tpu.vector_load %arg13[%swap3A_1422, %swap3A_1423] {strides = array<i32>} : memref<128x64xf32, #tpu.memory_space<vmem>>, vector<16xf32>,
    tpu.vector_store %arg13[%swap3A_1422, %swap3A_1423], %broadcast_in_dim3A_41 {strides = array<i32>} : memref<128x64xf32, #tpu.memory_space<vmem>>, vector<16xf32>,
    %swap3A_1425 = arith.constant 86 : i32
    %swap3A_1426 = arith.index_cast %swap3A_1425 : i32 to index
    %swap3A_1427 = arith.constant 32 : index
    %swap3A_1428 = tpu.vector_load %arg13[%swap3A_1426, %swap3A_1427] {strides = array<i32>} : memref<128x64xf32, #tpu.memory_space<vmem>>, vector<16xf32>,
    tpu.vector_store %arg13[%swap3A_1426, %swap3A_1427], %broadcast_in_dim3A_41 {strides = array<i32>} : memref<128x64xf32, #tpu.memory_space<vmem>>, vector<16xf32>,
    %swap3A_1429 = arith.constant 86 : i32
    %swap3A_1430 = arith.index_cast %swap3A_1429 : i32 to index
    %swap3A_1431 = arith.constant 48 : index
    %swap3A_1432 = tpu.vector_load %arg13[%swap3A_1430, %swap3A_1431] {strides = array<i32>} : memref<128x64xf32, #tpu.memory_space<vmem>>, vector<16xf32>,
    tpu.vector_store %arg13[%swap3A_1430, %swap3A_1431], %broadcast_in_dim3A_41 {strides = array<i32>} : memref<128x64xf32, #tpu.memory_space<vmem>>, vector<16xf32>,
    %swap3A_1433 = arith.constant 87 : i32
    %swap3A_1434 = arith.index_cast %swap3A_1433 : i32 to index
    %swap3A_1435 = arith.constant 0 : index
    %swap3A_1436 = tpu.vector_load %arg13[%swap3A_1434, %swap3A_1435] {strides = array<i32>} : memref<128x64xf32, #tpu.memory_space<vmem>>, vector<16xf32>,
    tpu.vector_store %arg13[%swap3A_1434, %swap3A_1435], %broadcast_in_dim3A_41 {strides = array<i32>} : memref<128x64xf32, #tpu.memory_space<vmem>>, vector<16xf32>,
    %swap3A_1437 = arith.constant 87 : i32
    %swap3A_1438 = arith.index_cast %swap3A_1437 : i32 to index
    %swap3A_1439 = arith.constant 16 : index
    %swap3A_1440 = tpu.vector_load %arg13[%swap3A_1438, %swap3A_1439] {strides = array<i32>} : memref<128x64xf32, #tpu.memory_space<vmem>>, vector<16xf32>,
    tpu.vector_store %arg13[%swap3A_1438, %swap3A_1439], %broadcast_in_dim3A_41 {strides = array<i32>} : memref<128x64xf32, #tpu.memory_space<vmem>>, vector<16xf32>,
    %swap3A_1441 = arith.constant 87 : i32
    %swap3A_1442 = arith.index_cast %swap3A_1441 : i32 to index
    %swap3A_1443 = arith.constant 32 : index
    %swap3A_1444 = tpu.vector_load %arg13[%swap3A_1442, %swap3A_1443] {strides = array<i32>} : memref<128x64xf32, #tpu.memory_space<vmem>>, vector<16xf32>,
    tpu.vector_store %arg13[%swap3A_1442, %swap3A_1443], %broadcast_in_dim3A_41 {strides = array<i32>} : memref<128x64xf32, #tpu.memory_space<vmem>>, vector<16xf32>,
    %swap3A_1445 = arith.constant 87 : i32
    %swap3A_1446 = arith.index_cast %swap3A_1445 : i32 to index
    %swap3A_1447 = arith.constant 48 : index
    %swap3A_1448 = tpu.vector_load %arg13[%swap3A_1446, %swap3A_1447] {strides = array<i32>} : memref<128x64xf32, #tpu.memory_space<vmem>>, vector<16xf32>,
    tpu.vector_store %arg13[%swap3A_1446, %swap3A_1447], %broadcast_in_dim3A_41 {strides = array<i32>} : memref<128x64xf32, #tpu.memory_space<vmem>>, vector<16xf32>,
    %swap3A_1449 = arith.constant 88 : i32
    %swap3A_1450 = arith.index_cast %swap3A_1449 : i32 to index
    %swap3A_1451 = arith.constant 0 : index
    %swap3A_1452 = tpu.vector_load %arg13[%swap3A_1450, %swap3A_1451] {strides = array<i32>} : memref<128x64xf32, #tpu.memory_space<vmem>>, vector<16xf32>,
    tpu.vector_store %arg13[%swap3A_1450, %swap3A_1451], %broadcast_in_dim3A_41 {strides = array<i32>} : memref<128x64xf32, #tpu.memory_space<vmem>>, vector<16xf32>,
    %swap3A_1453 = arith.constant 88 : i32
    %swap3A_1454 = arith.index_cast %swap3A_1453 : i32 to index
    %swap3A_1455 = arith.constant 16 : index
    %swap3A_1456 = tpu.vector_load %arg13[%swap3A_1454, %swap3A_1455] {strides = array<i32>} : memref<128x64xf32, #tpu.memory_space<vmem>>, vector<16xf32>,
    tpu.vector_store %arg13[%swap3A_1454, %swap3A_1455], %broadcast_in_dim3A_41 {strides = array<i32>} : memref<128x64xf32, #tpu.memory_space<vmem>>, vector<16xf32>,
    %swap3A_1457 = arith.constant 88 : i32
    %swap3A_1458 = arith.index_cast %swap3A_1457 : i32 to index
    %swap3A_1459 = arith.constant 32 : index
    %swap3A_1460 = tpu.vector_load %arg13[%swap3A_1458, %swap3A_1459] {strides = array<i32>} : memref<128x64xf32, #tpu.memory_space<vmem>>, vector<16xf32>,
    tpu.vector_store %arg13[%swap3A_1458, %swap3A_1459], %broadcast_in_dim3A_41 {strides = array<i32>} : memref<128x64xf32, #tpu.memory_space<vmem>>, vector<16xf32>,
    %swap3A_1461 = arith.constant 88 : i32
    %swap3A_1462 = arith.index_cast %swap3A_1461 : i32 to index
    %swap3A_1463 = arith.constant 48 : index
    %swap3A_1464 = tpu.vector_load %arg13[%swap3A_1462, %swap3A_1463] {strides = array<i32>} : memref<128x64xf32, #tpu.memory_space<vmem>>, vector<16xf32>,
    tpu.vector_store %arg13[%swap3A_1462, %swap3A_1463], %broadcast_in_dim3A_41 {strides = array<i32>} : memref<128x64xf32, #tpu.memory_space<vmem>>, vector<16xf32>,
    %swap3A_1465 = arith.constant 89 : i32
    %swap3A_1466 = arith.index_cast %swap3A_1465 : i32 to index
    %swap3A_1467 = arith.constant 0 : index
    %swap3A_1468 = tpu.vector_load %arg13[%swap3A_1466, %swap3A_1467] {strides = array<i32>} : memref<128x64xf32, #tpu.memory_space<vmem>>, vector<16xf32>,
    tpu.vector_store %arg13[%swap3A_1466, %swap3A_1467], %broadcast_in_dim3A_41 {strides = array<i32>} : memref<128x64xf32, #tpu.memory_space<vmem>>, vector<16xf32>,
    %swap3A_1469 = arith.constant 89 : i32
    %swap3A_1470 = arith.index_cast %swap3A_1469 : i32 to index
    %swap3A_1471 = arith.constant 16 : index
    %swap3A_1472 = tpu.vector_load %arg13[%swap3A_1470, %swap3A_1471] {strides = array<i32>} : memref<128x64xf32, #tpu.memory_space<vmem>>, vector<16xf32>,
    tpu.vector_store %arg13[%swap3A_1470, %swap3A_1471], %broadcast_in_dim3A_41 {strides = array<i32>} : memref<128x64xf32, #tpu.memory_space<vmem>>, vector<16xf32>,
    %swap3A_1473 = arith.constant 89 : i32
    %swap3A_1474 = arith.index_cast %swap3A_1473 : i32 to index
    %swap3A_1475 = arith.constant 32 : index
    %swap3A_1476 = tpu.vector_load %arg13[%swap3A_1474, %swap3A_1475] {strides = array<i32>} : memref<128x64xf32, #tpu.memory_space<vmem>>, vector<16xf32>,
    tpu.vector_store %arg13[%swap3A_1474, %swap3A_1475], %broadcast_in_dim3A_41 {strides = array<i32>} : memref<128x64xf32, #tpu.memory_space<vmem>>, vector<16xf32>,
    %swap3A_1477 = arith.constant 89 : i32
    %swap3A_1478 = arith.index_cast %swap3A_1477 : i32 to index
    %swap3A_1479 = arith.constant 48 : index
    %swap3A_1480 = tpu.vector_load %arg13[%swap3A_1478, %swap3A_1479] {strides = array<i32>} : memref<128x64xf32, #tpu.memory_space<vmem>>, vector<16xf32>,
    tpu.vector_store %arg13[%swap3A_1478, %swap3A_1479], %broadcast_in_dim3A_41 {strides = array<i32>} : memref<128x64xf32, #tpu.memory_space<vmem>>, vector<16xf32>,
    %swap3A_1481 = arith.constant 90 : i32
    %swap3A_1482 = arith.index_cast %swap3A_1481 : i32 to index
    %swap3A_1483 = arith.constant 0 : index
    %swap3A_1484 = tpu.vector_load %arg13[%swap3A_1482, %swap3A_1483] {strides = array<i32>} : memref<128x64xf32, #tpu.memory_space<vmem>>, vector<16xf32>,
    tpu.vector_store %arg13[%swap3A_1482, %swap3A_1483], %broadcast_in_dim3A_41 {strides = array<i32>} : memref<128x64xf32, #tpu.memory_space<vmem>>, vector<16xf32>,
    %swap3A_1485 = arith.constant 90 : i32
    %swap3A_1486 = arith.index_cast %swap3A_1485 : i32 to index
    %swap3A_1487 = arith.constant 16 : index
    %swap3A_1488 = tpu.vector_load %arg13[%swap3A_1486, %swap3A_1487] {strides = array<i32>} : memref<128x64xf32, #tpu.memory_space<vmem>>, vector<16xf32>,
    tpu.vector_store %arg13[%swap3A_1486, %swap3A_1487], %broadcast_in_dim3A_41 {strides = array<i32>} : memref<128x64xf32, #tpu.memory_space<vmem>>, vector<16xf32>,
    %swap3A_1489 = arith.constant 90 : i32
    %swap3A_1490 = arith.index_cast %swap3A_1489 : i32 to index
    %swap3A_1491 = arith.constant 32 : index
    %swap3A_1492 = tpu.vector_load %arg13[%swap3A_1490, %swap3A_1491] {strides = array<i32>} : memref<128x64xf32, #tpu.memory_space<vmem>>, vector<16xf32>,
    tpu.vector_store %arg13[%swap3A_1490, %swap3A_1491], %broadcast_in_dim3A_41 {strides = array<i32>} : memref<128x64xf32, #tpu.memory_space<vmem>>, vector<16xf32>,
    %swap3A_1493 = arith.constant 90 : i32
    %swap3A_1494 = arith.index_cast %swap3A_1493 : i32 to index
    %swap3A_1495 = arith.constant 48 : index
    %swap3A_1496 = tpu.vector_load %arg13[%swap3A_1494, %swap3A_1495] {strides = array<i32>} : memref<128x64xf32, #tpu.memory_space<vmem>>, vector<16xf32>,
    tpu.vector_store %arg13[%swap3A_1494, %swap3A_1495], %broadcast_in_dim3A_41 {strides = array<i32>} : memref<128x64xf32, #tpu.memory_space<vmem>>, vector<16xf32>,
    %swap3A_1497 = arith.constant 91 : i32
    %swap3A_1498 = arith.index_cast %swap3A_1497 : i32 to index
    %swap3A_1499 = arith.constant 0 : index
    %swap3A_1500 = tpu.vector_load %arg13[%swap3A_1498, %swap3A_1499] {strides = array<i32>} : memref<128x64xf32, #tpu.memory_space<vmem>>, vector<16xf32>,
    tpu.vector_store %arg13[%swap3A_1498, %swap3A_1499], %broadcast_in_dim3A_41 {strides = array<i32>} : memref<128x64xf32, #tpu.memory_space<vmem>>, vector<16xf32>,
    %swap3A_1501 = arith.constant 91 : i32
    %swap3A_1502 = arith.index_cast %swap3A_1501 : i32 to index
    %swap3A_1503 = arith.constant 16 : index
    %swap3A_1504 = tpu.vector_load %arg13[%swap3A_1502, %swap3A_1503] {strides = array<i32>} : memref<128x64xf32, #tpu.memory_space<vmem>>, vector<16xf32>,
    tpu.vector_store %arg13[%swap3A_1502, %swap3A_1503], %broadcast_in_dim3A_41 {strides = array<i32>} : memref<128x64xf32, #tpu.memory_space<vmem>>, vector<16xf32>,
    %swap3A_1505 = arith.constant 91 : i32
    %swap3A_1506 = arith.index_cast %swap3A_1505 : i32 to index
    %swap3A_1507 = arith.constant 32 : index
    %swap3A_1508 = tpu.vector_load %arg13[%swap3A_1506, %swap3A_1507] {strides = array<i32>} : memref<128x64xf32, #tpu.memory_space<vmem>>, vector<16xf32>,
    tpu.vector_store %arg13[%swap3A_1506, %swap3A_1507], %broadcast_in_dim3A_41 {strides = array<i32>} : memref<128x64xf32, #tpu.memory_space<vmem>>, vector<16xf32>,
    %swap3A_1509 = arith.constant 91 : i32
    %swap3A_1510 = arith.index_cast %swap3A_1509 : i32 to index
    %swap3A_1511 = arith.constant 48 : index
    %swap3A_1512 = tpu.vector_load %arg13[%swap3A_1510, %swap3A_1511] {strides = array<i32>} : memref<128x64xf32, #tpu.memory_space<vmem>>, vector<16xf32>,
    tpu.vector_store %arg13[%swap3A_1510, %swap3A_1511], %broadcast_in_dim3A_41 {strides = array<i32>} : memref<128x64xf32, #tpu.memory_space<vmem>>, vector<16xf32>,
    %swap3A_1513 = arith.constant 92 : i32
    %swap3A_1514 = arith.index_cast %swap3A_1513 : i32 to index
    %swap3A_1515 = arith.constant 0 : index
    %swap3A_1516 = tpu.vector_load %arg13[%swap3A_1514, %swap3A_1515] {strides = array<i32>} : memref<128x64xf32, #tpu.memory_space<vmem>>, vector<16xf32>,
    tpu.vector_store %arg13[%swap3A_1514, %swap3A_1515], %broadcast_in_dim3A_41 {strides = array<i32>} : memref<128x64xf32, #tpu.memory_space<vmem>>, vector<16xf32>,
    %swap3A_1517 = arith.constant 92 : i32
    %swap3A_1518 = arith.index_cast %swap3A_1517 : i32 to index
    %swap3A_1519 = arith.constant 16 : index
    %swap3A_1520 = tpu.vector_load %arg13[%swap3A_1518, %swap3A_1519] {strides = array<i32>} : memref<128x64xf32, #tpu.memory_space<vmem>>, vector<16xf32>,
    tpu.vector_store %arg13[%swap3A_1518, %swap3A_1519], %broadcast_in_dim3A_41 {strides = array<i32>} : memref<128x64xf32, #tpu.memory_space<vmem>>, vector<16xf32>,
    %swap3A_1521 = arith.constant 92 : i32
    %swap3A_1522 = arith.index_cast %swap3A_1521 : i32 to index
    %swap3A_1523 = arith.constant 32 : index
    %swap3A_1524 = tpu.vector_load %arg13[%swap3A_1522, %swap3A_1523] {strides = array<i32>} : memref<128x64xf32, #tpu.memory_space<vmem>>, vector<16xf32>,
    tpu.vector_store %arg13[%swap3A_1522, %swap3A_1523], %broadcast_in_dim3A_41 {strides = array<i32>} : memref<128x64xf32, #tpu.memory_space<vmem>>, vector<16xf32>,
    %swap3A_1525 = arith.constant 92 : i32
    %swap3A_1526 = arith.index_cast %swap3A_1525 : i32 to index
    %swap3A_1527 = arith.constant 48 : index
    %swap3A_1528 = tpu.vector_load %arg13[%swap3A_1526, %swap3A_1527] {strides = array<i32>} : memref<128x64xf32, #tpu.memory_space<vmem>>, vector<16xf32>,
    tpu.vector_store %arg13[%swap3A_1526, %swap3A_1527], %broadcast_in_dim3A_41 {strides = array<i32>} : memref<128x64xf32, #tpu.memory_space<vmem>>, vector<16xf32>,
    %swap3A_1529 = arith.constant 93 : i32
    %swap3A_1530 = arith.index_cast %swap3A_1529 : i32 to index
    %swap3A_1531 = arith.constant 0 : index
    %swap3A_1532 = tpu.vector_load %arg13[%swap3A_1530, %swap3A_1531] {strides = array<i32>} : memref<128x64xf32, #tpu.memory_space<vmem>>, vector<16xf32>,
    tpu.vector_store %arg13[%swap3A_1530, %swap3A_1531], %broadcast_in_dim3A_41 {strides = array<i32>} : memref<128x64xf32, #tpu.memory_space<vmem>>, vector<16xf32>,
    %swap3A_1533 = arith.constant 93 : i32
    %swap3A_1534 = arith.index_cast %swap3A_1533 : i32 to index
    %swap3A_1535 = arith.constant 16 : index
    %swap3A_1536 = tpu.vector_load %arg13[%swap3A_1534, %swap3A_1535] {strides = array<i32>} : memref<128x64xf32, #tpu.memory_space<vmem>>, vector<16xf32>,
    tpu.vector_store %arg13[%swap3A_1534, %swap3A_1535], %broadcast_in_dim3A_41 {strides = array<i32>} : memref<128x64xf32, #tpu.memory_space<vmem>>, vector<16xf32>,
    %swap3A_1537 = arith.constant 93 : i32
    %swap3A_1538 = arith.index_cast %swap3A_1537 : i32 to index
    %swap3A_1539 = arith.constant 32 : index
    %swap3A_1540 = tpu.vector_load %arg13[%swap3A_1538, %swap3A_1539] {strides = array<i32>} : memref<128x64xf32, #tpu.memory_space<vmem>>, vector<16xf32>,
    tpu.vector_store %arg13[%swap3A_1538, %swap3A_1539], %broadcast_in_dim3A_41 {strides = array<i32>} : memref<128x64xf32, #tpu.memory_space<vmem>>, vector<16xf32>,
    %swap3A_1541 = arith.constant 93 : i32
    %swap3A_1542 = arith.index_cast %swap3A_1541 : i32 to index
    %swap3A_1543 = arith.constant 48 : index
    %swap3A_1544 = tpu.vector_load %arg13[%swap3A_1542, %swap3A_1543] {strides = array<i32>} : memref<128x64xf32, #tpu.memory_space<vmem>>, vector<16xf32>,
    tpu.vector_store %arg13[%swap3A_1542, %swap3A_1543], %broadcast_in_dim3A_41 {strides = array<i32>} : memref<128x64xf32, #tpu.memory_space<vmem>>, vector<16xf32>,
    %swap3A_1545 = arith.constant 94 : i32
    %swap3A_1546 = arith.index_cast %swap3A_1545 : i32 to index
    %swap3A_1547 = arith.constant 0 : index
    %swap3A_1548 = tpu.vector_load %arg13[%swap3A_1546, %swap3A_1547] {strides = array<i32>} : memref<128x64xf32, #tpu.memory_space<vmem>>, vector<16xf32>,
    tpu.vector_store %arg13[%swap3A_1546, %swap3A_1547], %broadcast_in_dim3A_41 {strides = array<i32>} : memref<128x64xf32, #tpu.memory_space<vmem>>, vector<16xf32>,
    %swap3A_1549 = arith.constant 94 : i32
    %swap3A_1550 = arith.index_cast %swap3A_1549 : i32 to index
    %swap3A_1551 = arith.constant 16 : index
    %swap3A_1552 = tpu.vector_load %arg13[%swap3A_1550, %swap3A_1551] {strides = array<i32>} : memref<128x64xf32, #tpu.memory_space<vmem>>, vector<16xf32>,
    tpu.vector_store %arg13[%swap3A_1550, %swap3A_1551], %broadcast_in_dim3A_41 {strides = array<i32>} : memref<128x64xf32, #tpu.memory_space<vmem>>, vector<16xf32>,
    %swap3A_1553 = arith.constant 94 : i32
    %swap3A_1554 = arith.index_cast %swap3A_1553 : i32 to index
    %swap3A_1555 = arith.constant 32 : index
    %swap3A_1556 = tpu.vector_load %arg13[%swap3A_1554, %swap3A_1555] {strides = array<i32>} : memref<128x64xf32, #tpu.memory_space<vmem>>, vector<16xf32>,
    tpu.vector_store %arg13[%swap3A_1554, %swap3A_1555], %broadcast_in_dim3A_41 {strides = array<i32>} : memref<128x64xf32, #tpu.memory_space<vmem>>, vector<16xf32>,
    %swap3A_1557 = arith.constant 94 : i32
    %swap3A_1558 = arith.index_cast %swap3A_1557 : i32 to index
    %swap3A_1559 = arith.constant 48 : index
    %swap3A_1560 = tpu.vector_load %arg13[%swap3A_1558, %swap3A_1559] {strides = array<i32>} : memref<128x64xf32, #tpu.memory_space<vmem>>, vector<16xf32>,
    tpu.vector_store %arg13[%swap3A_1558, %swap3A_1559], %broadcast_in_dim3A_41 {strides = array<i32>} : memref<128x64xf32, #tpu.memory_space<vmem>>, vector<16xf32>,
    %swap3A_1561 = arith.constant 95 : i32
    %swap3A_1562 = arith.index_cast %swap3A_1561 : i32 to index
    %swap3A_1563 = arith.constant 0 : index
    %swap3A_1564 = tpu.vector_load %arg13[%swap3A_1562, %swap3A_1563] {strides = array<i32>} : memref<128x64xf32, #tpu.memory_space<vmem>>, vector<16xf32>,
    tpu.vector_store %arg13[%swap3A_1562, %swap3A_1563], %broadcast_in_dim3A_41 {strides = array<i32>} : memref<128x64xf32, #tpu.memory_space<vmem>>, vector<16xf32>,
    %swap3A_1565 = arith.constant 95 : i32
    %swap3A_1566 = arith.index_cast %swap3A_1565 : i32 to index
    %swap3A_1567 = arith.constant 16 : index
    %swap3A_1568 = tpu.vector_load %arg13[%swap3A_1566, %swap3A_1567] {strides = array<i32>} : memref<128x64xf32, #tpu.memory_space<vmem>>, vector<16xf32>,
    tpu.vector_store %arg13[%swap3A_1566, %swap3A_1567], %broadcast_in_dim3A_41 {strides = array<i32>} : memref<128x64xf32, #tpu.memory_space<vmem>>, vector<16xf32>,
    %swap3A_1569 = arith.constant 95 : i32
    %swap3A_1570 = arith.index_cast %swap3A_1569 : i32 to index
    %swap3A_1571 = arith.constant 32 : index
    %swap3A_1572 = tpu.vector_load %arg13[%swap3A_1570, %swap3A_1571] {strides = array<i32>} : memref<128x64xf32, #tpu.memory_space<vmem>>, vector<16xf32>,
    tpu.vector_store %arg13[%swap3A_1570, %swap3A_1571], %broadcast_in_dim3A_41 {strides = array<i32>} : memref<128x64xf32, #tpu.memory_space<vmem>>, vector<16xf32>,
    %swap3A_1573 = arith.constant 95 : i32
    %swap3A_1574 = arith.index_cast %swap3A_1573 : i32 to index
    %swap3A_1575 = arith.constant 48 : index
    %swap3A_1576 = tpu.vector_load %arg13[%swap3A_1574, %swap3A_1575] {strides = array<i32>} : memref<128x64xf32, #tpu.memory_space<vmem>>, vector<16xf32>,
    tpu.vector_store %arg13[%swap3A_1574, %swap3A_1575], %broadcast_in_dim3A_41 {strides = array<i32>} : memref<128x64xf32, #tpu.memory_space<vmem>>, vector<16xf32>,
    %swap3A_1577 = arith.constant 96 : i32
    %swap3A_1578 = arith.index_cast %swap3A_1577 : i32 to index
    %swap3A_1579 = arith.constant 0 : index
    %swap3A_1580 = tpu.vector_load %arg13[%swap3A_1578, %swap3A_1579] {strides = array<i32>} : memref<128x64xf32, #tpu.memory_space<vmem>>, vector<16xf32>,
    tpu.vector_store %arg13[%swap3A_1578, %swap3A_1579], %broadcast_in_dim3A_41 {strides = array<i32>} : memref<128x64xf32, #tpu.memory_space<vmem>>, vector<16xf32>,
    %swap3A_1581 = arith.constant 96 : i32
    %swap3A_1582 = arith.index_cast %swap3A_1581 : i32 to index
    %swap3A_1583 = arith.constant 16 : index
    %swap3A_1584 = tpu.vector_load %arg13[%swap3A_1582, %swap3A_1583] {strides = array<i32>} : memref<128x64xf32, #tpu.memory_space<vmem>>, vector<16xf32>,
    tpu.vector_store %arg13[%swap3A_1582, %swap3A_1583], %broadcast_in_dim3A_41 {strides = array<i32>} : memref<128x64xf32, #tpu.memory_space<vmem>>, vector<16xf32>,
    %swap3A_1585 = arith.constant 96 : i32
    %swap3A_1586 = arith.index_cast %swap3A_1585 : i32 to index
    %swap3A_1587 = arith.constant 32 : index
    %swap3A_1588 = tpu.vector_load %arg13[%swap3A_1586, %swap3A_1587] {strides = array<i32>} : memref<128x64xf32, #tpu.memory_space<vmem>>, vector<16xf32>,
    tpu.vector_store %arg13[%swap3A_1586, %swap3A_1587], %broadcast_in_dim3A_41 {strides = array<i32>} : memref<128x64xf32, #tpu.memory_space<vmem>>, vector<16xf32>,
    %swap3A_1589 = arith.constant 96 : i32
    %swap3A_1590 = arith.index_cast %swap3A_1589 : i32 to index
    %swap3A_1591 = arith.constant 48 : index
    %swap3A_1592 = tpu.vector_load %arg13[%swap3A_1590, %swap3A_1591] {strides = array<i32>} : memref<128x64xf32, #tpu.memory_space<vmem>>, vector<16xf32>,
    tpu.vector_store %arg13[%swap3A_1590, %swap3A_1591], %broadcast_in_dim3A_41 {strides = array<i32>} : memref<128x64xf32, #tpu.memory_space<vmem>>, vector<16xf32>,
    %swap3A_1593 = arith.constant 97 : i32
    %swap3A_1594 = arith.index_cast %swap3A_1593 : i32 to index
    %swap3A_1595 = arith.constant 0 : index
    %swap3A_1596 = tpu.vector_load %arg13[%swap3A_1594, %swap3A_1595] {strides = array<i32>} : memref<128x64xf32, #tpu.memory_space<vmem>>, vector<16xf32>,
    tpu.vector_store %arg13[%swap3A_1594, %swap3A_1595], %broadcast_in_dim3A_41 {strides = array<i32>} : memref<128x64xf32, #tpu.memory_space<vmem>>, vector<16xf32>,
    %swap3A_1597 = arith.constant 97 : i32
    %swap3A_1598 = arith.index_cast %swap3A_1597 : i32 to index
    %swap3A_1599 = arith.constant 16 : index
    %swap3A_1600 = tpu.vector_load %arg13[%swap3A_1598, %swap3A_1599] {strides = array<i32>} : memref<128x64xf32, #tpu.memory_space<vmem>>, vector<16xf32>,
    tpu.vector_store %arg13[%swap3A_1598, %swap3A_1599], %broadcast_in_dim3A_41 {strides = array<i32>} : memref<128x64xf32, #tpu.memory_space<vmem>>, vector<16xf32>,
    %swap3A_1601 = arith.constant 97 : i32
    %swap3A_1602 = arith.index_cast %swap3A_1601 : i32 to index
    %swap3A_1603 = arith.constant 32 : index
    %swap3A_1604 = tpu.vector_load %arg13[%swap3A_1602, %swap3A_1603] {strides = array<i32>} : memref<128x64xf32, #tpu.memory_space<vmem>>, vector<16xf32>,
    tpu.vector_store %arg13[%swap3A_1602, %swap3A_1603], %broadcast_in_dim3A_41 {strides = array<i32>} : memref<128x64xf32, #tpu.memory_space<vmem>>, vector<16xf32>,
    %swap3A_1605 = arith.constant 97 : i32
    %swap3A_1606 = arith.index_cast %swap3A_1605 : i32 to index
    %swap3A_1607 = arith.constant 48 : index
    %swap3A_1608 = tpu.vector_load %arg13[%swap3A_1606, %swap3A_1607] {strides = array<i32>} : memref<128x64xf32, #tpu.memory_space<vmem>>, vector<16xf32>,
    tpu.vector_store %arg13[%swap3A_1606, %swap3A_1607], %broadcast_in_dim3A_41 {strides = array<i32>} : memref<128x64xf32, #tpu.memory_space<vmem>>, vector<16xf32>,
    %swap3A_1609 = arith.constant 98 : i32
    %swap3A_1610 = arith.index_cast %swap3A_1609 : i32 to index
    %swap3A_1611 = arith.constant 0 : index
    %swap3A_1612 = tpu.vector_load %arg13[%swap3A_1610, %swap3A_1611] {strides = array<i32>} : memref<128x64xf32, #tpu.memory_space<vmem>>, vector<16xf32>,
    tpu.vector_store %arg13[%swap3A_1610, %swap3A_1611], %broadcast_in_dim3A_41 {strides = array<i32>} : memref<128x64xf32, #tpu.memory_space<vmem>>, vector<16xf32>,
    %swap3A_1613 = arith.constant 98 : i32
    %swap3A_1614 = arith.index_cast %swap3A_1613 : i32 to index
    %swap3A_1615 = arith.constant 16 : index
    %swap3A_1616 = tpu.vector_load %arg13[%swap3A_1614, %swap3A_1615] {strides = array<i32>} : memref<128x64xf32, #tpu.memory_space<vmem>>, vector<16xf32>,
    tpu.vector_store %arg13[%swap3A_1614, %swap3A_1615], %broadcast_in_dim3A_41 {strides = array<i32>} : memref<128x64xf32, #tpu.memory_space<vmem>>, vector<16xf32>,
    %swap3A_1617 = arith.constant 98 : i32
    %swap3A_1618 = arith.index_cast %swap3A_1617 : i32 to index
    %swap3A_1619 = arith.constant 32 : index
    %swap3A_1620 = tpu.vector_load %arg13[%swap3A_1618, %swap3A_1619] {strides = array<i32>} : memref<128x64xf32, #tpu.memory_space<vmem>>, vector<16xf32>,
    tpu.vector_store %arg13[%swap3A_1618, %swap3A_1619], %broadcast_in_dim3A_41 {strides = array<i32>} : memref<128x64xf32, #tpu.memory_space<vmem>>, vector<16xf32>,
    %swap3A_1621 = arith.constant 98 : i32
    %swap3A_1622 = arith.index_cast %swap3A_1621 : i32 to index
    %swap3A_1623 = arith.constant 48 : index
    %swap3A_1624 = tpu.vector_load %arg13[%swap3A_1622, %swap3A_1623] {strides = array<i32>} : memref<128x64xf32, #tpu.memory_space<vmem>>, vector<16xf32>,
    tpu.vector_store %arg13[%swap3A_1622, %swap3A_1623], %broadcast_in_dim3A_41 {strides = array<i32>} : memref<128x64xf32, #tpu.memory_space<vmem>>, vector<16xf32>,
    %swap3A_1625 = arith.constant 99 : i32
    %swap3A_1626 = arith.index_cast %swap3A_1625 : i32 to index
    %swap3A_1627 = arith.constant 0 : index
    %swap3A_1628 = tpu.vector_load %arg13[%swap3A_1626, %swap3A_1627] {strides = array<i32>} : memref<128x64xf32, #tpu.memory_space<vmem>>, vector<16xf32>,
    tpu.vector_store %arg13[%swap3A_1626, %swap3A_1627], %broadcast_in_dim3A_41 {strides = array<i32>} : memref<128x64xf32, #tpu.memory_space<vmem>>, vector<16xf32>,
    %swap3A_1629 = arith.constant 99 : i32
    %swap3A_1630 = arith.index_cast %swap3A_1629 : i32 to index
    %swap3A_1631 = arith.constant 16 : index
    %swap3A_1632 = tpu.vector_load %arg13[%swap3A_1630, %swap3A_1631] {strides = array<i32>} : memref<128x64xf32, #tpu.memory_space<vmem>>, vector<16xf32>,
    tpu.vector_store %arg13[%swap3A_1630, %swap3A_1631], %broadcast_in_dim3A_41 {strides = array<i32>} : memref<128x64xf32, #tpu.memory_space<vmem>>, vector<16xf32>,
    %swap3A_1633 = arith.constant 99 : i32
    %swap3A_1634 = arith.index_cast %swap3A_1633 : i32 to index
    %swap3A_1635 = arith.constant 32 : index
    %swap3A_1636 = tpu.vector_load %arg13[%swap3A_1634, %swap3A_1635] {strides = array<i32>} : memref<128x64xf32, #tpu.memory_space<vmem>>, vector<16xf32>,
    tpu.vector_store %arg13[%swap3A_1634, %swap3A_1635], %broadcast_in_dim3A_41 {strides = array<i32>} : memref<128x64xf32, #tpu.memory_space<vmem>>, vector<16xf32>,
    %swap3A_1637 = arith.constant 99 : i32
    %swap3A_1638 = arith.index_cast %swap3A_1637 : i32 to index
    %swap3A_1639 = arith.constant 48 : index
    %swap3A_1640 = tpu.vector_load %arg13[%swap3A_1638, %swap3A_1639] {strides = array<i32>} : memref<128x64xf32, #tpu.memory_space<vmem>>, vector<16xf32>,
    tpu.vector_store %arg13[%swap3A_1638, %swap3A_1639], %broadcast_in_dim3A_41 {strides = array<i32>} : memref<128x64xf32, #tpu.memory_space<vmem>>, vector<16xf32>,
    %swap3A_1641 = arith.constant 100 : i32
    %swap3A_1642 = arith.index_cast %swap3A_1641 : i32 to index
    %swap3A_1643 = arith.constant 0 : index
    %swap3A_1644 = tpu.vector_load %arg13[%swap3A_1642, %swap3A_1643] {strides = array<i32>} : memref<128x64xf32, #tpu.memory_space<vmem>>, vector<16xf32>,
    tpu.vector_store %arg13[%swap3A_1642, %swap3A_1643], %broadcast_in_dim3A_41 {strides = array<i32>} : memref<128x64xf32, #tpu.memory_space<vmem>>, vector<16xf32>,
    %swap3A_1645 = arith.constant 100 : i32
    %swap3A_1646 = arith.index_cast %swap3A_1645 : i32 to index
    %swap3A_1647 = arith.constant 16 : index
    %swap3A_1648 = tpu.vector_load %arg13[%swap3A_1646, %swap3A_1647] {strides = array<i32>} : memref<128x64xf32, #tpu.memory_space<vmem>>, vector<16xf32>,
    tpu.vector_store %arg13[%swap3A_1646, %swap3A_1647], %broadcast_in_dim3A_41 {strides = array<i32>} : memref<128x64xf32, #tpu.memory_space<vmem>>, vector<16xf32>,
    %swap3A_1649 = arith.constant 100 : i32
    %swap3A_1650 = arith.index_cast %swap3A_1649 : i32 to index
    %swap3A_1651 = arith.constant 32 : index
    %swap3A_1652 = tpu.vector_load %arg13[%swap3A_1650, %swap3A_1651] {strides = array<i32>} : memref<128x64xf32, #tpu.memory_space<vmem>>, vector<16xf32>,
    tpu.vector_store %arg13[%swap3A_1650, %swap3A_1651], %broadcast_in_dim3A_41 {strides = array<i32>} : memref<128x64xf32, #tpu.memory_space<vmem>>, vector<16xf32>,
    %swap3A_1653 = arith.constant 100 : i32
    %swap3A_1654 = arith.index_cast %swap3A_1653 : i32 to index
    %swap3A_1655 = arith.constant 48 : index
    %swap3A_1656 = tpu.vector_load %arg13[%swap3A_1654, %swap3A_1655] {strides = array<i32>} : memref<128x64xf32, #tpu.memory_space<vmem>>, vector<16xf32>,
    tpu.vector_store %arg13[%swap3A_1654, %swap3A_1655], %broadcast_in_dim3A_41 {strides = array<i32>} : memref<128x64xf32, #tpu.memory_space<vmem>>, vector<16xf32>,
    %swap3A_1657 = arith.constant 101 : i32
    %swap3A_1658 = arith.index_cast %swap3A_1657 : i32 to index
    %swap3A_1659 = arith.constant 0 : index
    %swap3A_1660 = tpu.vector_load %arg13[%swap3A_1658, %swap3A_1659] {strides = array<i32>} : memref<128x64xf32, #tpu.memory_space<vmem>>, vector<16xf32>,
    tpu.vector_store %arg13[%swap3A_1658, %swap3A_1659], %broadcast_in_dim3A_41 {strides = array<i32>} : memref<128x64xf32, #tpu.memory_space<vmem>>, vector<16xf32>,
    %swap3A_1661 = arith.constant 101 : i32
    %swap3A_1662 = arith.index_cast %swap3A_1661 : i32 to index
    %swap3A_1663 = arith.constant 16 : index
    %swap3A_1664 = tpu.vector_load %arg13[%swap3A_1662, %swap3A_1663] {strides = array<i32>} : memref<128x64xf32, #tpu.memory_space<vmem>>, vector<16xf32>,
    tpu.vector_store %arg13[%swap3A_1662, %swap3A_1663], %broadcast_in_dim3A_41 {strides = array<i32>} : memref<128x64xf32, #tpu.memory_space<vmem>>, vector<16xf32>,
    %swap3A_1665 = arith.constant 101 : i32
    %swap3A_1666 = arith.index_cast %swap3A_1665 : i32 to index
    %swap3A_1667 = arith.constant 32 : index
    %swap3A_1668 = tpu.vector_load %arg13[%swap3A_1666, %swap3A_1667] {strides = array<i32>} : memref<128x64xf32, #tpu.memory_space<vmem>>, vector<16xf32>,
    tpu.vector_store %arg13[%swap3A_1666, %swap3A_1667], %broadcast_in_dim3A_41 {strides = array<i32>} : memref<128x64xf32, #tpu.memory_space<vmem>>, vector<16xf32>,
    %swap3A_1669 = arith.constant 101 : i32
    %swap3A_1670 = arith.index_cast %swap3A_1669 : i32 to index
    %swap3A_1671 = arith.constant 48 : index
    %swap3A_1672 = tpu.vector_load %arg13[%swap3A_1670, %swap3A_1671] {strides = array<i32>} : memref<128x64xf32, #tpu.memory_space<vmem>>, vector<16xf32>,
    tpu.vector_store %arg13[%swap3A_1670, %swap3A_1671], %broadcast_in_dim3A_41 {strides = array<i32>} : memref<128x64xf32, #tpu.memory_space<vmem>>, vector<16xf32>,
    %swap3A_1673 = arith.constant 102 : i32
    %swap3A_1674 = arith.index_cast %swap3A_1673 : i32 to index
    %swap3A_1675 = arith.constant 0 : index
    %swap3A_1676 = tpu.vector_load %arg13[%swap3A_1674, %swap3A_1675] {strides = array<i32>} : memref<128x64xf32, #tpu.memory_space<vmem>>, vector<16xf32>,
    tpu.vector_store %arg13[%swap3A_1674, %swap3A_1675], %broadcast_in_dim3A_41 {strides = array<i32>} : memref<128x64xf32, #tpu.memory_space<vmem>>, vector<16xf32>,
    %swap3A_1677 = arith.constant 102 : i32
    %swap3A_1678 = arith.index_cast %swap3A_1677 : i32 to index
    %swap3A_1679 = arith.constant 16 : index
    %swap3A_1680 = tpu.vector_load %arg13[%swap3A_1678, %swap3A_1679] {strides = array<i32>} : memref<128x64xf32, #tpu.memory_space<vmem>>, vector<16xf32>,
    tpu.vector_store %arg13[%swap3A_1678, %swap3A_1679], %broadcast_in_dim3A_41 {strides = array<i32>} : memref<128x64xf32, #tpu.memory_space<vmem>>, vector<16xf32>,
    %swap3A_1681 = arith.constant 102 : i32
    %swap3A_1682 = arith.index_cast %swap3A_1681 : i32 to index
    %swap3A_1683 = arith.constant 32 : index
    %swap3A_1684 = tpu.vector_load %arg13[%swap3A_1682, %swap3A_1683] {strides = array<i32>} : memref<128x64xf32, #tpu.memory_space<vmem>>, vector<16xf32>,
    tpu.vector_store %arg13[%swap3A_1682, %swap3A_1683], %broadcast_in_dim3A_41 {strides = array<i32>} : memref<128x64xf32, #tpu.memory_space<vmem>>, vector<16xf32>,
    %swap3A_1685 = arith.constant 102 : i32
    %swap3A_1686 = arith.index_cast %swap3A_1685 : i32 to index
    %swap3A_1687 = arith.constant 48 : index
    %swap3A_1688 = tpu.vector_load %arg13[%swap3A_1686, %swap3A_1687] {strides = array<i32>} : memref<128x64xf32, #tpu.memory_space<vmem>>, vector<16xf32>,
    tpu.vector_store %arg13[%swap3A_1686, %swap3A_1687], %broadcast_in_dim3A_41 {strides = array<i32>} : memref<128x64xf32, #tpu.memory_space<vmem>>, vector<16xf32>,
    %swap3A_1689 = arith.constant 103 : i32
    %swap3A_1690 = arith.index_cast %swap3A_1689 : i32 to index
    %swap3A_1691 = arith.constant 0 : index
    %swap3A_1692 = tpu.vector_load %arg13[%swap3A_1690, %swap3A_1691] {strides = array<i32>} : memref<128x64xf32, #tpu.memory_space<vmem>>, vector<16xf32>,
    tpu.vector_store %arg13[%swap3A_1690, %swap3A_1691], %broadcast_in_dim3A_41 {strides = array<i32>} : memref<128x64xf32, #tpu.memory_space<vmem>>, vector<16xf32>,
    %swap3A_1693 = arith.constant 103 : i32
    %swap3A_1694 = arith.index_cast %swap3A_1693 : i32 to index
    %swap3A_1695 = arith.constant 16 : index
    %swap3A_1696 = tpu.vector_load %arg13[%swap3A_1694, %swap3A_1695] {strides = array<i32>} : memref<128x64xf32, #tpu.memory_space<vmem>>, vector<16xf32>,
    tpu.vector_store %arg13[%swap3A_1694, %swap3A_1695], %broadcast_in_dim3A_41 {strides = array<i32>} : memref<128x64xf32, #tpu.memory_space<vmem>>, vector<16xf32>,
    %swap3A_1697 = arith.constant 103 : i32
    %swap3A_1698 = arith.index_cast %swap3A_1697 : i32 to index
    %swap3A_1699 = arith.constant 32 : index
    %swap3A_1700 = tpu.vector_load %arg13[%swap3A_1698, %swap3A_1699] {strides = array<i32>} : memref<128x64xf32, #tpu.memory_space<vmem>>, vector<16xf32>,
    tpu.vector_store %arg13[%swap3A_1698, %swap3A_1699], %broadcast_in_dim3A_41 {strides = array<i32>} : memref<128x64xf32, #tpu.memory_space<vmem>>, vector<16xf32>,
    %swap3A_1701 = arith.constant 103 : i32
    %swap3A_1702 = arith.index_cast %swap3A_1701 : i32 to index
    %swap3A_1703 = arith.constant 48 : index
    %swap3A_1704 = tpu.vector_load %arg13[%swap3A_1702, %swap3A_1703] {strides = array<i32>} : memref<128x64xf32, #tpu.memory_space<vmem>>, vector<16xf32>,
    tpu.vector_store %arg13[%swap3A_1702, %swap3A_1703], %broadcast_in_dim3A_41 {strides = array<i32>} : memref<128x64xf32, #tpu.memory_space<vmem>>, vector<16xf32>,
    %swap3A_1705 = arith.constant 104 : i32
    %swap3A_1706 = arith.index_cast %swap3A_1705 : i32 to index
    %swap3A_1707 = arith.constant 0 : index
    %swap3A_1708 = tpu.vector_load %arg13[%swap3A_1706, %swap3A_1707] {strides = array<i32>} : memref<128x64xf32, #tpu.memory_space<vmem>>, vector<16xf32>,
    tpu.vector_store %arg13[%swap3A_1706, %swap3A_1707], %broadcast_in_dim3A_41 {strides = array<i32>} : memref<128x64xf32, #tpu.memory_space<vmem>>, vector<16xf32>,
    %swap3A_1709 = arith.constant 104 : i32
    %swap3A_1710 = arith.index_cast %swap3A_1709 : i32 to index
    %swap3A_1711 = arith.constant 16 : index
    %swap3A_1712 = tpu.vector_load %arg13[%swap3A_1710, %swap3A_1711] {strides = array<i32>} : memref<128x64xf32, #tpu.memory_space<vmem>>, vector<16xf32>,
    tpu.vector_store %arg13[%swap3A_1710, %swap3A_1711], %broadcast_in_dim3A_41 {strides = array<i32>} : memref<128x64xf32, #tpu.memory_space<vmem>>, vector<16xf32>,
    %swap3A_1713 = arith.constant 104 : i32
    %swap3A_1714 = arith.index_cast %swap3A_1713 : i32 to index
    %swap3A_1715 = arith.constant 32 : index
    %swap3A_1716 = tpu.vector_load %arg13[%swap3A_1714, %swap3A_1715] {strides = array<i32>} : memref<128x64xf32, #tpu.memory_space<vmem>>, vector<16xf32>,
    tpu.vector_store %arg13[%swap3A_1714, %swap3A_1715], %broadcast_in_dim3A_41 {strides = array<i32>} : memref<128x64xf32, #tpu.memory_space<vmem>>, vector<16xf32>,
    %swap3A_1717 = arith.constant 104 : i32
    %swap3A_1718 = arith.index_cast %swap3A_1717 : i32 to index
    %swap3A_1719 = arith.constant 48 : index
    %swap3A_1720 = tpu.vector_load %arg13[%swap3A_1718, %swap3A_1719] {strides = array<i32>} : memref<128x64xf32, #tpu.memory_space<vmem>>, vector<16xf32>,
    tpu.vector_store %arg13[%swap3A_1718, %swap3A_1719], %broadcast_in_dim3A_41 {strides = array<i32>} : memref<128x64xf32, #tpu.memory_space<vmem>>, vector<16xf32>,
    %swap3A_1721 = arith.constant 105 : i32
    %swap3A_1722 = arith.index_cast %swap3A_1721 : i32 to index
    %swap3A_1723 = arith.constant 0 : index
    %swap3A_1724 = tpu.vector_load %arg13[%swap3A_1722, %swap3A_1723] {strides = array<i32>} : memref<128x64xf32, #tpu.memory_space<vmem>>, vector<16xf32>,
    tpu.vector_store %arg13[%swap3A_1722, %swap3A_1723], %broadcast_in_dim3A_41 {strides = array<i32>} : memref<128x64xf32, #tpu.memory_space<vmem>>, vector<16xf32>,
    %swap3A_1725 = arith.constant 105 : i32
    %swap3A_1726 = arith.index_cast %swap3A_1725 : i32 to index
    %swap3A_1727 = arith.constant 16 : index
    %swap3A_1728 = tpu.vector_load %arg13[%swap3A_1726, %swap3A_1727] {strides = array<i32>} : memref<128x64xf32, #tpu.memory_space<vmem>>, vector<16xf32>,
    tpu.vector_store %arg13[%swap3A_1726, %swap3A_1727], %broadcast_in_dim3A_41 {strides = array<i32>} : memref<128x64xf32, #tpu.memory_space<vmem>>, vector<16xf32>,
    %swap3A_1729 = arith.constant 105 : i32
    %swap3A_1730 = arith.index_cast %swap3A_1729 : i32 to index
    %swap3A_1731 = arith.constant 32 : index
    %swap3A_1732 = tpu.vector_load %arg13[%swap3A_1730, %swap3A_1731] {strides = array<i32>} : memref<128x64xf32, #tpu.memory_space<vmem>>, vector<16xf32>,
    tpu.vector_store %arg13[%swap3A_1730, %swap3A_1731], %broadcast_in_dim3A_41 {strides = array<i32>} : memref<128x64xf32, #tpu.memory_space<vmem>>, vector<16xf32>,
    %swap3A_1733 = arith.constant 105 : i32
    %swap3A_1734 = arith.index_cast %swap3A_1733 : i32 to index
    %swap3A_1735 = arith.constant 48 : index
    %swap3A_1736 = tpu.vector_load %arg13[%swap3A_1734, %swap3A_1735] {strides = array<i32>} : memref<128x64xf32, #tpu.memory_space<vmem>>, vector<16xf32>,
    tpu.vector_store %arg13[%swap3A_1734, %swap3A_1735], %broadcast_in_dim3A_41 {strides = array<i32>} : memref<128x64xf32, #tpu.memory_space<vmem>>, vector<16xf32>,
    %swap3A_1737 = arith.constant 106 : i32
    %swap3A_1738 = arith.index_cast %swap3A_1737 : i32 to index
    %swap3A_1739 = arith.constant 0 : index
    %swap3A_1740 = tpu.vector_load %arg13[%swap3A_1738, %swap3A_1739] {strides = array<i32>} : memref<128x64xf32, #tpu.memory_space<vmem>>, vector<16xf32>,
    tpu.vector_store %arg13[%swap3A_1738, %swap3A_1739], %broadcast_in_dim3A_41 {strides = array<i32>} : memref<128x64xf32, #tpu.memory_space<vmem>>, vector<16xf32>,
    %swap3A_1741 = arith.constant 106 : i32
    %swap3A_1742 = arith.index_cast %swap3A_1741 : i32 to index
    %swap3A_1743 = arith.constant 16 : index
    %swap3A_1744 = tpu.vector_load %arg13[%swap3A_1742, %swap3A_1743] {strides = array<i32>} : memref<128x64xf32, #tpu.memory_space<vmem>>, vector<16xf32>,
    tpu.vector_store %arg13[%swap3A_1742, %swap3A_1743], %broadcast_in_dim3A_41 {strides = array<i32>} : memref<128x64xf32, #tpu.memory_space<vmem>>, vector<16xf32>,
    %swap3A_1745 = arith.constant 106 : i32
    %swap3A_1746 = arith.index_cast %swap3A_1745 : i32 to index
    %swap3A_1747 = arith.constant 32 : index
    %swap3A_1748 = tpu.vector_load %arg13[%swap3A_1746, %swap3A_1747] {strides = array<i32>} : memref<128x64xf32, #tpu.memory_space<vmem>>, vector<16xf32>,
    tpu.vector_store %arg13[%swap3A_1746, %swap3A_1747], %broadcast_in_dim3A_41 {strides = array<i32>} : memref<128x64xf32, #tpu.memory_space<vmem>>, vector<16xf32>,
    %swap3A_1749 = arith.constant 106 : i32
    %swap3A_1750 = arith.index_cast %swap3A_1749 : i32 to index
    %swap3A_1751 = arith.constant 48 : index
    %swap3A_1752 = tpu.vector_load %arg13[%swap3A_1750, %swap3A_1751] {strides = array<i32>} : memref<128x64xf32, #tpu.memory_space<vmem>>, vector<16xf32>,
    tpu.vector_store %arg13[%swap3A_1750, %swap3A_1751], %broadcast_in_dim3A_41 {strides = array<i32>} : memref<128x64xf32, #tpu.memory_space<vmem>>, vector<16xf32>,
    %swap3A_1753 = arith.constant 107 : i32
    %swap3A_1754 = arith.index_cast %swap3A_1753 : i32 to index
    %swap3A_1755 = arith.constant 0 : index
    %swap3A_1756 = tpu.vector_load %arg13[%swap3A_1754, %swap3A_1755] {strides = array<i32>} : memref<128x64xf32, #tpu.memory_space<vmem>>, vector<16xf32>,
    tpu.vector_store %arg13[%swap3A_1754, %swap3A_1755], %broadcast_in_dim3A_41 {strides = array<i32>} : memref<128x64xf32, #tpu.memory_space<vmem>>, vector<16xf32>,
    %swap3A_1757 = arith.constant 107 : i32
    %swap3A_1758 = arith.index_cast %swap3A_1757 : i32 to index
    %swap3A_1759 = arith.constant 16 : index
    %swap3A_1760 = tpu.vector_load %arg13[%swap3A_1758, %swap3A_1759] {strides = array<i32>} : memref<128x64xf32, #tpu.memory_space<vmem>>, vector<16xf32>,
    tpu.vector_store %arg13[%swap3A_1758, %swap3A_1759], %broadcast_in_dim3A_41 {strides = array<i32>} : memref<128x64xf32, #tpu.memory_space<vmem>>, vector<16xf32>,
    %swap3A_1761 = arith.constant 107 : i32
    %swap3A_1762 = arith.index_cast %swap3A_1761 : i32 to index
    %swap3A_1763 = arith.constant 32 : index
    %swap3A_1764 = tpu.vector_load %arg13[%swap3A_1762, %swap3A_1763] {strides = array<i32>} : memref<128x64xf32, #tpu.memory_space<vmem>>, vector<16xf32>,
    tpu.vector_store %arg13[%swap3A_1762, %swap3A_1763], %broadcast_in_dim3A_41 {strides = array<i32>} : memref<128x64xf32, #tpu.memory_space<vmem>>, vector<16xf32>,
    %swap3A_1765 = arith.constant 107 : i32
    %swap3A_1766 = arith.index_cast %swap3A_1765 : i32 to index
    %swap3A_1767 = arith.constant 48 : index
    %swap3A_1768 = tpu.vector_load %arg13[%swap3A_1766, %swap3A_1767] {strides = array<i32>} : memref<128x64xf32, #tpu.memory_space<vmem>>, vector<16xf32>,
    tpu.vector_store %arg13[%swap3A_1766, %swap3A_1767], %broadcast_in_dim3A_41 {strides = array<i32>} : memref<128x64xf32, #tpu.memory_space<vmem>>, vector<16xf32>,
    %swap3A_1769 = arith.constant 108 : i32
    %swap3A_1770 = arith.index_cast %swap3A_1769 : i32 to index
    %swap3A_1771 = arith.constant 0 : index
    %swap3A_1772 = tpu.vector_load %arg13[%swap3A_1770, %swap3A_1771] {strides = array<i32>} : memref<128x64xf32, #tpu.memory_space<vmem>>, vector<16xf32>,
    tpu.vector_store %arg13[%swap3A_1770, %swap3A_1771], %broadcast_in_dim3A_41 {strides = array<i32>} : memref<128x64xf32, #tpu.memory_space<vmem>>, vector<16xf32>,
    %swap3A_1773 = arith.constant 108 : i32
    %swap3A_1774 = arith.index_cast %swap3A_1773 : i32 to index
    %swap3A_1775 = arith.constant 16 : index
    %swap3A_1776 = tpu.vector_load %arg13[%swap3A_1774, %swap3A_1775] {strides = array<i32>} : memref<128x64xf32, #tpu.memory_space<vmem>>, vector<16xf32>,
    tpu.vector_store %arg13[%swap3A_1774, %swap3A_1775], %broadcast_in_dim3A_41 {strides = array<i32>} : memref<128x64xf32, #tpu.memory_space<vmem>>, vector<16xf32>,
    %swap3A_1777 = arith.constant 108 : i32
    %swap3A_1778 = arith.index_cast %swap3A_1777 : i32 to index
    %swap3A_1779 = arith.constant 32 : index
    %swap3A_1780 = tpu.vector_load %arg13[%swap3A_1778, %swap3A_1779] {strides = array<i32>} : memref<128x64xf32, #tpu.memory_space<vmem>>, vector<16xf32>,
    tpu.vector_store %arg13[%swap3A_1778, %swap3A_1779], %broadcast_in_dim3A_41 {strides = array<i32>} : memref<128x64xf32, #tpu.memory_space<vmem>>, vector<16xf32>,
    %swap3A_1781 = arith.constant 108 : i32
    %swap3A_1782 = arith.index_cast %swap3A_1781 : i32 to index
    %swap3A_1783 = arith.constant 48 : index
    %swap3A_1784 = tpu.vector_load %arg13[%swap3A_1782, %swap3A_1783] {strides = array<i32>} : memref<128x64xf32, #tpu.memory_space<vmem>>, vector<16xf32>,
    tpu.vector_store %arg13[%swap3A_1782, %swap3A_1783], %broadcast_in_dim3A_41 {strides = array<i32>} : memref<128x64xf32, #tpu.memory_space<vmem>>, vector<16xf32>,
    %swap3A_1785 = arith.constant 109 : i32
    %swap3A_1786 = arith.index_cast %swap3A_1785 : i32 to index
    %swap3A_1787 = arith.constant 0 : index
    %swap3A_1788 = tpu.vector_load %arg13[%swap3A_1786, %swap3A_1787] {strides = array<i32>} : memref<128x64xf32, #tpu.memory_space<vmem>>, vector<16xf32>,
    tpu.vector_store %arg13[%swap3A_1786, %swap3A_1787], %broadcast_in_dim3A_41 {strides = array<i32>} : memref<128x64xf32, #tpu.memory_space<vmem>>, vector<16xf32>,
    %swap3A_1789 = arith.constant 109 : i32
    %swap3A_1790 = arith.index_cast %swap3A_1789 : i32 to index
    %swap3A_1791 = arith.constant 16 : index
    %swap3A_1792 = tpu.vector_load %arg13[%swap3A_1790, %swap3A_1791] {strides = array<i32>} : memref<128x64xf32, #tpu.memory_space<vmem>>, vector<16xf32>,
    tpu.vector_store %arg13[%swap3A_1790, %swap3A_1791], %broadcast_in_dim3A_41 {strides = array<i32>} : memref<128x64xf32, #tpu.memory_space<vmem>>, vector<16xf32>,
    %swap3A_1793 = arith.constant 109 : i32
    %swap3A_1794 = arith.index_cast %swap3A_1793 : i32 to index
    %swap3A_1795 = arith.constant 32 : index
    %swap3A_1796 = tpu.vector_load %arg13[%swap3A_1794, %swap3A_1795] {strides = array<i32>} : memref<128x64xf32, #tpu.memory_space<vmem>>, vector<16xf32>,
    tpu.vector_store %arg13[%swap3A_1794, %swap3A_1795], %broadcast_in_dim3A_41 {strides = array<i32>} : memref<128x64xf32, #tpu.memory_space<vmem>>, vector<16xf32>,
    %swap3A_1797 = arith.constant 109 : i32
    %swap3A_1798 = arith.index_cast %swap3A_1797 : i32 to index
    %swap3A_1799 = arith.constant 48 : index
    %swap3A_1800 = tpu.vector_load %arg13[%swap3A_1798, %swap3A_1799] {strides = array<i32>} : memref<128x64xf32, #tpu.memory_space<vmem>>, vector<16xf32>,
    tpu.vector_store %arg13[%swap3A_1798, %swap3A_1799], %broadcast_in_dim3A_41 {strides = array<i32>} : memref<128x64xf32, #tpu.memory_space<vmem>>, vector<16xf32>,
    %swap3A_1801 = arith.constant 110 : i32
    %swap3A_1802 = arith.index_cast %swap3A_1801 : i32 to index
    %swap3A_1803 = arith.constant 0 : index
    %swap3A_1804 = tpu.vector_load %arg13[%swap3A_1802, %swap3A_1803] {strides = array<i32>} : memref<128x64xf32, #tpu.memory_space<vmem>>, vector<16xf32>,
    tpu.vector_store %arg13[%swap3A_1802, %swap3A_1803], %broadcast_in_dim3A_41 {strides = array<i32>} : memref<128x64xf32, #tpu.memory_space<vmem>>, vector<16xf32>,
    %swap3A_1805 = arith.constant 110 : i32
    %swap3A_1806 = arith.index_cast %swap3A_1805 : i32 to index
    %swap3A_1807 = arith.constant 16 : index
    %swap3A_1808 = tpu.vector_load %arg13[%swap3A_1806, %swap3A_1807] {strides = array<i32>} : memref<128x64xf32, #tpu.memory_space<vmem>>, vector<16xf32>,
    tpu.vector_store %arg13[%swap3A_1806, %swap3A_1807], %broadcast_in_dim3A_41 {strides = array<i32>} : memref<128x64xf32, #tpu.memory_space<vmem>>, vector<16xf32>,
    %swap3A_1809 = arith.constant 110 : i32
    %swap3A_1810 = arith.index_cast %swap3A_1809 : i32 to index
    %swap3A_1811 = arith.constant 32 : index
    %swap3A_1812 = tpu.vector_load %arg13[%swap3A_1810, %swap3A_1811] {strides = array<i32>} : memref<128x64xf32, #tpu.memory_space<vmem>>, vector<16xf32>,
    tpu.vector_store %arg13[%swap3A_1810, %swap3A_1811], %broadcast_in_dim3A_41 {strides = array<i32>} : memref<128x64xf32, #tpu.memory_space<vmem>>, vector<16xf32>,
    %swap3A_1813 = arith.constant 110 : i32
    %swap3A_1814 = arith.index_cast %swap3A_1813 : i32 to index
    %swap3A_1815 = arith.constant 48 : index
    %swap3A_1816 = tpu.vector_load %arg13[%swap3A_1814, %swap3A_1815] {strides = array<i32>} : memref<128x64xf32, #tpu.memory_space<vmem>>, vector<16xf32>,
    tpu.vector_store %arg13[%swap3A_1814, %swap3A_1815], %broadcast_in_dim3A_41 {strides = array<i32>} : memref<128x64xf32, #tpu.memory_space<vmem>>, vector<16xf32>,
    %swap3A_1817 = arith.constant 111 : i32
    %swap3A_1818 = arith.index_cast %swap3A_1817 : i32 to index
    %swap3A_1819 = arith.constant 0 : index
    %swap3A_1820 = tpu.vector_load %arg13[%swap3A_1818, %swap3A_1819] {strides = array<i32>} : memref<128x64xf32, #tpu.memory_space<vmem>>, vector<16xf32>,
    tpu.vector_store %arg13[%swap3A_1818, %swap3A_1819], %broadcast_in_dim3A_41 {strides = array<i32>} : memref<128x64xf32, #tpu.memory_space<vmem>>, vector<16xf32>,
    %swap3A_1821 = arith.constant 111 : i32
    %swap3A_1822 = arith.index_cast %swap3A_1821 : i32 to index
    %swap3A_1823 = arith.constant 16 : index
    %swap3A_1824 = tpu.vector_load %arg13[%swap3A_1822, %swap3A_1823] {strides = array<i32>} : memref<128x64xf32, #tpu.memory_space<vmem>>, vector<16xf32>,
    tpu.vector_store %arg13[%swap3A_1822, %swap3A_1823], %broadcast_in_dim3A_41 {strides = array<i32>} : memref<128x64xf32, #tpu.memory_space<vmem>>, vector<16xf32>,
    %swap3A_1825 = arith.constant 111 : i32
    %swap3A_1826 = arith.index_cast %swap3A_1825 : i32 to index
    %swap3A_1827 = arith.constant 32 : index
    %swap3A_1828 = tpu.vector_load %arg13[%swap3A_1826, %swap3A_1827] {strides = array<i32>} : memref<128x64xf32, #tpu.memory_space<vmem>>, vector<16xf32>,
    tpu.vector_store %arg13[%swap3A_1826, %swap3A_1827], %broadcast_in_dim3A_41 {strides = array<i32>} : memref<128x64xf32, #tpu.memory_space<vmem>>, vector<16xf32>,
    %swap3A_1829 = arith.constant 111 : i32
    %swap3A_1830 = arith.index_cast %swap3A_1829 : i32 to index
    %swap3A_1831 = arith.constant 48 : index
    %swap3A_1832 = tpu.vector_load %arg13[%swap3A_1830, %swap3A_1831] {strides = array<i32>} : memref<128x64xf32, #tpu.memory_space<vmem>>, vector<16xf32>,
    tpu.vector_store %arg13[%swap3A_1830, %swap3A_1831], %broadcast_in_dim3A_41 {strides = array<i32>} : memref<128x64xf32, #tpu.memory_space<vmem>>, vector<16xf32>,
    %swap3A_1833 = arith.constant 112 : i32
    %swap3A_1834 = arith.index_cast %swap3A_1833 : i32 to index
    %swap3A_1835 = arith.constant 0 : index
    %swap3A_1836 = tpu.vector_load %arg13[%swap3A_1834, %swap3A_1835] {strides = array<i32>} : memref<128x64xf32, #tpu.memory_space<vmem>>, vector<16xf32>,
    tpu.vector_store %arg13[%swap3A_1834, %swap3A_1835], %broadcast_in_dim3A_41 {strides = array<i32>} : memref<128x64xf32, #tpu.memory_space<vmem>>, vector<16xf32>,
    %swap3A_1837 = arith.constant 112 : i32
    %swap3A_1838 = arith.index_cast %swap3A_1837 : i32 to index
    %swap3A_1839 = arith.constant 16 : index
    %swap3A_1840 = tpu.vector_load %arg13[%swap3A_1838, %swap3A_1839] {strides = array<i32>} : memref<128x64xf32, #tpu.memory_space<vmem>>, vector<16xf32>,
    tpu.vector_store %arg13[%swap3A_1838, %swap3A_1839], %broadcast_in_dim3A_41 {strides = array<i32>} : memref<128x64xf32, #tpu.memory_space<vmem>>, vector<16xf32>,
    %swap3A_1841 = arith.constant 112 : i32
    %swap3A_1842 = arith.index_cast %swap3A_1841 : i32 to index
    %swap3A_1843 = arith.constant 32 : index
    %swap3A_1844 = tpu.vector_load %arg13[%swap3A_1842, %swap3A_1843] {strides = array<i32>} : memref<128x64xf32, #tpu.memory_space<vmem>>, vector<16xf32>,
    tpu.vector_store %arg13[%swap3A_1842, %swap3A_1843], %broadcast_in_dim3A_41 {strides = array<i32>} : memref<128x64xf32, #tpu.memory_space<vmem>>, vector<16xf32>,
    %swap3A_1845 = arith.constant 112 : i32
    %swap3A_1846 = arith.index_cast %swap3A_1845 : i32 to index
    %swap3A_1847 = arith.constant 48 : index
    %swap3A_1848 = tpu.vector_load %arg13[%swap3A_1846, %swap3A_1847] {strides = array<i32>} : memref<128x64xf32, #tpu.memory_space<vmem>>, vector<16xf32>,
    tpu.vector_store %arg13[%swap3A_1846, %swap3A_1847], %broadcast_in_dim3A_41 {strides = array<i32>} : memref<128x64xf32, #tpu.memory_space<vmem>>, vector<16xf32>,
    %swap3A_1849 = arith.constant 113 : i32
    %swap3A_1850 = arith.index_cast %swap3A_1849 : i32 to index
    %swap3A_1851 = arith.constant 0 : index
    %swap3A_1852 = tpu.vector_load %arg13[%swap3A_1850, %swap3A_1851] {strides = array<i32>} : memref<128x64xf32, #tpu.memory_space<vmem>>, vector<16xf32>,
    tpu.vector_store %arg13[%swap3A_1850, %swap3A_1851], %broadcast_in_dim3A_41 {strides = array<i32>} : memref<128x64xf32, #tpu.memory_space<vmem>>, vector<16xf32>,
    %swap3A_1853 = arith.constant 113 : i32
    %swap3A_1854 = arith.index_cast %swap3A_1853 : i32 to index
    %swap3A_1855 = arith.constant 16 : index
    %swap3A_1856 = tpu.vector_load %arg13[%swap3A_1854, %swap3A_1855] {strides = array<i32>} : memref<128x64xf32, #tpu.memory_space<vmem>>, vector<16xf32>,
    tpu.vector_store %arg13[%swap3A_1854, %swap3A_1855], %broadcast_in_dim3A_41 {strides = array<i32>} : memref<128x64xf32, #tpu.memory_space<vmem>>, vector<16xf32>,
    %swap3A_1857 = arith.constant 113 : i32
    %swap3A_1858 = arith.index_cast %swap3A_1857 : i32 to index
    %swap3A_1859 = arith.constant 32 : index
    %swap3A_1860 = tpu.vector_load %arg13[%swap3A_1858, %swap3A_1859] {strides = array<i32>} : memref<128x64xf32, #tpu.memory_space<vmem>>, vector<16xf32>,
    tpu.vector_store %arg13[%swap3A_1858, %swap3A_1859], %broadcast_in_dim3A_41 {strides = array<i32>} : memref<128x64xf32, #tpu.memory_space<vmem>>, vector<16xf32>,
    %swap3A_1861 = arith.constant 113 : i32
    %swap3A_1862 = arith.index_cast %swap3A_1861 : i32 to index
    %swap3A_1863 = arith.constant 48 : index
    %swap3A_1864 = tpu.vector_load %arg13[%swap3A_1862, %swap3A_1863] {strides = array<i32>} : memref<128x64xf32, #tpu.memory_space<vmem>>, vector<16xf32>,
    tpu.vector_store %arg13[%swap3A_1862, %swap3A_1863], %broadcast_in_dim3A_41 {strides = array<i32>} : memref<128x64xf32, #tpu.memory_space<vmem>>, vector<16xf32>,
    %swap3A_1865 = arith.constant 114 : i32
    %swap3A_1866 = arith.index_cast %swap3A_1865 : i32 to index
    %swap3A_1867 = arith.constant 0 : index
    %swap3A_1868 = tpu.vector_load %arg13[%swap3A_1866, %swap3A_1867] {strides = array<i32>} : memref<128x64xf32, #tpu.memory_space<vmem>>, vector<16xf32>,
    tpu.vector_store %arg13[%swap3A_1866, %swap3A_1867], %broadcast_in_dim3A_41 {strides = array<i32>} : memref<128x64xf32, #tpu.memory_space<vmem>>, vector<16xf32>,
    %swap3A_1869 = arith.constant 114 : i32
    %swap3A_1870 = arith.index_cast %swap3A_1869 : i32 to index
    %swap3A_1871 = arith.constant 16 : index
    %swap3A_1872 = tpu.vector_load %arg13[%swap3A_1870, %swap3A_1871] {strides = array<i32>} : memref<128x64xf32, #tpu.memory_space<vmem>>, vector<16xf32>,
    tpu.vector_store %arg13[%swap3A_1870, %swap3A_1871], %broadcast_in_dim3A_41 {strides = array<i32>} : memref<128x64xf32, #tpu.memory_space<vmem>>, vector<16xf32>,
    %swap3A_1873 = arith.constant 114 : i32
    %swap3A_1874 = arith.index_cast %swap3A_1873 : i32 to index
    %swap3A_1875 = arith.constant 32 : index
    %swap3A_1876 = tpu.vector_load %arg13[%swap3A_1874, %swap3A_1875] {strides = array<i32>} : memref<128x64xf32, #tpu.memory_space<vmem>>, vector<16xf32>,
    tpu.vector_store %arg13[%swap3A_1874, %swap3A_1875], %broadcast_in_dim3A_41 {strides = array<i32>} : memref<128x64xf32, #tpu.memory_space<vmem>>, vector<16xf32>,
    %swap3A_1877 = arith.constant 114 : i32
    %swap3A_1878 = arith.index_cast %swap3A_1877 : i32 to index
    %swap3A_1879 = arith.constant 48 : index
    %swap3A_1880 = tpu.vector_load %arg13[%swap3A_1878, %swap3A_1879] {strides = array<i32>} : memref<128x64xf32, #tpu.memory_space<vmem>>, vector<16xf32>,
    tpu.vector_store %arg13[%swap3A_1878, %swap3A_1879], %broadcast_in_dim3A_41 {strides = array<i32>} : memref<128x64xf32, #tpu.memory_space<vmem>>, vector<16xf32>,
    %swap3A_1881 = arith.constant 115 : i32
    %swap3A_1882 = arith.index_cast %swap3A_1881 : i32 to index
    %swap3A_1883 = arith.constant 0 : index
    %swap3A_1884 = tpu.vector_load %arg13[%swap3A_1882, %swap3A_1883] {strides = array<i32>} : memref<128x64xf32, #tpu.memory_space<vmem>>, vector<16xf32>,
    tpu.vector_store %arg13[%swap3A_1882, %swap3A_1883], %broadcast_in_dim3A_41 {strides = array<i32>} : memref<128x64xf32, #tpu.memory_space<vmem>>, vector<16xf32>,
    %swap3A_1885 = arith.constant 115 : i32
    %swap3A_1886 = arith.index_cast %swap3A_1885 : i32 to index
    %swap3A_1887 = arith.constant 16 : index
    %swap3A_1888 = tpu.vector_load %arg13[%swap3A_1886, %swap3A_1887] {strides = array<i32>} : memref<128x64xf32, #tpu.memory_space<vmem>>, vector<16xf32>,
    tpu.vector_store %arg13[%swap3A_1886, %swap3A_1887], %broadcast_in_dim3A_41 {strides = array<i32>} : memref<128x64xf32, #tpu.memory_space<vmem>>, vector<16xf32>,
    %swap3A_1889 = arith.constant 115 : i32
    %swap3A_1890 = arith.index_cast %swap3A_1889 : i32 to index
    %swap3A_1891 = arith.constant 32 : index
    %swap3A_1892 = tpu.vector_load %arg13[%swap3A_1890, %swap3A_1891] {strides = array<i32>} : memref<128x64xf32, #tpu.memory_space<vmem>>, vector<16xf32>,
    tpu.vector_store %arg13[%swap3A_1890, %swap3A_1891], %broadcast_in_dim3A_41 {strides = array<i32>} : memref<128x64xf32, #tpu.memory_space<vmem>>, vector<16xf32>,
    %swap3A_1893 = arith.constant 115 : i32
    %swap3A_1894 = arith.index_cast %swap3A_1893 : i32 to index
    %swap3A_1895 = arith.constant 48 : index
    %swap3A_1896 = tpu.vector_load %arg13[%swap3A_1894, %swap3A_1895] {strides = array<i32>} : memref<128x64xf32, #tpu.memory_space<vmem>>, vector<16xf32>,
    tpu.vector_store %arg13[%swap3A_1894, %swap3A_1895], %broadcast_in_dim3A_41 {strides = array<i32>} : memref<128x64xf32, #tpu.memory_space<vmem>>, vector<16xf32>,
    %swap3A_1897 = arith.constant 116 : i32
    %swap3A_1898 = arith.index_cast %swap3A_1897 : i32 to index
    %swap3A_1899 = arith.constant 0 : index
    %swap3A_1900 = tpu.vector_load %arg13[%swap3A_1898, %swap3A_1899] {strides = array<i32>} : memref<128x64xf32, #tpu.memory_space<vmem>>, vector<16xf32>,
    tpu.vector_store %arg13[%swap3A_1898, %swap3A_1899], %broadcast_in_dim3A_41 {strides = array<i32>} : memref<128x64xf32, #tpu.memory_space<vmem>>, vector<16xf32>,
    %swap3A_1901 = arith.constant 116 : i32
    %swap3A_1902 = arith.index_cast %swap3A_1901 : i32 to index
    %swap3A_1903 = arith.constant 16 : index
    %swap3A_1904 = tpu.vector_load %arg13[%swap3A_1902, %swap3A_1903] {strides = array<i32>} : memref<128x64xf32, #tpu.memory_space<vmem>>, vector<16xf32>,
    tpu.vector_store %arg13[%swap3A_1902, %swap3A_1903], %broadcast_in_dim3A_41 {strides = array<i32>} : memref<128x64xf32, #tpu.memory_space<vmem>>, vector<16xf32>,
    %swap3A_1905 = arith.constant 116 : i32
    %swap3A_1906 = arith.index_cast %swap3A_1905 : i32 to index
    %swap3A_1907 = arith.constant 32 : index
    %swap3A_1908 = tpu.vector_load %arg13[%swap3A_1906, %swap3A_1907] {strides = array<i32>} : memref<128x64xf32, #tpu.memory_space<vmem>>, vector<16xf32>,
    tpu.vector_store %arg13[%swap3A_1906, %swap3A_1907], %broadcast_in_dim3A_41 {strides = array<i32>} : memref<128x64xf32, #tpu.memory_space<vmem>>, vector<16xf32>,
    %swap3A_1909 = arith.constant 116 : i32
    %swap3A_1910 = arith.index_cast %swap3A_1909 : i32 to index
    %swap3A_1911 = arith.constant 48 : index
    %swap3A_1912 = tpu.vector_load %arg13[%swap3A_1910, %swap3A_1911] {strides = array<i32>} : memref<128x64xf32, #tpu.memory_space<vmem>>, vector<16xf32>,
    tpu.vector_store %arg13[%swap3A_1910, %swap3A_1911], %broadcast_in_dim3A_41 {strides = array<i32>} : memref<128x64xf32, #tpu.memory_space<vmem>>, vector<16xf32>,
    %swap3A_1913 = arith.constant 117 : i32
    %swap3A_1914 = arith.index_cast %swap3A_1913 : i32 to index
    %swap3A_1915 = arith.constant 0 : index
    %swap3A_1916 = tpu.vector_load %arg13[%swap3A_1914, %swap3A_1915] {strides = array<i32>} : memref<128x64xf32, #tpu.memory_space<vmem>>, vector<16xf32>,
    tpu.vector_store %arg13[%swap3A_1914, %swap3A_1915], %broadcast_in_dim3A_41 {strides = array<i32>} : memref<128x64xf32, #tpu.memory_space<vmem>>, vector<16xf32>,
    %swap3A_1917 = arith.constant 117 : i32
    %swap3A_1918 = arith.index_cast %swap3A_1917 : i32 to index
    %swap3A_1919 = arith.constant 16 : index
    %swap3A_1920 = tpu.vector_load %arg13[%swap3A_1918, %swap3A_1919] {strides = array<i32>} : memref<128x64xf32, #tpu.memory_space<vmem>>, vector<16xf32>,
    tpu.vector_store %arg13[%swap3A_1918, %swap3A_1919], %broadcast_in_dim3A_41 {strides = array<i32>} : memref<128x64xf32, #tpu.memory_space<vmem>>, vector<16xf32>,
    %swap3A_1921 = arith.constant 117 : i32
    %swap3A_1922 = arith.index_cast %swap3A_1921 : i32 to index
    %swap3A_1923 = arith.constant 32 : index
    %swap3A_1924 = tpu.vector_load %arg13[%swap3A_1922, %swap3A_1923] {strides = array<i32>} : memref<128x64xf32, #tpu.memory_space<vmem>>, vector<16xf32>,
    tpu.vector_store %arg13[%swap3A_1922, %swap3A_1923], %broadcast_in_dim3A_41 {strides = array<i32>} : memref<128x64xf32, #tpu.memory_space<vmem>>, vector<16xf32>,
    %swap3A_1925 = arith.constant 117 : i32
    %swap3A_1926 = arith.index_cast %swap3A_1925 : i32 to index
    %swap3A_1927 = arith.constant 48 : index
    %swap3A_1928 = tpu.vector_load %arg13[%swap3A_1926, %swap3A_1927] {strides = array<i32>} : memref<128x64xf32, #tpu.memory_space<vmem>>, vector<16xf32>,
    tpu.vector_store %arg13[%swap3A_1926, %swap3A_1927], %broadcast_in_dim3A_41 {strides = array<i32>} : memref<128x64xf32, #tpu.memory_space<vmem>>, vector<16xf32>,
    %swap3A_1929 = arith.constant 118 : i32
    %swap3A_1930 = arith.index_cast %swap3A_1929 : i32 to index
    %swap3A_1931 = arith.constant 0 : index
    %swap3A_1932 = tpu.vector_load %arg13[%swap3A_1930, %swap3A_1931] {strides = array<i32>} : memref<128x64xf32, #tpu.memory_space<vmem>>, vector<16xf32>,
    tpu.vector_store %arg13[%swap3A_1930, %swap3A_1931], %broadcast_in_dim3A_41 {strides = array<i32>} : memref<128x64xf32, #tpu.memory_space<vmem>>, vector<16xf32>,
    %swap3A_1933 = arith.constant 118 : i32
    %swap3A_1934 = arith.index_cast %swap3A_1933 : i32 to index
    %swap3A_1935 = arith.constant 16 : index
    %swap3A_1936 = tpu.vector_load %arg13[%swap3A_1934, %swap3A_1935] {strides = array<i32>} : memref<128x64xf32, #tpu.memory_space<vmem>>, vector<16xf32>,
    tpu.vector_store %arg13[%swap3A_1934, %swap3A_1935], %broadcast_in_dim3A_41 {strides = array<i32>} : memref<128x64xf32, #tpu.memory_space<vmem>>, vector<16xf32>,
    %swap3A_1937 = arith.constant 118 : i32
    %swap3A_1938 = arith.index_cast %swap3A_1937 : i32 to index
    %swap3A_1939 = arith.constant 32 : index
    %swap3A_1940 = tpu.vector_load %arg13[%swap3A_1938, %swap3A_1939] {strides = array<i32>} : memref<128x64xf32, #tpu.memory_space<vmem>>, vector<16xf32>,
    tpu.vector_store %arg13[%swap3A_1938, %swap3A_1939], %broadcast_in_dim3A_41 {strides = array<i32>} : memref<128x64xf32, #tpu.memory_space<vmem>>, vector<16xf32>,
    %swap3A_1941 = arith.constant 118 : i32
    %swap3A_1942 = arith.index_cast %swap3A_1941 : i32 to index
    %swap3A_1943 = arith.constant 48 : index
    %swap3A_1944 = tpu.vector_load %arg13[%swap3A_1942, %swap3A_1943] {strides = array<i32>} : memref<128x64xf32, #tpu.memory_space<vmem>>, vector<16xf32>,
    tpu.vector_store %arg13[%swap3A_1942, %swap3A_1943], %broadcast_in_dim3A_41 {strides = array<i32>} : memref<128x64xf32, #tpu.memory_space<vmem>>, vector<16xf32>,
    %swap3A_1945 = arith.constant 119 : i32
    %swap3A_1946 = arith.index_cast %swap3A_1945 : i32 to index
    %swap3A_1947 = arith.constant 0 : index
    %swap3A_1948 = tpu.vector_load %arg13[%swap3A_1946, %swap3A_1947] {strides = array<i32>} : memref<128x64xf32, #tpu.memory_space<vmem>>, vector<16xf32>,
    tpu.vector_store %arg13[%swap3A_1946, %swap3A_1947], %broadcast_in_dim3A_41 {strides = array<i32>} : memref<128x64xf32, #tpu.memory_space<vmem>>, vector<16xf32>,
    %swap3A_1949 = arith.constant 119 : i32
    %swap3A_1950 = arith.index_cast %swap3A_1949 : i32 to index
    %swap3A_1951 = arith.constant 16 : index
    %swap3A_1952 = tpu.vector_load %arg13[%swap3A_1950, %swap3A_1951] {strides = array<i32>} : memref<128x64xf32, #tpu.memory_space<vmem>>, vector<16xf32>,
    tpu.vector_store %arg13[%swap3A_1950, %swap3A_1951], %broadcast_in_dim3A_41 {strides = array<i32>} : memref<128x64xf32, #tpu.memory_space<vmem>>, vector<16xf32>,
    %swap3A_1953 = arith.constant 119 : i32
    %swap3A_1954 = arith.index_cast %swap3A_1953 : i32 to index
    %swap3A_1955 = arith.constant 32 : index
    %swap3A_1956 = tpu.vector_load %arg13[%swap3A_1954, %swap3A_1955] {strides = array<i32>} : memref<128x64xf32, #tpu.memory_space<vmem>>, vector<16xf32>,
    tpu.vector_store %arg13[%swap3A_1954, %swap3A_1955], %broadcast_in_dim3A_41 {strides = array<i32>} : memref<128x64xf32, #tpu.memory_space<vmem>>, vector<16xf32>,
    %swap3A_1957 = arith.constant 119 : i32
    %swap3A_1958 = arith.index_cast %swap3A_1957 : i32 to index
    %swap3A_1959 = arith.constant 48 : index
    %swap3A_1960 = tpu.vector_load %arg13[%swap3A_1958, %swap3A_1959] {strides = array<i32>} : memref<128x64xf32, #tpu.memory_space<vmem>>, vector<16xf32>,
    tpu.vector_store %arg13[%swap3A_1958, %swap3A_1959], %broadcast_in_dim3A_41 {strides = array<i32>} : memref<128x64xf32, #tpu.memory_space<vmem>>, vector<16xf32>,
    %swap3A_1961 = arith.constant 120 : i32
    %swap3A_1962 = arith.index_cast %swap3A_1961 : i32 to index
    %swap3A_1963 = arith.constant 0 : index
    %swap3A_1964 = tpu.vector_load %arg13[%swap3A_1962, %swap3A_1963] {strides = array<i32>} : memref<128x64xf32, #tpu.memory_space<vmem>>, vector<16xf32>,
    tpu.vector_store %arg13[%swap3A_1962, %swap3A_1963], %broadcast_in_dim3A_41 {strides = array<i32>} : memref<128x64xf32, #tpu.memory_space<vmem>>, vector<16xf32>,
    %swap3A_1965 = arith.constant 120 : i32
    %swap3A_1966 = arith.index_cast %swap3A_1965 : i32 to index
    %swap3A_1967 = arith.constant 16 : index
    %swap3A_1968 = tpu.vector_load %arg13[%swap3A_1966, %swap3A_1967] {strides = array<i32>} : memref<128x64xf32, #tpu.memory_space<vmem>>, vector<16xf32>,
    tpu.vector_store %arg13[%swap3A_1966, %swap3A_1967], %broadcast_in_dim3A_41 {strides = array<i32>} : memref<128x64xf32, #tpu.memory_space<vmem>>, vector<16xf32>,
    %swap3A_1969 = arith.constant 120 : i32
    %swap3A_1970 = arith.index_cast %swap3A_1969 : i32 to index
    %swap3A_1971 = arith.constant 32 : index
    %swap3A_1972 = tpu.vector_load %arg13[%swap3A_1970, %swap3A_1971] {strides = array<i32>} : memref<128x64xf32, #tpu.memory_space<vmem>>, vector<16xf32>,
    tpu.vector_store %arg13[%swap3A_1970, %swap3A_1971], %broadcast_in_dim3A_41 {strides = array<i32>} : memref<128x64xf32, #tpu.memory_space<vmem>>, vector<16xf32>,
    %swap3A_1973 = arith.constant 120 : i32
    %swap3A_1974 = arith.index_cast %swap3A_1973 : i32 to index
    %swap3A_1975 = arith.constant 48 : index
    %swap3A_1976 = tpu.vector_load %arg13[%swap3A_1974, %swap3A_1975] {strides = array<i32>} : memref<128x64xf32, #tpu.memory_space<vmem>>, vector<16xf32>,
    tpu.vector_store %arg13[%swap3A_1974, %swap3A_1975], %broadcast_in_dim3A_41 {strides = array<i32>} : memref<128x64xf32, #tpu.memory_space<vmem>>, vector<16xf32>,
    %swap3A_1977 = arith.constant 121 : i32
    %swap3A_1978 = arith.index_cast %swap3A_1977 : i32 to index
    %swap3A_1979 = arith.constant 0 : index
    %swap3A_1980 = tpu.vector_load %arg13[%swap3A_1978, %swap3A_1979] {strides = array<i32>} : memref<128x64xf32, #tpu.memory_space<vmem>>, vector<16xf32>,
    tpu.vector_store %arg13[%swap3A_1978, %swap3A_1979], %broadcast_in_dim3A_41 {strides = array<i32>} : memref<128x64xf32, #tpu.memory_space<vmem>>, vector<16xf32>,
    %swap3A_1981 = arith.constant 121 : i32
    %swap3A_1982 = arith.index_cast %swap3A_1981 : i32 to index
    %swap3A_1983 = arith.constant 16 : index
    %swap3A_1984 = tpu.vector_load %arg13[%swap3A_1982, %swap3A_1983] {strides = array<i32>} : memref<128x64xf32, #tpu.memory_space<vmem>>, vector<16xf32>,
    tpu.vector_store %arg13[%swap3A_1982, %swap3A_1983], %broadcast_in_dim3A_41 {strides = array<i32>} : memref<128x64xf32, #tpu.memory_space<vmem>>, vector<16xf32>,
    %swap3A_1985 = arith.constant 121 : i32
    %swap3A_1986 = arith.index_cast %swap3A_1985 : i32 to index
    %swap3A_1987 = arith.constant 32 : index
    %swap3A_1988 = tpu.vector_load %arg13[%swap3A_1986, %swap3A_1987] {strides = array<i32>} : memref<128x64xf32, #tpu.memory_space<vmem>>, vector<16xf32>,
    tpu.vector_store %arg13[%swap3A_1986, %swap3A_1987], %broadcast_in_dim3A_41 {strides = array<i32>} : memref<128x64xf32, #tpu.memory_space<vmem>>, vector<16xf32>,
    %swap3A_1989 = arith.constant 121 : i32
    %swap3A_1990 = arith.index_cast %swap3A_1989 : i32 to index
    %swap3A_1991 = arith.constant 48 : index
    %swap3A_1992 = tpu.vector_load %arg13[%swap3A_1990, %swap3A_1991] {strides = array<i32>} : memref<128x64xf32, #tpu.memory_space<vmem>>, vector<16xf32>,
    tpu.vector_store %arg13[%swap3A_1990, %swap3A_1991], %broadcast_in_dim3A_41 {strides = array<i32>} : memref<128x64xf32, #tpu.memory_space<vmem>>, vector<16xf32>,
    %swap3A_1993 = arith.constant 122 : i32
    %swap3A_1994 = arith.index_cast %swap3A_1993 : i32 to index
    %swap3A_1995 = arith.constant 0 : index
    %swap3A_1996 = tpu.vector_load %arg13[%swap3A_1994, %swap3A_1995] {strides = array<i32>} : memref<128x64xf32, #tpu.memory_space<vmem>>, vector<16xf32>,
    tpu.vector_store %arg13[%swap3A_1994, %swap3A_1995], %broadcast_in_dim3A_41 {strides = array<i32>} : memref<128x64xf32, #tpu.memory_space<vmem>>, vector<16xf32>,
    %swap3A_1997 = arith.constant 122 : i32
    %swap3A_1998 = arith.index_cast %swap3A_1997 : i32 to index
    %swap3A_1999 = arith.constant 16 : index
    %swap3A_2000 = tpu.vector_load %arg13[%swap3A_1998, %swap3A_1999] {strides = array<i32>} : memref<128x64xf32, #tpu.memory_space<vmem>>, vector<16xf32>,
    tpu.vector_store %arg13[%swap3A_1998, %swap3A_1999], %broadcast_in_dim3A_41 {strides = array<i32>} : memref<128x64xf32, #tpu.memory_space<vmem>>, vector<16xf32>,
    %swap3A_2001 = arith.constant 122 : i32
    %swap3A_2002 = arith.index_cast %swap3A_2001 : i32 to index
    %swap3A_2003 = arith.constant 32 : index
    %swap3A_2004 = tpu.vector_load %arg13[%swap3A_2002, %swap3A_2003] {strides = array<i32>} : memref<128x64xf32, #tpu.memory_space<vmem>>, vector<16xf32>,
    tpu.vector_store %arg13[%swap3A_2002, %swap3A_2003], %broadcast_in_dim3A_41 {strides = array<i32>} : memref<128x64xf32, #tpu.memory_space<vmem>>, vector<16xf32>,
    %swap3A_2005 = arith.constant 122 : i32
    %swap3A_2006 = arith.index_cast %swap3A_2005 : i32 to index
    %swap3A_2007 = arith.constant 48 : index
    %swap3A_2008 = tpu.vector_load %arg13[%swap3A_2006, %swap3A_2007] {strides = array<i32>} : memref<128x64xf32, #tpu.memory_space<vmem>>, vector<16xf32>,
    tpu.vector_store %arg13[%swap3A_2006, %swap3A_2007], %broadcast_in_dim3A_41 {strides = array<i32>} : memref<128x64xf32, #tpu.memory_space<vmem>>, vector<16xf32>,
    %swap3A_2009 = arith.constant 123 : i32
    %swap3A_2010 = arith.index_cast %swap3A_2009 : i32 to index
    %swap3A_2011 = arith.constant 0 : index
    %swap3A_2012 = tpu.vector_load %arg13[%swap3A_2010, %swap3A_2011] {strides = array<i32>} : memref<128x64xf32, #tpu.memory_space<vmem>>, vector<16xf32>,
    tpu.vector_store %arg13[%swap3A_2010, %swap3A_2011], %broadcast_in_dim3A_41 {strides = array<i32>} : memref<128x64xf32, #tpu.memory_space<vmem>>, vector<16xf32>,
    %swap3A_2013 = arith.constant 123 : i32
    %swap3A_2014 = arith.index_cast %swap3A_2013 : i32 to index
    %swap3A_2015 = arith.constant 16 : index
    %swap3A_2016 = tpu.vector_load %arg13[%swap3A_2014, %swap3A_2015] {strides = array<i32>} : memref<128x64xf32, #tpu.memory_space<vmem>>, vector<16xf32>,
    tpu.vector_store %arg13[%swap3A_2014, %swap3A_2015], %broadcast_in_dim3A_41 {strides = array<i32>} : memref<128x64xf32, #tpu.memory_space<vmem>>, vector<16xf32>,
    %swap3A_2017 = arith.constant 123 : i32
    %swap3A_2018 = arith.index_cast %swap3A_2017 : i32 to index
    %swap3A_2019 = arith.constant 32 : index
    %swap3A_2020 = tpu.vector_load %arg13[%swap3A_2018, %swap3A_2019] {strides = array<i32>} : memref<128x64xf32, #tpu.memory_space<vmem>>, vector<16xf32>,
    tpu.vector_store %arg13[%swap3A_2018, %swap3A_2019], %broadcast_in_dim3A_41 {strides = array<i32>} : memref<128x64xf32, #tpu.memory_space<vmem>>, vector<16xf32>,
    %swap3A_2021 = arith.constant 123 : i32
    %swap3A_2022 = arith.index_cast %swap3A_2021 : i32 to index
    %swap3A_2023 = arith.constant 48 : index
    %swap3A_2024 = tpu.vector_load %arg13[%swap3A_2022, %swap3A_2023] {strides = array<i32>} : memref<128x64xf32, #tpu.memory_space<vmem>>, vector<16xf32>,
    tpu.vector_store %arg13[%swap3A_2022, %swap3A_2023], %broadcast_in_dim3A_41 {strides = array<i32>} : memref<128x64xf32, #tpu.memory_space<vmem>>, vector<16xf32>,
    %swap3A_2025 = arith.constant 124 : i32
    %swap3A_2026 = arith.index_cast %swap3A_2025 : i32 to index
    %swap3A_2027 = arith.constant 0 : index
    %swap3A_2028 = tpu.vector_load %arg13[%swap3A_2026, %swap3A_2027] {strides = array<i32>} : memref<128x64xf32, #tpu.memory_space<vmem>>, vector<16xf32>,
    tpu.vector_store %arg13[%swap3A_2026, %swap3A_2027], %broadcast_in_dim3A_41 {strides = array<i32>} : memref<128x64xf32, #tpu.memory_space<vmem>>, vector<16xf32>,
    %swap3A_2029 = arith.constant 124 : i32
    %swap3A_2030 = arith.index_cast %swap3A_2029 : i32 to index
    %swap3A_2031 = arith.constant 16 : index
    %swap3A_2032 = tpu.vector_load %arg13[%swap3A_2030, %swap3A_2031] {strides = array<i32>} : memref<128x64xf32, #tpu.memory_space<vmem>>, vector<16xf32>,
    tpu.vector_store %arg13[%swap3A_2030, %swap3A_2031], %broadcast_in_dim3A_41 {strides = array<i32>} : memref<128x64xf32, #tpu.memory_space<vmem>>, vector<16xf32>,
    %swap3A_2033 = arith.constant 124 : i32
    %swap3A_2034 = arith.index_cast %swap3A_2033 : i32 to index
    %swap3A_2035 = arith.constant 32 : index
    %swap3A_2036 = tpu.vector_load %arg13[%swap3A_2034, %swap3A_2035] {strides = array<i32>} : memref<128x64xf32, #tpu.memory_space<vmem>>, vector<16xf32>,
    tpu.vector_store %arg13[%swap3A_2034, %swap3A_2035], %broadcast_in_dim3A_41 {strides = array<i32>} : memref<128x64xf32, #tpu.memory_space<vmem>>, vector<16xf32>,
    %swap3A_2037 = arith.constant 124 : i32
    %swap3A_2038 = arith.index_cast %swap3A_2037 : i32 to index
    %swap3A_2039 = arith.constant 48 : index
    %swap3A_2040 = tpu.vector_load %arg13[%swap3A_2038, %swap3A_2039] {strides = array<i32>} : memref<128x64xf32, #tpu.memory_space<vmem>>, vector<16xf32>,
    tpu.vector_store %arg13[%swap3A_2038, %swap3A_2039], %broadcast_in_dim3A_41 {strides = array<i32>} : memref<128x64xf32, #tpu.memory_space<vmem>>, vector<16xf32>,
    %swap3A_2041 = arith.constant 125 : i32
    %swap3A_2042 = arith.index_cast %swap3A_2041 : i32 to index
    %swap3A_2043 = arith.constant 0 : index
    %swap3A_2044 = tpu.vector_load %arg13[%swap3A_2042, %swap3A_2043] {strides = array<i32>} : memref<128x64xf32, #tpu.memory_space<vmem>>, vector<16xf32>,
    tpu.vector_store %arg13[%swap3A_2042, %swap3A_2043], %broadcast_in_dim3A_41 {strides = array<i32>} : memref<128x64xf32, #tpu.memory_space<vmem>>, vector<16xf32>,
    %swap3A_2045 = arith.constant 125 : i32
    %swap3A_2046 = arith.index_cast %swap3A_2045 : i32 to index
    %swap3A_2047 = arith.constant 16 : index
    %swap3A_2048 = tpu.vector_load %arg13[%swap3A_2046, %swap3A_2047] {strides = array<i32>} : memref<128x64xf32, #tpu.memory_space<vmem>>, vector<16xf32>,
    tpu.vector_store %arg13[%swap3A_2046, %swap3A_2047], %broadcast_in_dim3A_41 {strides = array<i32>} : memref<128x64xf32, #tpu.memory_space<vmem>>, vector<16xf32>,
    %swap3A_2049 = arith.constant 125 : i32
    %swap3A_2050 = arith.index_cast %swap3A_2049 : i32 to index
    %swap3A_2051 = arith.constant 32 : index
    %swap3A_2052 = tpu.vector_load %arg13[%swap3A_2050, %swap3A_2051] {strides = array<i32>} : memref<128x64xf32, #tpu.memory_space<vmem>>, vector<16xf32>,
    tpu.vector_store %arg13[%swap3A_2050, %swap3A_2051], %broadcast_in_dim3A_41 {strides = array<i32>} : memref<128x64xf32, #tpu.memory_space<vmem>>, vector<16xf32>,
    %swap3A_2053 = arith.constant 125 : i32
    %swap3A_2054 = arith.index_cast %swap3A_2053 : i32 to index
    %swap3A_2055 = arith.constant 48 : index
    %swap3A_2056 = tpu.vector_load %arg13[%swap3A_2054, %swap3A_2055] {strides = array<i32>} : memref<128x64xf32, #tpu.memory_space<vmem>>, vector<16xf32>,
    tpu.vector_store %arg13[%swap3A_2054, %swap3A_2055], %broadcast_in_dim3A_41 {strides = array<i32>} : memref<128x64xf32, #tpu.memory_space<vmem>>, vector<16xf32>,
    %swap3A_2057 = arith.constant 126 : i32
    %swap3A_2058 = arith.index_cast %swap3A_2057 : i32 to index
    %swap3A_2059 = arith.constant 0 : index
    %swap3A_2060 = tpu.vector_load %arg13[%swap3A_2058, %swap3A_2059] {strides = array<i32>} : memref<128x64xf32, #tpu.memory_space<vmem>>, vector<16xf32>,
    tpu.vector_store %arg13[%swap3A_2058, %swap3A_2059], %broadcast_in_dim3A_41 {strides = array<i32>} : memref<128x64xf32, #tpu.memory_space<vmem>>, vector<16xf32>,
    %swap3A_2061 = arith.constant 126 : i32
    %swap3A_2062 = arith.index_cast %swap3A_2061 : i32 to index
    %swap3A_2063 = arith.constant 16 : index
    %swap3A_2064 = tpu.vector_load %arg13[%swap3A_2062, %swap3A_2063] {strides = array<i32>} : memref<128x64xf32, #tpu.memory_space<vmem>>, vector<16xf32>,
    tpu.vector_store %arg13[%swap3A_2062, %swap3A_2063], %broadcast_in_dim3A_41 {strides = array<i32>} : memref<128x64xf32, #tpu.memory_space<vmem>>, vector<16xf32>,
    %swap3A_2065 = arith.constant 126 : i32
    %swap3A_2066 = arith.index_cast %swap3A_2065 : i32 to index
    %swap3A_2067 = arith.constant 32 : index
    %swap3A_2068 = tpu.vector_load %arg13[%swap3A_2066, %swap3A_2067] {strides = array<i32>} : memref<128x64xf32, #tpu.memory_space<vmem>>, vector<16xf32>,
    tpu.vector_store %arg13[%swap3A_2066, %swap3A_2067], %broadcast_in_dim3A_41 {strides = array<i32>} : memref<128x64xf32, #tpu.memory_space<vmem>>, vector<16xf32>,
    %swap3A_2069 = arith.constant 126 : i32
    %swap3A_2070 = arith.index_cast %swap3A_2069 : i32 to index
    %swap3A_2071 = arith.constant 48 : index
    %swap3A_2072 = tpu.vector_load %arg13[%swap3A_2070, %swap3A_2071] {strides = array<i32>} : memref<128x64xf32, #tpu.memory_space<vmem>>, vector<16xf32>,
    tpu.vector_store %arg13[%swap3A_2070, %swap3A_2071], %broadcast_in_dim3A_41 {strides = array<i32>} : memref<128x64xf32, #tpu.memory_space<vmem>>, vector<16xf32>,
    %swap3A_2073 = arith.constant 127 : i32
    %swap3A_2074 = arith.index_cast %swap3A_2073 : i32 to index
    %swap3A_2075 = arith.constant 0 : index
    %swap3A_2076 = tpu.vector_load %arg13[%swap3A_2074, %swap3A_2075] {strides = array<i32>} : memref<128x64xf32, #tpu.memory_space<vmem>>, vector<16xf32>,
    tpu.vector_store %arg13[%swap3A_2074, %swap3A_2075], %broadcast_in_dim3A_41 {strides = array<i32>} : memref<128x64xf32, #tpu.memory_space<vmem>>, vector<16xf32>,
    %swap3A_2077 = arith.constant 127 : i32
    %swap3A_2078 = arith.index_cast %swap3A_2077 : i32 to index
    %swap3A_2079 = arith.constant 16 : index
    %swap3A_2080 = tpu.vector_load %arg13[%swap3A_2078, %swap3A_2079] {strides = array<i32>} : memref<128x64xf32, #tpu.memory_space<vmem>>, vector<16xf32>,
    tpu.vector_store %arg13[%swap3A_2078, %swap3A_2079], %broadcast_in_dim3A_41 {strides = array<i32>} : memref<128x64xf32, #tpu.memory_space<vmem>>, vector<16xf32>,
    %swap3A_2081 = arith.constant 127 : i32
    %swap3A_2082 = arith.index_cast %swap3A_2081 : i32 to index
    %swap3A_2083 = arith.constant 32 : index
    %swap3A_2084 = tpu.vector_load %arg13[%swap3A_2082, %swap3A_2083] {strides = array<i32>} : memref<128x64xf32, #tpu.memory_space<vmem>>, vector<16xf32>,
    tpu.vector_store %arg13[%swap3A_2082, %swap3A_2083], %broadcast_in_dim3A_41 {strides = array<i32>} : memref<128x64xf32, #tpu.memory_space<vmem>>, vector<16xf32>,
    %swap3A_2085 = arith.constant 127 : i32
    %swap3A_2086 = arith.index_cast %swap3A_2085 : i32 to index
    %swap3A_2087 = arith.constant 48 : index
    %swap3A_2088 = tpu.vector_load %arg13[%swap3A_2086, %swap3A_2087] {strides = array<i32>} : memref<128x64xf32, #tpu.memory_space<vmem>>, vector<16xf32>,
    tpu.vector_store %arg13[%swap3A_2086, %swap3A_2087], %broadcast_in_dim3A_41 {strides = array<i32>} : memref<128x64xf32, #tpu.memory_space<vmem>>, vector<16xf32>,
    %mul3A = arith.constant 640 : i32
    %mul3A_2089 = arith.muli %arg1, %mul3A : i32
    %add3A = arith.constant 0 : i32
    %add3A_2090 = arith.addi %mul3A_2089, %add3A : i32
    "tpu.region"() ({
      %run_scoped3A = tpu.sem_alloc : memref<!tpu.dma_semaphore, #tpu.memory_space<semaphore_mem>>
      %dma_start3A_3024 = arith.constant 0 : i32
      %dma_start3A_3025 = tpu.memref_slice %arg14[%add3A_2090, %dma_start3A_3024] : memref<10240x64xf32, #tpu.memory_space<vmem_shared>> -> memref<128x64xf32, #tpu.memory_space<vmem_shared>>
      %dma_start3A_3026 = arith.constant 0 : i32
      %dma_start3A_3027 = tpu.memref_slice %arg14[%add3A_2090, %dma_start3A_3026] : memref<10240x64xf32, #tpu.memory_space<vmem_shared>> -> memref<128x64xf32, #tpu.memory_space<vmem_shared>>
      tpu.enqueue_dma source(%arg13 : memref<128x64xf32, #tpu.memory_space<vmem>>) target(%dma_start3A_3027 : memref<128x64xf32, #tpu.memory_space<vmem_shared>>) target_semaphore(%run_scoped3A : memref<!tpu.dma_semaphore, #tpu.memory_space<semaphore_mem>>)
      %dma_wait3A_3028 = arith.constant 0 : i32
      %dma_wait3A_3029 = tpu.memref_slice %arg14[%add3A_2090, %dma_wait3A_3028] : memref<10240x64xf32, #tpu.memory_space<vmem_shared>> -> memref<128x64xf32, #tpu.memory_space<vmem_shared>>
      %dma_wait3A_3030 = arith.constant 0 : i32
      %dma_wait3A_3031 = tpu.memref_slice %arg14[%add3A_2090, %dma_wait3A_3030] : memref<10240x64xf32, #tpu.memory_space<vmem_shared>> -> memref<128x64xf32, #tpu.memory_space<vmem_shared>>
      tpu.wait_dma2 semaphore(%run_scoped3A : memref<!tpu.dma_semaphore, #tpu.memory_space<semaphore_mem>>) src(%arg13 : memref<128x64xf32, #tpu.memory_space<vmem>>) dst(%dma_wait3A_3031 : memref<128x64xf32, #tpu.memory_space<vmem_shared>>)
      tpu.yield
    }) : () -> ()
    %mul3A_2091 = arith.constant 640 : i32
    %mul3A_2092 = arith.muli %arg1, %mul3A_2091 : i32
    %add3A_2093 = arith.constant 0 : i32
    %add3A_2094 = arith.addi %mul3A_2092, %add3A_2093 : i32
    "tpu.region"() ({
      %run_scoped3A = tpu.sem_alloc : memref<!tpu.dma_semaphore, #tpu.memory_space<semaphore_mem>>
      %dma_start3A_3024 = arith.constant 0 : i32
      %dma_start3A_3025 = tpu.memref_slice %arg15[%add3A_2094, %dma_start3A_3024] : memref<10240x64xf32, #tpu.memory_space<vmem_shared>> -> memref<128x64xf32, #tpu.memory_space<vmem_shared>>
      %dma_start3A_3026 = arith.constant 0 : i32
      %dma_start3A_3027 = tpu.memref_slice %arg15[%add3A_2094, %dma_start3A_3026] : memref<10240x64xf32, #tpu.memory_space<vmem_shared>> -> memref<128x64xf32, #tpu.memory_space<vmem_shared>>
      tpu.enqueue_dma source(%arg13 : memref<128x64xf32, #tpu.memory_space<vmem>>) target(%dma_start3A_3027 : memref<128x64xf32, #tpu.memory_space<vmem_shared>>) target_semaphore(%run_scoped3A : memref<!tpu.dma_semaphore, #tpu.memory_space<semaphore_mem>>)
      %dma_wait3A_3028 = arith.constant 0 : i32
      %dma_wait3A_3029 = tpu.memref_slice %arg15[%add3A_2094, %dma_wait3A_3028] : memref<10240x64xf32, #tpu.memory_space<vmem_shared>> -> memref<128x64xf32, #tpu.memory_space<vmem_shared>>
      %dma_wait3A_3030 = arith.constant 0 : i32
      %dma_wait3A_3031 = tpu.memref_slice %arg15[%add3A_2094, %dma_wait3A_3030] : memref<10240x64xf32, #tpu.memory_space<vmem_shared>> -> memref<128x64xf32, #tpu.memory_space<vmem_shared>>
      tpu.wait_dma2 semaphore(%run_scoped3A : memref<!tpu.dma_semaphore, #tpu.memory_space<semaphore_mem>>) src(%arg13 : memref<128x64xf32, #tpu.memory_space<vmem>>) dst(%dma_wait3A_3031 : memref<128x64xf32, #tpu.memory_space<vmem_shared>>)
      tpu.yield
    }) : () -> ()
    %mul3A_2095 = arith.constant 640 : i32
    %mul3A_2096 = arith.muli %arg1, %mul3A_2095 : i32
    %add3A_2097 = arith.constant 128 : i32
    %add3A_2098 = arith.addi %mul3A_2096, %add3A_2097 : i32
    "tpu.region"() ({
      %run_scoped3A = tpu.sem_alloc : memref<!tpu.dma_semaphore, #tpu.memory_space<semaphore_mem>>
      %dma_start3A_3024 = arith.constant 0 : i32
      %dma_start3A_3025 = tpu.memref_slice %arg14[%add3A_2098, %dma_start3A_3024] : memref<10240x64xf32, #tpu.memory_space<vmem_shared>> -> memref<128x64xf32, #tpu.memory_space<vmem_shared>>
      %dma_start3A_3026 = arith.constant 0 : i32
      %dma_start3A_3027 = tpu.memref_slice %arg14[%add3A_2098, %dma_start3A_3026] : memref<10240x64xf32, #tpu.memory_space<vmem_shared>> -> memref<128x64xf32, #tpu.memory_space<vmem_shared>>
      tpu.enqueue_dma source(%arg13 : memref<128x64xf32, #tpu.memory_space<vmem>>) target(%dma_start3A_3027 : memref<128x64xf32, #tpu.memory_space<vmem_shared>>) target_semaphore(%run_scoped3A : memref<!tpu.dma_semaphore, #tpu.memory_space<semaphore_mem>>)
      %dma_wait3A_3028 = arith.constant 0 : i32
      %dma_wait3A_3029 = tpu.memref_slice %arg14[%add3A_2098, %dma_wait3A_3028] : memref<10240x64xf32, #tpu.memory_space<vmem_shared>> -> memref<128x64xf32, #tpu.memory_space<vmem_shared>>
      %dma_wait3A_3030 = arith.constant 0 : i32
      %dma_wait3A_3031 = tpu.memref_slice %arg14[%add3A_2098, %dma_wait3A_3030] : memref<10240x64xf32, #tpu.memory_space<vmem_shared>> -> memref<128x64xf32, #tpu.memory_space<vmem_shared>>
      tpu.wait_dma2 semaphore(%run_scoped3A : memref<!tpu.dma_semaphore, #tpu.memory_space<semaphore_mem>>) src(%arg13 : memref<128x64xf32, #tpu.memory_space<vmem>>) dst(%dma_wait3A_3031 : memref<128x64xf32, #tpu.memory_space<vmem_shared>>)
      tpu.yield
    }) : () -> ()
    %mul3A_2099 = arith.constant 640 : i32
    %mul3A_2100 = arith.muli %arg1, %mul3A_2099 : i32
    %add3A_2101 = arith.constant 128 : i32
    %add3A_2102 = arith.addi %mul3A_2100, %add3A_2101 : i32
    "tpu.region"() ({
      %run_scoped3A = tpu.sem_alloc : memref<!tpu.dma_semaphore, #tpu.memory_space<semaphore_mem>>
      %dma_start3A_3024 = arith.constant 0 : i32
      %dma_start3A_3025 = tpu.memref_slice %arg15[%add3A_2102, %dma_start3A_3024] : memref<10240x64xf32, #tpu.memory_space<vmem_shared>> -> memref<128x64xf32, #tpu.memory_space<vmem_shared>>
      %dma_start3A_3026 = arith.constant 0 : i32
      %dma_start3A_3027 = tpu.memref_slice %arg15[%add3A_2102, %dma_start3A_3026] : memref<10240x64xf32, #tpu.memory_space<vmem_shared>> -> memref<128x64xf32, #tpu.memory_space<vmem_shared>>
      tpu.enqueue_dma source(%arg13 : memref<128x64xf32, #tpu.memory_space<vmem>>) target(%dma_start3A_3027 : memref<128x64xf32, #tpu.memory_space<vmem_shared>>) target_semaphore(%run_scoped3A : memref<!tpu.dma_semaphore, #tpu.memory_space<semaphore_mem>>)
      %dma_wait3A_3028 = arith.constant 0 : i32
      %dma_wait3A_3029 = tpu.memref_slice %arg15[%add3A_2102, %dma_wait3A_3028] : memref<10240x64xf32, #tpu.memory_space<vmem_shared>> -> memref<128x64xf32, #tpu.memory_space<vmem_shared>>
      %dma_wait3A_3030 = arith.constant 0 : i32
      %dma_wait3A_3031 = tpu.memref_slice %arg15[%add3A_2102, %dma_wait3A_3030] : memref<10240x64xf32, #tpu.memory_space<vmem_shared>> -> memref<128x64xf32, #tpu.memory_space<vmem_shared>>
      tpu.wait_dma2 semaphore(%run_scoped3A : memref<!tpu.dma_semaphore, #tpu.memory_space<semaphore_mem>>) src(%arg13 : memref<128x64xf32, #tpu.memory_space<vmem>>) dst(%dma_wait3A_3031 : memref<128x64xf32, #tpu.memory_space<vmem_shared>>)
      tpu.yield
    }) : () -> ()
    %mul3A_2103 = arith.constant 640 : i32
    %mul3A_2104 = arith.muli %arg1, %mul3A_2103 : i32
    %add3A_2105 = arith.constant 256 : i32
    %add3A_2106 = arith.addi %mul3A_2104, %add3A_2105 : i32
    "tpu.region"() ({
      %run_scoped3A = tpu.sem_alloc : memref<!tpu.dma_semaphore, #tpu.memory_space<semaphore_mem>>
      %dma_start3A_3024 = arith.constant 0 : i32
      %dma_start3A_3025 = tpu.memref_slice %arg14[%add3A_2106, %dma_start3A_3024] : memref<10240x64xf32, #tpu.memory_space<vmem_shared>> -> memref<128x64xf32, #tpu.memory_space<vmem_shared>>
      %dma_start3A_3026 = arith.constant 0 : i32
      %dma_start3A_3027 = tpu.memref_slice %arg14[%add3A_2106, %dma_start3A_3026] : memref<10240x64xf32, #tpu.memory_space<vmem_shared>> -> memref<128x64xf32, #tpu.memory_space<vmem_shared>>
      tpu.enqueue_dma source(%arg13 : memref<128x64xf32, #tpu.memory_space<vmem>>) target(%dma_start3A_3027 : memref<128x64xf32, #tpu.memory_space<vmem_shared>>) target_semaphore(%run_scoped3A : memref<!tpu.dma_semaphore, #tpu.memory_space<semaphore_mem>>)
      %dma_wait3A_3028 = arith.constant 0 : i32
      %dma_wait3A_3029 = tpu.memref_slice %arg14[%add3A_2106, %dma_wait3A_3028] : memref<10240x64xf32, #tpu.memory_space<vmem_shared>> -> memref<128x64xf32, #tpu.memory_space<vmem_shared>>
      %dma_wait3A_3030 = arith.constant 0 : i32
      %dma_wait3A_3031 = tpu.memref_slice %arg14[%add3A_2106, %dma_wait3A_3030] : memref<10240x64xf32, #tpu.memory_space<vmem_shared>> -> memref<128x64xf32, #tpu.memory_space<vmem_shared>>
      tpu.wait_dma2 semaphore(%run_scoped3A : memref<!tpu.dma_semaphore, #tpu.memory_space<semaphore_mem>>) src(%arg13 : memref<128x64xf32, #tpu.memory_space<vmem>>) dst(%dma_wait3A_3031 : memref<128x64xf32, #tpu.memory_space<vmem_shared>>)
      tpu.yield
    }) : () -> ()
    %mul3A_2107 = arith.constant 640 : i32
    %mul3A_2108 = arith.muli %arg1, %mul3A_2107 : i32
    %add3A_2109 = arith.constant 256 : i32
    %add3A_2110 = arith.addi %mul3A_2108, %add3A_2109 : i32
    "tpu.region"() ({
      %run_scoped3A = tpu.sem_alloc : memref<!tpu.dma_semaphore, #tpu.memory_space<semaphore_mem>>
      %dma_start3A_3024 = arith.constant 0 : i32
      %dma_start3A_3025 = tpu.memref_slice %arg15[%add3A_2110, %dma_start3A_3024] : memref<10240x64xf32, #tpu.memory_space<vmem_shared>> -> memref<128x64xf32, #tpu.memory_space<vmem_shared>>
      %dma_start3A_3026 = arith.constant 0 : i32
      %dma_start3A_3027 = tpu.memref_slice %arg15[%add3A_2110, %dma_start3A_3026] : memref<10240x64xf32, #tpu.memory_space<vmem_shared>> -> memref<128x64xf32, #tpu.memory_space<vmem_shared>>
      tpu.enqueue_dma source(%arg13 : memref<128x64xf32, #tpu.memory_space<vmem>>) target(%dma_start3A_3027 : memref<128x64xf32, #tpu.memory_space<vmem_shared>>) target_semaphore(%run_scoped3A : memref<!tpu.dma_semaphore, #tpu.memory_space<semaphore_mem>>)
      %dma_wait3A_3028 = arith.constant 0 : i32
      %dma_wait3A_3029 = tpu.memref_slice %arg15[%add3A_2110, %dma_wait3A_3028] : memref<10240x64xf32, #tpu.memory_space<vmem_shared>> -> memref<128x64xf32, #tpu.memory_space<vmem_shared>>
      %dma_wait3A_3030 = arith.constant 0 : i32
      %dma_wait3A_3031 = tpu.memref_slice %arg15[%add3A_2110, %dma_wait3A_3030] : memref<10240x64xf32, #tpu.memory_space<vmem_shared>> -> memref<128x64xf32, #tpu.memory_space<vmem_shared>>
      tpu.wait_dma2 semaphore(%run_scoped3A : memref<!tpu.dma_semaphore, #tpu.memory_space<semaphore_mem>>) src(%arg13 : memref<128x64xf32, #tpu.memory_space<vmem>>) dst(%dma_wait3A_3031 : memref<128x64xf32, #tpu.memory_space<vmem_shared>>)
      tpu.yield
    }) : () -> ()
    %mul3A_2111 = arith.constant 640 : i32
    %mul3A_2112 = arith.muli %arg1, %mul3A_2111 : i32
    %add3A_2113 = arith.constant 384 : i32
    %add3A_2114 = arith.addi %mul3A_2112, %add3A_2113 : i32
    "tpu.region"() ({
      %run_scoped3A = tpu.sem_alloc : memref<!tpu.dma_semaphore, #tpu.memory_space<semaphore_mem>>
      %dma_start3A_3024 = arith.constant 0 : i32
      %dma_start3A_3025 = tpu.memref_slice %arg14[%add3A_2114, %dma_start3A_3024] : memref<10240x64xf32, #tpu.memory_space<vmem_shared>> -> memref<128x64xf32, #tpu.memory_space<vmem_shared>>
      %dma_start3A_3026 = arith.constant 0 : i32
      %dma_start3A_3027 = tpu.memref_slice %arg14[%add3A_2114, %dma_start3A_3026] : memref<10240x64xf32, #tpu.memory_space<vmem_shared>> -> memref<128x64xf32, #tpu.memory_space<vmem_shared>>
      tpu.enqueue_dma source(%arg13 : memref<128x64xf32, #tpu.memory_space<vmem>>) target(%dma_start3A_3027 : memref<128x64xf32, #tpu.memory_space<vmem_shared>>) target_semaphore(%run_scoped3A : memref<!tpu.dma_semaphore, #tpu.memory_space<semaphore_mem>>)
      %dma_wait3A_3028 = arith.constant 0 : i32
      %dma_wait3A_3029 = tpu.memref_slice %arg14[%add3A_2114, %dma_wait3A_3028] : memref<10240x64xf32, #tpu.memory_space<vmem_shared>> -> memref<128x64xf32, #tpu.memory_space<vmem_shared>>
      %dma_wait3A_3030 = arith.constant 0 : i32
      %dma_wait3A_3031 = tpu.memref_slice %arg14[%add3A_2114, %dma_wait3A_3030] : memref<10240x64xf32, #tpu.memory_space<vmem_shared>> -> memref<128x64xf32, #tpu.memory_space<vmem_shared>>
      tpu.wait_dma2 semaphore(%run_scoped3A : memref<!tpu.dma_semaphore, #tpu.memory_space<semaphore_mem>>) src(%arg13 : memref<128x64xf32, #tpu.memory_space<vmem>>) dst(%dma_wait3A_3031 : memref<128x64xf32, #tpu.memory_space<vmem_shared>>)
      tpu.yield
    }) : () -> ()
    %mul3A_2115 = arith.constant 640 : i32
    %mul3A_2116 = arith.muli %arg1, %mul3A_2115 : i32
    %add3A_2117 = arith.constant 384 : i32
    %add3A_2118 = arith.addi %mul3A_2116, %add3A_2117 : i32
    "tpu.region"() ({
      %run_scoped3A = tpu.sem_alloc : memref<!tpu.dma_semaphore, #tpu.memory_space<semaphore_mem>>
      %dma_start3A_3024 = arith.constant 0 : i32
      %dma_start3A_3025 = tpu.memref_slice %arg15[%add3A_2118, %dma_start3A_3024] : memref<10240x64xf32, #tpu.memory_space<vmem_shared>> -> memref<128x64xf32, #tpu.memory_space<vmem_shared>>
      %dma_start3A_3026 = arith.constant 0 : i32
      %dma_start3A_3027 = tpu.memref_slice %arg15[%add3A_2118, %dma_start3A_3026] : memref<10240x64xf32, #tpu.memory_space<vmem_shared>> -> memref<128x64xf32, #tpu.memory_space<vmem_shared>>
      tpu.enqueue_dma source(%arg13 : memref<128x64xf32, #tpu.memory_space<vmem>>) target(%dma_start3A_3027 : memref<128x64xf32, #tpu.memory_space<vmem_shared>>) target_semaphore(%run_scoped3A : memref<!tpu.dma_semaphore, #tpu.memory_space<semaphore_mem>>)
      %dma_wait3A_3028 = arith.constant 0 : i32
      %dma_wait3A_3029 = tpu.memref_slice %arg15[%add3A_2118, %dma_wait3A_3028] : memref<10240x64xf32, #tpu.memory_space<vmem_shared>> -> memref<128x64xf32, #tpu.memory_space<vmem_shared>>
      %dma_wait3A_3030 = arith.constant 0 : i32
      %dma_wait3A_3031 = tpu.memref_slice %arg15[%add3A_2118, %dma_wait3A_3030] : memref<10240x64xf32, #tpu.memory_space<vmem_shared>> -> memref<128x64xf32, #tpu.memory_space<vmem_shared>>
      tpu.wait_dma2 semaphore(%run_scoped3A : memref<!tpu.dma_semaphore, #tpu.memory_space<semaphore_mem>>) src(%arg13 : memref<128x64xf32, #tpu.memory_space<vmem>>) dst(%dma_wait3A_3031 : memref<128x64xf32, #tpu.memory_space<vmem_shared>>)
      tpu.yield
    }) : () -> ()
    %mul3A_2119 = arith.constant 640 : i32
    %mul3A_2120 = arith.muli %arg1, %mul3A_2119 : i32
    %add3A_2121 = arith.constant 512 : i32
    %add3A_2122 = arith.addi %mul3A_2120, %add3A_2121 : i32
    "tpu.region"() ({
      %run_scoped3A = tpu.sem_alloc : memref<!tpu.dma_semaphore, #tpu.memory_space<semaphore_mem>>
      %dma_start3A_3024 = arith.constant 0 : i32
      %dma_start3A_3025 = tpu.memref_slice %arg14[%add3A_2122, %dma_start3A_3024] : memref<10240x64xf32, #tpu.memory_space<vmem_shared>> -> memref<128x64xf32, #tpu.memory_space<vmem_shared>>
      %dma_start3A_3026 = arith.constant 0 : i32
      %dma_start3A_3027 = tpu.memref_slice %arg14[%add3A_2122, %dma_start3A_3026] : memref<10240x64xf32, #tpu.memory_space<vmem_shared>> -> memref<128x64xf32, #tpu.memory_space<vmem_shared>>
      tpu.enqueue_dma source(%arg13 : memref<128x64xf32, #tpu.memory_space<vmem>>) target(%dma_start3A_3027 : memref<128x64xf32, #tpu.memory_space<vmem_shared>>) target_semaphore(%run_scoped3A : memref<!tpu.dma_semaphore, #tpu.memory_space<semaphore_mem>>)
      %dma_wait3A_3028 = arith.constant 0 : i32
      %dma_wait3A_3029 = tpu.memref_slice %arg14[%add3A_2122, %dma_wait3A_3028] : memref<10240x64xf32, #tpu.memory_space<vmem_shared>> -> memref<128x64xf32, #tpu.memory_space<vmem_shared>>
      %dma_wait3A_3030 = arith.constant 0 : i32
      %dma_wait3A_3031 = tpu.memref_slice %arg14[%add3A_2122, %dma_wait3A_3030] : memref<10240x64xf32, #tpu.memory_space<vmem_shared>> -> memref<128x64xf32, #tpu.memory_space<vmem_shared>>
      tpu.wait_dma2 semaphore(%run_scoped3A : memref<!tpu.dma_semaphore, #tpu.memory_space<semaphore_mem>>) src(%arg13 : memref<128x64xf32, #tpu.memory_space<vmem>>) dst(%dma_wait3A_3031 : memref<128x64xf32, #tpu.memory_space<vmem_shared>>)
      tpu.yield
    }) : () -> ()
    %mul3A_2123 = arith.constant 640 : i32
    %mul3A_2124 = arith.muli %arg1, %mul3A_2123 : i32
    %add3A_2125 = arith.constant 512 : i32
    %add3A_2126 = arith.addi %mul3A_2124, %add3A_2125 : i32
    "tpu.region"() ({
      %run_scoped3A = tpu.sem_alloc : memref<!tpu.dma_semaphore, #tpu.memory_space<semaphore_mem>>
      %dma_start3A_3024 = arith.constant 0 : i32
      %dma_start3A_3025 = tpu.memref_slice %arg15[%add3A_2126, %dma_start3A_3024] : memref<10240x64xf32, #tpu.memory_space<vmem_shared>> -> memref<128x64xf32, #tpu.memory_space<vmem_shared>>
      %dma_start3A_3026 = arith.constant 0 : i32
      %dma_start3A_3027 = tpu.memref_slice %arg15[%add3A_2126, %dma_start3A_3026] : memref<10240x64xf32, #tpu.memory_space<vmem_shared>> -> memref<128x64xf32, #tpu.memory_space<vmem_shared>>
      tpu.enqueue_dma source(%arg13 : memref<128x64xf32, #tpu.memory_space<vmem>>) target(%dma_start3A_3027 : memref<128x64xf32, #tpu.memory_space<vmem_shared>>) target_semaphore(%run_scoped3A : memref<!tpu.dma_semaphore, #tpu.memory_space<semaphore_mem>>)
      %dma_wait3A_3028 = arith.constant 0 : i32
      %dma_wait3A_3029 = tpu.memref_slice %arg15[%add3A_2126, %dma_wait3A_3028] : memref<10240x64xf32, #tpu.memory_space<vmem_shared>> -> memref<128x64xf32, #tpu.memory_space<vmem_shared>>
      %dma_wait3A_3030 = arith.constant 0 : i32
      %dma_wait3A_3031 = tpu.memref_slice %arg15[%add3A_2126, %dma_wait3A_3030] : memref<10240x64xf32, #tpu.memory_space<vmem_shared>> -> memref<128x64xf32, #tpu.memory_space<vmem_shared>>
      tpu.wait_dma2 semaphore(%run_scoped3A : memref<!tpu.dma_semaphore, #tpu.memory_space<semaphore_mem>>) src(%arg13 : memref<128x64xf32, #tpu.memory_space<vmem>>) dst(%dma_wait3A_3031 : memref<128x64xf32, #tpu.memory_space<vmem_shared>>)
      tpu.yield
    }) : () -> ()
    "tpu.region"() ({
      %run_scoped3A = tpu.sem_alloc : memref<!tpu.dma_semaphore, #tpu.memory_space<semaphore_mem>>
      tpu.enqueue_dma source(%arg4 : memref<10000xi32, #tpu.memory_space<hbm>>) target(%arg12 : memref<10000xi32, #tpu.memory_space<vmem>>) target_semaphore(%run_scoped3A : memref<!tpu.dma_semaphore, #tpu.memory_space<semaphore_mem>>)
      tpu.wait_dma2 semaphore(%run_scoped3A : memref<!tpu.dma_semaphore, #tpu.memory_space<semaphore_mem>>) src(%arg4 : memref<10000xi32, #tpu.memory_space<hbm>>) dst(%arg12 : memref<10000xi32, #tpu.memory_space<vmem>>)
      tpu.yield
    }) : () -> ()
    %barrier3A = arith.constant 0 : index
    tpu.barrier barrier_id(%barrier3A)
    %dma_wait3A = arith.constant 0 : i32
    %dma_wait3A_2127 = arith.constant 0 : i32
    %dma_wait3A_2128 = arith.constant 0 : i32
    %dma_wait3A_2129 = arith.constant 0 : i32
    %dma_wait3A_2130 = arith.constant 0 : i32
    %dma_wait3A_2131 = tpu.memref_slice %arg7[%dma_wait3A_2127, %dma_wait3A_2129, %dma_wait3A_2130] : memref<2x2x128xi32, #tpu.memory_space<vmem>> -> memref<1x2x128xi32, #tpu.memory_space<vmem>>
    %dma_wait3A_2132 = tpu.memref_squeeze %dma_wait3A_2131 : memref<1x2x128xi32, #tpu.memory_space<vmem>> -> memref<2x128xi32, #tpu.memory_space<vmem>>
    %dma_wait3A_2133 = arith.constant 0 : i32
    %dma_wait3A_2134 = arith.constant 0 : i32
    %dma_wait3A_2135 = tpu.memref_slice %arg3[%arg1, %dma_wait3A, %dma_wait3A_2133, %dma_wait3A_2134] : memref<16x160x2x128xi32, #tpu.memory_space<hbm>> -> memref<1x1x2x128xi32, #tpu.memory_space<hbm>>
    %dma_wait3A_2136 = tpu.memref_squeeze %dma_wait3A_2135 : memref<1x1x2x128xi32, #tpu.memory_space<hbm>> -> memref<2x128xi32, #tpu.memory_space<hbm>>
    %dma_wait3A_2137 = tpu.memref_slice %arg16[%dma_wait3A_2128] : memref<2x!tpu.dma_semaphore, #tpu.memory_space<semaphore_mem>> -> memref<1x!tpu.dma_semaphore, #tpu.memory_space<semaphore_mem>>
    %dma_wait3A_2138 = tpu.memref_squeeze %dma_wait3A_2137 : memref<1x!tpu.dma_semaphore, #tpu.memory_space<semaphore_mem>> -> memref<!tpu.dma_semaphore, #tpu.memory_space<semaphore_mem>>
    %dma_wait3A_2139 = arith.constant 0 : i32
    %dma_wait3A_2140 = arith.constant 0 : i32
    %dma_wait3A_2141 = tpu.memref_slice %arg7[%dma_wait3A_2127, %dma_wait3A_2139, %dma_wait3A_2140] : memref<2x2x128xi32, #tpu.memory_space<vmem>> -> memref<1x2x128xi32, #tpu.memory_space<vmem>>
    %dma_wait3A_2142 = tpu.memref_squeeze %dma_wait3A_2141 : memref<1x2x128xi32, #tpu.memory_space<vmem>> -> memref<2x128xi32, #tpu.memory_space<vmem>>
    %dma_wait3A_2143 = arith.constant 0 : i32
    %dma_wait3A_2144 = arith.constant 0 : i32
    %dma_wait3A_2145 = tpu.memref_slice %arg3[%arg1, %dma_wait3A, %dma_wait3A_2143, %dma_wait3A_2144] : memref<16x160x2x128xi32, #tpu.memory_space<hbm>> -> memref<1x1x2x128xi32, #tpu.memory_space<hbm>>
    %dma_wait3A_2146 = tpu.memref_squeeze %dma_wait3A_2145 : memref<1x1x2x128xi32, #tpu.memory_space<hbm>> -> memref<2x128xi32, #tpu.memory_space<hbm>>
    tpu.wait_dma2 semaphore(%dma_wait3A_2138 : memref<!tpu.dma_semaphore, #tpu.memory_space<semaphore_mem>>) src(%dma_wait3A_2146 : memref<2x128xi32, #tpu.memory_space<hbm>>) dst(%dma_wait3A_2142 : memref<2x128xi32, #tpu.memory_space<vmem>>)
    %get3A = arith.constant 0 : i32
    %get3A_2147 = arith.constant 0 : i32
    %get3A_2148 = arith.index_cast %get3A : i32 to index
    %get3A_2149 = arith.index_cast %get3A_2147 : i32 to index
    %get3A_2150 = arith.constant 0 : index
    %get3A_2151 = tpu.vector_load %arg7[%get3A_2148, %get3A_2149, %get3A_2150] {strides = array<i32>} : memref<2x2x128xi32, #tpu.memory_space<vmem>>, vector<16xi32>,
    %get3A_2152 = arith.constant 0 : i32
    %get3A_2153 = arith.constant 1 : i32
    %get3A_2154 = arith.index_cast %get3A_2152 : i32 to index
    %get3A_2155 = arith.index_cast %get3A_2153 : i32 to index
    %get3A_2156 = arith.constant 0 : index
    %get3A_2157 = tpu.vector_load %arg7[%get3A_2154, %get3A_2155, %get3A_2156] {strides = array<i32>} : memref<2x2x128xi32, #tpu.memory_space<vmem>>, vector<16xi32>,
    %gather3A = tpu.vector_load_idx %arg12[%get3A_2151] : memref<10000xi32, #tpu.memory_space<vmem>>[vector<16xi32>], vector<16xi32>,
    %mul3A_2158 = arith.constant 2 : i32
    %mul3A_2159 = vector.broadcast %mul3A_2158 : i32 to vector<16xi32>
    %mul3A_2160 = arith.muli %get3A_2151, %mul3A_2159 : vector<16xi32>
    %add3A_2161 = vector.broadcast %arg0 : i32 to vector<16xi32>
    %add3A_2162 = arith.addi %mul3A_2160, %add3A_2161 : vector<16xi32>
    %swap3A_2163 = arith.constant 0 : i32
    %swap3A_2164 = arith.index_cast %swap3A_2163 : i32 to index
    %swap3A_2165 = arith.constant 0 : index
    %swap3A_2166 = tpu.vector_load %arg8[%swap3A_2164, %swap3A_2165] {strides = array<i32>} : memref<2x128xi32, #tpu.memory_space<vmem>>, vector<16xi32>,
    tpu.vector_store %arg8[%swap3A_2164, %swap3A_2165], %add3A_2162 {strides = array<i32>} : memref<2x128xi32, #tpu.memory_space<vmem>>, vector<16xi32>,
    %swap3A_2167 = arith.constant 0 : i32
    %swap3A_2168 = arith.index_cast %swap3A_2167 : i32 to index
    %swap3A_2169 = arith.constant 0 : index
    %swap3A_2170 = tpu.vector_load %arg10[%swap3A_2168, %swap3A_2169] {strides = array<i32>} : memref<2x128xi32, #tpu.memory_space<vmem>>, vector<16xi32>,
    tpu.vector_store %arg10[%swap3A_2168, %swap3A_2169], %get3A_2157 {strides = array<i32>} : memref<2x128xi32, #tpu.memory_space<vmem>>, vector<16xi32>,
    %eq3A = arith.constant 1 : i32
    %eq3A_2171 = vector.broadcast %eq3A : i32 to vector<16xi32>
    %eq3A_2172 = arith.cmpi eq, %gather3A, %eq3A_2171 : vector<16xi32>
    %jit3A = arith.constant 10000 : i32
    %broadcast_in_dim3A_2173 = vector.broadcast %jit3A : i32 to vector<16xi32>
    %select_n3A = arith.select %eq3A_2172, %get3A_2157, %broadcast_in_dim3A_2173 : vector<16xi1>, vector<16xi32>
    %swap3A_2174 = arith.constant 0 : i32
    %swap3A_2175 = arith.index_cast %swap3A_2174 : i32 to index
    %swap3A_2176 = arith.constant 0 : index
    %swap3A_2177 = tpu.vector_load %arg9[%swap3A_2175, %swap3A_2176] {strides = array<i32>} : memref<2x128xi32, #tpu.memory_space<vmem>>, vector<16xi32>,
    tpu.vector_store %arg9[%swap3A_2175, %swap3A_2176], %select_n3A {strides = array<i32>} : memref<2x128xi32, #tpu.memory_space<vmem>>, vector<16xi32>,
    %get3A_2178 = arith.constant 0 : i32
    %get3A_2179 = arith.constant 0 : i32
    %get3A_2180 = arith.index_cast %get3A_2178 : i32 to index
    %get3A_2181 = arith.index_cast %get3A_2179 : i32 to index
    %get3A_2182 = arith.constant 16 : index
    %get3A_2183 = tpu.vector_load %arg7[%get3A_2180, %get3A_2181, %get3A_2182] {strides = array<i32>} : memref<2x2x128xi32, #tpu.memory_space<vmem>>, vector<16xi32>,
    %get3A_2184 = arith.constant 0 : i32
    %get3A_2185 = arith.constant 1 : i32
    %get3A_2186 = arith.index_cast %get3A_2184 : i32 to index
    %get3A_2187 = arith.index_cast %get3A_2185 : i32 to index
    %get3A_2188 = arith.constant 16 : index
    %get3A_2189 = tpu.vector_load %arg7[%get3A_2186, %get3A_2187, %get3A_2188] {strides = array<i32>} : memref<2x2x128xi32, #tpu.memory_space<vmem>>, vector<16xi32>,
    %gather3A_2190 = tpu.vector_load_idx %arg12[%get3A_2183] : memref<10000xi32, #tpu.memory_space<vmem>>[vector<16xi32>], vector<16xi32>,
    %mul3A_2191 = arith.constant 2 : i32
    %mul3A_2192 = vector.broadcast %mul3A_2191 : i32 to vector<16xi32>
    %mul3A_2193 = arith.muli %get3A_2183, %mul3A_2192 : vector<16xi32>
    %add3A_2194 = vector.broadcast %arg0 : i32 to vector<16xi32>
    %add3A_2195 = arith.addi %mul3A_2193, %add3A_2194 : vector<16xi32>
    %swap3A_2196 = arith.constant 0 : i32
    %swap3A_2197 = arith.index_cast %swap3A_2196 : i32 to index
    %swap3A_2198 = arith.constant 16 : index
    %swap3A_2199 = tpu.vector_load %arg8[%swap3A_2197, %swap3A_2198] {strides = array<i32>} : memref<2x128xi32, #tpu.memory_space<vmem>>, vector<16xi32>,
    tpu.vector_store %arg8[%swap3A_2197, %swap3A_2198], %add3A_2195 {strides = array<i32>} : memref<2x128xi32, #tpu.memory_space<vmem>>, vector<16xi32>,
    %swap3A_2200 = arith.constant 0 : i32
    %swap3A_2201 = arith.index_cast %swap3A_2200 : i32 to index
    %swap3A_2202 = arith.constant 16 : index
    %swap3A_2203 = tpu.vector_load %arg10[%swap3A_2201, %swap3A_2202] {strides = array<i32>} : memref<2x128xi32, #tpu.memory_space<vmem>>, vector<16xi32>,
    tpu.vector_store %arg10[%swap3A_2201, %swap3A_2202], %get3A_2189 {strides = array<i32>} : memref<2x128xi32, #tpu.memory_space<vmem>>, vector<16xi32>,
    %eq3A_2204 = arith.constant 1 : i32
    %eq3A_2205 = vector.broadcast %eq3A_2204 : i32 to vector<16xi32>
    %eq3A_2206 = arith.cmpi eq, %gather3A_2190, %eq3A_2205 : vector<16xi32>
    %jit3A_2207 = arith.constant 10000 : i32
    %broadcast_in_dim3A_2208 = vector.broadcast %jit3A_2207 : i32 to vector<16xi32>
    %select_n3A_2209 = arith.select %eq3A_2206, %get3A_2189, %broadcast_in_dim3A_2208 : vector<16xi1>, vector<16xi32>
    %swap3A_2210 = arith.constant 0 : i32
    %swap3A_2211 = arith.index_cast %swap3A_2210 : i32 to index
    %swap3A_2212 = arith.constant 16 : index
    %swap3A_2213 = tpu.vector_load %arg9[%swap3A_2211, %swap3A_2212] {strides = array<i32>} : memref<2x128xi32, #tpu.memory_space<vmem>>, vector<16xi32>,
    tpu.vector_store %arg9[%swap3A_2211, %swap3A_2212], %select_n3A_2209 {strides = array<i32>} : memref<2x128xi32, #tpu.memory_space<vmem>>, vector<16xi32>,
    %get3A_2214 = arith.constant 0 : i32
    %get3A_2215 = arith.constant 0 : i32
    %get3A_2216 = arith.index_cast %get3A_2214 : i32 to index
    %get3A_2217 = arith.index_cast %get3A_2215 : i32 to index
    %get3A_2218 = arith.constant 32 : index
    %get3A_2219 = tpu.vector_load %arg7[%get3A_2216, %get3A_2217, %get3A_2218] {strides = array<i32>} : memref<2x2x128xi32, #tpu.memory_space<vmem>>, vector<16xi32>,
    %get3A_2220 = arith.constant 0 : i32
    %get3A_2221 = arith.constant 1 : i32
    %get3A_2222 = arith.index_cast %get3A_2220 : i32 to index
    %get3A_2223 = arith.index_cast %get3A_2221 : i32 to index
    %get3A_2224 = arith.constant 32 : index
    %get3A_2225 = tpu.vector_load %arg7[%get3A_2222, %get3A_2223, %get3A_2224] {strides = array<i32>} : memref<2x2x128xi32, #tpu.memory_space<vmem>>, vector<16xi32>,
    %gather3A_2226 = tpu.vector_load_idx %arg12[%get3A_2219] : memref<10000xi32, #tpu.memory_space<vmem>>[vector<16xi32>], vector<16xi32>,
    %mul3A_2227 = arith.constant 2 : i32
    %mul3A_2228 = vector.broadcast %mul3A_2227 : i32 to vector<16xi32>
    %mul3A_2229 = arith.muli %get3A_2219, %mul3A_2228 : vector<16xi32>
    %add3A_2230 = vector.broadcast %arg0 : i32 to vector<16xi32>
    %add3A_2231 = arith.addi %mul3A_2229, %add3A_2230 : vector<16xi32>
    %swap3A_2232 = arith.constant 0 : i32
    %swap3A_2233 = arith.index_cast %swap3A_2232 : i32 to index
    %swap3A_2234 = arith.constant 32 : index
    %swap3A_2235 = tpu.vector_load %arg8[%swap3A_2233, %swap3A_2234] {strides = array<i32>} : memref<2x128xi32, #tpu.memory_space<vmem>>, vector<16xi32>,
    tpu.vector_store %arg8[%swap3A_2233, %swap3A_2234], %add3A_2231 {strides = array<i32>} : memref<2x128xi32, #tpu.memory_space<vmem>>, vector<16xi32>,
    %swap3A_2236 = arith.constant 0 : i32
    %swap3A_2237 = arith.index_cast %swap3A_2236 : i32 to index
    %swap3A_2238 = arith.constant 32 : index
    %swap3A_2239 = tpu.vector_load %arg10[%swap3A_2237, %swap3A_2238] {strides = array<i32>} : memref<2x128xi32, #tpu.memory_space<vmem>>, vector<16xi32>,
    tpu.vector_store %arg10[%swap3A_2237, %swap3A_2238], %get3A_2225 {strides = array<i32>} : memref<2x128xi32, #tpu.memory_space<vmem>>, vector<16xi32>,
    %eq3A_2240 = arith.constant 1 : i32
    %eq3A_2241 = vector.broadcast %eq3A_2240 : i32 to vector<16xi32>
    %eq3A_2242 = arith.cmpi eq, %gather3A_2226, %eq3A_2241 : vector<16xi32>
    %jit3A_2243 = arith.constant 10000 : i32
    %broadcast_in_dim3A_2244 = vector.broadcast %jit3A_2243 : i32 to vector<16xi32>
    %select_n3A_2245 = arith.select %eq3A_2242, %get3A_2225, %broadcast_in_dim3A_2244 : vector<16xi1>, vector<16xi32>
    %swap3A_2246 = arith.constant 0 : i32
    %swap3A_2247 = arith.index_cast %swap3A_2246 : i32 to index
    %swap3A_2248 = arith.constant 32 : index
    %swap3A_2249 = tpu.vector_load %arg9[%swap3A_2247, %swap3A_2248] {strides = array<i32>} : memref<2x128xi32, #tpu.memory_space<vmem>>, vector<16xi32>,
    tpu.vector_store %arg9[%swap3A_2247, %swap3A_2248], %select_n3A_2245 {strides = array<i32>} : memref<2x128xi32, #tpu.memory_space<vmem>>, vector<16xi32>,
    %get3A_2250 = arith.constant 0 : i32
    %get3A_2251 = arith.constant 0 : i32
    %get3A_2252 = arith.index_cast %get3A_2250 : i32 to index
    %get3A_2253 = arith.index_cast %get3A_2251 : i32 to index
    %get3A_2254 = arith.constant 48 : index
    %get3A_2255 = tpu.vector_load %arg7[%get3A_2252, %get3A_2253, %get3A_2254] {strides = array<i32>} : memref<2x2x128xi32, #tpu.memory_space<vmem>>, vector<16xi32>,
    %get3A_2256 = arith.constant 0 : i32
    %get3A_2257 = arith.constant 1 : i32
    %get3A_2258 = arith.index_cast %get3A_2256 : i32 to index
    %get3A_2259 = arith.index_cast %get3A_2257 : i32 to index
    %get3A_2260 = arith.constant 48 : index
    %get3A_2261 = tpu.vector_load %arg7[%get3A_2258, %get3A_2259, %get3A_2260] {strides = array<i32>} : memref<2x2x128xi32, #tpu.memory_space<vmem>>, vector<16xi32>,
    %gather3A_2262 = tpu.vector_load_idx %arg12[%get3A_2255] : memref<10000xi32, #tpu.memory_space<vmem>>[vector<16xi32>], vector<16xi32>,
    %mul3A_2263 = arith.constant 2 : i32
    %mul3A_2264 = vector.broadcast %mul3A_2263 : i32 to vector<16xi32>
    %mul3A_2265 = arith.muli %get3A_2255, %mul3A_2264 : vector<16xi32>
    %add3A_2266 = vector.broadcast %arg0 : i32 to vector<16xi32>
    %add3A_2267 = arith.addi %mul3A_2265, %add3A_2266 : vector<16xi32>
    %swap3A_2268 = arith.constant 0 : i32
    %swap3A_2269 = arith.index_cast %swap3A_2268 : i32 to index
    %swap3A_2270 = arith.constant 48 : index
    %swap3A_2271 = tpu.vector_load %arg8[%swap3A_2269, %swap3A_2270] {strides = array<i32>} : memref<2x128xi32, #tpu.memory_space<vmem>>, vector<16xi32>,
    tpu.vector_store %arg8[%swap3A_2269, %swap3A_2270], %add3A_2267 {strides = array<i32>} : memref<2x128xi32, #tpu.memory_space<vmem>>, vector<16xi32>,
    %swap3A_2272 = arith.constant 0 : i32
    %swap3A_2273 = arith.index_cast %swap3A_2272 : i32 to index
    %swap3A_2274 = arith.constant 48 : index
    %swap3A_2275 = tpu.vector_load %arg10[%swap3A_2273, %swap3A_2274] {strides = array<i32>} : memref<2x128xi32, #tpu.memory_space<vmem>>, vector<16xi32>,
    tpu.vector_store %arg10[%swap3A_2273, %swap3A_2274], %get3A_2261 {strides = array<i32>} : memref<2x128xi32, #tpu.memory_space<vmem>>, vector<16xi32>,
    %eq3A_2276 = arith.constant 1 : i32
    %eq3A_2277 = vector.broadcast %eq3A_2276 : i32 to vector<16xi32>
    %eq3A_2278 = arith.cmpi eq, %gather3A_2262, %eq3A_2277 : vector<16xi32>
    %jit3A_2279 = arith.constant 10000 : i32
    %broadcast_in_dim3A_2280 = vector.broadcast %jit3A_2279 : i32 to vector<16xi32>
    %select_n3A_2281 = arith.select %eq3A_2278, %get3A_2261, %broadcast_in_dim3A_2280 : vector<16xi1>, vector<16xi32>
    %swap3A_2282 = arith.constant 0 : i32
    %swap3A_2283 = arith.index_cast %swap3A_2282 : i32 to index
    %swap3A_2284 = arith.constant 48 : index
    %swap3A_2285 = tpu.vector_load %arg9[%swap3A_2283, %swap3A_2284] {strides = array<i32>} : memref<2x128xi32, #tpu.memory_space<vmem>>, vector<16xi32>,
    tpu.vector_store %arg9[%swap3A_2283, %swap3A_2284], %select_n3A_2281 {strides = array<i32>} : memref<2x128xi32, #tpu.memory_space<vmem>>, vector<16xi32>,
    %get3A_2286 = arith.constant 0 : i32
    %get3A_2287 = arith.constant 0 : i32
    %get3A_2288 = arith.index_cast %get3A_2286 : i32 to index
    %get3A_2289 = arith.index_cast %get3A_2287 : i32 to index
    %get3A_2290 = arith.constant 64 : index
    %get3A_2291 = tpu.vector_load %arg7[%get3A_2288, %get3A_2289, %get3A_2290] {strides = array<i32>} : memref<2x2x128xi32, #tpu.memory_space<vmem>>, vector<16xi32>,
    %get3A_2292 = arith.constant 0 : i32
    %get3A_2293 = arith.constant 1 : i32
    %get3A_2294 = arith.index_cast %get3A_2292 : i32 to index
    %get3A_2295 = arith.index_cast %get3A_2293 : i32 to index
    %get3A_2296 = arith.constant 64 : index
    %get3A_2297 = tpu.vector_load %arg7[%get3A_2294, %get3A_2295, %get3A_2296] {strides = array<i32>} : memref<2x2x128xi32, #tpu.memory_space<vmem>>, vector<16xi32>,
    %gather3A_2298 = tpu.vector_load_idx %arg12[%get3A_2291] : memref<10000xi32, #tpu.memory_space<vmem>>[vector<16xi32>], vector<16xi32>,
    %mul3A_2299 = arith.constant 2 : i32
    %mul3A_2300 = vector.broadcast %mul3A_2299 : i32 to vector<16xi32>
    %mul3A_2301 = arith.muli %get3A_2291, %mul3A_2300 : vector<16xi32>
    %add3A_2302 = vector.broadcast %arg0 : i32 to vector<16xi32>
    %add3A_2303 = arith.addi %mul3A_2301, %add3A_2302 : vector<16xi32>
    %swap3A_2304 = arith.constant 0 : i32
    %swap3A_2305 = arith.index_cast %swap3A_2304 : i32 to index
    %swap3A_2306 = arith.constant 64 : index
    %swap3A_2307 = tpu.vector_load %arg8[%swap3A_2305, %swap3A_2306] {strides = array<i32>} : memref<2x128xi32, #tpu.memory_space<vmem>>, vector<16xi32>,
    tpu.vector_store %arg8[%swap3A_2305, %swap3A_2306], %add3A_2303 {strides = array<i32>} : memref<2x128xi32, #tpu.memory_space<vmem>>, vector<16xi32>,
    %swap3A_2308 = arith.constant 0 : i32
    %swap3A_2309 = arith.index_cast %swap3A_2308 : i32 to index
    %swap3A_2310 = arith.constant 64 : index
    %swap3A_2311 = tpu.vector_load %arg10[%swap3A_2309, %swap3A_2310] {strides = array<i32>} : memref<2x128xi32, #tpu.memory_space<vmem>>, vector<16xi32>,
    tpu.vector_store %arg10[%swap3A_2309, %swap3A_2310], %get3A_2297 {strides = array<i32>} : memref<2x128xi32, #tpu.memory_space<vmem>>, vector<16xi32>,
    %eq3A_2312 = arith.constant 1 : i32
    %eq3A_2313 = vector.broadcast %eq3A_2312 : i32 to vector<16xi32>
    %eq3A_2314 = arith.cmpi eq, %gather3A_2298, %eq3A_2313 : vector<16xi32>
    %jit3A_2315 = arith.constant 10000 : i32
    %broadcast_in_dim3A_2316 = vector.broadcast %jit3A_2315 : i32 to vector<16xi32>
    %select_n3A_2317 = arith.select %eq3A_2314, %get3A_2297, %broadcast_in_dim3A_2316 : vector<16xi1>, vector<16xi32>
    %swap3A_2318 = arith.constant 0 : i32
    %swap3A_2319 = arith.index_cast %swap3A_2318 : i32 to index
    %swap3A_2320 = arith.constant 64 : index
    %swap3A_2321 = tpu.vector_load %arg9[%swap3A_2319, %swap3A_2320] {strides = array<i32>} : memref<2x128xi32, #tpu.memory_space<vmem>>, vector<16xi32>,
    tpu.vector_store %arg9[%swap3A_2319, %swap3A_2320], %select_n3A_2317 {strides = array<i32>} : memref<2x128xi32, #tpu.memory_space<vmem>>, vector<16xi32>,
    %get3A_2322 = arith.constant 0 : i32
    %get3A_2323 = arith.constant 0 : i32
    %get3A_2324 = arith.index_cast %get3A_2322 : i32 to index
    %get3A_2325 = arith.index_cast %get3A_2323 : i32 to index
    %get3A_2326 = arith.constant 80 : index
    %get3A_2327 = tpu.vector_load %arg7[%get3A_2324, %get3A_2325, %get3A_2326] {strides = array<i32>} : memref<2x2x128xi32, #tpu.memory_space<vmem>>, vector<16xi32>,
    %get3A_2328 = arith.constant 0 : i32
    %get3A_2329 = arith.constant 1 : i32
    %get3A_2330 = arith.index_cast %get3A_2328 : i32 to index
    %get3A_2331 = arith.index_cast %get3A_2329 : i32 to index
    %get3A_2332 = arith.constant 80 : index
    %get3A_2333 = tpu.vector_load %arg7[%get3A_2330, %get3A_2331, %get3A_2332] {strides = array<i32>} : memref<2x2x128xi32, #tpu.memory_space<vmem>>, vector<16xi32>,
    %gather3A_2334 = tpu.vector_load_idx %arg12[%get3A_2327] : memref<10000xi32, #tpu.memory_space<vmem>>[vector<16xi32>], vector<16xi32>,
    %mul3A_2335 = arith.constant 2 : i32
    %mul3A_2336 = vector.broadcast %mul3A_2335 : i32 to vector<16xi32>
    %mul3A_2337 = arith.muli %get3A_2327, %mul3A_2336 : vector<16xi32>
    %add3A_2338 = vector.broadcast %arg0 : i32 to vector<16xi32>
    %add3A_2339 = arith.addi %mul3A_2337, %add3A_2338 : vector<16xi32>
    %swap3A_2340 = arith.constant 0 : i32
    %swap3A_2341 = arith.index_cast %swap3A_2340 : i32 to index
    %swap3A_2342 = arith.constant 80 : index
    %swap3A_2343 = tpu.vector_load %arg8[%swap3A_2341, %swap3A_2342] {strides = array<i32>} : memref<2x128xi32, #tpu.memory_space<vmem>>, vector<16xi32>,
    tpu.vector_store %arg8[%swap3A_2341, %swap3A_2342], %add3A_2339 {strides = array<i32>} : memref<2x128xi32, #tpu.memory_space<vmem>>, vector<16xi32>,
    %swap3A_2344 = arith.constant 0 : i32
    %swap3A_2345 = arith.index_cast %swap3A_2344 : i32 to index
    %swap3A_2346 = arith.constant 80 : index
    %swap3A_2347 = tpu.vector_load %arg10[%swap3A_2345, %swap3A_2346] {strides = array<i32>} : memref<2x128xi32, #tpu.memory_space<vmem>>, vector<16xi32>,
    tpu.vector_store %arg10[%swap3A_2345, %swap3A_2346], %get3A_2333 {strides = array<i32>} : memref<2x128xi32, #tpu.memory_space<vmem>>, vector<16xi32>,
    %eq3A_2348 = arith.constant 1 : i32
    %eq3A_2349 = vector.broadcast %eq3A_2348 : i32 to vector<16xi32>
    %eq3A_2350 = arith.cmpi eq, %gather3A_2334, %eq3A_2349 : vector<16xi32>
    %jit3A_2351 = arith.constant 10000 : i32
    %broadcast_in_dim3A_2352 = vector.broadcast %jit3A_2351 : i32 to vector<16xi32>
    %select_n3A_2353 = arith.select %eq3A_2350, %get3A_2333, %broadcast_in_dim3A_2352 : vector<16xi1>, vector<16xi32>
    %swap3A_2354 = arith.constant 0 : i32
    %swap3A_2355 = arith.index_cast %swap3A_2354 : i32 to index
    %swap3A_2356 = arith.constant 80 : index
    %swap3A_2357 = tpu.vector_load %arg9[%swap3A_2355, %swap3A_2356] {strides = array<i32>} : memref<2x128xi32, #tpu.memory_space<vmem>>, vector<16xi32>,
    tpu.vector_store %arg9[%swap3A_2355, %swap3A_2356], %select_n3A_2353 {strides = array<i32>} : memref<2x128xi32, #tpu.memory_space<vmem>>, vector<16xi32>,
    %get3A_2358 = arith.constant 0 : i32
    %get3A_2359 = arith.constant 0 : i32
    %get3A_2360 = arith.index_cast %get3A_2358 : i32 to index
    %get3A_2361 = arith.index_cast %get3A_2359 : i32 to index
    %get3A_2362 = arith.constant 96 : index
    %get3A_2363 = tpu.vector_load %arg7[%get3A_2360, %get3A_2361, %get3A_2362] {strides = array<i32>} : memref<2x2x128xi32, #tpu.memory_space<vmem>>, vector<16xi32>,
    %get3A_2364 = arith.constant 0 : i32
    %get3A_2365 = arith.constant 1 : i32
    %get3A_2366 = arith.index_cast %get3A_2364 : i32 to index
    %get3A_2367 = arith.index_cast %get3A_2365 : i32 to index
    %get3A_2368 = arith.constant 96 : index
    %get3A_2369 = tpu.vector_load %arg7[%get3A_2366, %get3A_2367, %get3A_2368] {strides = array<i32>} : memref<2x2x128xi32, #tpu.memory_space<vmem>>, vector<16xi32>,
    %gather3A_2370 = tpu.vector_load_idx %arg12[%get3A_2363] : memref<10000xi32, #tpu.memory_space<vmem>>[vector<16xi32>], vector<16xi32>,
    %mul3A_2371 = arith.constant 2 : i32
    %mul3A_2372 = vector.broadcast %mul3A_2371 : i32 to vector<16xi32>
    %mul3A_2373 = arith.muli %get3A_2363, %mul3A_2372 : vector<16xi32>
    %add3A_2374 = vector.broadcast %arg0 : i32 to vector<16xi32>
    %add3A_2375 = arith.addi %mul3A_2373, %add3A_2374 : vector<16xi32>
    %swap3A_2376 = arith.constant 0 : i32
    %swap3A_2377 = arith.index_cast %swap3A_2376 : i32 to index
    %swap3A_2378 = arith.constant 96 : index
    %swap3A_2379 = tpu.vector_load %arg8[%swap3A_2377, %swap3A_2378] {strides = array<i32>} : memref<2x128xi32, #tpu.memory_space<vmem>>, vector<16xi32>,
    tpu.vector_store %arg8[%swap3A_2377, %swap3A_2378], %add3A_2375 {strides = array<i32>} : memref<2x128xi32, #tpu.memory_space<vmem>>, vector<16xi32>,
    %swap3A_2380 = arith.constant 0 : i32
    %swap3A_2381 = arith.index_cast %swap3A_2380 : i32 to index
    %swap3A_2382 = arith.constant 96 : index
    %swap3A_2383 = tpu.vector_load %arg10[%swap3A_2381, %swap3A_2382] {strides = array<i32>} : memref<2x128xi32, #tpu.memory_space<vmem>>, vector<16xi32>,
    tpu.vector_store %arg10[%swap3A_2381, %swap3A_2382], %get3A_2369 {strides = array<i32>} : memref<2x128xi32, #tpu.memory_space<vmem>>, vector<16xi32>,
    %eq3A_2384 = arith.constant 1 : i32
    %eq3A_2385 = vector.broadcast %eq3A_2384 : i32 to vector<16xi32>
    %eq3A_2386 = arith.cmpi eq, %gather3A_2370, %eq3A_2385 : vector<16xi32>
    %jit3A_2387 = arith.constant 10000 : i32
    %broadcast_in_dim3A_2388 = vector.broadcast %jit3A_2387 : i32 to vector<16xi32>
    %select_n3A_2389 = arith.select %eq3A_2386, %get3A_2369, %broadcast_in_dim3A_2388 : vector<16xi1>, vector<16xi32>
    %swap3A_2390 = arith.constant 0 : i32
    %swap3A_2391 = arith.index_cast %swap3A_2390 : i32 to index
    %swap3A_2392 = arith.constant 96 : index
    %swap3A_2393 = tpu.vector_load %arg9[%swap3A_2391, %swap3A_2392] {strides = array<i32>} : memref<2x128xi32, #tpu.memory_space<vmem>>, vector<16xi32>,
    tpu.vector_store %arg9[%swap3A_2391, %swap3A_2392], %select_n3A_2389 {strides = array<i32>} : memref<2x128xi32, #tpu.memory_space<vmem>>, vector<16xi32>,
    %get3A_2394 = arith.constant 0 : i32
    %get3A_2395 = arith.constant 0 : i32
    %get3A_2396 = arith.index_cast %get3A_2394 : i32 to index
    %get3A_2397 = arith.index_cast %get3A_2395 : i32 to index
    %get3A_2398 = arith.constant 112 : index
    %get3A_2399 = tpu.vector_load %arg7[%get3A_2396, %get3A_2397, %get3A_2398] {strides = array<i32>} : memref<2x2x128xi32, #tpu.memory_space<vmem>>, vector<16xi32>,
    %get3A_2400 = arith.constant 0 : i32
    %get3A_2401 = arith.constant 1 : i32
    %get3A_2402 = arith.index_cast %get3A_2400 : i32 to index
    %get3A_2403 = arith.index_cast %get3A_2401 : i32 to index
    %get3A_2404 = arith.constant 112 : index
    %get3A_2405 = tpu.vector_load %arg7[%get3A_2402, %get3A_2403, %get3A_2404] {strides = array<i32>} : memref<2x2x128xi32, #tpu.memory_space<vmem>>, vector<16xi32>,
    %gather3A_2406 = tpu.vector_load_idx %arg12[%get3A_2399] : memref<10000xi32, #tpu.memory_space<vmem>>[vector<16xi32>], vector<16xi32>,
    %mul3A_2407 = arith.constant 2 : i32
    %mul3A_2408 = vector.broadcast %mul3A_2407 : i32 to vector<16xi32>
    %mul3A_2409 = arith.muli %get3A_2399, %mul3A_2408 : vector<16xi32>
    %add3A_2410 = vector.broadcast %arg0 : i32 to vector<16xi32>
    %add3A_2411 = arith.addi %mul3A_2409, %add3A_2410 : vector<16xi32>
    %swap3A_2412 = arith.constant 0 : i32
    %swap3A_2413 = arith.index_cast %swap3A_2412 : i32 to index
    %swap3A_2414 = arith.constant 112 : index
    %swap3A_2415 = tpu.vector_load %arg8[%swap3A_2413, %swap3A_2414] {strides = array<i32>} : memref<2x128xi32, #tpu.memory_space<vmem>>, vector<16xi32>,
    tpu.vector_store %arg8[%swap3A_2413, %swap3A_2414], %add3A_2411 {strides = array<i32>} : memref<2x128xi32, #tpu.memory_space<vmem>>, vector<16xi32>,
    %swap3A_2416 = arith.constant 0 : i32
    %swap3A_2417 = arith.index_cast %swap3A_2416 : i32 to index
    %swap3A_2418 = arith.constant 112 : index
    %swap3A_2419 = tpu.vector_load %arg10[%swap3A_2417, %swap3A_2418] {strides = array<i32>} : memref<2x128xi32, #tpu.memory_space<vmem>>, vector<16xi32>,
    tpu.vector_store %arg10[%swap3A_2417, %swap3A_2418], %get3A_2405 {strides = array<i32>} : memref<2x128xi32, #tpu.memory_space<vmem>>, vector<16xi32>,
    %eq3A_2420 = arith.constant 1 : i32
    %eq3A_2421 = vector.broadcast %eq3A_2420 : i32 to vector<16xi32>
    %eq3A_2422 = arith.cmpi eq, %gather3A_2406, %eq3A_2421 : vector<16xi32>
    %jit3A_2423 = arith.constant 10000 : i32
    %broadcast_in_dim3A_2424 = vector.broadcast %jit3A_2423 : i32 to vector<16xi32>
    %select_n3A_2425 = arith.select %eq3A_2422, %get3A_2405, %broadcast_in_dim3A_2424 : vector<16xi1>, vector<16xi32>
    %swap3A_2426 = arith.constant 0 : i32
    %swap3A_2427 = arith.index_cast %swap3A_2426 : i32 to index
    %swap3A_2428 = arith.constant 112 : index
    %swap3A_2429 = tpu.vector_load %arg9[%swap3A_2427, %swap3A_2428] {strides = array<i32>} : memref<2x128xi32, #tpu.memory_space<vmem>>, vector<16xi32>,
    tpu.vector_store %arg9[%swap3A_2427, %swap3A_2428], %select_n3A_2425 {strides = array<i32>} : memref<2x128xi32, #tpu.memory_space<vmem>>, vector<16xi32>,
    %dma_start3A_2430 = arith.constant 2 : i32
    %dma_start3A_2431 = arith.constant 0 : i32
    %dma_start3A_2432 = arith.constant 0 : i32
    %dma_start3A_2433 = arith.constant 0 : i32
    %dma_start3A_2434 = arith.constant 0 : i32
    %dma_start3A_2435 = tpu.memref_slice %arg7[%dma_start3A_2431, %dma_start3A_2433, %dma_start3A_2434] : memref<2x2x128xi32, #tpu.memory_space<vmem>> -> memref<1x2x128xi32, #tpu.memory_space<vmem>>
    %dma_start3A_2436 = tpu.memref_squeeze %dma_start3A_2435 : memref<1x2x128xi32, #tpu.memory_space<vmem>> -> memref<2x128xi32, #tpu.memory_space<vmem>>
    %dma_start3A_2437 = arith.constant 0 : i32
    %dma_start3A_2438 = arith.constant 0 : i32
    %dma_start3A_2439 = tpu.memref_slice %arg3[%arg1, %dma_start3A_2430, %dma_start3A_2437, %dma_start3A_2438] : memref<16x160x2x128xi32, #tpu.memory_space<hbm>> -> memref<1x1x2x128xi32, #tpu.memory_space<hbm>>
    %dma_start3A_2440 = tpu.memref_squeeze %dma_start3A_2439 : memref<1x1x2x128xi32, #tpu.memory_space<hbm>> -> memref<2x128xi32, #tpu.memory_space<hbm>>
    %dma_start3A_2441 = tpu.memref_slice %arg16[%dma_start3A_2432] : memref<2x!tpu.dma_semaphore, #tpu.memory_space<semaphore_mem>> -> memref<1x!tpu.dma_semaphore, #tpu.memory_space<semaphore_mem>>
    %dma_start3A_2442 = tpu.memref_squeeze %dma_start3A_2441 : memref<1x!tpu.dma_semaphore, #tpu.memory_space<semaphore_mem>> -> memref<!tpu.dma_semaphore, #tpu.memory_space<semaphore_mem>>
    %dma_start3A_2443 = arith.constant 0 : i32
    %dma_start3A_2444 = arith.constant 0 : i32
    %dma_start3A_2445 = tpu.memref_slice %arg7[%dma_start3A_2431, %dma_start3A_2443, %dma_start3A_2444] : memref<2x2x128xi32, #tpu.memory_space<vmem>> -> memref<1x2x128xi32, #tpu.memory_space<vmem>>
    %dma_start3A_2446 = tpu.memref_squeeze %dma_start3A_2445 : memref<1x2x128xi32, #tpu.memory_space<vmem>> -> memref<2x128xi32, #tpu.memory_space<vmem>>
    %dma_start3A_2447 = arith.constant 0 : i32
    %dma_start3A_2448 = arith.constant 0 : i32
    %dma_start3A_2449 = tpu.memref_slice %arg3[%arg1, %dma_start3A_2430, %dma_start3A_2447, %dma_start3A_2448] : memref<16x160x2x128xi32, #tpu.memory_space<hbm>> -> memref<1x1x2x128xi32, #tpu.memory_space<hbm>>
    %dma_start3A_2450 = tpu.memref_squeeze %dma_start3A_2449 : memref<1x1x2x128xi32, #tpu.memory_space<hbm>> -> memref<2x128xi32, #tpu.memory_space<hbm>>
    tpu.enqueue_dma source(%dma_start3A_2450 : memref<2x128xi32, #tpu.memory_space<hbm>>) target(%dma_start3A_2446 : memref<2x128xi32, #tpu.memory_space<vmem>>) target_semaphore(%dma_start3A_2442 : memref<!tpu.dma_semaphore, #tpu.memory_space<semaphore_mem>>)
    %dma_start3A_2451 = arith.constant 0 : i32
    %dma_start3A_2452 = arith.constant 0 : i32
    %dma_start3A_2453 = arith.constant 0 : i32
    %dma_start3A_2454 = arith.constant 0 : i32
    %dma_start3A_2455 = arith.constant 0 : i32
    %dma_start3A_2456 = tpu.memref_slice %arg11[%dma_start3A_2452, %dma_start3A_2454, %dma_start3A_2455] : memref<2x128x64xf32, #tpu.memory_space<vmem>> -> memref<1x128x64xf32, #tpu.memory_space<vmem>>
    %dma_start3A_2457 = tpu.memref_squeeze %dma_start3A_2456 : memref<1x128x64xf32, #tpu.memory_space<vmem>> -> memref<128x64xf32, #tpu.memory_space<vmem>>
    %dma_start3A_2458 = arith.constant 0 : i32
    %dma_start3A_2459 = tpu.memref_slice %arg8[%dma_start3A_2451, %dma_start3A_2458] : memref<2x128xi32, #tpu.memory_space<vmem>> -> memref<1x128xi32, #tpu.memory_space<vmem>>
    %dma_start3A_2460 = tpu.memref_squeeze %dma_start3A_2459 : memref<1x128xi32, #tpu.memory_space<vmem>> -> memref<128xi32, #tpu.memory_space<vmem>>
    %dma_start3A_2461 = arith.constant 0 : i32
    %dma_start3A_2462 = arith.constant 0 : i32
    %dma_start3A_2463 = tpu.memref_slice %arg2[%dma_start3A_2461, %dma_start3A_2462] : memref<20000x64xf32, #tpu.memory_space<hbm>> -> memref<20000x64xf32, #tpu.memory_space<hbm>>
    %dma_start3A_2464 = tpu.memref_slice %arg17[%dma_start3A_2453] : memref<2x!tpu.dma_semaphore, #tpu.memory_space<semaphore_mem>> -> memref<1x!tpu.dma_semaphore, #tpu.memory_space<semaphore_mem>>
    %dma_start3A_2465 = tpu.memref_squeeze %dma_start3A_2464 : memref<1x!tpu.dma_semaphore, #tpu.memory_space<semaphore_mem>> -> memref<!tpu.dma_semaphore, #tpu.memory_space<semaphore_mem>>
    tpu.enqueue_indirect_dma source(%dma_start3A_2463 : memref<20000x64xf32, #tpu.memory_space<hbm>>) target(%dma_start3A_2457 : memref<128x64xf32, #tpu.memory_space<vmem>>) offsets(%dma_start3A_2460 : memref<128xi32, #tpu.memory_space<vmem>>) semaphore(%dma_start3A_2465 : memref<!tpu.dma_semaphore, #tpu.memory_space<semaphore_mem>>)
    %dma_wait3A_2466 = arith.constant 0 : i32
    %dma_wait3A_2467 = arith.constant 1 : i32
    %dma_wait3A_2468 = arith.constant 1 : i32
    %dma_wait3A_2469 = arith.constant 0 : i32
    %dma_wait3A_2470 = arith.constant 0 : i32
    %dma_wait3A_2471 = tpu.memref_slice %arg7[%dma_wait3A_2467, %dma_wait3A_2469, %dma_wait3A_2470] : memref<2x2x128xi32, #tpu.memory_space<vmem>> -> memref<1x2x128xi32, #tpu.memory_space<vmem>>
    %dma_wait3A_2472 = tpu.memref_squeeze %dma_wait3A_2471 : memref<1x2x128xi32, #tpu.memory_space<vmem>> -> memref<2x128xi32, #tpu.memory_space<vmem>>
    %dma_wait3A_2473 = arith.constant 0 : i32
    %dma_wait3A_2474 = arith.constant 0 : i32
    %dma_wait3A_2475 = tpu.memref_slice %arg3[%arg1, %dma_wait3A_2466, %dma_wait3A_2473, %dma_wait3A_2474] : memref<16x160x2x128xi32, #tpu.memory_space<hbm>> -> memref<1x1x2x128xi32, #tpu.memory_space<hbm>>
    %dma_wait3A_2476 = tpu.memref_squeeze %dma_wait3A_2475 : memref<1x1x2x128xi32, #tpu.memory_space<hbm>> -> memref<2x128xi32, #tpu.memory_space<hbm>>
    %dma_wait3A_2477 = tpu.memref_slice %arg16[%dma_wait3A_2468] : memref<2x!tpu.dma_semaphore, #tpu.memory_space<semaphore_mem>> -> memref<1x!tpu.dma_semaphore, #tpu.memory_space<semaphore_mem>>
    %dma_wait3A_2478 = tpu.memref_squeeze %dma_wait3A_2477 : memref<1x!tpu.dma_semaphore, #tpu.memory_space<semaphore_mem>> -> memref<!tpu.dma_semaphore, #tpu.memory_space<semaphore_mem>>
    %dma_wait3A_2479 = arith.constant 0 : i32
    %dma_wait3A_2480 = arith.constant 0 : i32
    %dma_wait3A_2481 = tpu.memref_slice %arg7[%dma_wait3A_2467, %dma_wait3A_2479, %dma_wait3A_2480] : memref<2x2x128xi32, #tpu.memory_space<vmem>> -> memref<1x2x128xi32, #tpu.memory_space<vmem>>
    %dma_wait3A_2482 = tpu.memref_squeeze %dma_wait3A_2481 : memref<1x2x128xi32, #tpu.memory_space<vmem>> -> memref<2x128xi32, #tpu.memory_space<vmem>>
    %dma_wait3A_2483 = arith.constant 0 : i32
    %dma_wait3A_2484 = arith.constant 0 : i32
    %dma_wait3A_2485 = tpu.memref_slice %arg3[%arg1, %dma_wait3A_2466, %dma_wait3A_2483, %dma_wait3A_2484] : memref<16x160x2x128xi32, #tpu.memory_space<hbm>> -> memref<1x1x2x128xi32, #tpu.memory_space<hbm>>
    %dma_wait3A_2486 = tpu.memref_squeeze %dma_wait3A_2485 : memref<1x1x2x128xi32, #tpu.memory_space<hbm>> -> memref<2x128xi32, #tpu.memory_space<hbm>>
    tpu.wait_dma2 semaphore(%dma_wait3A_2478 : memref<!tpu.dma_semaphore, #tpu.memory_space<semaphore_mem>>) src(%dma_wait3A_2486 : memref<2x128xi32, #tpu.memory_space<hbm>>) dst(%dma_wait3A_2482 : memref<2x128xi32, #tpu.memory_space<vmem>>)
    %get3A_2487 = arith.constant 1 : i32
    %get3A_2488 = arith.constant 0 : i32
    %get3A_2489 = arith.index_cast %get3A_2487 : i32 to index
    %get3A_2490 = arith.index_cast %get3A_2488 : i32 to index
    %get3A_2491 = arith.constant 0 : index
    %get3A_2492 = tpu.vector_load %arg7[%get3A_2489, %get3A_2490, %get3A_2491] {strides = array<i32>} : memref<2x2x128xi32, #tpu.memory_space<vmem>>, vector<16xi32>,
    %get3A_2493 = arith.constant 1 : i32
    %get3A_2494 = arith.constant 1 : i32
    %get3A_2495 = arith.index_cast %get3A_2493 : i32 to index
    %get3A_2496 = arith.index_cast %get3A_2494 : i32 to index
    %get3A_2497 = arith.constant 0 : index
    %get3A_2498 = tpu.vector_load %arg7[%get3A_2495, %get3A_2496, %get3A_2497] {strides = array<i32>} : memref<2x2x128xi32, #tpu.memory_space<vmem>>, vector<16xi32>,
    %gather3A_2499 = tpu.vector_load_idx %arg12[%get3A_2492] : memref<10000xi32, #tpu.memory_space<vmem>>[vector<16xi32>], vector<16xi32>,
    %mul3A_2500 = arith.constant 2 : i32
    %mul3A_2501 = vector.broadcast %mul3A_2500 : i32 to vector<16xi32>
    %mul3A_2502 = arith.muli %get3A_2492, %mul3A_2501 : vector<16xi32>
    %add3A_2503 = vector.broadcast %arg0 : i32 to vector<16xi32>
    %add3A_2504 = arith.addi %mul3A_2502, %add3A_2503 : vector<16xi32>
    %swap3A_2505 = arith.constant 1 : i32
    %swap3A_2506 = arith.index_cast %swap3A_2505 : i32 to index
    %swap3A_2507 = arith.constant 0 : index
    %swap3A_2508 = tpu.vector_load %arg8[%swap3A_2506, %swap3A_2507] {strides = array<i32>} : memref<2x128xi32, #tpu.memory_space<vmem>>, vector<16xi32>,
    tpu.vector_store %arg8[%swap3A_2506, %swap3A_2507], %add3A_2504 {strides = array<i32>} : memref<2x128xi32, #tpu.memory_space<vmem>>, vector<16xi32>,
    %swap3A_2509 = arith.constant 1 : i32
    %swap3A_2510 = arith.index_cast %swap3A_2509 : i32 to index
    %swap3A_2511 = arith.constant 0 : index
    %swap3A_2512 = tpu.vector_load %arg10[%swap3A_2510, %swap3A_2511] {strides = array<i32>} : memref<2x128xi32, #tpu.memory_space<vmem>>, vector<16xi32>,
    tpu.vector_store %arg10[%swap3A_2510, %swap3A_2511], %get3A_2498 {strides = array<i32>} : memref<2x128xi32, #tpu.memory_space<vmem>>, vector<16xi32>,
    %eq3A_2513 = arith.constant 1 : i32
    %eq3A_2514 = vector.broadcast %eq3A_2513 : i32 to vector<16xi32>
    %eq3A_2515 = arith.cmpi eq, %gather3A_2499, %eq3A_2514 : vector<16xi32>
    %jit3A_2516 = arith.constant 10000 : i32
    %broadcast_in_dim3A_2517 = vector.broadcast %jit3A_2516 : i32 to vector<16xi32>
    %select_n3A_2518 = arith.select %eq3A_2515, %get3A_2498, %broadcast_in_dim3A_2517 : vector<16xi1>, vector<16xi32>
    %swap3A_2519 = arith.constant 1 : i32
    %swap3A_2520 = arith.index_cast %swap3A_2519 : i32 to index
    %swap3A_2521 = arith.constant 0 : index
    %swap3A_2522 = tpu.vector_load %arg9[%swap3A_2520, %swap3A_2521] {strides = array<i32>} : memref<2x128xi32, #tpu.memory_space<vmem>>, vector<16xi32>,
    tpu.vector_store %arg9[%swap3A_2520, %swap3A_2521], %select_n3A_2518 {strides = array<i32>} : memref<2x128xi32, #tpu.memory_space<vmem>>, vector<16xi32>,
    %get3A_2523 = arith.constant 1 : i32
    %get3A_2524 = arith.constant 0 : i32
    %get3A_2525 = arith.index_cast %get3A_2523 : i32 to index
    %get3A_2526 = arith.index_cast %get3A_2524 : i32 to index
    %get3A_2527 = arith.constant 16 : index
    %get3A_2528 = tpu.vector_load %arg7[%get3A_2525, %get3A_2526, %get3A_2527] {strides = array<i32>} : memref<2x2x128xi32, #tpu.memory_space<vmem>>, vector<16xi32>,
    %get3A_2529 = arith.constant 1 : i32
    %get3A_2530 = arith.constant 1 : i32
    %get3A_2531 = arith.index_cast %get3A_2529 : i32 to index
    %get3A_2532 = arith.index_cast %get3A_2530 : i32 to index
    %get3A_2533 = arith.constant 16 : index
    %get3A_2534 = tpu.vector_load %arg7[%get3A_2531, %get3A_2532, %get3A_2533] {strides = array<i32>} : memref<2x2x128xi32, #tpu.memory_space<vmem>>, vector<16xi32>,
    %gather3A_2535 = tpu.vector_load_idx %arg12[%get3A_2528] : memref<10000xi32, #tpu.memory_space<vmem>>[vector<16xi32>], vector<16xi32>,
    %mul3A_2536 = arith.constant 2 : i32
    %mul3A_2537 = vector.broadcast %mul3A_2536 : i32 to vector<16xi32>
    %mul3A_2538 = arith.muli %get3A_2528, %mul3A_2537 : vector<16xi32>
    %add3A_2539 = vector.broadcast %arg0 : i32 to vector<16xi32>
    %add3A_2540 = arith.addi %mul3A_2538, %add3A_2539 : vector<16xi32>
    %swap3A_2541 = arith.constant 1 : i32
    %swap3A_2542 = arith.index_cast %swap3A_2541 : i32 to index
    %swap3A_2543 = arith.constant 16 : index
    %swap3A_2544 = tpu.vector_load %arg8[%swap3A_2542, %swap3A_2543] {strides = array<i32>} : memref<2x128xi32, #tpu.memory_space<vmem>>, vector<16xi32>,
    tpu.vector_store %arg8[%swap3A_2542, %swap3A_2543], %add3A_2540 {strides = array<i32>} : memref<2x128xi32, #tpu.memory_space<vmem>>, vector<16xi32>,
    %swap3A_2545 = arith.constant 1 : i32
    %swap3A_2546 = arith.index_cast %swap3A_2545 : i32 to index
    %swap3A_2547 = arith.constant 16 : index
    %swap3A_2548 = tpu.vector_load %arg10[%swap3A_2546, %swap3A_2547] {strides = array<i32>} : memref<2x128xi32, #tpu.memory_space<vmem>>, vector<16xi32>,
    tpu.vector_store %arg10[%swap3A_2546, %swap3A_2547], %get3A_2534 {strides = array<i32>} : memref<2x128xi32, #tpu.memory_space<vmem>>, vector<16xi32>,
    %eq3A_2549 = arith.constant 1 : i32
    %eq3A_2550 = vector.broadcast %eq3A_2549 : i32 to vector<16xi32>
    %eq3A_2551 = arith.cmpi eq, %gather3A_2535, %eq3A_2550 : vector<16xi32>
    %jit3A_2552 = arith.constant 10000 : i32
    %broadcast_in_dim3A_2553 = vector.broadcast %jit3A_2552 : i32 to vector<16xi32>
    %select_n3A_2554 = arith.select %eq3A_2551, %get3A_2534, %broadcast_in_dim3A_2553 : vector<16xi1>, vector<16xi32>
    %swap3A_2555 = arith.constant 1 : i32
    %swap3A_2556 = arith.index_cast %swap3A_2555 : i32 to index
    %swap3A_2557 = arith.constant 16 : index
    %swap3A_2558 = tpu.vector_load %arg9[%swap3A_2556, %swap3A_2557] {strides = array<i32>} : memref<2x128xi32, #tpu.memory_space<vmem>>, vector<16xi32>,
    tpu.vector_store %arg9[%swap3A_2556, %swap3A_2557], %select_n3A_2554 {strides = array<i32>} : memref<2x128xi32, #tpu.memory_space<vmem>>, vector<16xi32>,
    %get3A_2559 = arith.constant 1 : i32
    %get3A_2560 = arith.constant 0 : i32
    %get3A_2561 = arith.index_cast %get3A_2559 : i32 to index
    %get3A_2562 = arith.index_cast %get3A_2560 : i32 to index
    %get3A_2563 = arith.constant 32 : index
    %get3A_2564 = tpu.vector_load %arg7[%get3A_2561, %get3A_2562, %get3A_2563] {strides = array<i32>} : memref<2x2x128xi32, #tpu.memory_space<vmem>>, vector<16xi32>,
    %get3A_2565 = arith.constant 1 : i32
    %get3A_2566 = arith.constant 1 : i32
    %get3A_2567 = arith.index_cast %get3A_2565 : i32 to index
    %get3A_2568 = arith.index_cast %get3A_2566 : i32 to index
    %get3A_2569 = arith.constant 32 : index
    %get3A_2570 = tpu.vector_load %arg7[%get3A_2567, %get3A_2568, %get3A_2569] {strides = array<i32>} : memref<2x2x128xi32, #tpu.memory_space<vmem>>, vector<16xi32>,
    %gather3A_2571 = tpu.vector_load_idx %arg12[%get3A_2564] : memref<10000xi32, #tpu.memory_space<vmem>>[vector<16xi32>], vector<16xi32>,
    %mul3A_2572 = arith.constant 2 : i32
    %mul3A_2573 = vector.broadcast %mul3A_2572 : i32 to vector<16xi32>
    %mul3A_2574 = arith.muli %get3A_2564, %mul3A_2573 : vector<16xi32>
    %add3A_2575 = vector.broadcast %arg0 : i32 to vector<16xi32>
    %add3A_2576 = arith.addi %mul3A_2574, %add3A_2575 : vector<16xi32>
    %swap3A_2577 = arith.constant 1 : i32
    %swap3A_2578 = arith.index_cast %swap3A_2577 : i32 to index
    %swap3A_2579 = arith.constant 32 : index
    %swap3A_2580 = tpu.vector_load %arg8[%swap3A_2578, %swap3A_2579] {strides = array<i32>} : memref<2x128xi32, #tpu.memory_space<vmem>>, vector<16xi32>,
    tpu.vector_store %arg8[%swap3A_2578, %swap3A_2579], %add3A_2576 {strides = array<i32>} : memref<2x128xi32, #tpu.memory_space<vmem>>, vector<16xi32>,
    %swap3A_2581 = arith.constant 1 : i32
    %swap3A_2582 = arith.index_cast %swap3A_2581 : i32 to index
    %swap3A_2583 = arith.constant 32 : index
    %swap3A_2584 = tpu.vector_load %arg10[%swap3A_2582, %swap3A_2583] {strides = array<i32>} : memref<2x128xi32, #tpu.memory_space<vmem>>, vector<16xi32>,
    tpu.vector_store %arg10[%swap3A_2582, %swap3A_2583], %get3A_2570 {strides = array<i32>} : memref<2x128xi32, #tpu.memory_space<vmem>>, vector<16xi32>,
    %eq3A_2585 = arith.constant 1 : i32
    %eq3A_2586 = vector.broadcast %eq3A_2585 : i32 to vector<16xi32>
    %eq3A_2587 = arith.cmpi eq, %gather3A_2571, %eq3A_2586 : vector<16xi32>
    %jit3A_2588 = arith.constant 10000 : i32
    %broadcast_in_dim3A_2589 = vector.broadcast %jit3A_2588 : i32 to vector<16xi32>
    %select_n3A_2590 = arith.select %eq3A_2587, %get3A_2570, %broadcast_in_dim3A_2589 : vector<16xi1>, vector<16xi32>
    %swap3A_2591 = arith.constant 1 : i32
    %swap3A_2592 = arith.index_cast %swap3A_2591 : i32 to index
    %swap3A_2593 = arith.constant 32 : index
    %swap3A_2594 = tpu.vector_load %arg9[%swap3A_2592, %swap3A_2593] {strides = array<i32>} : memref<2x128xi32, #tpu.memory_space<vmem>>, vector<16xi32>,
    tpu.vector_store %arg9[%swap3A_2592, %swap3A_2593], %select_n3A_2590 {strides = array<i32>} : memref<2x128xi32, #tpu.memory_space<vmem>>, vector<16xi32>,
    %get3A_2595 = arith.constant 1 : i32
    %get3A_2596 = arith.constant 0 : i32
    %get3A_2597 = arith.index_cast %get3A_2595 : i32 to index
    %get3A_2598 = arith.index_cast %get3A_2596 : i32 to index
    %get3A_2599 = arith.constant 48 : index
    %get3A_2600 = tpu.vector_load %arg7[%get3A_2597, %get3A_2598, %get3A_2599] {strides = array<i32>} : memref<2x2x128xi32, #tpu.memory_space<vmem>>, vector<16xi32>,
    %get3A_2601 = arith.constant 1 : i32
    %get3A_2602 = arith.constant 1 : i32
    %get3A_2603 = arith.index_cast %get3A_2601 : i32 to index
    %get3A_2604 = arith.index_cast %get3A_2602 : i32 to index
    %get3A_2605 = arith.constant 48 : index
    %get3A_2606 = tpu.vector_load %arg7[%get3A_2603, %get3A_2604, %get3A_2605] {strides = array<i32>} : memref<2x2x128xi32, #tpu.memory_space<vmem>>, vector<16xi32>,
    %gather3A_2607 = tpu.vector_load_idx %arg12[%get3A_2600] : memref<10000xi32, #tpu.memory_space<vmem>>[vector<16xi32>], vector<16xi32>,
    %mul3A_2608 = arith.constant 2 : i32
    %mul3A_2609 = vector.broadcast %mul3A_2608 : i32 to vector<16xi32>
    %mul3A_2610 = arith.muli %get3A_2600, %mul3A_2609 : vector<16xi32>
    %add3A_2611 = vector.broadcast %arg0 : i32 to vector<16xi32>
    %add3A_2612 = arith.addi %mul3A_2610, %add3A_2611 : vector<16xi32>
    %swap3A_2613 = arith.constant 1 : i32
    %swap3A_2614 = arith.index_cast %swap3A_2613 : i32 to index
    %swap3A_2615 = arith.constant 48 : index
    %swap3A_2616 = tpu.vector_load %arg8[%swap3A_2614, %swap3A_2615] {strides = array<i32>} : memref<2x128xi32, #tpu.memory_space<vmem>>, vector<16xi32>,
    tpu.vector_store %arg8[%swap3A_2614, %swap3A_2615], %add3A_2612 {strides = array<i32>} : memref<2x128xi32, #tpu.memory_space<vmem>>, vector<16xi32>,
    %swap3A_2617 = arith.constant 1 : i32
    %swap3A_2618 = arith.index_cast %swap3A_2617 : i32 to index
    %swap3A_2619 = arith.constant 48 : index
    %swap3A_2620 = tpu.vector_load %arg10[%swap3A_2618, %swap3A_2619] {strides = array<i32>} : memref<2x128xi32, #tpu.memory_space<vmem>>, vector<16xi32>,
    tpu.vector_store %arg10[%swap3A_2618, %swap3A_2619], %get3A_2606 {strides = array<i32>} : memref<2x128xi32, #tpu.memory_space<vmem>>, vector<16xi32>,
    %eq3A_2621 = arith.constant 1 : i32
    %eq3A_2622 = vector.broadcast %eq3A_2621 : i32 to vector<16xi32>
    %eq3A_2623 = arith.cmpi eq, %gather3A_2607, %eq3A_2622 : vector<16xi32>
    %jit3A_2624 = arith.constant 10000 : i32
    %broadcast_in_dim3A_2625 = vector.broadcast %jit3A_2624 : i32 to vector<16xi32>
    %select_n3A_2626 = arith.select %eq3A_2623, %get3A_2606, %broadcast_in_dim3A_2625 : vector<16xi1>, vector<16xi32>
    %swap3A_2627 = arith.constant 1 : i32
    %swap3A_2628 = arith.index_cast %swap3A_2627 : i32 to index
    %swap3A_2629 = arith.constant 48 : index
    %swap3A_2630 = tpu.vector_load %arg9[%swap3A_2628, %swap3A_2629] {strides = array<i32>} : memref<2x128xi32, #tpu.memory_space<vmem>>, vector<16xi32>,
    tpu.vector_store %arg9[%swap3A_2628, %swap3A_2629], %select_n3A_2626 {strides = array<i32>} : memref<2x128xi32, #tpu.memory_space<vmem>>, vector<16xi32>,
    %get3A_2631 = arith.constant 1 : i32
    %get3A_2632 = arith.constant 0 : i32
    %get3A_2633 = arith.index_cast %get3A_2631 : i32 to index
    %get3A_2634 = arith.index_cast %get3A_2632 : i32 to index
    %get3A_2635 = arith.constant 64 : index
    %get3A_2636 = tpu.vector_load %arg7[%get3A_2633, %get3A_2634, %get3A_2635] {strides = array<i32>} : memref<2x2x128xi32, #tpu.memory_space<vmem>>, vector<16xi32>,
    %get3A_2637 = arith.constant 1 : i32
    %get3A_2638 = arith.constant 1 : i32
    %get3A_2639 = arith.index_cast %get3A_2637 : i32 to index
    %get3A_2640 = arith.index_cast %get3A_2638 : i32 to index
    %get3A_2641 = arith.constant 64 : index
    %get3A_2642 = tpu.vector_load %arg7[%get3A_2639, %get3A_2640, %get3A_2641] {strides = array<i32>} : memref<2x2x128xi32, #tpu.memory_space<vmem>>, vector<16xi32>,
    %gather3A_2643 = tpu.vector_load_idx %arg12[%get3A_2636] : memref<10000xi32, #tpu.memory_space<vmem>>[vector<16xi32>], vector<16xi32>,
    %mul3A_2644 = arith.constant 2 : i32
    %mul3A_2645 = vector.broadcast %mul3A_2644 : i32 to vector<16xi32>
    %mul3A_2646 = arith.muli %get3A_2636, %mul3A_2645 : vector<16xi32>
    %add3A_2647 = vector.broadcast %arg0 : i32 to vector<16xi32>
    %add3A_2648 = arith.addi %mul3A_2646, %add3A_2647 : vector<16xi32>
    %swap3A_2649 = arith.constant 1 : i32
    %swap3A_2650 = arith.index_cast %swap3A_2649 : i32 to index
    %swap3A_2651 = arith.constant 64 : index
    %swap3A_2652 = tpu.vector_load %arg8[%swap3A_2650, %swap3A_2651] {strides = array<i32>} : memref<2x128xi32, #tpu.memory_space<vmem>>, vector<16xi32>,
    tpu.vector_store %arg8[%swap3A_2650, %swap3A_2651], %add3A_2648 {strides = array<i32>} : memref<2x128xi32, #tpu.memory_space<vmem>>, vector<16xi32>,
    %swap3A_2653 = arith.constant 1 : i32
    %swap3A_2654 = arith.index_cast %swap3A_2653 : i32 to index
    %swap3A_2655 = arith.constant 64 : index
    %swap3A_2656 = tpu.vector_load %arg10[%swap3A_2654, %swap3A_2655] {strides = array<i32>} : memref<2x128xi32, #tpu.memory_space<vmem>>, vector<16xi32>,
    tpu.vector_store %arg10[%swap3A_2654, %swap3A_2655], %get3A_2642 {strides = array<i32>} : memref<2x128xi32, #tpu.memory_space<vmem>>, vector<16xi32>,
    %eq3A_2657 = arith.constant 1 : i32
    %eq3A_2658 = vector.broadcast %eq3A_2657 : i32 to vector<16xi32>
    %eq3A_2659 = arith.cmpi eq, %gather3A_2643, %eq3A_2658 : vector<16xi32>
    %jit3A_2660 = arith.constant 10000 : i32
    %broadcast_in_dim3A_2661 = vector.broadcast %jit3A_2660 : i32 to vector<16xi32>
    %select_n3A_2662 = arith.select %eq3A_2659, %get3A_2642, %broadcast_in_dim3A_2661 : vector<16xi1>, vector<16xi32>
    %swap3A_2663 = arith.constant 1 : i32
    %swap3A_2664 = arith.index_cast %swap3A_2663 : i32 to index
    %swap3A_2665 = arith.constant 64 : index
    %swap3A_2666 = tpu.vector_load %arg9[%swap3A_2664, %swap3A_2665] {strides = array<i32>} : memref<2x128xi32, #tpu.memory_space<vmem>>, vector<16xi32>,
    tpu.vector_store %arg9[%swap3A_2664, %swap3A_2665], %select_n3A_2662 {strides = array<i32>} : memref<2x128xi32, #tpu.memory_space<vmem>>, vector<16xi32>,
    %get3A_2667 = arith.constant 1 : i32
    %get3A_2668 = arith.constant 0 : i32
    %get3A_2669 = arith.index_cast %get3A_2667 : i32 to index
    %get3A_2670 = arith.index_cast %get3A_2668 : i32 to index
    %get3A_2671 = arith.constant 80 : index
    %get3A_2672 = tpu.vector_load %arg7[%get3A_2669, %get3A_2670, %get3A_2671] {strides = array<i32>} : memref<2x2x128xi32, #tpu.memory_space<vmem>>, vector<16xi32>,
    %get3A_2673 = arith.constant 1 : i32
    %get3A_2674 = arith.constant 1 : i32
    %get3A_2675 = arith.index_cast %get3A_2673 : i32 to index
    %get3A_2676 = arith.index_cast %get3A_2674 : i32 to index
    %get3A_2677 = arith.constant 80 : index
    %get3A_2678 = tpu.vector_load %arg7[%get3A_2675, %get3A_2676, %get3A_2677] {strides = array<i32>} : memref<2x2x128xi32, #tpu.memory_space<vmem>>, vector<16xi32>,
    %gather3A_2679 = tpu.vector_load_idx %arg12[%get3A_2672] : memref<10000xi32, #tpu.memory_space<vmem>>[vector<16xi32>], vector<16xi32>,
    %mul3A_2680 = arith.constant 2 : i32
    %mul3A_2681 = vector.broadcast %mul3A_2680 : i32 to vector<16xi32>
    %mul3A_2682 = arith.muli %get3A_2672, %mul3A_2681 : vector<16xi32>
    %add3A_2683 = vector.broadcast %arg0 : i32 to vector<16xi32>
    %add3A_2684 = arith.addi %mul3A_2682, %add3A_2683 : vector<16xi32>
    %swap3A_2685 = arith.constant 1 : i32
    %swap3A_2686 = arith.index_cast %swap3A_2685 : i32 to index
    %swap3A_2687 = arith.constant 80 : index
    %swap3A_2688 = tpu.vector_load %arg8[%swap3A_2686, %swap3A_2687] {strides = array<i32>} : memref<2x128xi32, #tpu.memory_space<vmem>>, vector<16xi32>,
    tpu.vector_store %arg8[%swap3A_2686, %swap3A_2687], %add3A_2684 {strides = array<i32>} : memref<2x128xi32, #tpu.memory_space<vmem>>, vector<16xi32>,
    %swap3A_2689 = arith.constant 1 : i32
    %swap3A_2690 = arith.index_cast %swap3A_2689 : i32 to index
    %swap3A_2691 = arith.constant 80 : index
    %swap3A_2692 = tpu.vector_load %arg10[%swap3A_2690, %swap3A_2691] {strides = array<i32>} : memref<2x128xi32, #tpu.memory_space<vmem>>, vector<16xi32>,
    tpu.vector_store %arg10[%swap3A_2690, %swap3A_2691], %get3A_2678 {strides = array<i32>} : memref<2x128xi32, #tpu.memory_space<vmem>>, vector<16xi32>,
    %eq3A_2693 = arith.constant 1 : i32
    %eq3A_2694 = vector.broadcast %eq3A_2693 : i32 to vector<16xi32>
    %eq3A_2695 = arith.cmpi eq, %gather3A_2679, %eq3A_2694 : vector<16xi32>
    %jit3A_2696 = arith.constant 10000 : i32
    %broadcast_in_dim3A_2697 = vector.broadcast %jit3A_2696 : i32 to vector<16xi32>
    %select_n3A_2698 = arith.select %eq3A_2695, %get3A_2678, %broadcast_in_dim3A_2697 : vector<16xi1>, vector<16xi32>
    %swap3A_2699 = arith.constant 1 : i32
    %swap3A_2700 = arith.index_cast %swap3A_2699 : i32 to index
    %swap3A_2701 = arith.constant 80 : index
    %swap3A_2702 = tpu.vector_load %arg9[%swap3A_2700, %swap3A_2701] {strides = array<i32>} : memref<2x128xi32, #tpu.memory_space<vmem>>, vector<16xi32>,
    tpu.vector_store %arg9[%swap3A_2700, %swap3A_2701], %select_n3A_2698 {strides = array<i32>} : memref<2x128xi32, #tpu.memory_space<vmem>>, vector<16xi32>,
    %get3A_2703 = arith.constant 1 : i32
    %get3A_2704 = arith.constant 0 : i32
    %get3A_2705 = arith.index_cast %get3A_2703 : i32 to index
    %get3A_2706 = arith.index_cast %get3A_2704 : i32 to index
    %get3A_2707 = arith.constant 96 : index
    %get3A_2708 = tpu.vector_load %arg7[%get3A_2705, %get3A_2706, %get3A_2707] {strides = array<i32>} : memref<2x2x128xi32, #tpu.memory_space<vmem>>, vector<16xi32>,
    %get3A_2709 = arith.constant 1 : i32
    %get3A_2710 = arith.constant 1 : i32
    %get3A_2711 = arith.index_cast %get3A_2709 : i32 to index
    %get3A_2712 = arith.index_cast %get3A_2710 : i32 to index
    %get3A_2713 = arith.constant 96 : index
    %get3A_2714 = tpu.vector_load %arg7[%get3A_2711, %get3A_2712, %get3A_2713] {strides = array<i32>} : memref<2x2x128xi32, #tpu.memory_space<vmem>>, vector<16xi32>,
    %gather3A_2715 = tpu.vector_load_idx %arg12[%get3A_2708] : memref<10000xi32, #tpu.memory_space<vmem>>[vector<16xi32>], vector<16xi32>,
    %mul3A_2716 = arith.constant 2 : i32
    %mul3A_2717 = vector.broadcast %mul3A_2716 : i32 to vector<16xi32>
    %mul3A_2718 = arith.muli %get3A_2708, %mul3A_2717 : vector<16xi32>
    %add3A_2719 = vector.broadcast %arg0 : i32 to vector<16xi32>
    %add3A_2720 = arith.addi %mul3A_2718, %add3A_2719 : vector<16xi32>
    %swap3A_2721 = arith.constant 1 : i32
    %swap3A_2722 = arith.index_cast %swap3A_2721 : i32 to index
    %swap3A_2723 = arith.constant 96 : index
    %swap3A_2724 = tpu.vector_load %arg8[%swap3A_2722, %swap3A_2723] {strides = array<i32>} : memref<2x128xi32, #tpu.memory_space<vmem>>, vector<16xi32>,
    tpu.vector_store %arg8[%swap3A_2722, %swap3A_2723], %add3A_2720 {strides = array<i32>} : memref<2x128xi32, #tpu.memory_space<vmem>>, vector<16xi32>,
    %swap3A_2725 = arith.constant 1 : i32
    %swap3A_2726 = arith.index_cast %swap3A_2725 : i32 to index
    %swap3A_2727 = arith.constant 96 : index
    %swap3A_2728 = tpu.vector_load %arg10[%swap3A_2726, %swap3A_2727] {strides = array<i32>} : memref<2x128xi32, #tpu.memory_space<vmem>>, vector<16xi32>,
    tpu.vector_store %arg10[%swap3A_2726, %swap3A_2727], %get3A_2714 {strides = array<i32>} : memref<2x128xi32, #tpu.memory_space<vmem>>, vector<16xi32>,
    %eq3A_2729 = arith.constant 1 : i32
    %eq3A_2730 = vector.broadcast %eq3A_2729 : i32 to vector<16xi32>
    %eq3A_2731 = arith.cmpi eq, %gather3A_2715, %eq3A_2730 : vector<16xi32>
    %jit3A_2732 = arith.constant 10000 : i32
    %broadcast_in_dim3A_2733 = vector.broadcast %jit3A_2732 : i32 to vector<16xi32>
    %select_n3A_2734 = arith.select %eq3A_2731, %get3A_2714, %broadcast_in_dim3A_2733 : vector<16xi1>, vector<16xi32>
    %swap3A_2735 = arith.constant 1 : i32
    %swap3A_2736 = arith.index_cast %swap3A_2735 : i32 to index
    %swap3A_2737 = arith.constant 96 : index
    %swap3A_2738 = tpu.vector_load %arg9[%swap3A_2736, %swap3A_2737] {strides = array<i32>} : memref<2x128xi32, #tpu.memory_space<vmem>>, vector<16xi32>,
    tpu.vector_store %arg9[%swap3A_2736, %swap3A_2737], %select_n3A_2734 {strides = array<i32>} : memref<2x128xi32, #tpu.memory_space<vmem>>, vector<16xi32>,
    %get3A_2739 = arith.constant 1 : i32
    %get3A_2740 = arith.constant 0 : i32
    %get3A_2741 = arith.index_cast %get3A_2739 : i32 to index
    %get3A_2742 = arith.index_cast %get3A_2740 : i32 to index
    %get3A_2743 = arith.constant 112 : index
    %get3A_2744 = tpu.vector_load %arg7[%get3A_2741, %get3A_2742, %get3A_2743] {strides = array<i32>} : memref<2x2x128xi32, #tpu.memory_space<vmem>>, vector<16xi32>,
    %get3A_2745 = arith.constant 1 : i32
    %get3A_2746 = arith.constant 1 : i32
    %get3A_2747 = arith.index_cast %get3A_2745 : i32 to index
    %get3A_2748 = arith.index_cast %get3A_2746 : i32 to index
    %get3A_2749 = arith.constant 112 : index
    %get3A_2750 = tpu.vector_load %arg7[%get3A_2747, %get3A_2748, %get3A_2749] {strides = array<i32>} : memref<2x2x128xi32, #tpu.memory_space<vmem>>, vector<16xi32>,
    %gather3A_2751 = tpu.vector_load_idx %arg12[%get3A_2744] : memref<10000xi32, #tpu.memory_space<vmem>>[vector<16xi32>], vector<16xi32>,
    %mul3A_2752 = arith.constant 2 : i32
    %mul3A_2753 = vector.broadcast %mul3A_2752 : i32 to vector<16xi32>
    %mul3A_2754 = arith.muli %get3A_2744, %mul3A_2753 : vector<16xi32>
    %add3A_2755 = vector.broadcast %arg0 : i32 to vector<16xi32>
    %add3A_2756 = arith.addi %mul3A_2754, %add3A_2755 : vector<16xi32>
    %swap3A_2757 = arith.constant 1 : i32
    %swap3A_2758 = arith.index_cast %swap3A_2757 : i32 to index
    %swap3A_2759 = arith.constant 112 : index
    %swap3A_2760 = tpu.vector_load %arg8[%swap3A_2758, %swap3A_2759] {strides = array<i32>} : memref<2x128xi32, #tpu.memory_space<vmem>>, vector<16xi32>,
    tpu.vector_store %arg8[%swap3A_2758, %swap3A_2759], %add3A_2756 {strides = array<i32>} : memref<2x128xi32, #tpu.memory_space<vmem>>, vector<16xi32>,
    %swap3A_2761 = arith.constant 1 : i32
    %swap3A_2762 = arith.index_cast %swap3A_2761 : i32 to index
    %swap3A_2763 = arith.constant 112 : index
    %swap3A_2764 = tpu.vector_load %arg10[%swap3A_2762, %swap3A_2763] {strides = array<i32>} : memref<2x128xi32, #tpu.memory_space<vmem>>, vector<16xi32>,
    tpu.vector_store %arg10[%swap3A_2762, %swap3A_2763], %get3A_2750 {strides = array<i32>} : memref<2x128xi32, #tpu.memory_space<vmem>>, vector<16xi32>,
    %eq3A_2765 = arith.constant 1 : i32
    %eq3A_2766 = vector.broadcast %eq3A_2765 : i32 to vector<16xi32>
    %eq3A_2767 = arith.cmpi eq, %gather3A_2751, %eq3A_2766 : vector<16xi32>
    %jit3A_2768 = arith.constant 10000 : i32
    %broadcast_in_dim3A_2769 = vector.broadcast %jit3A_2768 : i32 to vector<16xi32>
    %select_n3A_2770 = arith.select %eq3A_2767, %get3A_2750, %broadcast_in_dim3A_2769 : vector<16xi1>, vector<16xi32>
    %swap3A_2771 = arith.constant 1 : i32
    %swap3A_2772 = arith.index_cast %swap3A_2771 : i32 to index
    %swap3A_2773 = arith.constant 112 : index
    %swap3A_2774 = tpu.vector_load %arg9[%swap3A_2772, %swap3A_2773] {strides = array<i32>} : memref<2x128xi32, #tpu.memory_space<vmem>>, vector<16xi32>,
    tpu.vector_store %arg9[%swap3A_2772, %swap3A_2773], %select_n3A_2770 {strides = array<i32>} : memref<2x128xi32, #tpu.memory_space<vmem>>, vector<16xi32>,
    %dma_start3A_2775 = arith.constant 3 : i32
    %dma_start3A_2776 = arith.constant 1 : i32
    %dma_start3A_2777 = arith.constant 1 : i32
    %dma_start3A_2778 = arith.constant 0 : i32
    %dma_start3A_2779 = arith.constant 0 : i32
    %dma_start3A_2780 = tpu.memref_slice %arg7[%dma_start3A_2776, %dma_start3A_2778, %dma_start3A_2779] : memref<2x2x128xi32, #tpu.memory_space<vmem>> -> memref<1x2x128xi32, #tpu.memory_space<vmem>>
    %dma_start3A_2781 = tpu.memref_squeeze %dma_start3A_2780 : memref<1x2x128xi32, #tpu.memory_space<vmem>> -> memref<2x128xi32, #tpu.memory_space<vmem>>
    %dma_start3A_2782 = arith.constant 0 : i32
    %dma_start3A_2783 = arith.constant 0 : i32
    %dma_start3A_2784 = tpu.memref_slice %arg3[%arg1, %dma_start3A_2775, %dma_start3A_2782, %dma_start3A_2783] : memref<16x160x2x128xi32, #tpu.memory_space<hbm>> -> memref<1x1x2x128xi32, #tpu.memory_space<hbm>>
    %dma_start3A_2785 = tpu.memref_squeeze %dma_start3A_2784 : memref<1x1x2x128xi32, #tpu.memory_space<hbm>> -> memref<2x128xi32, #tpu.memory_space<hbm>>
    %dma_start3A_2786 = tpu.memref_slice %arg16[%dma_start3A_2777] : memref<2x!tpu.dma_semaphore, #tpu.memory_space<semaphore_mem>> -> memref<1x!tpu.dma_semaphore, #tpu.memory_space<semaphore_mem>>
    %dma_start3A_2787 = tpu.memref_squeeze %dma_start3A_2786 : memref<1x!tpu.dma_semaphore, #tpu.memory_space<semaphore_mem>> -> memref<!tpu.dma_semaphore, #tpu.memory_space<semaphore_mem>>
    %dma_start3A_2788 = arith.constant 0 : i32
    %dma_start3A_2789 = arith.constant 0 : i32
    %dma_start3A_2790 = tpu.memref_slice %arg7[%dma_start3A_2776, %dma_start3A_2788, %dma_start3A_2789] : memref<2x2x128xi32, #tpu.memory_space<vmem>> -> memref<1x2x128xi32, #tpu.memory_space<vmem>>
    %dma_start3A_2791 = tpu.memref_squeeze %dma_start3A_2790 : memref<1x2x128xi32, #tpu.memory_space<vmem>> -> memref<2x128xi32, #tpu.memory_space<vmem>>
    %dma_start3A_2792 = arith.constant 0 : i32
    %dma_start3A_2793 = arith.constant 0 : i32
    %dma_start3A_2794 = tpu.memref_slice %arg3[%arg1, %dma_start3A_2775, %dma_start3A_2792, %dma_start3A_2793] : memref<16x160x2x128xi32, #tpu.memory_space<hbm>> -> memref<1x1x2x128xi32, #tpu.memory_space<hbm>>
    %dma_start3A_2795 = tpu.memref_squeeze %dma_start3A_2794 : memref<1x1x2x128xi32, #tpu.memory_space<hbm>> -> memref<2x128xi32, #tpu.memory_space<hbm>>
    tpu.enqueue_dma source(%dma_start3A_2795 : memref<2x128xi32, #tpu.memory_space<hbm>>) target(%dma_start3A_2791 : memref<2x128xi32, #tpu.memory_space<vmem>>) target_semaphore(%dma_start3A_2787 : memref<!tpu.dma_semaphore, #tpu.memory_space<semaphore_mem>>)
    %dma_start3A_2796 = arith.constant 1 : i32
    %dma_start3A_2797 = arith.constant 1 : i32
    %dma_start3A_2798 = arith.constant 1 : i32
    %dma_start3A_2799 = arith.constant 0 : i32
    %dma_start3A_2800 = arith.constant 0 : i32
    %dma_start3A_2801 = tpu.memref_slice %arg11[%dma_start3A_2797, %dma_start3A_2799, %dma_start3A_2800] : memref<2x128x64xf32, #tpu.memory_space<vmem>> -> memref<1x128x64xf32, #tpu.memory_space<vmem>>
    %dma_start3A_2802 = tpu.memref_squeeze %dma_start3A_2801 : memref<1x128x64xf32, #tpu.memory_space<vmem>> -> memref<128x64xf32, #tpu.memory_space<vmem>>
    %dma_start3A_2803 = arith.constant 0 : i32
    %dma_start3A_2804 = tpu.memref_slice %arg8[%dma_start3A_2796, %dma_start3A_2803] : memref<2x128xi32, #tpu.memory_space<vmem>> -> memref<1x128xi32, #tpu.memory_space<vmem>>
    %dma_start3A_2805 = tpu.memref_squeeze %dma_start3A_2804 : memref<1x128xi32, #tpu.memory_space<vmem>> -> memref<128xi32, #tpu.memory_space<vmem>>
    %dma_start3A_2806 = arith.constant 0 : i32
    %dma_start3A_2807 = arith.constant 0 : i32
    %dma_start3A_2808 = tpu.memref_slice %arg2[%dma_start3A_2806, %dma_start3A_2807] : memref<20000x64xf32, #tpu.memory_space<hbm>> -> memref<20000x64xf32, #tpu.memory_space<hbm>>
    %dma_start3A_2809 = tpu.memref_slice %arg17[%dma_start3A_2798] : memref<2x!tpu.dma_semaphore, #tpu.memory_space<semaphore_mem>> -> memref<1x!tpu.dma_semaphore, #tpu.memory_space<semaphore_mem>>
    %dma_start3A_2810 = tpu.memref_squeeze %dma_start3A_2809 : memref<1x!tpu.dma_semaphore, #tpu.memory_space<semaphore_mem>> -> memref<!tpu.dma_semaphore, #tpu.memory_space<semaphore_mem>>
    tpu.enqueue_indirect_dma source(%dma_start3A_2808 : memref<20000x64xf32, #tpu.memory_space<hbm>>) target(%dma_start3A_2802 : memref<128x64xf32, #tpu.memory_space<vmem>>) offsets(%dma_start3A_2805 : memref<128xi32, #tpu.memory_space<vmem>>) semaphore(%dma_start3A_2810 : memref<!tpu.dma_semaphore, #tpu.memory_space<semaphore_mem>>)
    %dma_wait3A_2811 = arith.constant 0 : i32
    %dma_wait3A_2812 = arith.constant 0 : i32
    %dma_wait3A_2813 = arith.constant 0 : i32
    %dma_wait3A_2814 = arith.constant 0 : i32
    %dma_wait3A_2815 = arith.constant 0 : i32
    %dma_wait3A_2816 = tpu.memref_slice %arg11[%dma_wait3A_2812, %dma_wait3A_2814, %dma_wait3A_2815] : memref<2x128x64xf32, #tpu.memory_space<vmem>> -> memref<1x128x64xf32, #tpu.memory_space<vmem>>
    %dma_wait3A_2817 = tpu.memref_squeeze %dma_wait3A_2816 : memref<1x128x64xf32, #tpu.memory_space<vmem>> -> memref<128x64xf32, #tpu.memory_space<vmem>>
    %dma_wait3A_2818 = arith.constant 0 : i32
    %dma_wait3A_2819 = tpu.memref_slice %arg8[%dma_wait3A_2811, %dma_wait3A_2818] : memref<2x128xi32, #tpu.memory_space<vmem>> -> memref<1x128xi32, #tpu.memory_space<vmem>>
    %dma_wait3A_2820 = tpu.memref_squeeze %dma_wait3A_2819 : memref<1x128xi32, #tpu.memory_space<vmem>> -> memref<128xi32, #tpu.memory_space<vmem>>
    %dma_wait3A_2821 = arith.constant 0 : i32
    %dma_wait3A_2822 = arith.constant 0 : i32
    %dma_wait3A_2823 = tpu.memref_slice %arg2[%dma_wait3A_2821, %dma_wait3A_2822] : memref<20000x64xf32, #tpu.memory_space<hbm>> -> memref<20000x64xf32, #tpu.memory_space<hbm>>
    %dma_wait3A_2824 = tpu.memref_slice %arg17[%dma_wait3A_2813] : memref<2x!tpu.dma_semaphore, #tpu.memory_space<semaphore_mem>> -> memref<1x!tpu.dma_semaphore, #tpu.memory_space<semaphore_mem>>
    %dma_wait3A_2825 = tpu.memref_squeeze %dma_wait3A_2824 : memref<1x!tpu.dma_semaphore, #tpu.memory_space<semaphore_mem>> -> memref<!tpu.dma_semaphore, #tpu.memory_space<semaphore_mem>>
    tpu.wait_indirect_dma semaphore(%dma_wait3A_2825 : memref<!tpu.dma_semaphore, #tpu.memory_space<semaphore_mem>>) src(%dma_wait3A_2823 : memref<20000x64xf32, #tpu.memory_space<hbm>>) dst(%dma_wait3A_2817 : memref<128x64xf32, #tpu.memory_space<vmem>>)
    %dma_start3A_2826 = arith.constant 0 : i32
    %dma_start3A_2827 = arith.constant 0 : i32
    %dma_start3A_2828 = arith.constant 0 : i32
    %dma_start3A_2829 = arith.constant 0 : i32
    %dma_start3A_2830 = arith.constant 0 : i32
    %dma_start3A_2831 = tpu.memref_slice %arg11[%dma_start3A_2826, %dma_start3A_2829, %dma_start3A_2830] : memref<2x128x64xf32, #tpu.memory_space<vmem>> -> memref<1x128x64xf32, #tpu.memory_space<vmem>>
    %dma_start3A_2832 = tpu.memref_squeeze %dma_start3A_2831 : memref<1x128x64xf32, #tpu.memory_space<vmem>> -> memref<128x64xf32, #tpu.memory_space<vmem>>
    %dma_start3A_2833 = arith.constant 0 : i32
    %dma_start3A_2834 = tpu.memref_slice %arg10[%dma_start3A_2827, %dma_start3A_2833] : memref<2x128xi32, #tpu.memory_space<vmem>> -> memref<1x128xi32, #tpu.memory_space<vmem>>
    %dma_start3A_2835 = tpu.memref_squeeze %dma_start3A_2834 : memref<1x128xi32, #tpu.memory_space<vmem>> -> memref<128xi32, #tpu.memory_space<vmem>>
    %dma_start3A_2836 = arith.constant 0 : i32
    %dma_start3A_2837 = arith.constant 0 : i32
    %dma_start3A_2838 = tpu.memref_slice %arg15[%dma_start3A_2836, %dma_start3A_2837] : memref<10240x64xf32, #tpu.memory_space<vmem_shared>> -> memref<10240x64xf32, #tpu.memory_space<vmem_shared>>
    %dma_start3A_2839 = tpu.memref_slice %arg18[%dma_start3A_2828] : memref<2x!tpu.dma_semaphore, #tpu.memory_space<semaphore_mem>> -> memref<1x!tpu.dma_semaphore, #tpu.memory_space<semaphore_mem>>
    %dma_start3A_2840 = tpu.memref_squeeze %dma_start3A_2839 : memref<1x!tpu.dma_semaphore, #tpu.memory_space<semaphore_mem>> -> memref<!tpu.dma_semaphore, #tpu.memory_space<semaphore_mem>>
    tpu.enqueue_indirect_dma source(%dma_start3A_2832 : memref<128x64xf32, #tpu.memory_space<vmem>>) target(%dma_start3A_2838 : memref<10240x64xf32, #tpu.memory_space<vmem_shared>>) offsets(%dma_start3A_2835 : memref<128xi32, #tpu.memory_space<vmem>>) semaphore(%dma_start3A_2840 : memref<!tpu.dma_semaphore, #tpu.memory_space<semaphore_mem>>) {add = true}
    %dma_start3A_2841 = arith.constant 0 : i32
    %dma_start3A_2842 = arith.constant 0 : i32
    %dma_start3A_2843 = arith.constant 0 : i32
    %dma_start3A_2844 = arith.constant 0 : i32
    %dma_start3A_2845 = arith.constant 0 : i32
    %dma_start3A_2846 = tpu.memref_slice %arg11[%dma_start3A_2841, %dma_start3A_2844, %dma_start3A_2845] : memref<2x128x64xf32, #tpu.memory_space<vmem>> -> memref<1x128x64xf32, #tpu.memory_space<vmem>>
    %dma_start3A_2847 = tpu.memref_squeeze %dma_start3A_2846 : memref<1x128x64xf32, #tpu.memory_space<vmem>> -> memref<128x64xf32, #tpu.memory_space<vmem>>
    %dma_start3A_2848 = arith.constant 0 : i32
    %dma_start3A_2849 = tpu.memref_slice %arg9[%dma_start3A_2842, %dma_start3A_2848] : memref<2x128xi32, #tpu.memory_space<vmem>> -> memref<1x128xi32, #tpu.memory_space<vmem>>
    %dma_start3A_2850 = tpu.memref_squeeze %dma_start3A_2849 : memref<1x128xi32, #tpu.memory_space<vmem>> -> memref<128xi32, #tpu.memory_space<vmem>>
    %dma_start3A_2851 = arith.constant 0 : i32
    %dma_start3A_2852 = arith.constant 0 : i32
    %dma_start3A_2853 = tpu.memref_slice %arg14[%dma_start3A_2851, %dma_start3A_2852] : memref<10240x64xf32, #tpu.memory_space<vmem_shared>> -> memref<10240x64xf32, #tpu.memory_space<vmem_shared>>
    %dma_start3A_2854 = tpu.memref_slice %arg18[%dma_start3A_2843] : memref<2x!tpu.dma_semaphore, #tpu.memory_space<semaphore_mem>> -> memref<1x!tpu.dma_semaphore, #tpu.memory_space<semaphore_mem>>
    %dma_start3A_2855 = tpu.memref_squeeze %dma_start3A_2854 : memref<1x!tpu.dma_semaphore, #tpu.memory_space<semaphore_mem>> -> memref<!tpu.dma_semaphore, #tpu.memory_space<semaphore_mem>>
    tpu.enqueue_indirect_dma source(%dma_start3A_2847 : memref<128x64xf32, #tpu.memory_space<vmem>>) target(%dma_start3A_2853 : memref<10240x64xf32, #tpu.memory_space<vmem_shared>>) offsets(%dma_start3A_2850 : memref<128xi32, #tpu.memory_space<vmem>>) semaphore(%dma_start3A_2855 : memref<!tpu.dma_semaphore, #tpu.memory_space<semaphore_mem>>) {add = true}
    %dma_wait3A_2856 = arith.constant 1 : i32
    %dma_wait3A_2857 = arith.constant 1 : i32
    %dma_wait3A_2858 = arith.constant 1 : i32
    %dma_wait3A_2859 = arith.constant 0 : i32
    %dma_wait3A_2860 = arith.constant 0 : i32
    %dma_wait3A_2861 = tpu.memref_slice %arg11[%dma_wait3A_2857, %dma_wait3A_2859, %dma_wait3A_2860] : memref<2x128x64xf32, #tpu.memory_space<vmem>> -> memref<1x128x64xf32, #tpu.memory_space<vmem>>
    %dma_wait3A_2862 = tpu.memref_squeeze %dma_wait3A_2861 : memref<1x128x64xf32, #tpu.memory_space<vmem>> -> memref<128x64xf32, #tpu.memory_space<vmem>>
    %dma_wait3A_2863 = arith.constant 0 : i32
    %dma_wait3A_2864 = tpu.memref_slice %arg8[%dma_wait3A_2856, %dma_wait3A_2863] : memref<2x128xi32, #tpu.memory_space<vmem>> -> memref<1x128xi32, #tpu.memory_space<vmem>>
    %dma_wait3A_2865 = tpu.memref_squeeze %dma_wait3A_2864 : memref<1x128xi32, #tpu.memory_space<vmem>> -> memref<128xi32, #tpu.memory_space<vmem>>
    %dma_wait3A_2866 = arith.constant 0 : i32
    %dma_wait3A_2867 = arith.constant 0 : i32
    %dma_wait3A_2868 = tpu.memref_slice %arg2[%dma_wait3A_2866, %dma_wait3A_2867] : memref<20000x64xf32, #tpu.memory_space<hbm>> -> memref<20000x64xf32, #tpu.memory_space<hbm>>
    %dma_wait3A_2869 = tpu.memref_slice %arg17[%dma_wait3A_2858] : memref<2x!tpu.dma_semaphore, #tpu.memory_space<semaphore_mem>> -> memref<1x!tpu.dma_semaphore, #tpu.memory_space<semaphore_mem>>
    %dma_wait3A_2870 = tpu.memref_squeeze %dma_wait3A_2869 : memref<1x!tpu.dma_semaphore, #tpu.memory_space<semaphore_mem>> -> memref<!tpu.dma_semaphore, #tpu.memory_space<semaphore_mem>>
    tpu.wait_indirect_dma semaphore(%dma_wait3A_2870 : memref<!tpu.dma_semaphore, #tpu.memory_space<semaphore_mem>>) src(%dma_wait3A_2868 : memref<20000x64xf32, #tpu.memory_space<hbm>>) dst(%dma_wait3A_2862 : memref<128x64xf32, #tpu.memory_space<vmem>>)
    %dma_start3A_2871 = arith.constant 1 : i32
    %dma_start3A_2872 = arith.constant 1 : i32
    %dma_start3A_2873 = arith.constant 1 : i32
    %dma_start3A_2874 = arith.constant 0 : i32
    %dma_start3A_2875 = arith.constant 0 : i32
    %dma_start3A_2876 = tpu.memref_slice %arg11[%dma_start3A_2871, %dma_start3A_2874, %dma_start3A_2875] : memref<2x128x64xf32, #tpu.memory_space<vmem>> -> memref<1x128x64xf32, #tpu.memory_space<vmem>>
    %dma_start3A_2877 = tpu.memref_squeeze %dma_start3A_2876 : memref<1x128x64xf32, #tpu.memory_space<vmem>> -> memref<128x64xf32, #tpu.memory_space<vmem>>
    %dma_start3A_2878 = arith.constant 0 : i32
    %dma_start3A_2879 = tpu.memref_slice %arg10[%dma_start3A_2872, %dma_start3A_2878] : memref<2x128xi32, #tpu.memory_space<vmem>> -> memref<1x128xi32, #tpu.memory_space<vmem>>
    %dma_start3A_2880 = tpu.memref_squeeze %dma_start3A_2879 : memref<1x128xi32, #tpu.memory_space<vmem>> -> memref<128xi32, #tpu.memory_space<vmem>>
    %dma_start3A_2881 = arith.constant 0 : i32
    %dma_start3A_2882 = arith.constant 0 : i32
    %dma_start3A_2883 = tpu.memref_slice %arg15[%dma_start3A_2881, %dma_start3A_2882] : memref<10240x64xf32, #tpu.memory_space<vmem_shared>> -> memref<10240x64xf32, #tpu.memory_space<vmem_shared>>
    %dma_start3A_2884 = tpu.memref_slice %arg18[%dma_start3A_2873] : memref<2x!tpu.dma_semaphore, #tpu.memory_space<semaphore_mem>> -> memref<1x!tpu.dma_semaphore, #tpu.memory_space<semaphore_mem>>
    %dma_start3A_2885 = tpu.memref_squeeze %dma_start3A_2884 : memref<1x!tpu.dma_semaphore, #tpu.memory_space<semaphore_mem>> -> memref<!tpu.dma_semaphore, #tpu.memory_space<semaphore_mem>>
    tpu.enqueue_indirect_dma source(%dma_start3A_2877 : memref<128x64xf32, #tpu.memory_space<vmem>>) target(%dma_start3A_2883 : memref<10240x64xf32, #tpu.memory_space<vmem_shared>>) offsets(%dma_start3A_2880 : memref<128xi32, #tpu.memory_space<vmem>>) semaphore(%dma_start3A_2885 : memref<!tpu.dma_semaphore, #tpu.memory_space<semaphore_mem>>) {add = true}
    %dma_start3A_2886 = arith.constant 1 : i32
    %dma_start3A_2887 = arith.constant 1 : i32
    %dma_start3A_2888 = arith.constant 1 : i32
    %dma_start3A_2889 = arith.constant 0 : i32
    %dma_start3A_2890 = arith.constant 0 : i32
    %dma_start3A_2891 = tpu.memref_slice %arg11[%dma_start3A_2886, %dma_start3A_2889, %dma_start3A_2890] : memref<2x128x64xf32, #tpu.memory_space<vmem>> -> memref<1x128x64xf32, #tpu.memory_space<vmem>>
    %dma_start3A_2892 = tpu.memref_squeeze %dma_start3A_2891 : memref<1x128x64xf32, #tpu.memory_space<vmem>> -> memref<128x64xf32, #tpu.memory_space<vmem>>
    %dma_start3A_2893 = arith.constant 0 : i32
    %dma_start3A_2894 = tpu.memref_slice %arg9[%dma_start3A_2887, %dma_start3A_2893] : memref<2x128xi32, #tpu.memory_space<vmem>> -> memref<1x128xi32, #tpu.memory_space<vmem>>
    %dma_start3A_2895 = tpu.memref_squeeze %dma_start3A_2894 : memref<1x128xi32, #tpu.memory_space<vmem>> -> memref<128xi32, #tpu.memory_space<vmem>>
    %dma_start3A_2896 = arith.constant 0 : i32
    %dma_start3A_2897 = arith.constant 0 : i32
    %dma_start3A_2898 = tpu.memref_slice %arg14[%dma_start3A_2896, %dma_start3A_2897] : memref<10240x64xf32, #tpu.memory_space<vmem_shared>> -> memref<10240x64xf32, #tpu.memory_space<vmem_shared>>
    %dma_start3A_2899 = tpu.memref_slice %arg18[%dma_start3A_2888] : memref<2x!tpu.dma_semaphore, #tpu.memory_space<semaphore_mem>> -> memref<1x!tpu.dma_semaphore, #tpu.memory_space<semaphore_mem>>
    %dma_start3A_2900 = tpu.memref_squeeze %dma_start3A_2899 : memref<1x!tpu.dma_semaphore, #tpu.memory_space<semaphore_mem>> -> memref<!tpu.dma_semaphore, #tpu.memory_space<semaphore_mem>>
    tpu.enqueue_indirect_dma source(%dma_start3A_2892 : memref<128x64xf32, #tpu.memory_space<vmem>>) target(%dma_start3A_2898 : memref<10240x64xf32, #tpu.memory_space<vmem_shared>>) offsets(%dma_start3A_2895 : memref<128xi32, #tpu.memory_space<vmem>>) semaphore(%dma_start3A_2900 : memref<!tpu.dma_semaphore, #tpu.memory_space<semaphore_mem>>) {add = true}
    %scan3A = arith.constant 0 : i32
    %scan3A_2901 = arith.constant 1 : i32
    %scan3A_2902 = arith.constant 78 : i32
    %scan3A_2903 = arith.addi %scan3A_2901, %scan3A_2902 : i32
    %scan3A_2904 = arith.constant 1 : i32
    %scan3A_2905 = scf.for %scan3A_3024 = %scan3A_2901 to %scan3A_2903 step %scan3A_2904 iter_args(%scan3A_3025 = %scan3A) -> (i32)  : i32 {
      %mul3A_3026 = arith.constant 2 : i32
      %mul3A_3027 = arith.muli %mul3A_3026, %scan3A_3024 : i32
      %dma_wait3A_3028 = arith.constant 0 : i32
      %dma_wait3A_3029 = arith.constant 0 : i32
      %dma_wait3A_3030 = arith.constant 0 : i32
      %dma_wait3A_3031 = arith.constant 0 : i32
      %dma_wait3A_3032 = arith.constant 0 : i32
      %dma_wait3A_3033 = tpu.memref_slice %arg7[%dma_wait3A_3029, %dma_wait3A_3031, %dma_wait3A_3032] : memref<2x2x128xi32, #tpu.memory_space<vmem>> -> memref<1x2x128xi32, #tpu.memory_space<vmem>>
      %dma_wait3A_3034 = tpu.memref_squeeze %dma_wait3A_3033 : memref<1x2x128xi32, #tpu.memory_space<vmem>> -> memref<2x128xi32, #tpu.memory_space<vmem>>
      %dma_wait3A_3035 = arith.constant 0 : i32
      %dma_wait3A_3036 = arith.constant 0 : i32
      %dma_wait3A_3037 = tpu.memref_slice %arg3[%arg1, %dma_wait3A_3028, %dma_wait3A_3035, %dma_wait3A_3036] : memref<16x160x2x128xi32, #tpu.memory_space<hbm>> -> memref<1x1x2x128xi32, #tpu.memory_space<hbm>>
      %dma_wait3A_3038 = tpu.memref_squeeze %dma_wait3A_3037 : memref<1x1x2x128xi32, #tpu.memory_space<hbm>> -> memref<2x128xi32, #tpu.memory_space<hbm>>
      %dma_wait3A_3039 = tpu.memref_slice %arg16[%dma_wait3A_3030] : memref<2x!tpu.dma_semaphore, #tpu.memory_space<semaphore_mem>> -> memref<1x!tpu.dma_semaphore, #tpu.memory_space<semaphore_mem>>
      %dma_wait3A_3040 = tpu.memref_squeeze %dma_wait3A_3039 : memref<1x!tpu.dma_semaphore, #tpu.memory_space<semaphore_mem>> -> memref<!tpu.dma_semaphore, #tpu.memory_space<semaphore_mem>>
      %dma_wait3A_3041 = arith.constant 0 : i32
      %dma_wait3A_3042 = arith.constant 0 : i32
      %dma_wait3A_3043 = tpu.memref_slice %arg7[%dma_wait3A_3029, %dma_wait3A_3041, %dma_wait3A_3042] : memref<2x2x128xi32, #tpu.memory_space<vmem>> -> memref<1x2x128xi32, #tpu.memory_space<vmem>>
      %dma_wait3A_3044 = tpu.memref_squeeze %dma_wait3A_3043 : memref<1x2x128xi32, #tpu.memory_space<vmem>> -> memref<2x128xi32, #tpu.memory_space<vmem>>
      %dma_wait3A_3045 = arith.constant 0 : i32
      %dma_wait3A_3046 = arith.constant 0 : i32
      %dma_wait3A_3047 = tpu.memref_slice %arg3[%arg1, %dma_wait3A_3028, %dma_wait3A_3045, %dma_wait3A_3046] : memref<16x160x2x128xi32, #tpu.memory_space<hbm>> -> memref<1x1x2x128xi32, #tpu.memory_space<hbm>>
      %dma_wait3A_3048 = tpu.memref_squeeze %dma_wait3A_3047 : memref<1x1x2x128xi32, #tpu.memory_space<hbm>> -> memref<2x128xi32, #tpu.memory_space<hbm>>
      tpu.wait_dma2 semaphore(%dma_wait3A_3040 : memref<!tpu.dma_semaphore, #tpu.memory_space<semaphore_mem>>) src(%dma_wait3A_3048 : memref<2x128xi32, #tpu.memory_space<hbm>>) dst(%dma_wait3A_3044 : memref<2x128xi32, #tpu.memory_space<vmem>>)
      %dma_wait3A_3049 = arith.constant 0 : i32
      %dma_wait3A_3050 = arith.constant 0 : i32
      %dma_wait3A_3051 = arith.constant 0 : i32
      %dma_wait3A_3052 = arith.constant 0 : i32
      %dma_wait3A_3053 = tpu.memref_slice %arg11[%dma_wait3A_3049, %dma_wait3A_3051, %dma_wait3A_3052] : memref<2x128x64xf32, #tpu.memory_space<vmem>> -> memref<1x128x64xf32, #tpu.memory_space<vmem>>
      %dma_wait3A_3054 = tpu.memref_squeeze %dma_wait3A_3053 : memref<1x128x64xf32, #tpu.memory_space<vmem>> -> memref<128x64xf32, #tpu.memory_space<vmem>>
      %dma_wait3A_3055 = arith.constant 0 : i32
      %dma_wait3A_3056 = arith.constant 0 : i32
      %dma_wait3A_3057 = tpu.memref_slice %arg2[%dma_wait3A_3055, %dma_wait3A_3056] : memref<20000x64xf32, #tpu.memory_space<hbm>> -> memref<128x64xf32, #tpu.memory_space<hbm>>
      %dma_wait3A_3058 = tpu.memref_slice %arg18[%dma_wait3A_3050] : memref<2x!tpu.dma_semaphore, #tpu.memory_space<semaphore_mem>> -> memref<1x!tpu.dma_semaphore, #tpu.memory_space<semaphore_mem>>
      %dma_wait3A_3059 = tpu.memref_squeeze %dma_wait3A_3058 : memref<1x!tpu.dma_semaphore, #tpu.memory_space<semaphore_mem>> -> memref<!tpu.dma_semaphore, #tpu.memory_space<semaphore_mem>>
      %dma_wait3A_3060 = arith.constant 0 : i32
      %dma_wait3A_3061 = arith.constant 0 : i32
      %dma_wait3A_3062 = tpu.memref_slice %arg11[%dma_wait3A_3049, %dma_wait3A_3060, %dma_wait3A_3061] : memref<2x128x64xf32, #tpu.memory_space<vmem>> -> memref<1x128x64xf32, #tpu.memory_space<vmem>>
      %dma_wait3A_3063 = tpu.memref_squeeze %dma_wait3A_3062 : memref<1x128x64xf32, #tpu.memory_space<vmem>> -> memref<128x64xf32, #tpu.memory_space<vmem>>
      %dma_wait3A_3064 = arith.constant 0 : i32
      %dma_wait3A_3065 = arith.constant 0 : i32
      %dma_wait3A_3066 = tpu.memref_slice %arg2[%dma_wait3A_3064, %dma_wait3A_3065] : memref<20000x64xf32, #tpu.memory_space<hbm>> -> memref<128x64xf32, #tpu.memory_space<hbm>>
      tpu.wait_dma2 semaphore(%dma_wait3A_3059 : memref<!tpu.dma_semaphore, #tpu.memory_space<semaphore_mem>>) src(%dma_wait3A_3066 : memref<128x64xf32, #tpu.memory_space<hbm>>) dst(%dma_wait3A_3063 : memref<128x64xf32, #tpu.memory_space<vmem>>)
      %dma_wait3A_3067 = arith.constant 0 : i32
      %dma_wait3A_3068 = arith.constant 0 : i32
      %dma_wait3A_3069 = arith.constant 0 : i32
      %dma_wait3A_3070 = arith.constant 0 : i32
      %dma_wait3A_3071 = tpu.memref_slice %arg11[%dma_wait3A_3067, %dma_wait3A_3069, %dma_wait3A_3070] : memref<2x128x64xf32, #tpu.memory_space<vmem>> -> memref<1x128x64xf32, #tpu.memory_space<vmem>>
      %dma_wait3A_3072 = tpu.memref_squeeze %dma_wait3A_3071 : memref<1x128x64xf32, #tpu.memory_space<vmem>> -> memref<128x64xf32, #tpu.memory_space<vmem>>
      %dma_wait3A_3073 = arith.constant 0 : i32
      %dma_wait3A_3074 = arith.constant 0 : i32
      %dma_wait3A_3075 = tpu.memref_slice %arg2[%dma_wait3A_3073, %dma_wait3A_3074] : memref<20000x64xf32, #tpu.memory_space<hbm>> -> memref<128x64xf32, #tpu.memory_space<hbm>>
      %dma_wait3A_3076 = tpu.memref_slice %arg18[%dma_wait3A_3068] : memref<2x!tpu.dma_semaphore, #tpu.memory_space<semaphore_mem>> -> memref<1x!tpu.dma_semaphore, #tpu.memory_space<semaphore_mem>>
      %dma_wait3A_3077 = tpu.memref_squeeze %dma_wait3A_3076 : memref<1x!tpu.dma_semaphore, #tpu.memory_space<semaphore_mem>> -> memref<!tpu.dma_semaphore, #tpu.memory_space<semaphore_mem>>
      %dma_wait3A_3078 = arith.constant 0 : i32
      %dma_wait3A_3079 = arith.constant 0 : i32
      %dma_wait3A_3080 = tpu.memref_slice %arg11[%dma_wait3A_3067, %dma_wait3A_3078, %dma_wait3A_3079] : memref<2x128x64xf32, #tpu.memory_space<vmem>> -> memref<1x128x64xf32, #tpu.memory_space<vmem>>
      %dma_wait3A_3081 = tpu.memref_squeeze %dma_wait3A_3080 : memref<1x128x64xf32, #tpu.memory_space<vmem>> -> memref<128x64xf32, #tpu.memory_space<vmem>>
      %dma_wait3A_3082 = arith.constant 0 : i32
      %dma_wait3A_3083 = arith.constant 0 : i32
      %dma_wait3A_3084 = tpu.memref_slice %arg2[%dma_wait3A_3082, %dma_wait3A_3083] : memref<20000x64xf32, #tpu.memory_space<hbm>> -> memref<128x64xf32, #tpu.memory_space<hbm>>
      tpu.wait_dma2 semaphore(%dma_wait3A_3077 : memref<!tpu.dma_semaphore, #tpu.memory_space<semaphore_mem>>) src(%dma_wait3A_3084 : memref<128x64xf32, #tpu.memory_space<hbm>>) dst(%dma_wait3A_3081 : memref<128x64xf32, #tpu.memory_space<vmem>>)
      %get3A_3085 = arith.constant 0 : i32
      %get3A_3086 = arith.constant 0 : i32
      %get3A_3087 = arith.index_cast %get3A_3085 : i32 to index
      %get3A_3088 = arith.index_cast %get3A_3086 : i32 to index
      %get3A_3089 = arith.constant 0 : index
      %get3A_3090 = tpu.vector_load %arg7[%get3A_3087, %get3A_3088, %get3A_3089] {strides = array<i32>} : memref<2x2x128xi32, #tpu.memory_space<vmem>>, vector<16xi32>,
      %get3A_3091 = arith.constant 0 : i32
      %get3A_3092 = arith.constant 1 : i32
      %get3A_3093 = arith.index_cast %get3A_3091 : i32 to index
      %get3A_3094 = arith.index_cast %get3A_3092 : i32 to index
      %get3A_3095 = arith.constant 0 : index
      %get3A_3096 = tpu.vector_load %arg7[%get3A_3093, %get3A_3094, %get3A_3095] {strides = array<i32>} : memref<2x2x128xi32, #tpu.memory_space<vmem>>, vector<16xi32>,
      %gather3A_3097 = tpu.vector_load_idx %arg12[%get3A_3090] : memref<10000xi32, #tpu.memory_space<vmem>>[vector<16xi32>], vector<16xi32>,
      %mul3A_3098 = arith.constant 2 : i32
      %mul3A_3099 = vector.broadcast %mul3A_3098 : i32 to vector<16xi32>
      %mul3A_3100 = arith.muli %get3A_3090, %mul3A_3099 : vector<16xi32>
      %add3A_3101 = vector.broadcast %arg0 : i32 to vector<16xi32>
      %add3A_3102 = arith.addi %mul3A_3100, %add3A_3101 : vector<16xi32>
      %swap3A_3103 = arith.constant 0 : i32
      %swap3A_3104 = arith.index_cast %swap3A_3103 : i32 to index
      %swap3A_3105 = arith.constant 0 : index
      %swap3A_3106 = tpu.vector_load %arg8[%swap3A_3104, %swap3A_3105] {strides = array<i32>} : memref<2x128xi32, #tpu.memory_space<vmem>>, vector<16xi32>,
      tpu.vector_store %arg8[%swap3A_3104, %swap3A_3105], %add3A_3102 {strides = array<i32>} : memref<2x128xi32, #tpu.memory_space<vmem>>, vector<16xi32>,
      %swap3A_3107 = arith.constant 0 : i32
      %swap3A_3108 = arith.index_cast %swap3A_3107 : i32 to index
      %swap3A_3109 = arith.constant 0 : index
      %swap3A_3110 = tpu.vector_load %arg10[%swap3A_3108, %swap3A_3109] {strides = array<i32>} : memref<2x128xi32, #tpu.memory_space<vmem>>, vector<16xi32>,
      tpu.vector_store %arg10[%swap3A_3108, %swap3A_3109], %get3A_3096 {strides = array<i32>} : memref<2x128xi32, #tpu.memory_space<vmem>>, vector<16xi32>,
      %eq3A_3111 = arith.constant 1 : i32
      %eq3A_3112 = vector.broadcast %eq3A_3111 : i32 to vector<16xi32>
      %eq3A_3113 = arith.cmpi eq, %gather3A_3097, %eq3A_3112 : vector<16xi32>
      %jit3A_3114 = arith.constant 10000 : i32
      %broadcast_in_dim3A_3115 = vector.broadcast %jit3A_3114 : i32 to vector<16xi32>
      %select_n3A_3116 = arith.select %eq3A_3113, %get3A_3096, %broadcast_in_dim3A_3115 : vector<16xi1>, vector<16xi32>
      %swap3A_3117 = arith.constant 0 : i32
      %swap3A_3118 = arith.index_cast %swap3A_3117 : i32 to index
      %swap3A_3119 = arith.constant 0 : index
      %swap3A_3120 = tpu.vector_load %arg9[%swap3A_3118, %swap3A_3119] {strides = array<i32>} : memref<2x128xi32, #tpu.memory_space<vmem>>, vector<16xi32>,
      tpu.vector_store %arg9[%swap3A_3118, %swap3A_3119], %select_n3A_3116 {strides = array<i32>} : memref<2x128xi32, #tpu.memory_space<vmem>>, vector<16xi32>,
      %get3A_3121 = arith.constant 0 : i32
      %get3A_3122 = arith.constant 0 : i32
      %get3A_3123 = arith.index_cast %get3A_3121 : i32 to index
      %get3A_3124 = arith.index_cast %get3A_3122 : i32 to index
      %get3A_3125 = arith.constant 16 : index
      %get3A_3126 = tpu.vector_load %arg7[%get3A_3123, %get3A_3124, %get3A_3125] {strides = array<i32>} : memref<2x2x128xi32, #tpu.memory_space<vmem>>, vector<16xi32>,
      %get3A_3127 = arith.constant 0 : i32
      %get3A_3128 = arith.constant 1 : i32
      %get3A_3129 = arith.index_cast %get3A_3127 : i32 to index
      %get3A_3130 = arith.index_cast %get3A_3128 : i32 to index
      %get3A_3131 = arith.constant 16 : index
      %get3A_3132 = tpu.vector_load %arg7[%get3A_3129, %get3A_3130, %get3A_3131] {strides = array<i32>} : memref<2x2x128xi32, #tpu.memory_space<vmem>>, vector<16xi32>,
      %gather3A_3133 = tpu.vector_load_idx %arg12[%get3A_3126] : memref<10000xi32, #tpu.memory_space<vmem>>[vector<16xi32>], vector<16xi32>,
      %mul3A_3134 = arith.constant 2 : i32
      %mul3A_3135 = vector.broadcast %mul3A_3134 : i32 to vector<16xi32>
      %mul3A_3136 = arith.muli %get3A_3126, %mul3A_3135 : vector<16xi32>
      %add3A_3137 = vector.broadcast %arg0 : i32 to vector<16xi32>
      %add3A_3138 = arith.addi %mul3A_3136, %add3A_3137 : vector<16xi32>
      %swap3A_3139 = arith.constant 0 : i32
      %swap3A_3140 = arith.index_cast %swap3A_3139 : i32 to index
      %swap3A_3141 = arith.constant 16 : index
      %swap3A_3142 = tpu.vector_load %arg8[%swap3A_3140, %swap3A_3141] {strides = array<i32>} : memref<2x128xi32, #tpu.memory_space<vmem>>, vector<16xi32>,
      tpu.vector_store %arg8[%swap3A_3140, %swap3A_3141], %add3A_3138 {strides = array<i32>} : memref<2x128xi32, #tpu.memory_space<vmem>>, vector<16xi32>,
      %swap3A_3143 = arith.constant 0 : i32
      %swap3A_3144 = arith.index_cast %swap3A_3143 : i32 to index
      %swap3A_3145 = arith.constant 16 : index
      %swap3A_3146 = tpu.vector_load %arg10[%swap3A_3144, %swap3A_3145] {strides = array<i32>} : memref<2x128xi32, #tpu.memory_space<vmem>>, vector<16xi32>,
      tpu.vector_store %arg10[%swap3A_3144, %swap3A_3145], %get3A_3132 {strides = array<i32>} : memref<2x128xi32, #tpu.memory_space<vmem>>, vector<16xi32>,
      %eq3A_3147 = arith.constant 1 : i32
      %eq3A_3148 = vector.broadcast %eq3A_3147 : i32 to vector<16xi32>
      %eq3A_3149 = arith.cmpi eq, %gather3A_3133, %eq3A_3148 : vector<16xi32>
      %jit3A_3150 = arith.constant 10000 : i32
      %broadcast_in_dim3A_3151 = vector.broadcast %jit3A_3150 : i32 to vector<16xi32>
      %select_n3A_3152 = arith.select %eq3A_3149, %get3A_3132, %broadcast_in_dim3A_3151 : vector<16xi1>, vector<16xi32>
      %swap3A_3153 = arith.constant 0 : i32
      %swap3A_3154 = arith.index_cast %swap3A_3153 : i32 to index
      %swap3A_3155 = arith.constant 16 : index
      %swap3A_3156 = tpu.vector_load %arg9[%swap3A_3154, %swap3A_3155] {strides = array<i32>} : memref<2x128xi32, #tpu.memory_space<vmem>>, vector<16xi32>,
      tpu.vector_store %arg9[%swap3A_3154, %swap3A_3155], %select_n3A_3152 {strides = array<i32>} : memref<2x128xi32, #tpu.memory_space<vmem>>, vector<16xi32>,
      %get3A_3157 = arith.constant 0 : i32
      %get3A_3158 = arith.constant 0 : i32
      %get3A_3159 = arith.index_cast %get3A_3157 : i32 to index
      %get3A_3160 = arith.index_cast %get3A_3158 : i32 to index
      %get3A_3161 = arith.constant 32 : index
      %get3A_3162 = tpu.vector_load %arg7[%get3A_3159, %get3A_3160, %get3A_3161] {strides = array<i32>} : memref<2x2x128xi32, #tpu.memory_space<vmem>>, vector<16xi32>,
      %get3A_3163 = arith.constant 0 : i32
      %get3A_3164 = arith.constant 1 : i32
      %get3A_3165 = arith.index_cast %get3A_3163 : i32 to index
      %get3A_3166 = arith.index_cast %get3A_3164 : i32 to index
      %get3A_3167 = arith.constant 32 : index
      %get3A_3168 = tpu.vector_load %arg7[%get3A_3165, %get3A_3166, %get3A_3167] {strides = array<i32>} : memref<2x2x128xi32, #tpu.memory_space<vmem>>, vector<16xi32>,
      %gather3A_3169 = tpu.vector_load_idx %arg12[%get3A_3162] : memref<10000xi32, #tpu.memory_space<vmem>>[vector<16xi32>], vector<16xi32>,
      %mul3A_3170 = arith.constant 2 : i32
      %mul3A_3171 = vector.broadcast %mul3A_3170 : i32 to vector<16xi32>
      %mul3A_3172 = arith.muli %get3A_3162, %mul3A_3171 : vector<16xi32>
      %add3A_3173 = vector.broadcast %arg0 : i32 to vector<16xi32>
      %add3A_3174 = arith.addi %mul3A_3172, %add3A_3173 : vector<16xi32>
      %swap3A_3175 = arith.constant 0 : i32
      %swap3A_3176 = arith.index_cast %swap3A_3175 : i32 to index
      %swap3A_3177 = arith.constant 32 : index
      %swap3A_3178 = tpu.vector_load %arg8[%swap3A_3176, %swap3A_3177] {strides = array<i32>} : memref<2x128xi32, #tpu.memory_space<vmem>>, vector<16xi32>,
      tpu.vector_store %arg8[%swap3A_3176, %swap3A_3177], %add3A_3174 {strides = array<i32>} : memref<2x128xi32, #tpu.memory_space<vmem>>, vector<16xi32>,
      %swap3A_3179 = arith.constant 0 : i32
      %swap3A_3180 = arith.index_cast %swap3A_3179 : i32 to index
      %swap3A_3181 = arith.constant 32 : index
      %swap3A_3182 = tpu.vector_load %arg10[%swap3A_3180, %swap3A_3181] {strides = array<i32>} : memref<2x128xi32, #tpu.memory_space<vmem>>, vector<16xi32>,
      tpu.vector_store %arg10[%swap3A_3180, %swap3A_3181], %get3A_3168 {strides = array<i32>} : memref<2x128xi32, #tpu.memory_space<vmem>>, vector<16xi32>,
      %eq3A_3183 = arith.constant 1 : i32
      %eq3A_3184 = vector.broadcast %eq3A_3183 : i32 to vector<16xi32>
      %eq3A_3185 = arith.cmpi eq, %gather3A_3169, %eq3A_3184 : vector<16xi32>
      %jit3A_3186 = arith.constant 10000 : i32
      %broadcast_in_dim3A_3187 = vector.broadcast %jit3A_3186 : i32 to vector<16xi32>
      %select_n3A_3188 = arith.select %eq3A_3185, %get3A_3168, %broadcast_in_dim3A_3187 : vector<16xi1>, vector<16xi32>
      %swap3A_3189 = arith.constant 0 : i32
      %swap3A_3190 = arith.index_cast %swap3A_3189 : i32 to index
      %swap3A_3191 = arith.constant 32 : index
      %swap3A_3192 = tpu.vector_load %arg9[%swap3A_3190, %swap3A_3191] {strides = array<i32>} : memref<2x128xi32, #tpu.memory_space<vmem>>, vector<16xi32>,
      tpu.vector_store %arg9[%swap3A_3190, %swap3A_3191], %select_n3A_3188 {strides = array<i32>} : memref<2x128xi32, #tpu.memory_space<vmem>>, vector<16xi32>,
      %get3A_3193 = arith.constant 0 : i32
      %get3A_3194 = arith.constant 0 : i32
      %get3A_3195 = arith.index_cast %get3A_3193 : i32 to index
      %get3A_3196 = arith.index_cast %get3A_3194 : i32 to index
      %get3A_3197 = arith.constant 48 : index
      %get3A_3198 = tpu.vector_load %arg7[%get3A_3195, %get3A_3196, %get3A_3197] {strides = array<i32>} : memref<2x2x128xi32, #tpu.memory_space<vmem>>, vector<16xi32>,
      %get3A_3199 = arith.constant 0 : i32
      %get3A_3200 = arith.constant 1 : i32
      %get3A_3201 = arith.index_cast %get3A_3199 : i32 to index
      %get3A_3202 = arith.index_cast %get3A_3200 : i32 to index
      %get3A_3203 = arith.constant 48 : index
      %get3A_3204 = tpu.vector_load %arg7[%get3A_3201, %get3A_3202, %get3A_3203] {strides = array<i32>} : memref<2x2x128xi32, #tpu.memory_space<vmem>>, vector<16xi32>,
      %gather3A_3205 = tpu.vector_load_idx %arg12[%get3A_3198] : memref<10000xi32, #tpu.memory_space<vmem>>[vector<16xi32>], vector<16xi32>,
      %mul3A_3206 = arith.constant 2 : i32
      %mul3A_3207 = vector.broadcast %mul3A_3206 : i32 to vector<16xi32>
      %mul3A_3208 = arith.muli %get3A_3198, %mul3A_3207 : vector<16xi32>
      %add3A_3209 = vector.broadcast %arg0 : i32 to vector<16xi32>
      %add3A_3210 = arith.addi %mul3A_3208, %add3A_3209 : vector<16xi32>
      %swap3A_3211 = arith.constant 0 : i32
      %swap3A_3212 = arith.index_cast %swap3A_3211 : i32 to index
      %swap3A_3213 = arith.constant 48 : index
      %swap3A_3214 = tpu.vector_load %arg8[%swap3A_3212, %swap3A_3213] {strides = array<i32>} : memref<2x128xi32, #tpu.memory_space<vmem>>, vector<16xi32>,
      tpu.vector_store %arg8[%swap3A_3212, %swap3A_3213], %add3A_3210 {strides = array<i32>} : memref<2x128xi32, #tpu.memory_space<vmem>>, vector<16xi32>,
      %swap3A_3215 = arith.constant 0 : i32
      %swap3A_3216 = arith.index_cast %swap3A_3215 : i32 to index
      %swap3A_3217 = arith.constant 48 : index
      %swap3A_3218 = tpu.vector_load %arg10[%swap3A_3216, %swap3A_3217] {strides = array<i32>} : memref<2x128xi32, #tpu.memory_space<vmem>>, vector<16xi32>,
      tpu.vector_store %arg10[%swap3A_3216, %swap3A_3217], %get3A_3204 {strides = array<i32>} : memref<2x128xi32, #tpu.memory_space<vmem>>, vector<16xi32>,
      %eq3A_3219 = arith.constant 1 : i32
      %eq3A_3220 = vector.broadcast %eq3A_3219 : i32 to vector<16xi32>
      %eq3A_3221 = arith.cmpi eq, %gather3A_3205, %eq3A_3220 : vector<16xi32>
      %jit3A_3222 = arith.constant 10000 : i32
      %broadcast_in_dim3A_3223 = vector.broadcast %jit3A_3222 : i32 to vector<16xi32>
      %select_n3A_3224 = arith.select %eq3A_3221, %get3A_3204, %broadcast_in_dim3A_3223 : vector<16xi1>, vector<16xi32>
      %swap3A_3225 = arith.constant 0 : i32
      %swap3A_3226 = arith.index_cast %swap3A_3225 : i32 to index
      %swap3A_3227 = arith.constant 48 : index
      %swap3A_3228 = tpu.vector_load %arg9[%swap3A_3226, %swap3A_3227] {strides = array<i32>} : memref<2x128xi32, #tpu.memory_space<vmem>>, vector<16xi32>,
      tpu.vector_store %arg9[%swap3A_3226, %swap3A_3227], %select_n3A_3224 {strides = array<i32>} : memref<2x128xi32, #tpu.memory_space<vmem>>, vector<16xi32>,
      %get3A_3229 = arith.constant 0 : i32
      %get3A_3230 = arith.constant 0 : i32
      %get3A_3231 = arith.index_cast %get3A_3229 : i32 to index
      %get3A_3232 = arith.index_cast %get3A_3230 : i32 to index
      %get3A_3233 = arith.constant 64 : index
      %get3A_3234 = tpu.vector_load %arg7[%get3A_3231, %get3A_3232, %get3A_3233] {strides = array<i32>} : memref<2x2x128xi32, #tpu.memory_space<vmem>>, vector<16xi32>,
      %get3A_3235 = arith.constant 0 : i32
      %get3A_3236 = arith.constant 1 : i32
      %get3A_3237 = arith.index_cast %get3A_3235 : i32 to index
      %get3A_3238 = arith.index_cast %get3A_3236 : i32 to index
      %get3A_3239 = arith.constant 64 : index
      %get3A_3240 = tpu.vector_load %arg7[%get3A_3237, %get3A_3238, %get3A_3239] {strides = array<i32>} : memref<2x2x128xi32, #tpu.memory_space<vmem>>, vector<16xi32>,
      %gather3A_3241 = tpu.vector_load_idx %arg12[%get3A_3234] : memref<10000xi32, #tpu.memory_space<vmem>>[vector<16xi32>], vector<16xi32>,
      %mul3A_3242 = arith.constant 2 : i32
      %mul3A_3243 = vector.broadcast %mul3A_3242 : i32 to vector<16xi32>
      %mul3A_3244 = arith.muli %get3A_3234, %mul3A_3243 : vector<16xi32>
      %add3A_3245 = vector.broadcast %arg0 : i32 to vector<16xi32>
      %add3A_3246 = arith.addi %mul3A_3244, %add3A_3245 : vector<16xi32>
      %swap3A_3247 = arith.constant 0 : i32
      %swap3A_3248 = arith.index_cast %swap3A_3247 : i32 to index
      %swap3A_3249 = arith.constant 64 : index
      %swap3A_3250 = tpu.vector_load %arg8[%swap3A_3248, %swap3A_3249] {strides = array<i32>} : memref<2x128xi32, #tpu.memory_space<vmem>>, vector<16xi32>,
      tpu.vector_store %arg8[%swap3A_3248, %swap3A_3249], %add3A_3246 {strides = array<i32>} : memref<2x128xi32, #tpu.memory_space<vmem>>, vector<16xi32>,
      %swap3A_3251 = arith.constant 0 : i32
      %swap3A_3252 = arith.index_cast %swap3A_3251 : i32 to index
      %swap3A_3253 = arith.constant 64 : index
      %swap3A_3254 = tpu.vector_load %arg10[%swap3A_3252, %swap3A_3253] {strides = array<i32>} : memref<2x128xi32, #tpu.memory_space<vmem>>, vector<16xi32>,
      tpu.vector_store %arg10[%swap3A_3252, %swap3A_3253], %get3A_3240 {strides = array<i32>} : memref<2x128xi32, #tpu.memory_space<vmem>>, vector<16xi32>,
      %eq3A_3255 = arith.constant 1 : i32
      %eq3A_3256 = vector.broadcast %eq3A_3255 : i32 to vector<16xi32>
      %eq3A_3257 = arith.cmpi eq, %gather3A_3241, %eq3A_3256 : vector<16xi32>
      %jit3A_3258 = arith.constant 10000 : i32
      %broadcast_in_dim3A_3259 = vector.broadcast %jit3A_3258 : i32 to vector<16xi32>
      %select_n3A_3260 = arith.select %eq3A_3257, %get3A_3240, %broadcast_in_dim3A_3259 : vector<16xi1>, vector<16xi32>
      %swap3A_3261 = arith.constant 0 : i32
      %swap3A_3262 = arith.index_cast %swap3A_3261 : i32 to index
      %swap3A_3263 = arith.constant 64 : index
      %swap3A_3264 = tpu.vector_load %arg9[%swap3A_3262, %swap3A_3263] {strides = array<i32>} : memref<2x128xi32, #tpu.memory_space<vmem>>, vector<16xi32>,
      tpu.vector_store %arg9[%swap3A_3262, %swap3A_3263], %select_n3A_3260 {strides = array<i32>} : memref<2x128xi32, #tpu.memory_space<vmem>>, vector<16xi32>,
      %get3A_3265 = arith.constant 0 : i32
      %get3A_3266 = arith.constant 0 : i32
      %get3A_3267 = arith.index_cast %get3A_3265 : i32 to index
      %get3A_3268 = arith.index_cast %get3A_3266 : i32 to index
      %get3A_3269 = arith.constant 80 : index
      %get3A_3270 = tpu.vector_load %arg7[%get3A_3267, %get3A_3268, %get3A_3269] {strides = array<i32>} : memref<2x2x128xi32, #tpu.memory_space<vmem>>, vector<16xi32>,
      %get3A_3271 = arith.constant 0 : i32
      %get3A_3272 = arith.constant 1 : i32
      %get3A_3273 = arith.index_cast %get3A_3271 : i32 to index
      %get3A_3274 = arith.index_cast %get3A_3272 : i32 to index
      %get3A_3275 = arith.constant 80 : index
      %get3A_3276 = tpu.vector_load %arg7[%get3A_3273, %get3A_3274, %get3A_3275] {strides = array<i32>} : memref<2x2x128xi32, #tpu.memory_space<vmem>>, vector<16xi32>,
      %gather3A_3277 = tpu.vector_load_idx %arg12[%get3A_3270] : memref<10000xi32, #tpu.memory_space<vmem>>[vector<16xi32>], vector<16xi32>,
      %mul3A_3278 = arith.constant 2 : i32
      %mul3A_3279 = vector.broadcast %mul3A_3278 : i32 to vector<16xi32>
      %mul3A_3280 = arith.muli %get3A_3270, %mul3A_3279 : vector<16xi32>
      %add3A_3281 = vector.broadcast %arg0 : i32 to vector<16xi32>
      %add3A_3282 = arith.addi %mul3A_3280, %add3A_3281 : vector<16xi32>
      %swap3A_3283 = arith.constant 0 : i32
      %swap3A_3284 = arith.index_cast %swap3A_3283 : i32 to index
      %swap3A_3285 = arith.constant 80 : index
      %swap3A_3286 = tpu.vector_load %arg8[%swap3A_3284, %swap3A_3285] {strides = array<i32>} : memref<2x128xi32, #tpu.memory_space<vmem>>, vector<16xi32>,
      tpu.vector_store %arg8[%swap3A_3284, %swap3A_3285], %add3A_3282 {strides = array<i32>} : memref<2x128xi32, #tpu.memory_space<vmem>>, vector<16xi32>,
      %swap3A_3287 = arith.constant 0 : i32
      %swap3A_3288 = arith.index_cast %swap3A_3287 : i32 to index
      %swap3A_3289 = arith.constant 80 : index
      %swap3A_3290 = tpu.vector_load %arg10[%swap3A_3288, %swap3A_3289] {strides = array<i32>} : memref<2x128xi32, #tpu.memory_space<vmem>>, vector<16xi32>,
      tpu.vector_store %arg10[%swap3A_3288, %swap3A_3289], %get3A_3276 {strides = array<i32>} : memref<2x128xi32, #tpu.memory_space<vmem>>, vector<16xi32>,
      %eq3A_3291 = arith.constant 1 : i32
      %eq3A_3292 = vector.broadcast %eq3A_3291 : i32 to vector<16xi32>
      %eq3A_3293 = arith.cmpi eq, %gather3A_3277, %eq3A_3292 : vector<16xi32>
      %jit3A_3294 = arith.constant 10000 : i32
      %broadcast_in_dim3A_3295 = vector.broadcast %jit3A_3294 : i32 to vector<16xi32>
      %select_n3A_3296 = arith.select %eq3A_3293, %get3A_3276, %broadcast_in_dim3A_3295 : vector<16xi1>, vector<16xi32>
      %swap3A_3297 = arith.constant 0 : i32
      %swap3A_3298 = arith.index_cast %swap3A_3297 : i32 to index
      %swap3A_3299 = arith.constant 80 : index
      %swap3A_3300 = tpu.vector_load %arg9[%swap3A_3298, %swap3A_3299] {strides = array<i32>} : memref<2x128xi32, #tpu.memory_space<vmem>>, vector<16xi32>,
      tpu.vector_store %arg9[%swap3A_3298, %swap3A_3299], %select_n3A_3296 {strides = array<i32>} : memref<2x128xi32, #tpu.memory_space<vmem>>, vector<16xi32>,
      %get3A_3301 = arith.constant 0 : i32
      %get3A_3302 = arith.constant 0 : i32
      %get3A_3303 = arith.index_cast %get3A_3301 : i32 to index
      %get3A_3304 = arith.index_cast %get3A_3302 : i32 to index
      %get3A_3305 = arith.constant 96 : index
      %get3A_3306 = tpu.vector_load %arg7[%get3A_3303, %get3A_3304, %get3A_3305] {strides = array<i32>} : memref<2x2x128xi32, #tpu.memory_space<vmem>>, vector<16xi32>,
      %get3A_3307 = arith.constant 0 : i32
      %get3A_3308 = arith.constant 1 : i32
      %get3A_3309 = arith.index_cast %get3A_3307 : i32 to index
      %get3A_3310 = arith.index_cast %get3A_3308 : i32 to index
      %get3A_3311 = arith.constant 96 : index
      %get3A_3312 = tpu.vector_load %arg7[%get3A_3309, %get3A_3310, %get3A_3311] {strides = array<i32>} : memref<2x2x128xi32, #tpu.memory_space<vmem>>, vector<16xi32>,
      %gather3A_3313 = tpu.vector_load_idx %arg12[%get3A_3306] : memref<10000xi32, #tpu.memory_space<vmem>>[vector<16xi32>], vector<16xi32>,
      %mul3A_3314 = arith.constant 2 : i32
      %mul3A_3315 = vector.broadcast %mul3A_3314 : i32 to vector<16xi32>
      %mul3A_3316 = arith.muli %get3A_3306, %mul3A_3315 : vector<16xi32>
      %add3A_3317 = vector.broadcast %arg0 : i32 to vector<16xi32>
      %add3A_3318 = arith.addi %mul3A_3316, %add3A_3317 : vector<16xi32>
      %swap3A_3319 = arith.constant 0 : i32
      %swap3A_3320 = arith.index_cast %swap3A_3319 : i32 to index
      %swap3A_3321 = arith.constant 96 : index
      %swap3A_3322 = tpu.vector_load %arg8[%swap3A_3320, %swap3A_3321] {strides = array<i32>} : memref<2x128xi32, #tpu.memory_space<vmem>>, vector<16xi32>,
      tpu.vector_store %arg8[%swap3A_3320, %swap3A_3321], %add3A_3318 {strides = array<i32>} : memref<2x128xi32, #tpu.memory_space<vmem>>, vector<16xi32>,
      %swap3A_3323 = arith.constant 0 : i32
      %swap3A_3324 = arith.index_cast %swap3A_3323 : i32 to index
      %swap3A_3325 = arith.constant 96 : index
      %swap3A_3326 = tpu.vector_load %arg10[%swap3A_3324, %swap3A_3325] {strides = array<i32>} : memref<2x128xi32, #tpu.memory_space<vmem>>, vector<16xi32>,
      tpu.vector_store %arg10[%swap3A_3324, %swap3A_3325], %get3A_3312 {strides = array<i32>} : memref<2x128xi32, #tpu.memory_space<vmem>>, vector<16xi32>,
      %eq3A_3327 = arith.constant 1 : i32
      %eq3A_3328 = vector.broadcast %eq3A_3327 : i32 to vector<16xi32>
      %eq3A_3329 = arith.cmpi eq, %gather3A_3313, %eq3A_3328 : vector<16xi32>
      %jit3A_3330 = arith.constant 10000 : i32
      %broadcast_in_dim3A_3331 = vector.broadcast %jit3A_3330 : i32 to vector<16xi32>
      %select_n3A_3332 = arith.select %eq3A_3329, %get3A_3312, %broadcast_in_dim3A_3331 : vector<16xi1>, vector<16xi32>
      %swap3A_3333 = arith.constant 0 : i32
      %swap3A_3334 = arith.index_cast %swap3A_3333 : i32 to index
      %swap3A_3335 = arith.constant 96 : index
      %swap3A_3336 = tpu.vector_load %arg9[%swap3A_3334, %swap3A_3335] {strides = array<i32>} : memref<2x128xi32, #tpu.memory_space<vmem>>, vector<16xi32>,
      tpu.vector_store %arg9[%swap3A_3334, %swap3A_3335], %select_n3A_3332 {strides = array<i32>} : memref<2x128xi32, #tpu.memory_space<vmem>>, vector<16xi32>,
      %get3A_3337 = arith.constant 0 : i32
      %get3A_3338 = arith.constant 0 : i32
      %get3A_3339 = arith.index_cast %get3A_3337 : i32 to index
      %get3A_3340 = arith.index_cast %get3A_3338 : i32 to index
      %get3A_3341 = arith.constant 112 : index
      %get3A_3342 = tpu.vector_load %arg7[%get3A_3339, %get3A_3340, %get3A_3341] {strides = array<i32>} : memref<2x2x128xi32, #tpu.memory_space<vmem>>, vector<16xi32>,
      %get3A_3343 = arith.constant 0 : i32
      %get3A_3344 = arith.constant 1 : i32
      %get3A_3345 = arith.index_cast %get3A_3343 : i32 to index
      %get3A_3346 = arith.index_cast %get3A_3344 : i32 to index
      %get3A_3347 = arith.constant 112 : index
      %get3A_3348 = tpu.vector_load %arg7[%get3A_3345, %get3A_3346, %get3A_3347] {strides = array<i32>} : memref<2x2x128xi32, #tpu.memory_space<vmem>>, vector<16xi32>,
      %gather3A_3349 = tpu.vector_load_idx %arg12[%get3A_3342] : memref<10000xi32, #tpu.memory_space<vmem>>[vector<16xi32>], vector<16xi32>,
      %mul3A_3350 = arith.constant 2 : i32
      %mul3A_3351 = vector.broadcast %mul3A_3350 : i32 to vector<16xi32>
      %mul3A_3352 = arith.muli %get3A_3342, %mul3A_3351 : vector<16xi32>
      %add3A_3353 = vector.broadcast %arg0 : i32 to vector<16xi32>
      %add3A_3354 = arith.addi %mul3A_3352, %add3A_3353 : vector<16xi32>
      %swap3A_3355 = arith.constant 0 : i32
      %swap3A_3356 = arith.index_cast %swap3A_3355 : i32 to index
      %swap3A_3357 = arith.constant 112 : index
      %swap3A_3358 = tpu.vector_load %arg8[%swap3A_3356, %swap3A_3357] {strides = array<i32>} : memref<2x128xi32, #tpu.memory_space<vmem>>, vector<16xi32>,
      tpu.vector_store %arg8[%swap3A_3356, %swap3A_3357], %add3A_3354 {strides = array<i32>} : memref<2x128xi32, #tpu.memory_space<vmem>>, vector<16xi32>,
      %swap3A_3359 = arith.constant 0 : i32
      %swap3A_3360 = arith.index_cast %swap3A_3359 : i32 to index
      %swap3A_3361 = arith.constant 112 : index
      %swap3A_3362 = tpu.vector_load %arg10[%swap3A_3360, %swap3A_3361] {strides = array<i32>} : memref<2x128xi32, #tpu.memory_space<vmem>>, vector<16xi32>,
      tpu.vector_store %arg10[%swap3A_3360, %swap3A_3361], %get3A_3348 {strides = array<i32>} : memref<2x128xi32, #tpu.memory_space<vmem>>, vector<16xi32>,
      %eq3A_3363 = arith.constant 1 : i32
      %eq3A_3364 = vector.broadcast %eq3A_3363 : i32 to vector<16xi32>
      %eq3A_3365 = arith.cmpi eq, %gather3A_3349, %eq3A_3364 : vector<16xi32>
      %jit3A_3366 = arith.constant 10000 : i32
      %broadcast_in_dim3A_3367 = vector.broadcast %jit3A_3366 : i32 to vector<16xi32>
      %select_n3A_3368 = arith.select %eq3A_3365, %get3A_3348, %broadcast_in_dim3A_3367 : vector<16xi1>, vector<16xi32>
      %swap3A_3369 = arith.constant 0 : i32
      %swap3A_3370 = arith.index_cast %swap3A_3369 : i32 to index
      %swap3A_3371 = arith.constant 112 : index
      %swap3A_3372 = tpu.vector_load %arg9[%swap3A_3370, %swap3A_3371] {strides = array<i32>} : memref<2x128xi32, #tpu.memory_space<vmem>>, vector<16xi32>,
      tpu.vector_store %arg9[%swap3A_3370, %swap3A_3371], %select_n3A_3368 {strides = array<i32>} : memref<2x128xi32, #tpu.memory_space<vmem>>, vector<16xi32>,
      %add3A_3373 = arith.constant 2 : i32
      %add3A_3374 = arith.addi %mul3A_3027, %add3A_3373 : i32
      %dma_start3A_3375 = arith.constant 0 : i32
      %dma_start3A_3376 = arith.constant 0 : i32
      %dma_start3A_3377 = arith.constant 0 : i32
      %dma_start3A_3378 = arith.constant 0 : i32
      %dma_start3A_3379 = tpu.memref_slice %arg7[%dma_start3A_3375, %dma_start3A_3377, %dma_start3A_3378] : memref<2x2x128xi32, #tpu.memory_space<vmem>> -> memref<1x2x128xi32, #tpu.memory_space<vmem>>
      %dma_start3A_3380 = tpu.memref_squeeze %dma_start3A_3379 : memref<1x2x128xi32, #tpu.memory_space<vmem>> -> memref<2x128xi32, #tpu.memory_space<vmem>>
      %dma_start3A_3381 = arith.constant 0 : i32
      %dma_start3A_3382 = arith.constant 0 : i32
      %dma_start3A_3383 = tpu.memref_slice %arg3[%arg1, %add3A_3374, %dma_start3A_3381, %dma_start3A_3382] : memref<16x160x2x128xi32, #tpu.memory_space<hbm>> -> memref<1x1x2x128xi32, #tpu.memory_space<hbm>>
      %dma_start3A_3384 = tpu.memref_squeeze %dma_start3A_3383 : memref<1x1x2x128xi32, #tpu.memory_space<hbm>> -> memref<2x128xi32, #tpu.memory_space<hbm>>
      %dma_start3A_3385 = tpu.memref_slice %arg16[%dma_start3A_3376] : memref<2x!tpu.dma_semaphore, #tpu.memory_space<semaphore_mem>> -> memref<1x!tpu.dma_semaphore, #tpu.memory_space<semaphore_mem>>
      %dma_start3A_3386 = tpu.memref_squeeze %dma_start3A_3385 : memref<1x!tpu.dma_semaphore, #tpu.memory_space<semaphore_mem>> -> memref<!tpu.dma_semaphore, #tpu.memory_space<semaphore_mem>>
      %dma_start3A_3387 = arith.constant 0 : i32
      %dma_start3A_3388 = arith.constant 0 : i32
      %dma_start3A_3389 = tpu.memref_slice %arg7[%dma_start3A_3375, %dma_start3A_3387, %dma_start3A_3388] : memref<2x2x128xi32, #tpu.memory_space<vmem>> -> memref<1x2x128xi32, #tpu.memory_space<vmem>>
      %dma_start3A_3390 = tpu.memref_squeeze %dma_start3A_3389 : memref<1x2x128xi32, #tpu.memory_space<vmem>> -> memref<2x128xi32, #tpu.memory_space<vmem>>
      %dma_start3A_3391 = arith.constant 0 : i32
      %dma_start3A_3392 = arith.constant 0 : i32
      %dma_start3A_3393 = tpu.memref_slice %arg3[%arg1, %add3A_3374, %dma_start3A_3391, %dma_start3A_3392] : memref<16x160x2x128xi32, #tpu.memory_space<hbm>> -> memref<1x1x2x128xi32, #tpu.memory_space<hbm>>
      %dma_start3A_3394 = tpu.memref_squeeze %dma_start3A_3393 : memref<1x1x2x128xi32, #tpu.memory_space<hbm>> -> memref<2x128xi32, #tpu.memory_space<hbm>>
      tpu.enqueue_dma source(%dma_start3A_3394 : memref<2x128xi32, #tpu.memory_space<hbm>>) target(%dma_start3A_3390 : memref<2x128xi32, #tpu.memory_space<vmem>>) target_semaphore(%dma_start3A_3386 : memref<!tpu.dma_semaphore, #tpu.memory_space<semaphore_mem>>)
      %dma_start3A_3395 = arith.constant 0 : i32
      %dma_start3A_3396 = arith.constant 0 : i32
      %dma_start3A_3397 = arith.constant 0 : i32
      %dma_start3A_3398 = arith.constant 0 : i32
      %dma_start3A_3399 = arith.constant 0 : i32
      %dma_start3A_3400 = tpu.memref_slice %arg11[%dma_start3A_3396, %dma_start3A_3398, %dma_start3A_3399] : memref<2x128x64xf32, #tpu.memory_space<vmem>> -> memref<1x128x64xf32, #tpu.memory_space<vmem>>
      %dma_start3A_3401 = tpu.memref_squeeze %dma_start3A_3400 : memref<1x128x64xf32, #tpu.memory_space<vmem>> -> memref<128x64xf32, #tpu.memory_space<vmem>>
      %dma_start3A_3402 = arith.constant 0 : i32
      %dma_start3A_3403 = tpu.memref_slice %arg8[%dma_start3A_3395, %dma_start3A_3402] : memref<2x128xi32, #tpu.memory_space<vmem>> -> memref<1x128xi32, #tpu.memory_space<vmem>>
      %dma_start3A_3404 = tpu.memref_squeeze %dma_start3A_3403 : memref<1x128xi32, #tpu.memory_space<vmem>> -> memref<128xi32, #tpu.memory_space<vmem>>
      %dma_start3A_3405 = arith.constant 0 : i32
      %dma_start3A_3406 = arith.constant 0 : i32
      %dma_start3A_3407 = tpu.memref_slice %arg2[%dma_start3A_3405, %dma_start3A_3406] : memref<20000x64xf32, #tpu.memory_space<hbm>> -> memref<20000x64xf32, #tpu.memory_space<hbm>>
      %dma_start3A_3408 = tpu.memref_slice %arg17[%dma_start3A_3397] : memref<2x!tpu.dma_semaphore, #tpu.memory_space<semaphore_mem>> -> memref<1x!tpu.dma_semaphore, #tpu.memory_space<semaphore_mem>>
      %dma_start3A_3409 = tpu.memref_squeeze %dma_start3A_3408 : memref<1x!tpu.dma_semaphore, #tpu.memory_space<semaphore_mem>> -> memref<!tpu.dma_semaphore, #tpu.memory_space<semaphore_mem>>
      tpu.enqueue_indirect_dma source(%dma_start3A_3407 : memref<20000x64xf32, #tpu.memory_space<hbm>>) target(%dma_start3A_3401 : memref<128x64xf32, #tpu.memory_space<vmem>>) offsets(%dma_start3A_3404 : memref<128xi32, #tpu.memory_space<vmem>>) semaphore(%dma_start3A_3409 : memref<!tpu.dma_semaphore, #tpu.memory_space<semaphore_mem>>)
      %mul3A_3410 = arith.constant 2 : i32
      %mul3A_3411 = arith.muli %mul3A_3410, %scan3A_3024 : i32
      %add3A_3412 = arith.constant 1 : i32
      %add3A_3413 = arith.addi %mul3A_3411, %add3A_3412 : i32
      %dma_wait3A_3414 = arith.constant 0 : i32
      %dma_wait3A_3415 = arith.constant 1 : i32
      %dma_wait3A_3416 = arith.constant 1 : i32
      %dma_wait3A_3417 = arith.constant 0 : i32
      %dma_wait3A_3418 = arith.constant 0 : i32
      %dma_wait3A_3419 = tpu.memref_slice %arg7[%dma_wait3A_3415, %dma_wait3A_3417, %dma_wait3A_3418] : memref<2x2x128xi32, #tpu.memory_space<vmem>> -> memref<1x2x128xi32, #tpu.memory_space<vmem>>
      %dma_wait3A_3420 = tpu.memref_squeeze %dma_wait3A_3419 : memref<1x2x128xi32, #tpu.memory_space<vmem>> -> memref<2x128xi32, #tpu.memory_space<vmem>>
      %dma_wait3A_3421 = arith.constant 0 : i32
      %dma_wait3A_3422 = arith.constant 0 : i32
      %dma_wait3A_3423 = tpu.memref_slice %arg3[%arg1, %dma_wait3A_3414, %dma_wait3A_3421, %dma_wait3A_3422] : memref<16x160x2x128xi32, #tpu.memory_space<hbm>> -> memref<1x1x2x128xi32, #tpu.memory_space<hbm>>
      %dma_wait3A_3424 = tpu.memref_squeeze %dma_wait3A_3423 : memref<1x1x2x128xi32, #tpu.memory_space<hbm>> -> memref<2x128xi32, #tpu.memory_space<hbm>>
      %dma_wait3A_3425 = tpu.memref_slice %arg16[%dma_wait3A_3416] : memref<2x!tpu.dma_semaphore, #tpu.memory_space<semaphore_mem>> -> memref<1x!tpu.dma_semaphore, #tpu.memory_space<semaphore_mem>>
      %dma_wait3A_3426 = tpu.memref_squeeze %dma_wait3A_3425 : memref<1x!tpu.dma_semaphore, #tpu.memory_space<semaphore_mem>> -> memref<!tpu.dma_semaphore, #tpu.memory_space<semaphore_mem>>
      %dma_wait3A_3427 = arith.constant 0 : i32
      %dma_wait3A_3428 = arith.constant 0 : i32
      %dma_wait3A_3429 = tpu.memref_slice %arg7[%dma_wait3A_3415, %dma_wait3A_3427, %dma_wait3A_3428] : memref<2x2x128xi32, #tpu.memory_space<vmem>> -> memref<1x2x128xi32, #tpu.memory_space<vmem>>
      %dma_wait3A_3430 = tpu.memref_squeeze %dma_wait3A_3429 : memref<1x2x128xi32, #tpu.memory_space<vmem>> -> memref<2x128xi32, #tpu.memory_space<vmem>>
      %dma_wait3A_3431 = arith.constant 0 : i32
      %dma_wait3A_3432 = arith.constant 0 : i32
      %dma_wait3A_3433 = tpu.memref_slice %arg3[%arg1, %dma_wait3A_3414, %dma_wait3A_3431, %dma_wait3A_3432] : memref<16x160x2x128xi32, #tpu.memory_space<hbm>> -> memref<1x1x2x128xi32, #tpu.memory_space<hbm>>
      %dma_wait3A_3434 = tpu.memref_squeeze %dma_wait3A_3433 : memref<1x1x2x128xi32, #tpu.memory_space<hbm>> -> memref<2x128xi32, #tpu.memory_space<hbm>>
      tpu.wait_dma2 semaphore(%dma_wait3A_3426 : memref<!tpu.dma_semaphore, #tpu.memory_space<semaphore_mem>>) src(%dma_wait3A_3434 : memref<2x128xi32, #tpu.memory_space<hbm>>) dst(%dma_wait3A_3430 : memref<2x128xi32, #tpu.memory_space<vmem>>)
      %dma_wait3A_3435 = arith.constant 1 : i32
      %dma_wait3A_3436 = arith.constant 1 : i32
      %dma_wait3A_3437 = arith.constant 0 : i32
      %dma_wait3A_3438 = arith.constant 0 : i32
      %dma_wait3A_3439 = tpu.memref_slice %arg11[%dma_wait3A_3435, %dma_wait3A_3437, %dma_wait3A_3438] : memref<2x128x64xf32, #tpu.memory_space<vmem>> -> memref<1x128x64xf32, #tpu.memory_space<vmem>>
      %dma_wait3A_3440 = tpu.memref_squeeze %dma_wait3A_3439 : memref<1x128x64xf32, #tpu.memory_space<vmem>> -> memref<128x64xf32, #tpu.memory_space<vmem>>
      %dma_wait3A_3441 = arith.constant 0 : i32
      %dma_wait3A_3442 = arith.constant 0 : i32
      %dma_wait3A_3443 = tpu.memref_slice %arg2[%dma_wait3A_3441, %dma_wait3A_3442] : memref<20000x64xf32, #tpu.memory_space<hbm>> -> memref<128x64xf32, #tpu.memory_space<hbm>>
      %dma_wait3A_3444 = tpu.memref_slice %arg18[%dma_wait3A_3436] : memref<2x!tpu.dma_semaphore, #tpu.memory_space<semaphore_mem>> -> memref<1x!tpu.dma_semaphore, #tpu.memory_space<semaphore_mem>>
      %dma_wait3A_3445 = tpu.memref_squeeze %dma_wait3A_3444 : memref<1x!tpu.dma_semaphore, #tpu.memory_space<semaphore_mem>> -> memref<!tpu.dma_semaphore, #tpu.memory_space<semaphore_mem>>
      %dma_wait3A_3446 = arith.constant 0 : i32
      %dma_wait3A_3447 = arith.constant 0 : i32
      %dma_wait3A_3448 = tpu.memref_slice %arg11[%dma_wait3A_3435, %dma_wait3A_3446, %dma_wait3A_3447] : memref<2x128x64xf32, #tpu.memory_space<vmem>> -> memref<1x128x64xf32, #tpu.memory_space<vmem>>
      %dma_wait3A_3449 = tpu.memref_squeeze %dma_wait3A_3448 : memref<1x128x64xf32, #tpu.memory_space<vmem>> -> memref<128x64xf32, #tpu.memory_space<vmem>>
      %dma_wait3A_3450 = arith.constant 0 : i32
      %dma_wait3A_3451 = arith.constant 0 : i32
      %dma_wait3A_3452 = tpu.memref_slice %arg2[%dma_wait3A_3450, %dma_wait3A_3451] : memref<20000x64xf32, #tpu.memory_space<hbm>> -> memref<128x64xf32, #tpu.memory_space<hbm>>
      tpu.wait_dma2 semaphore(%dma_wait3A_3445 : memref<!tpu.dma_semaphore, #tpu.memory_space<semaphore_mem>>) src(%dma_wait3A_3452 : memref<128x64xf32, #tpu.memory_space<hbm>>) dst(%dma_wait3A_3449 : memref<128x64xf32, #tpu.memory_space<vmem>>)
      %dma_wait3A_3453 = arith.constant 1 : i32
      %dma_wait3A_3454 = arith.constant 1 : i32
      %dma_wait3A_3455 = arith.constant 0 : i32
      %dma_wait3A_3456 = arith.constant 0 : i32
      %dma_wait3A_3457 = tpu.memref_slice %arg11[%dma_wait3A_3453, %dma_wait3A_3455, %dma_wait3A_3456] : memref<2x128x64xf32, #tpu.memory_space<vmem>> -> memref<1x128x64xf32, #tpu.memory_space<vmem>>
      %dma_wait3A_3458 = tpu.memref_squeeze %dma_wait3A_3457 : memref<1x128x64xf32, #tpu.memory_space<vmem>> -> memref<128x64xf32, #tpu.memory_space<vmem>>
      %dma_wait3A_3459 = arith.constant 0 : i32
      %dma_wait3A_3460 = arith.constant 0 : i32
      %dma_wait3A_3461 = tpu.memref_slice %arg2[%dma_wait3A_3459, %dma_wait3A_3460] : memref<20000x64xf32, #tpu.memory_space<hbm>> -> memref<128x64xf32, #tpu.memory_space<hbm>>
      %dma_wait3A_3462 = tpu.memref_slice %arg18[%dma_wait3A_3454] : memref<2x!tpu.dma_semaphore, #tpu.memory_space<semaphore_mem>> -> memref<1x!tpu.dma_semaphore, #tpu.memory_space<semaphore_mem>>
      %dma_wait3A_3463 = tpu.memref_squeeze %dma_wait3A_3462 : memref<1x!tpu.dma_semaphore, #tpu.memory_space<semaphore_mem>> -> memref<!tpu.dma_semaphore, #tpu.memory_space<semaphore_mem>>
      %dma_wait3A_3464 = arith.constant 0 : i32
      %dma_wait3A_3465 = arith.constant 0 : i32
      %dma_wait3A_3466 = tpu.memref_slice %arg11[%dma_wait3A_3453, %dma_wait3A_3464, %dma_wait3A_3465] : memref<2x128x64xf32, #tpu.memory_space<vmem>> -> memref<1x128x64xf32, #tpu.memory_space<vmem>>
      %dma_wait3A_3467 = tpu.memref_squeeze %dma_wait3A_3466 : memref<1x128x64xf32, #tpu.memory_space<vmem>> -> memref<128x64xf32, #tpu.memory_space<vmem>>
      %dma_wait3A_3468 = arith.constant 0 : i32
      %dma_wait3A_3469 = arith.constant 0 : i32
      %dma_wait3A_3470 = tpu.memref_slice %arg2[%dma_wait3A_3468, %dma_wait3A_3469] : memref<20000x64xf32, #tpu.memory_space<hbm>> -> memref<128x64xf32, #tpu.memory_space<hbm>>
      tpu.wait_dma2 semaphore(%dma_wait3A_3463 : memref<!tpu.dma_semaphore, #tpu.memory_space<semaphore_mem>>) src(%dma_wait3A_3470 : memref<128x64xf32, #tpu.memory_space<hbm>>) dst(%dma_wait3A_3467 : memref<128x64xf32, #tpu.memory_space<vmem>>)
      %get3A_3471 = arith.constant 1 : i32
      %get3A_3472 = arith.constant 0 : i32
      %get3A_3473 = arith.index_cast %get3A_3471 : i32 to index
      %get3A_3474 = arith.index_cast %get3A_3472 : i32 to index
      %get3A_3475 = arith.constant 0 : index
      %get3A_3476 = tpu.vector_load %arg7[%get3A_3473, %get3A_3474, %get3A_3475] {strides = array<i32>} : memref<2x2x128xi32, #tpu.memory_space<vmem>>, vector<16xi32>,
      %get3A_3477 = arith.constant 1 : i32
      %get3A_3478 = arith.constant 1 : i32
      %get3A_3479 = arith.index_cast %get3A_3477 : i32 to index
      %get3A_3480 = arith.index_cast %get3A_3478 : i32 to index
      %get3A_3481 = arith.constant 0 : index
      %get3A_3482 = tpu.vector_load %arg7[%get3A_3479, %get3A_3480, %get3A_3481] {strides = array<i32>} : memref<2x2x128xi32, #tpu.memory_space<vmem>>, vector<16xi32>,
      %gather3A_3483 = tpu.vector_load_idx %arg12[%get3A_3476] : memref<10000xi32, #tpu.memory_space<vmem>>[vector<16xi32>], vector<16xi32>,
      %mul3A_3484 = arith.constant 2 : i32
      %mul3A_3485 = vector.broadcast %mul3A_3484 : i32 to vector<16xi32>
      %mul3A_3486 = arith.muli %get3A_3476, %mul3A_3485 : vector<16xi32>
      %add3A_3487 = vector.broadcast %arg0 : i32 to vector<16xi32>
      %add3A_3488 = arith.addi %mul3A_3486, %add3A_3487 : vector<16xi32>
      %swap3A_3489 = arith.constant 1 : i32
      %swap3A_3490 = arith.index_cast %swap3A_3489 : i32 to index
      %swap3A_3491 = arith.constant 0 : index
      %swap3A_3492 = tpu.vector_load %arg8[%swap3A_3490, %swap3A_3491] {strides = array<i32>} : memref<2x128xi32, #tpu.memory_space<vmem>>, vector<16xi32>,
      tpu.vector_store %arg8[%swap3A_3490, %swap3A_3491], %add3A_3488 {strides = array<i32>} : memref<2x128xi32, #tpu.memory_space<vmem>>, vector<16xi32>,
      %swap3A_3493 = arith.constant 1 : i32
      %swap3A_3494 = arith.index_cast %swap3A_3493 : i32 to index
      %swap3A_3495 = arith.constant 0 : index
      %swap3A_3496 = tpu.vector_load %arg10[%swap3A_3494, %swap3A_3495] {strides = array<i32>} : memref<2x128xi32, #tpu.memory_space<vmem>>, vector<16xi32>,
      tpu.vector_store %arg10[%swap3A_3494, %swap3A_3495], %get3A_3482 {strides = array<i32>} : memref<2x128xi32, #tpu.memory_space<vmem>>, vector<16xi32>,
      %eq3A_3497 = arith.constant 1 : i32
      %eq3A_3498 = vector.broadcast %eq3A_3497 : i32 to vector<16xi32>
      %eq3A_3499 = arith.cmpi eq, %gather3A_3483, %eq3A_3498 : vector<16xi32>
      %jit3A_3500 = arith.constant 10000 : i32
      %broadcast_in_dim3A_3501 = vector.broadcast %jit3A_3500 : i32 to vector<16xi32>
      %select_n3A_3502 = arith.select %eq3A_3499, %get3A_3482, %broadcast_in_dim3A_3501 : vector<16xi1>, vector<16xi32>
      %swap3A_3503 = arith.constant 1 : i32
      %swap3A_3504 = arith.index_cast %swap3A_3503 : i32 to index
      %swap3A_3505 = arith.constant 0 : index
      %swap3A_3506 = tpu.vector_load %arg9[%swap3A_3504, %swap3A_3505] {strides = array<i32>} : memref<2x128xi32, #tpu.memory_space<vmem>>, vector<16xi32>,
      tpu.vector_store %arg9[%swap3A_3504, %swap3A_3505], %select_n3A_3502 {strides = array<i32>} : memref<2x128xi32, #tpu.memory_space<vmem>>, vector<16xi32>,
      %get3A_3507 = arith.constant 1 : i32
      %get3A_3508 = arith.constant 0 : i32
      %get3A_3509 = arith.index_cast %get3A_3507 : i32 to index
      %get3A_3510 = arith.index_cast %get3A_3508 : i32 to index
      %get3A_3511 = arith.constant 16 : index
      %get3A_3512 = tpu.vector_load %arg7[%get3A_3509, %get3A_3510, %get3A_3511] {strides = array<i32>} : memref<2x2x128xi32, #tpu.memory_space<vmem>>, vector<16xi32>,
      %get3A_3513 = arith.constant 1 : i32
      %get3A_3514 = arith.constant 1 : i32
      %get3A_3515 = arith.index_cast %get3A_3513 : i32 to index
      %get3A_3516 = arith.index_cast %get3A_3514 : i32 to index
      %get3A_3517 = arith.constant 16 : index
      %get3A_3518 = tpu.vector_load %arg7[%get3A_3515, %get3A_3516, %get3A_3517] {strides = array<i32>} : memref<2x2x128xi32, #tpu.memory_space<vmem>>, vector<16xi32>,
      %gather3A_3519 = tpu.vector_load_idx %arg12[%get3A_3512] : memref<10000xi32, #tpu.memory_space<vmem>>[vector<16xi32>], vector<16xi32>,
      %mul3A_3520 = arith.constant 2 : i32
      %mul3A_3521 = vector.broadcast %mul3A_3520 : i32 to vector<16xi32>
      %mul3A_3522 = arith.muli %get3A_3512, %mul3A_3521 : vector<16xi32>
      %add3A_3523 = vector.broadcast %arg0 : i32 to vector<16xi32>
      %add3A_3524 = arith.addi %mul3A_3522, %add3A_3523 : vector<16xi32>
      %swap3A_3525 = arith.constant 1 : i32
      %swap3A_3526 = arith.index_cast %swap3A_3525 : i32 to index
      %swap3A_3527 = arith.constant 16 : index
      %swap3A_3528 = tpu.vector_load %arg8[%swap3A_3526, %swap3A_3527] {strides = array<i32>} : memref<2x128xi32, #tpu.memory_space<vmem>>, vector<16xi32>,
      tpu.vector_store %arg8[%swap3A_3526, %swap3A_3527], %add3A_3524 {strides = array<i32>} : memref<2x128xi32, #tpu.memory_space<vmem>>, vector<16xi32>,
      %swap3A_3529 = arith.constant 1 : i32
      %swap3A_3530 = arith.index_cast %swap3A_3529 : i32 to index
      %swap3A_3531 = arith.constant 16 : index
      %swap3A_3532 = tpu.vector_load %arg10[%swap3A_3530, %swap3A_3531] {strides = array<i32>} : memref<2x128xi32, #tpu.memory_space<vmem>>, vector<16xi32>,
      tpu.vector_store %arg10[%swap3A_3530, %swap3A_3531], %get3A_3518 {strides = array<i32>} : memref<2x128xi32, #tpu.memory_space<vmem>>, vector<16xi32>,
      %eq3A_3533 = arith.constant 1 : i32
      %eq3A_3534 = vector.broadcast %eq3A_3533 : i32 to vector<16xi32>
      %eq3A_3535 = arith.cmpi eq, %gather3A_3519, %eq3A_3534 : vector<16xi32>
      %jit3A_3536 = arith.constant 10000 : i32
      %broadcast_in_dim3A_3537 = vector.broadcast %jit3A_3536 : i32 to vector<16xi32>
      %select_n3A_3538 = arith.select %eq3A_3535, %get3A_3518, %broadcast_in_dim3A_3537 : vector<16xi1>, vector<16xi32>
      %swap3A_3539 = arith.constant 1 : i32
      %swap3A_3540 = arith.index_cast %swap3A_3539 : i32 to index
      %swap3A_3541 = arith.constant 16 : index
      %swap3A_3542 = tpu.vector_load %arg9[%swap3A_3540, %swap3A_3541] {strides = array<i32>} : memref<2x128xi32, #tpu.memory_space<vmem>>, vector<16xi32>,
      tpu.vector_store %arg9[%swap3A_3540, %swap3A_3541], %select_n3A_3538 {strides = array<i32>} : memref<2x128xi32, #tpu.memory_space<vmem>>, vector<16xi32>,
      %get3A_3543 = arith.constant 1 : i32
      %get3A_3544 = arith.constant 0 : i32
      %get3A_3545 = arith.index_cast %get3A_3543 : i32 to index
      %get3A_3546 = arith.index_cast %get3A_3544 : i32 to index
      %get3A_3547 = arith.constant 32 : index
      %get3A_3548 = tpu.vector_load %arg7[%get3A_3545, %get3A_3546, %get3A_3547] {strides = array<i32>} : memref<2x2x128xi32, #tpu.memory_space<vmem>>, vector<16xi32>,
      %get3A_3549 = arith.constant 1 : i32
      %get3A_3550 = arith.constant 1 : i32
      %get3A_3551 = arith.index_cast %get3A_3549 : i32 to index
      %get3A_3552 = arith.index_cast %get3A_3550 : i32 to index
      %get3A_3553 = arith.constant 32 : index
      %get3A_3554 = tpu.vector_load %arg7[%get3A_3551, %get3A_3552, %get3A_3553] {strides = array<i32>} : memref<2x2x128xi32, #tpu.memory_space<vmem>>, vector<16xi32>,
      %gather3A_3555 = tpu.vector_load_idx %arg12[%get3A_3548] : memref<10000xi32, #tpu.memory_space<vmem>>[vector<16xi32>], vector<16xi32>,
      %mul3A_3556 = arith.constant 2 : i32
      %mul3A_3557 = vector.broadcast %mul3A_3556 : i32 to vector<16xi32>
      %mul3A_3558 = arith.muli %get3A_3548, %mul3A_3557 : vector<16xi32>
      %add3A_3559 = vector.broadcast %arg0 : i32 to vector<16xi32>
      %add3A_3560 = arith.addi %mul3A_3558, %add3A_3559 : vector<16xi32>
      %swap3A_3561 = arith.constant 1 : i32
      %swap3A_3562 = arith.index_cast %swap3A_3561 : i32 to index
      %swap3A_3563 = arith.constant 32 : index
      %swap3A_3564 = tpu.vector_load %arg8[%swap3A_3562, %swap3A_3563] {strides = array<i32>} : memref<2x128xi32, #tpu.memory_space<vmem>>, vector<16xi32>,
      tpu.vector_store %arg8[%swap3A_3562, %swap3A_3563], %add3A_3560 {strides = array<i32>} : memref<2x128xi32, #tpu.memory_space<vmem>>, vector<16xi32>,
      %swap3A_3565 = arith.constant 1 : i32
      %swap3A_3566 = arith.index_cast %swap3A_3565 : i32 to index
      %swap3A_3567 = arith.constant 32 : index
      %swap3A_3568 = tpu.vector_load %arg10[%swap3A_3566, %swap3A_3567] {strides = array<i32>} : memref<2x128xi32, #tpu.memory_space<vmem>>, vector<16xi32>,
      tpu.vector_store %arg10[%swap3A_3566, %swap3A_3567], %get3A_3554 {strides = array<i32>} : memref<2x128xi32, #tpu.memory_space<vmem>>, vector<16xi32>,
      %eq3A_3569 = arith.constant 1 : i32
      %eq3A_3570 = vector.broadcast %eq3A_3569 : i32 to vector<16xi32>
      %eq3A_3571 = arith.cmpi eq, %gather3A_3555, %eq3A_3570 : vector<16xi32>
      %jit3A_3572 = arith.constant 10000 : i32
      %broadcast_in_dim3A_3573 = vector.broadcast %jit3A_3572 : i32 to vector<16xi32>
      %select_n3A_3574 = arith.select %eq3A_3571, %get3A_3554, %broadcast_in_dim3A_3573 : vector<16xi1>, vector<16xi32>
      %swap3A_3575 = arith.constant 1 : i32
      %swap3A_3576 = arith.index_cast %swap3A_3575 : i32 to index
      %swap3A_3577 = arith.constant 32 : index
      %swap3A_3578 = tpu.vector_load %arg9[%swap3A_3576, %swap3A_3577] {strides = array<i32>} : memref<2x128xi32, #tpu.memory_space<vmem>>, vector<16xi32>,
      tpu.vector_store %arg9[%swap3A_3576, %swap3A_3577], %select_n3A_3574 {strides = array<i32>} : memref<2x128xi32, #tpu.memory_space<vmem>>, vector<16xi32>,
      %get3A_3579 = arith.constant 1 : i32
      %get3A_3580 = arith.constant 0 : i32
      %get3A_3581 = arith.index_cast %get3A_3579 : i32 to index
      %get3A_3582 = arith.index_cast %get3A_3580 : i32 to index
      %get3A_3583 = arith.constant 48 : index
      %get3A_3584 = tpu.vector_load %arg7[%get3A_3581, %get3A_3582, %get3A_3583] {strides = array<i32>} : memref<2x2x128xi32, #tpu.memory_space<vmem>>, vector<16xi32>,
      %get3A_3585 = arith.constant 1 : i32
      %get3A_3586 = arith.constant 1 : i32
      %get3A_3587 = arith.index_cast %get3A_3585 : i32 to index
      %get3A_3588 = arith.index_cast %get3A_3586 : i32 to index
      %get3A_3589 = arith.constant 48 : index
      %get3A_3590 = tpu.vector_load %arg7[%get3A_3587, %get3A_3588, %get3A_3589] {strides = array<i32>} : memref<2x2x128xi32, #tpu.memory_space<vmem>>, vector<16xi32>,
      %gather3A_3591 = tpu.vector_load_idx %arg12[%get3A_3584] : memref<10000xi32, #tpu.memory_space<vmem>>[vector<16xi32>], vector<16xi32>,
      %mul3A_3592 = arith.constant 2 : i32
      %mul3A_3593 = vector.broadcast %mul3A_3592 : i32 to vector<16xi32>
      %mul3A_3594 = arith.muli %get3A_3584, %mul3A_3593 : vector<16xi32>
      %add3A_3595 = vector.broadcast %arg0 : i32 to vector<16xi32>
      %add3A_3596 = arith.addi %mul3A_3594, %add3A_3595 : vector<16xi32>
      %swap3A_3597 = arith.constant 1 : i32
      %swap3A_3598 = arith.index_cast %swap3A_3597 : i32 to index
      %swap3A_3599 = arith.constant 48 : index
      %swap3A_3600 = tpu.vector_load %arg8[%swap3A_3598, %swap3A_3599] {strides = array<i32>} : memref<2x128xi32, #tpu.memory_space<vmem>>, vector<16xi32>,
      tpu.vector_store %arg8[%swap3A_3598, %swap3A_3599], %add3A_3596 {strides = array<i32>} : memref<2x128xi32, #tpu.memory_space<vmem>>, vector<16xi32>,
      %swap3A_3601 = arith.constant 1 : i32
      %swap3A_3602 = arith.index_cast %swap3A_3601 : i32 to index
      %swap3A_3603 = arith.constant 48 : index
      %swap3A_3604 = tpu.vector_load %arg10[%swap3A_3602, %swap3A_3603] {strides = array<i32>} : memref<2x128xi32, #tpu.memory_space<vmem>>, vector<16xi32>,
      tpu.vector_store %arg10[%swap3A_3602, %swap3A_3603], %get3A_3590 {strides = array<i32>} : memref<2x128xi32, #tpu.memory_space<vmem>>, vector<16xi32>,
      %eq3A_3605 = arith.constant 1 : i32
      %eq3A_3606 = vector.broadcast %eq3A_3605 : i32 to vector<16xi32>
      %eq3A_3607 = arith.cmpi eq, %gather3A_3591, %eq3A_3606 : vector<16xi32>
      %jit3A_3608 = arith.constant 10000 : i32
      %broadcast_in_dim3A_3609 = vector.broadcast %jit3A_3608 : i32 to vector<16xi32>
      %select_n3A_3610 = arith.select %eq3A_3607, %get3A_3590, %broadcast_in_dim3A_3609 : vector<16xi1>, vector<16xi32>
      %swap3A_3611 = arith.constant 1 : i32
      %swap3A_3612 = arith.index_cast %swap3A_3611 : i32 to index
      %swap3A_3613 = arith.constant 48 : index
      %swap3A_3614 = tpu.vector_load %arg9[%swap3A_3612, %swap3A_3613] {strides = array<i32>} : memref<2x128xi32, #tpu.memory_space<vmem>>, vector<16xi32>,
      tpu.vector_store %arg9[%swap3A_3612, %swap3A_3613], %select_n3A_3610 {strides = array<i32>} : memref<2x128xi32, #tpu.memory_space<vmem>>, vector<16xi32>,
      %get3A_3615 = arith.constant 1 : i32
      %get3A_3616 = arith.constant 0 : i32
      %get3A_3617 = arith.index_cast %get3A_3615 : i32 to index
      %get3A_3618 = arith.index_cast %get3A_3616 : i32 to index
      %get3A_3619 = arith.constant 64 : index
      %get3A_3620 = tpu.vector_load %arg7[%get3A_3617, %get3A_3618, %get3A_3619] {strides = array<i32>} : memref<2x2x128xi32, #tpu.memory_space<vmem>>, vector<16xi32>,
      %get3A_3621 = arith.constant 1 : i32
      %get3A_3622 = arith.constant 1 : i32
      %get3A_3623 = arith.index_cast %get3A_3621 : i32 to index
      %get3A_3624 = arith.index_cast %get3A_3622 : i32 to index
      %get3A_3625 = arith.constant 64 : index
      %get3A_3626 = tpu.vector_load %arg7[%get3A_3623, %get3A_3624, %get3A_3625] {strides = array<i32>} : memref<2x2x128xi32, #tpu.memory_space<vmem>>, vector<16xi32>,
      %gather3A_3627 = tpu.vector_load_idx %arg12[%get3A_3620] : memref<10000xi32, #tpu.memory_space<vmem>>[vector<16xi32>], vector<16xi32>,
      %mul3A_3628 = arith.constant 2 : i32
      %mul3A_3629 = vector.broadcast %mul3A_3628 : i32 to vector<16xi32>
      %mul3A_3630 = arith.muli %get3A_3620, %mul3A_3629 : vector<16xi32>
      %add3A_3631 = vector.broadcast %arg0 : i32 to vector<16xi32>
      %add3A_3632 = arith.addi %mul3A_3630, %add3A_3631 : vector<16xi32>
      %swap3A_3633 = arith.constant 1 : i32
      %swap3A_3634 = arith.index_cast %swap3A_3633 : i32 to index
      %swap3A_3635 = arith.constant 64 : index
      %swap3A_3636 = tpu.vector_load %arg8[%swap3A_3634, %swap3A_3635] {strides = array<i32>} : memref<2x128xi32, #tpu.memory_space<vmem>>, vector<16xi32>,
      tpu.vector_store %arg8[%swap3A_3634, %swap3A_3635], %add3A_3632 {strides = array<i32>} : memref<2x128xi32, #tpu.memory_space<vmem>>, vector<16xi32>,
      %swap3A_3637 = arith.constant 1 : i32
      %swap3A_3638 = arith.index_cast %swap3A_3637 : i32 to index
      %swap3A_3639 = arith.constant 64 : index
      %swap3A_3640 = tpu.vector_load %arg10[%swap3A_3638, %swap3A_3639] {strides = array<i32>} : memref<2x128xi32, #tpu.memory_space<vmem>>, vector<16xi32>,
      tpu.vector_store %arg10[%swap3A_3638, %swap3A_3639], %get3A_3626 {strides = array<i32>} : memref<2x128xi32, #tpu.memory_space<vmem>>, vector<16xi32>,
      %eq3A_3641 = arith.constant 1 : i32
      %eq3A_3642 = vector.broadcast %eq3A_3641 : i32 to vector<16xi32>
      %eq3A_3643 = arith.cmpi eq, %gather3A_3627, %eq3A_3642 : vector<16xi32>
      %jit3A_3644 = arith.constant 10000 : i32
      %broadcast_in_dim3A_3645 = vector.broadcast %jit3A_3644 : i32 to vector<16xi32>
      %select_n3A_3646 = arith.select %eq3A_3643, %get3A_3626, %broadcast_in_dim3A_3645 : vector<16xi1>, vector<16xi32>
      %swap3A_3647 = arith.constant 1 : i32
      %swap3A_3648 = arith.index_cast %swap3A_3647 : i32 to index
      %swap3A_3649 = arith.constant 64 : index
      %swap3A_3650 = tpu.vector_load %arg9[%swap3A_3648, %swap3A_3649] {strides = array<i32>} : memref<2x128xi32, #tpu.memory_space<vmem>>, vector<16xi32>,
      tpu.vector_store %arg9[%swap3A_3648, %swap3A_3649], %select_n3A_3646 {strides = array<i32>} : memref<2x128xi32, #tpu.memory_space<vmem>>, vector<16xi32>,
      %get3A_3651 = arith.constant 1 : i32
      %get3A_3652 = arith.constant 0 : i32
      %get3A_3653 = arith.index_cast %get3A_3651 : i32 to index
      %get3A_3654 = arith.index_cast %get3A_3652 : i32 to index
      %get3A_3655 = arith.constant 80 : index
      %get3A_3656 = tpu.vector_load %arg7[%get3A_3653, %get3A_3654, %get3A_3655] {strides = array<i32>} : memref<2x2x128xi32, #tpu.memory_space<vmem>>, vector<16xi32>,
      %get3A_3657 = arith.constant 1 : i32
      %get3A_3658 = arith.constant 1 : i32
      %get3A_3659 = arith.index_cast %get3A_3657 : i32 to index
      %get3A_3660 = arith.index_cast %get3A_3658 : i32 to index
      %get3A_3661 = arith.constant 80 : index
      %get3A_3662 = tpu.vector_load %arg7[%get3A_3659, %get3A_3660, %get3A_3661] {strides = array<i32>} : memref<2x2x128xi32, #tpu.memory_space<vmem>>, vector<16xi32>,
      %gather3A_3663 = tpu.vector_load_idx %arg12[%get3A_3656] : memref<10000xi32, #tpu.memory_space<vmem>>[vector<16xi32>], vector<16xi32>,
      %mul3A_3664 = arith.constant 2 : i32
      %mul3A_3665 = vector.broadcast %mul3A_3664 : i32 to vector<16xi32>
      %mul3A_3666 = arith.muli %get3A_3656, %mul3A_3665 : vector<16xi32>
      %add3A_3667 = vector.broadcast %arg0 : i32 to vector<16xi32>
      %add3A_3668 = arith.addi %mul3A_3666, %add3A_3667 : vector<16xi32>
      %swap3A_3669 = arith.constant 1 : i32
      %swap3A_3670 = arith.index_cast %swap3A_3669 : i32 to index
      %swap3A_3671 = arith.constant 80 : index
      %swap3A_3672 = tpu.vector_load %arg8[%swap3A_3670, %swap3A_3671] {strides = array<i32>} : memref<2x128xi32, #tpu.memory_space<vmem>>, vector<16xi32>,
      tpu.vector_store %arg8[%swap3A_3670, %swap3A_3671], %add3A_3668 {strides = array<i32>} : memref<2x128xi32, #tpu.memory_space<vmem>>, vector<16xi32>,
      %swap3A_3673 = arith.constant 1 : i32
      %swap3A_3674 = arith.index_cast %swap3A_3673 : i32 to index
      %swap3A_3675 = arith.constant 80 : index
      %swap3A_3676 = tpu.vector_load %arg10[%swap3A_3674, %swap3A_3675] {strides = array<i32>} : memref<2x128xi32, #tpu.memory_space<vmem>>, vector<16xi32>,
      tpu.vector_store %arg10[%swap3A_3674, %swap3A_3675], %get3A_3662 {strides = array<i32>} : memref<2x128xi32, #tpu.memory_space<vmem>>, vector<16xi32>,
      %eq3A_3677 = arith.constant 1 : i32
      %eq3A_3678 = vector.broadcast %eq3A_3677 : i32 to vector<16xi32>
      %eq3A_3679 = arith.cmpi eq, %gather3A_3663, %eq3A_3678 : vector<16xi32>
      %jit3A_3680 = arith.constant 10000 : i32
      %broadcast_in_dim3A_3681 = vector.broadcast %jit3A_3680 : i32 to vector<16xi32>
      %select_n3A_3682 = arith.select %eq3A_3679, %get3A_3662, %broadcast_in_dim3A_3681 : vector<16xi1>, vector<16xi32>
      %swap3A_3683 = arith.constant 1 : i32
      %swap3A_3684 = arith.index_cast %swap3A_3683 : i32 to index
      %swap3A_3685 = arith.constant 80 : index
      %swap3A_3686 = tpu.vector_load %arg9[%swap3A_3684, %swap3A_3685] {strides = array<i32>} : memref<2x128xi32, #tpu.memory_space<vmem>>, vector<16xi32>,
      tpu.vector_store %arg9[%swap3A_3684, %swap3A_3685], %select_n3A_3682 {strides = array<i32>} : memref<2x128xi32, #tpu.memory_space<vmem>>, vector<16xi32>,
      %get3A_3687 = arith.constant 1 : i32
      %get3A_3688 = arith.constant 0 : i32
      %get3A_3689 = arith.index_cast %get3A_3687 : i32 to index
      %get3A_3690 = arith.index_cast %get3A_3688 : i32 to index
      %get3A_3691 = arith.constant 96 : index
      %get3A_3692 = tpu.vector_load %arg7[%get3A_3689, %get3A_3690, %get3A_3691] {strides = array<i32>} : memref<2x2x128xi32, #tpu.memory_space<vmem>>, vector<16xi32>,
      %get3A_3693 = arith.constant 1 : i32
      %get3A_3694 = arith.constant 1 : i32
      %get3A_3695 = arith.index_cast %get3A_3693 : i32 to index
      %get3A_3696 = arith.index_cast %get3A_3694 : i32 to index
      %get3A_3697 = arith.constant 96 : index
      %get3A_3698 = tpu.vector_load %arg7[%get3A_3695, %get3A_3696, %get3A_3697] {strides = array<i32>} : memref<2x2x128xi32, #tpu.memory_space<vmem>>, vector<16xi32>,
      %gather3A_3699 = tpu.vector_load_idx %arg12[%get3A_3692] : memref<10000xi32, #tpu.memory_space<vmem>>[vector<16xi32>], vector<16xi32>,
      %mul3A_3700 = arith.constant 2 : i32
      %mul3A_3701 = vector.broadcast %mul3A_3700 : i32 to vector<16xi32>
      %mul3A_3702 = arith.muli %get3A_3692, %mul3A_3701 : vector<16xi32>
      %add3A_3703 = vector.broadcast %arg0 : i32 to vector<16xi32>
      %add3A_3704 = arith.addi %mul3A_3702, %add3A_3703 : vector<16xi32>
      %swap3A_3705 = arith.constant 1 : i32
      %swap3A_3706 = arith.index_cast %swap3A_3705 : i32 to index
      %swap3A_3707 = arith.constant 96 : index
      %swap3A_3708 = tpu.vector_load %arg8[%swap3A_3706, %swap3A_3707] {strides = array<i32>} : memref<2x128xi32, #tpu.memory_space<vmem>>, vector<16xi32>,
      tpu.vector_store %arg8[%swap3A_3706, %swap3A_3707], %add3A_3704 {strides = array<i32>} : memref<2x128xi32, #tpu.memory_space<vmem>>, vector<16xi32>,
      %swap3A_3709 = arith.constant 1 : i32
      %swap3A_3710 = arith.index_cast %swap3A_3709 : i32 to index
      %swap3A_3711 = arith.constant 96 : index
      %swap3A_3712 = tpu.vector_load %arg10[%swap3A_3710, %swap3A_3711] {strides = array<i32>} : memref<2x128xi32, #tpu.memory_space<vmem>>, vector<16xi32>,
      tpu.vector_store %arg10[%swap3A_3710, %swap3A_3711], %get3A_3698 {strides = array<i32>} : memref<2x128xi32, #tpu.memory_space<vmem>>, vector<16xi32>,
      %eq3A_3713 = arith.constant 1 : i32
      %eq3A_3714 = vector.broadcast %eq3A_3713 : i32 to vector<16xi32>
      %eq3A_3715 = arith.cmpi eq, %gather3A_3699, %eq3A_3714 : vector<16xi32>
      %jit3A_3716 = arith.constant 10000 : i32
      %broadcast_in_dim3A_3717 = vector.broadcast %jit3A_3716 : i32 to vector<16xi32>
      %select_n3A_3718 = arith.select %eq3A_3715, %get3A_3698, %broadcast_in_dim3A_3717 : vector<16xi1>, vector<16xi32>
      %swap3A_3719 = arith.constant 1 : i32
      %swap3A_3720 = arith.index_cast %swap3A_3719 : i32 to index
      %swap3A_3721 = arith.constant 96 : index
      %swap3A_3722 = tpu.vector_load %arg9[%swap3A_3720, %swap3A_3721] {strides = array<i32>} : memref<2x128xi32, #tpu.memory_space<vmem>>, vector<16xi32>,
      tpu.vector_store %arg9[%swap3A_3720, %swap3A_3721], %select_n3A_3718 {strides = array<i32>} : memref<2x128xi32, #tpu.memory_space<vmem>>, vector<16xi32>,
      %get3A_3723 = arith.constant 1 : i32
      %get3A_3724 = arith.constant 0 : i32
      %get3A_3725 = arith.index_cast %get3A_3723 : i32 to index
      %get3A_3726 = arith.index_cast %get3A_3724 : i32 to index
      %get3A_3727 = arith.constant 112 : index
      %get3A_3728 = tpu.vector_load %arg7[%get3A_3725, %get3A_3726, %get3A_3727] {strides = array<i32>} : memref<2x2x128xi32, #tpu.memory_space<vmem>>, vector<16xi32>,
      %get3A_3729 = arith.constant 1 : i32
      %get3A_3730 = arith.constant 1 : i32
      %get3A_3731 = arith.index_cast %get3A_3729 : i32 to index
      %get3A_3732 = arith.index_cast %get3A_3730 : i32 to index
      %get3A_3733 = arith.constant 112 : index
      %get3A_3734 = tpu.vector_load %arg7[%get3A_3731, %get3A_3732, %get3A_3733] {strides = array<i32>} : memref<2x2x128xi32, #tpu.memory_space<vmem>>, vector<16xi32>,
      %gather3A_3735 = tpu.vector_load_idx %arg12[%get3A_3728] : memref<10000xi32, #tpu.memory_space<vmem>>[vector<16xi32>], vector<16xi32>,
      %mul3A_3736 = arith.constant 2 : i32
      %mul3A_3737 = vector.broadcast %mul3A_3736 : i32 to vector<16xi32>
      %mul3A_3738 = arith.muli %get3A_3728, %mul3A_3737 : vector<16xi32>
      %add3A_3739 = vector.broadcast %arg0 : i32 to vector<16xi32>
      %add3A_3740 = arith.addi %mul3A_3738, %add3A_3739 : vector<16xi32>
      %swap3A_3741 = arith.constant 1 : i32
      %swap3A_3742 = arith.index_cast %swap3A_3741 : i32 to index
      %swap3A_3743 = arith.constant 112 : index
      %swap3A_3744 = tpu.vector_load %arg8[%swap3A_3742, %swap3A_3743] {strides = array<i32>} : memref<2x128xi32, #tpu.memory_space<vmem>>, vector<16xi32>,
      tpu.vector_store %arg8[%swap3A_3742, %swap3A_3743], %add3A_3740 {strides = array<i32>} : memref<2x128xi32, #tpu.memory_space<vmem>>, vector<16xi32>,
      %swap3A_3745 = arith.constant 1 : i32
      %swap3A_3746 = arith.index_cast %swap3A_3745 : i32 to index
      %swap3A_3747 = arith.constant 112 : index
      %swap3A_3748 = tpu.vector_load %arg10[%swap3A_3746, %swap3A_3747] {strides = array<i32>} : memref<2x128xi32, #tpu.memory_space<vmem>>, vector<16xi32>,
      tpu.vector_store %arg10[%swap3A_3746, %swap3A_3747], %get3A_3734 {strides = array<i32>} : memref<2x128xi32, #tpu.memory_space<vmem>>, vector<16xi32>,
      %eq3A_3749 = arith.constant 1 : i32
      %eq3A_3750 = vector.broadcast %eq3A_3749 : i32 to vector<16xi32>
      %eq3A_3751 = arith.cmpi eq, %gather3A_3735, %eq3A_3750 : vector<16xi32>
      %jit3A_3752 = arith.constant 10000 : i32
      %broadcast_in_dim3A_3753 = vector.broadcast %jit3A_3752 : i32 to vector<16xi32>
      %select_n3A_3754 = arith.select %eq3A_3751, %get3A_3734, %broadcast_in_dim3A_3753 : vector<16xi1>, vector<16xi32>
      %swap3A_3755 = arith.constant 1 : i32
      %swap3A_3756 = arith.index_cast %swap3A_3755 : i32 to index
      %swap3A_3757 = arith.constant 112 : index
      %swap3A_3758 = tpu.vector_load %arg9[%swap3A_3756, %swap3A_3757] {strides = array<i32>} : memref<2x128xi32, #tpu.memory_space<vmem>>, vector<16xi32>,
      tpu.vector_store %arg9[%swap3A_3756, %swap3A_3757], %select_n3A_3754 {strides = array<i32>} : memref<2x128xi32, #tpu.memory_space<vmem>>, vector<16xi32>,
      %add3A_3759 = arith.constant 2 : i32
      %add3A_3760 = arith.addi %add3A_3413, %add3A_3759 : i32
      %dma_start3A_3761 = arith.constant 1 : i32
      %dma_start3A_3762 = arith.constant 1 : i32
      %dma_start3A_3763 = arith.constant 0 : i32
      %dma_start3A_3764 = arith.constant 0 : i32
      %dma_start3A_3765 = tpu.memref_slice %arg7[%dma_start3A_3761, %dma_start3A_3763, %dma_start3A_3764] : memref<2x2x128xi32, #tpu.memory_space<vmem>> -> memref<1x2x128xi32, #tpu.memory_space<vmem>>
      %dma_start3A_3766 = tpu.memref_squeeze %dma_start3A_3765 : memref<1x2x128xi32, #tpu.memory_space<vmem>> -> memref<2x128xi32, #tpu.memory_space<vmem>>
      %dma_start3A_3767 = arith.constant 0 : i32
      %dma_start3A_3768 = arith.constant 0 : i32
      %dma_start3A_3769 = tpu.memref_slice %arg3[%arg1, %add3A_3760, %dma_start3A_3767, %dma_start3A_3768] : memref<16x160x2x128xi32, #tpu.memory_space<hbm>> -> memref<1x1x2x128xi32, #tpu.memory_space<hbm>>
      %dma_start3A_3770 = tpu.memref_squeeze %dma_start3A_3769 : memref<1x1x2x128xi32, #tpu.memory_space<hbm>> -> memref<2x128xi32, #tpu.memory_space<hbm>>
      %dma_start3A_3771 = tpu.memref_slice %arg16[%dma_start3A_3762] : memref<2x!tpu.dma_semaphore, #tpu.memory_space<semaphore_mem>> -> memref<1x!tpu.dma_semaphore, #tpu.memory_space<semaphore_mem>>
      %dma_start3A_3772 = tpu.memref_squeeze %dma_start3A_3771 : memref<1x!tpu.dma_semaphore, #tpu.memory_space<semaphore_mem>> -> memref<!tpu.dma_semaphore, #tpu.memory_space<semaphore_mem>>
      %dma_start3A_3773 = arith.constant 0 : i32
      %dma_start3A_3774 = arith.constant 0 : i32
      %dma_start3A_3775 = tpu.memref_slice %arg7[%dma_start3A_3761, %dma_start3A_3773, %dma_start3A_3774] : memref<2x2x128xi32, #tpu.memory_space<vmem>> -> memref<1x2x128xi32, #tpu.memory_space<vmem>>
      %dma_start3A_3776 = tpu.memref_squeeze %dma_start3A_3775 : memref<1x2x128xi32, #tpu.memory_space<vmem>> -> memref<2x128xi32, #tpu.memory_space<vmem>>
      %dma_start3A_3777 = arith.constant 0 : i32
      %dma_start3A_3778 = arith.constant 0 : i32
      %dma_start3A_3779 = tpu.memref_slice %arg3[%arg1, %add3A_3760, %dma_start3A_3777, %dma_start3A_3778] : memref<16x160x2x128xi32, #tpu.memory_space<hbm>> -> memref<1x1x2x128xi32, #tpu.memory_space<hbm>>
      %dma_start3A_3780 = tpu.memref_squeeze %dma_start3A_3779 : memref<1x1x2x128xi32, #tpu.memory_space<hbm>> -> memref<2x128xi32, #tpu.memory_space<hbm>>
      tpu.enqueue_dma source(%dma_start3A_3780 : memref<2x128xi32, #tpu.memory_space<hbm>>) target(%dma_start3A_3776 : memref<2x128xi32, #tpu.memory_space<vmem>>) target_semaphore(%dma_start3A_3772 : memref<!tpu.dma_semaphore, #tpu.memory_space<semaphore_mem>>)
      %dma_start3A_3781 = arith.constant 1 : i32
      %dma_start3A_3782 = arith.constant 1 : i32
      %dma_start3A_3783 = arith.constant 1 : i32
      %dma_start3A_3784 = arith.constant 0 : i32
      %dma_start3A_3785 = arith.constant 0 : i32
      %dma_start3A_3786 = tpu.memref_slice %arg11[%dma_start3A_3782, %dma_start3A_3784, %dma_start3A_3785] : memref<2x128x64xf32, #tpu.memory_space<vmem>> -> memref<1x128x64xf32, #tpu.memory_space<vmem>>
      %dma_start3A_3787 = tpu.memref_squeeze %dma_start3A_3786 : memref<1x128x64xf32, #tpu.memory_space<vmem>> -> memref<128x64xf32, #tpu.memory_space<vmem>>
      %dma_start3A_3788 = arith.constant 0 : i32
      %dma_start3A_3789 = tpu.memref_slice %arg8[%dma_start3A_3781, %dma_start3A_3788] : memref<2x128xi32, #tpu.memory_space<vmem>> -> memref<1x128xi32, #tpu.memory_space<vmem>>
      %dma_start3A_3790 = tpu.memref_squeeze %dma_start3A_3789 : memref<1x128xi32, #tpu.memory_space<vmem>> -> memref<128xi32, #tpu.memory_space<vmem>>
      %dma_start3A_3791 = arith.constant 0 : i32
      %dma_start3A_3792 = arith.constant 0 : i32
      %dma_start3A_3793 = tpu.memref_slice %arg2[%dma_start3A_3791, %dma_start3A_3792] : memref<20000x64xf32, #tpu.memory_space<hbm>> -> memref<20000x64xf32, #tpu.memory_space<hbm>>
      %dma_start3A_3794 = tpu.memref_slice %arg17[%dma_start3A_3783] : memref<2x!tpu.dma_semaphore, #tpu.memory_space<semaphore_mem>> -> memref<1x!tpu.dma_semaphore, #tpu.memory_space<semaphore_mem>>
      %dma_start3A_3795 = tpu.memref_squeeze %dma_start3A_3794 : memref<1x!tpu.dma_semaphore, #tpu.memory_space<semaphore_mem>> -> memref<!tpu.dma_semaphore, #tpu.memory_space<semaphore_mem>>
      tpu.enqueue_indirect_dma source(%dma_start3A_3793 : memref<20000x64xf32, #tpu.memory_space<hbm>>) target(%dma_start3A_3787 : memref<128x64xf32, #tpu.memory_space<vmem>>) offsets(%dma_start3A_3790 : memref<128xi32, #tpu.memory_space<vmem>>) semaphore(%dma_start3A_3795 : memref<!tpu.dma_semaphore, #tpu.memory_space<semaphore_mem>>)
      %dma_wait3A_3796 = arith.constant 0 : i32
      %dma_wait3A_3797 = arith.constant 0 : i32
      %dma_wait3A_3798 = arith.constant 0 : i32
      %dma_wait3A_3799 = arith.constant 0 : i32
      %dma_wait3A_3800 = arith.constant 0 : i32
      %dma_wait3A_3801 = tpu.memref_slice %arg11[%dma_wait3A_3797, %dma_wait3A_3799, %dma_wait3A_3800] : memref<2x128x64xf32, #tpu.memory_space<vmem>> -> memref<1x128x64xf32, #tpu.memory_space<vmem>>
      %dma_wait3A_3802 = tpu.memref_squeeze %dma_wait3A_3801 : memref<1x128x64xf32, #tpu.memory_space<vmem>> -> memref<128x64xf32, #tpu.memory_space<vmem>>
      %dma_wait3A_3803 = arith.constant 0 : i32
      %dma_wait3A_3804 = tpu.memref_slice %arg8[%dma_wait3A_3796, %dma_wait3A_3803] : memref<2x128xi32, #tpu.memory_space<vmem>> -> memref<1x128xi32, #tpu.memory_space<vmem>>
      %dma_wait3A_3805 = tpu.memref_squeeze %dma_wait3A_3804 : memref<1x128xi32, #tpu.memory_space<vmem>> -> memref<128xi32, #tpu.memory_space<vmem>>
      %dma_wait3A_3806 = arith.constant 0 : i32
      %dma_wait3A_3807 = arith.constant 0 : i32
      %dma_wait3A_3808 = tpu.memref_slice %arg2[%dma_wait3A_3806, %dma_wait3A_3807] : memref<20000x64xf32, #tpu.memory_space<hbm>> -> memref<20000x64xf32, #tpu.memory_space<hbm>>
      %dma_wait3A_3809 = tpu.memref_slice %arg17[%dma_wait3A_3798] : memref<2x!tpu.dma_semaphore, #tpu.memory_space<semaphore_mem>> -> memref<1x!tpu.dma_semaphore, #tpu.memory_space<semaphore_mem>>
      %dma_wait3A_3810 = tpu.memref_squeeze %dma_wait3A_3809 : memref<1x!tpu.dma_semaphore, #tpu.memory_space<semaphore_mem>> -> memref<!tpu.dma_semaphore, #tpu.memory_space<semaphore_mem>>
      tpu.wait_indirect_dma semaphore(%dma_wait3A_3810 : memref<!tpu.dma_semaphore, #tpu.memory_space<semaphore_mem>>) src(%dma_wait3A_3808 : memref<20000x64xf32, #tpu.memory_space<hbm>>) dst(%dma_wait3A_3802 : memref<128x64xf32, #tpu.memory_space<vmem>>)
      %dma_start3A_3811 = arith.constant 0 : i32
      %dma_start3A_3812 = arith.constant 0 : i32
      %dma_start3A_3813 = arith.constant 0 : i32
      %dma_start3A_3814 = arith.constant 0 : i32
      %dma_start3A_3815 = arith.constant 0 : i32
      %dma_start3A_3816 = tpu.memref_slice %arg11[%dma_start3A_3811, %dma_start3A_3814, %dma_start3A_3815] : memref<2x128x64xf32, #tpu.memory_space<vmem>> -> memref<1x128x64xf32, #tpu.memory_space<vmem>>
      %dma_start3A_3817 = tpu.memref_squeeze %dma_start3A_3816 : memref<1x128x64xf32, #tpu.memory_space<vmem>> -> memref<128x64xf32, #tpu.memory_space<vmem>>
      %dma_start3A_3818 = arith.constant 0 : i32
      %dma_start3A_3819 = tpu.memref_slice %arg10[%dma_start3A_3812, %dma_start3A_3818] : memref<2x128xi32, #tpu.memory_space<vmem>> -> memref<1x128xi32, #tpu.memory_space<vmem>>
      %dma_start3A_3820 = tpu.memref_squeeze %dma_start3A_3819 : memref<1x128xi32, #tpu.memory_space<vmem>> -> memref<128xi32, #tpu.memory_space<vmem>>
      %dma_start3A_3821 = arith.constant 0 : i32
      %dma_start3A_3822 = arith.constant 0 : i32
      %dma_start3A_3823 = tpu.memref_slice %arg15[%dma_start3A_3821, %dma_start3A_3822] : memref<10240x64xf32, #tpu.memory_space<vmem_shared>> -> memref<10240x64xf32, #tpu.memory_space<vmem_shared>>
      %dma_start3A_3824 = tpu.memref_slice %arg18[%dma_start3A_3813] : memref<2x!tpu.dma_semaphore, #tpu.memory_space<semaphore_mem>> -> memref<1x!tpu.dma_semaphore, #tpu.memory_space<semaphore_mem>>
      %dma_start3A_3825 = tpu.memref_squeeze %dma_start3A_3824 : memref<1x!tpu.dma_semaphore, #tpu.memory_space<semaphore_mem>> -> memref<!tpu.dma_semaphore, #tpu.memory_space<semaphore_mem>>
      tpu.enqueue_indirect_dma source(%dma_start3A_3817 : memref<128x64xf32, #tpu.memory_space<vmem>>) target(%dma_start3A_3823 : memref<10240x64xf32, #tpu.memory_space<vmem_shared>>) offsets(%dma_start3A_3820 : memref<128xi32, #tpu.memory_space<vmem>>) semaphore(%dma_start3A_3825 : memref<!tpu.dma_semaphore, #tpu.memory_space<semaphore_mem>>) {add = true}
      %dma_start3A_3826 = arith.constant 0 : i32
      %dma_start3A_3827 = arith.constant 0 : i32
      %dma_start3A_3828 = arith.constant 0 : i32
      %dma_start3A_3829 = arith.constant 0 : i32
      %dma_start3A_3830 = arith.constant 0 : i32
      %dma_start3A_3831 = tpu.memref_slice %arg11[%dma_start3A_3826, %dma_start3A_3829, %dma_start3A_3830] : memref<2x128x64xf32, #tpu.memory_space<vmem>> -> memref<1x128x64xf32, #tpu.memory_space<vmem>>
      %dma_start3A_3832 = tpu.memref_squeeze %dma_start3A_3831 : memref<1x128x64xf32, #tpu.memory_space<vmem>> -> memref<128x64xf32, #tpu.memory_space<vmem>>
      %dma_start3A_3833 = arith.constant 0 : i32
      %dma_start3A_3834 = tpu.memref_slice %arg9[%dma_start3A_3827, %dma_start3A_3833] : memref<2x128xi32, #tpu.memory_space<vmem>> -> memref<1x128xi32, #tpu.memory_space<vmem>>
      %dma_start3A_3835 = tpu.memref_squeeze %dma_start3A_3834 : memref<1x128xi32, #tpu.memory_space<vmem>> -> memref<128xi32, #tpu.memory_space<vmem>>
      %dma_start3A_3836 = arith.constant 0 : i32
      %dma_start3A_3837 = arith.constant 0 : i32
      %dma_start3A_3838 = tpu.memref_slice %arg14[%dma_start3A_3836, %dma_start3A_3837] : memref<10240x64xf32, #tpu.memory_space<vmem_shared>> -> memref<10240x64xf32, #tpu.memory_space<vmem_shared>>
      %dma_start3A_3839 = tpu.memref_slice %arg18[%dma_start3A_3828] : memref<2x!tpu.dma_semaphore, #tpu.memory_space<semaphore_mem>> -> memref<1x!tpu.dma_semaphore, #tpu.memory_space<semaphore_mem>>
      %dma_start3A_3840 = tpu.memref_squeeze %dma_start3A_3839 : memref<1x!tpu.dma_semaphore, #tpu.memory_space<semaphore_mem>> -> memref<!tpu.dma_semaphore, #tpu.memory_space<semaphore_mem>>
      tpu.enqueue_indirect_dma source(%dma_start3A_3832 : memref<128x64xf32, #tpu.memory_space<vmem>>) target(%dma_start3A_3838 : memref<10240x64xf32, #tpu.memory_space<vmem_shared>>) offsets(%dma_start3A_3835 : memref<128xi32, #tpu.memory_space<vmem>>) semaphore(%dma_start3A_3840 : memref<!tpu.dma_semaphore, #tpu.memory_space<semaphore_mem>>) {add = true}
      %dma_wait3A_3841 = arith.constant 1 : i32
      %dma_wait3A_3842 = arith.constant 1 : i32
      %dma_wait3A_3843 = arith.constant 1 : i32
      %dma_wait3A_3844 = arith.constant 0 : i32
      %dma_wait3A_3845 = arith.constant 0 : i32
      %dma_wait3A_3846 = tpu.memref_slice %arg11[%dma_wait3A_3842, %dma_wait3A_3844, %dma_wait3A_3845] : memref<2x128x64xf32, #tpu.memory_space<vmem>> -> memref<1x128x64xf32, #tpu.memory_space<vmem>>
      %dma_wait3A_3847 = tpu.memref_squeeze %dma_wait3A_3846 : memref<1x128x64xf32, #tpu.memory_space<vmem>> -> memref<128x64xf32, #tpu.memory_space<vmem>>
      %dma_wait3A_3848 = arith.constant 0 : i32
      %dma_wait3A_3849 = tpu.memref_slice %arg8[%dma_wait3A_3841, %dma_wait3A_3848] : memref<2x128xi32, #tpu.memory_space<vmem>> -> memref<1x128xi32, #tpu.memory_space<vmem>>
      %dma_wait3A_3850 = tpu.memref_squeeze %dma_wait3A_3849 : memref<1x128xi32, #tpu.memory_space<vmem>> -> memref<128xi32, #tpu.memory_space<vmem>>
      %dma_wait3A_3851 = arith.constant 0 : i32
      %dma_wait3A_3852 = arith.constant 0 : i32
      %dma_wait3A_3853 = tpu.memref_slice %arg2[%dma_wait3A_3851, %dma_wait3A_3852] : memref<20000x64xf32, #tpu.memory_space<hbm>> -> memref<20000x64xf32, #tpu.memory_space<hbm>>
      %dma_wait3A_3854 = tpu.memref_slice %arg17[%dma_wait3A_3843] : memref<2x!tpu.dma_semaphore, #tpu.memory_space<semaphore_mem>> -> memref<1x!tpu.dma_semaphore, #tpu.memory_space<semaphore_mem>>
      %dma_wait3A_3855 = tpu.memref_squeeze %dma_wait3A_3854 : memref<1x!tpu.dma_semaphore, #tpu.memory_space<semaphore_mem>> -> memref<!tpu.dma_semaphore, #tpu.memory_space<semaphore_mem>>
      tpu.wait_indirect_dma semaphore(%dma_wait3A_3855 : memref<!tpu.dma_semaphore, #tpu.memory_space<semaphore_mem>>) src(%dma_wait3A_3853 : memref<20000x64xf32, #tpu.memory_space<hbm>>) dst(%dma_wait3A_3847 : memref<128x64xf32, #tpu.memory_space<vmem>>)
      %dma_start3A_3856 = arith.constant 1 : i32
      %dma_start3A_3857 = arith.constant 1 : i32
      %dma_start3A_3858 = arith.constant 1 : i32
      %dma_start3A_3859 = arith.constant 0 : i32
      %dma_start3A_3860 = arith.constant 0 : i32
      %dma_start3A_3861 = tpu.memref_slice %arg11[%dma_start3A_3856, %dma_start3A_3859, %dma_start3A_3860] : memref<2x128x64xf32, #tpu.memory_space<vmem>> -> memref<1x128x64xf32, #tpu.memory_space<vmem>>
      %dma_start3A_3862 = tpu.memref_squeeze %dma_start3A_3861 : memref<1x128x64xf32, #tpu.memory_space<vmem>> -> memref<128x64xf32, #tpu.memory_space<vmem>>
      %dma_start3A_3863 = arith.constant 0 : i32
      %dma_start3A_3864 = tpu.memref_slice %arg10[%dma_start3A_3857, %dma_start3A_3863] : memref<2x128xi32, #tpu.memory_space<vmem>> -> memref<1x128xi32, #tpu.memory_space<vmem>>
      %dma_start3A_3865 = tpu.memref_squeeze %dma_start3A_3864 : memref<1x128xi32, #tpu.memory_space<vmem>> -> memref<128xi32, #tpu.memory_space<vmem>>
      %dma_start3A_3866 = arith.constant 0 : i32
      %dma_start3A_3867 = arith.constant 0 : i32
      %dma_start3A_3868 = tpu.memref_slice %arg15[%dma_start3A_3866, %dma_start3A_3867] : memref<10240x64xf32, #tpu.memory_space<vmem_shared>> -> memref<10240x64xf32, #tpu.memory_space<vmem_shared>>
      %dma_start3A_3869 = tpu.memref_slice %arg18[%dma_start3A_3858] : memref<2x!tpu.dma_semaphore, #tpu.memory_space<semaphore_mem>> -> memref<1x!tpu.dma_semaphore, #tpu.memory_space<semaphore_mem>>
      %dma_start3A_3870 = tpu.memref_squeeze %dma_start3A_3869 : memref<1x!tpu.dma_semaphore, #tpu.memory_space<semaphore_mem>> -> memref<!tpu.dma_semaphore, #tpu.memory_space<semaphore_mem>>
      tpu.enqueue_indirect_dma source(%dma_start3A_3862 : memref<128x64xf32, #tpu.memory_space<vmem>>) target(%dma_start3A_3868 : memref<10240x64xf32, #tpu.memory_space<vmem_shared>>) offsets(%dma_start3A_3865 : memref<128xi32, #tpu.memory_space<vmem>>) semaphore(%dma_start3A_3870 : memref<!tpu.dma_semaphore, #tpu.memory_space<semaphore_mem>>) {add = true}
      %dma_start3A_3871 = arith.constant 1 : i32
      %dma_start3A_3872 = arith.constant 1 : i32
      %dma_start3A_3873 = arith.constant 1 : i32
      %dma_start3A_3874 = arith.constant 0 : i32
      %dma_start3A_3875 = arith.constant 0 : i32
      %dma_start3A_3876 = tpu.memref_slice %arg11[%dma_start3A_3871, %dma_start3A_3874, %dma_start3A_3875] : memref<2x128x64xf32, #tpu.memory_space<vmem>> -> memref<1x128x64xf32, #tpu.memory_space<vmem>>
      %dma_start3A_3877 = tpu.memref_squeeze %dma_start3A_3876 : memref<1x128x64xf32, #tpu.memory_space<vmem>> -> memref<128x64xf32, #tpu.memory_space<vmem>>
      %dma_start3A_3878 = arith.constant 0 : i32
      %dma_start3A_3879 = tpu.memref_slice %arg9[%dma_start3A_3872, %dma_start3A_3878] : memref<2x128xi32, #tpu.memory_space<vmem>> -> memref<1x128xi32, #tpu.memory_space<vmem>>
      %dma_start3A_3880 = tpu.memref_squeeze %dma_start3A_3879 : memref<1x128xi32, #tpu.memory_space<vmem>> -> memref<128xi32, #tpu.memory_space<vmem>>
      %dma_start3A_3881 = arith.constant 0 : i32
      %dma_start3A_3882 = arith.constant 0 : i32
      %dma_start3A_3883 = tpu.memref_slice %arg14[%dma_start3A_3881, %dma_start3A_3882] : memref<10240x64xf32, #tpu.memory_space<vmem_shared>> -> memref<10240x64xf32, #tpu.memory_space<vmem_shared>>
      %dma_start3A_3884 = tpu.memref_slice %arg18[%dma_start3A_3873] : memref<2x!tpu.dma_semaphore, #tpu.memory_space<semaphore_mem>> -> memref<1x!tpu.dma_semaphore, #tpu.memory_space<semaphore_mem>>
      %dma_start3A_3885 = tpu.memref_squeeze %dma_start3A_3884 : memref<1x!tpu.dma_semaphore, #tpu.memory_space<semaphore_mem>> -> memref<!tpu.dma_semaphore, #tpu.memory_space<semaphore_mem>>
      tpu.enqueue_indirect_dma source(%dma_start3A_3877 : memref<128x64xf32, #tpu.memory_space<vmem>>) target(%dma_start3A_3883 : memref<10240x64xf32, #tpu.memory_space<vmem_shared>>) offsets(%dma_start3A_3880 : memref<128xi32, #tpu.memory_space<vmem>>) semaphore(%dma_start3A_3885 : memref<!tpu.dma_semaphore, #tpu.memory_space<semaphore_mem>>) {add = true}
      %scan3A_3886 = arith.constant 0 : i32
      scf.yield %scan3A_3886 : i32
    }
    %scan3A_2906 = arith.constant 78 : i32
    %dma_wait3A_2907 = arith.constant 0 : i32
    %dma_wait3A_2908 = arith.constant 0 : i32
    %dma_wait3A_2909 = arith.constant 0 : i32
    %dma_wait3A_2910 = arith.constant 0 : i32
    %dma_wait3A_2911 = tpu.memref_slice %arg11[%dma_wait3A_2907, %dma_wait3A_2909, %dma_wait3A_2910] : memref<2x128x64xf32, #tpu.memory_space<vmem>> -> memref<1x128x64xf32, #tpu.memory_space<vmem>>
    %dma_wait3A_2912 = tpu.memref_squeeze %dma_wait3A_2911 : memref<1x128x64xf32, #tpu.memory_space<vmem>> -> memref<128x64xf32, #tpu.memory_space<vmem>>
    %dma_wait3A_2913 = arith.constant 0 : i32
    %dma_wait3A_2914 = arith.constant 0 : i32
    %dma_wait3A_2915 = tpu.memref_slice %arg2[%dma_wait3A_2913, %dma_wait3A_2914] : memref<20000x64xf32, #tpu.memory_space<hbm>> -> memref<128x64xf32, #tpu.memory_space<hbm>>
    %dma_wait3A_2916 = tpu.memref_slice %arg18[%dma_wait3A_2908] : memref<2x!tpu.dma_semaphore, #tpu.memory_space<semaphore_mem>> -> memref<1x!tpu.dma_semaphore, #tpu.memory_space<semaphore_mem>>
    %dma_wait3A_2917 = tpu.memref_squeeze %dma_wait3A_2916 : memref<1x!tpu.dma_semaphore, #tpu.memory_space<semaphore_mem>> -> memref<!tpu.dma_semaphore, #tpu.memory_space<semaphore_mem>>
    %dma_wait3A_2918 = arith.constant 0 : i32
    %dma_wait3A_2919 = arith.constant 0 : i32
    %dma_wait3A_2920 = tpu.memref_slice %arg11[%dma_wait3A_2907, %dma_wait3A_2918, %dma_wait3A_2919] : memref<2x128x64xf32, #tpu.memory_space<vmem>> -> memref<1x128x64xf32, #tpu.memory_space<vmem>>
    %dma_wait3A_2921 = tpu.memref_squeeze %dma_wait3A_2920 : memref<1x128x64xf32, #tpu.memory_space<vmem>> -> memref<128x64xf32, #tpu.memory_space<vmem>>
    %dma_wait3A_2922 = arith.constant 0 : i32
    %dma_wait3A_2923 = arith.constant 0 : i32
    %dma_wait3A_2924 = tpu.memref_slice %arg2[%dma_wait3A_2922, %dma_wait3A_2923] : memref<20000x64xf32, #tpu.memory_space<hbm>> -> memref<128x64xf32, #tpu.memory_space<hbm>>
    tpu.wait_dma2 semaphore(%dma_wait3A_2917 : memref<!tpu.dma_semaphore, #tpu.memory_space<semaphore_mem>>) src(%dma_wait3A_2924 : memref<128x64xf32, #tpu.memory_space<hbm>>) dst(%dma_wait3A_2921 : memref<128x64xf32, #tpu.memory_space<vmem>>)
    %dma_wait3A_2925 = arith.constant 0 : i32
    %dma_wait3A_2926 = arith.constant 0 : i32
    %dma_wait3A_2927 = arith.constant 0 : i32
    %dma_wait3A_2928 = arith.constant 0 : i32
    %dma_wait3A_2929 = tpu.memref_slice %arg11[%dma_wait3A_2925, %dma_wait3A_2927, %dma_wait3A_2928] : memref<2x128x64xf32, #tpu.memory_space<vmem>> -> memref<1x128x64xf32, #tpu.memory_space<vmem>>
    %dma_wait3A_2930 = tpu.memref_squeeze %dma_wait3A_2929 : memref<1x128x64xf32, #tpu.memory_space<vmem>> -> memref<128x64xf32, #tpu.memory_space<vmem>>
    %dma_wait3A_2931 = arith.constant 0 : i32
    %dma_wait3A_2932 = arith.constant 0 : i32
    %dma_wait3A_2933 = tpu.memref_slice %arg2[%dma_wait3A_2931, %dma_wait3A_2932] : memref<20000x64xf32, #tpu.memory_space<hbm>> -> memref<128x64xf32, #tpu.memory_space<hbm>>
    %dma_wait3A_2934 = tpu.memref_slice %arg18[%dma_wait3A_2926] : memref<2x!tpu.dma_semaphore, #tpu.memory_space<semaphore_mem>> -> memref<1x!tpu.dma_semaphore, #tpu.memory_space<semaphore_mem>>
    %dma_wait3A_2935 = tpu.memref_squeeze %dma_wait3A_2934 : memref<1x!tpu.dma_semaphore, #tpu.memory_space<semaphore_mem>> -> memref<!tpu.dma_semaphore, #tpu.memory_space<semaphore_mem>>
    %dma_wait3A_2936 = arith.constant 0 : i32
    %dma_wait3A_2937 = arith.constant 0 : i32
    %dma_wait3A_2938 = tpu.memref_slice %arg11[%dma_wait3A_2925, %dma_wait3A_2936, %dma_wait3A_2937] : memref<2x128x64xf32, #tpu.memory_space<vmem>> -> memref<1x128x64xf32, #tpu.memory_space<vmem>>
    %dma_wait3A_2939 = tpu.memref_squeeze %dma_wait3A_2938 : memref<1x128x64xf32, #tpu.memory_space<vmem>> -> memref<128x64xf32, #tpu.memory_space<vmem>>
    %dma_wait3A_2940 = arith.constant 0 : i32
    %dma_wait3A_2941 = arith.constant 0 : i32
    %dma_wait3A_2942 = tpu.memref_slice %arg2[%dma_wait3A_2940, %dma_wait3A_2941] : memref<20000x64xf32, #tpu.memory_space<hbm>> -> memref<128x64xf32, #tpu.memory_space<hbm>>
    tpu.wait_dma2 semaphore(%dma_wait3A_2935 : memref<!tpu.dma_semaphore, #tpu.memory_space<semaphore_mem>>) src(%dma_wait3A_2942 : memref<128x64xf32, #tpu.memory_space<hbm>>) dst(%dma_wait3A_2939 : memref<128x64xf32, #tpu.memory_space<vmem>>)
    %dma_wait3A_2943 = arith.constant 0 : i32
    %dma_wait3A_2944 = arith.constant 0 : i32
    %dma_wait3A_2945 = arith.constant 0 : i32
    %dma_wait3A_2946 = arith.constant 0 : i32
    %dma_wait3A_2947 = arith.constant 0 : i32
    %dma_wait3A_2948 = tpu.memref_slice %arg7[%dma_wait3A_2944, %dma_wait3A_2946, %dma_wait3A_2947] : memref<2x2x128xi32, #tpu.memory_space<vmem>> -> memref<1x2x128xi32, #tpu.memory_space<vmem>>
    %dma_wait3A_2949 = tpu.memref_squeeze %dma_wait3A_2948 : memref<1x2x128xi32, #tpu.memory_space<vmem>> -> memref<2x128xi32, #tpu.memory_space<vmem>>
    %dma_wait3A_2950 = arith.constant 0 : i32
    %dma_wait3A_2951 = arith.constant 0 : i32
    %dma_wait3A_2952 = tpu.memref_slice %arg3[%arg1, %dma_wait3A_2943, %dma_wait3A_2950, %dma_wait3A_2951] : memref<16x160x2x128xi32, #tpu.memory_space<hbm>> -> memref<1x1x2x128xi32, #tpu.memory_space<hbm>>
    %dma_wait3A_2953 = tpu.memref_squeeze %dma_wait3A_2952 : memref<1x1x2x128xi32, #tpu.memory_space<hbm>> -> memref<2x128xi32, #tpu.memory_space<hbm>>
    %dma_wait3A_2954 = tpu.memref_slice %arg16[%dma_wait3A_2945] : memref<2x!tpu.dma_semaphore, #tpu.memory_space<semaphore_mem>> -> memref<1x!tpu.dma_semaphore, #tpu.memory_space<semaphore_mem>>
    %dma_wait3A_2955 = tpu.memref_squeeze %dma_wait3A_2954 : memref<1x!tpu.dma_semaphore, #tpu.memory_space<semaphore_mem>> -> memref<!tpu.dma_semaphore, #tpu.memory_space<semaphore_mem>>
    %dma_wait3A_2956 = arith.constant 0 : i32
    %dma_wait3A_2957 = arith.constant 0 : i32
    %dma_wait3A_2958 = tpu.memref_slice %arg7[%dma_wait3A_2944, %dma_wait3A_2956, %dma_wait3A_2957] : memref<2x2x128xi32, #tpu.memory_space<vmem>> -> memref<1x2x128xi32, #tpu.memory_space<vmem>>
    %dma_wait3A_2959 = tpu.memref_squeeze %dma_wait3A_2958 : memref<1x2x128xi32, #tpu.memory_space<vmem>> -> memref<2x128xi32, #tpu.memory_space<vmem>>
    %dma_wait3A_2960 = arith.constant 0 : i32
    %dma_wait3A_2961 = arith.constant 0 : i32
    %dma_wait3A_2962 = tpu.memref_slice %arg3[%arg1, %dma_wait3A_2943, %dma_wait3A_2960, %dma_wait3A_2961] : memref<16x160x2x128xi32, #tpu.memory_space<hbm>> -> memref<1x1x2x128xi32, #tpu.memory_space<hbm>>
    %dma_wait3A_2963 = tpu.memref_squeeze %dma_wait3A_2962 : memref<1x1x2x128xi32, #tpu.memory_space<hbm>> -> memref<2x128xi32, #tpu.memory_space<hbm>>
    tpu.wait_dma2 semaphore(%dma_wait3A_2955 : memref<!tpu.dma_semaphore, #tpu.memory_space<semaphore_mem>>) src(%dma_wait3A_2963 : memref<2x128xi32, #tpu.memory_space<hbm>>) dst(%dma_wait3A_2959 : memref<2x128xi32, #tpu.memory_space<vmem>>)
    %dma_wait3A_2964 = arith.constant 1 : i32
    %dma_wait3A_2965 = arith.constant 1 : i32
    %dma_wait3A_2966 = arith.constant 0 : i32
    %dma_wait3A_2967 = arith.constant 0 : i32
    %dma_wait3A_2968 = tpu.memref_slice %arg11[%dma_wait3A_2964, %dma_wait3A_2966, %dma_wait3A_2967] : memref<2x128x64xf32, #tpu.memory_space<vmem>> -> memref<1x128x64xf32, #tpu.memory_space<vmem>>
    %dma_wait3A_2969 = tpu.memref_squeeze %dma_wait3A_2968 : memref<1x128x64xf32, #tpu.memory_space<vmem>> -> memref<128x64xf32, #tpu.memory_space<vmem>>
    %dma_wait3A_2970 = arith.constant 0 : i32
    %dma_wait3A_2971 = arith.constant 0 : i32
    %dma_wait3A_2972 = tpu.memref_slice %arg2[%dma_wait3A_2970, %dma_wait3A_2971] : memref<20000x64xf32, #tpu.memory_space<hbm>> -> memref<128x64xf32, #tpu.memory_space<hbm>>
    %dma_wait3A_2973 = tpu.memref_slice %arg18[%dma_wait3A_2965] : memref<2x!tpu.dma_semaphore, #tpu.memory_space<semaphore_mem>> -> memref<1x!tpu.dma_semaphore, #tpu.memory_space<semaphore_mem>>
    %dma_wait3A_2974 = tpu.memref_squeeze %dma_wait3A_2973 : memref<1x!tpu.dma_semaphore, #tpu.memory_space<semaphore_mem>> -> memref<!tpu.dma_semaphore, #tpu.memory_space<semaphore_mem>>
    %dma_wait3A_2975 = arith.constant 0 : i32
    %dma_wait3A_2976 = arith.constant 0 : i32
    %dma_wait3A_2977 = tpu.memref_slice %arg11[%dma_wait3A_2964, %dma_wait3A_2975, %dma_wait3A_2976] : memref<2x128x64xf32, #tpu.memory_space<vmem>> -> memref<1x128x64xf32, #tpu.memory_space<vmem>>
    %dma_wait3A_2978 = tpu.memref_squeeze %dma_wait3A_2977 : memref<1x128x64xf32, #tpu.memory_space<vmem>> -> memref<128x64xf32, #tpu.memory_space<vmem>>
    %dma_wait3A_2979 = arith.constant 0 : i32
    %dma_wait3A_2980 = arith.constant 0 : i32
    %dma_wait3A_2981 = tpu.memref_slice %arg2[%dma_wait3A_2979, %dma_wait3A_2980] : memref<20000x64xf32, #tpu.memory_space<hbm>> -> memref<128x64xf32, #tpu.memory_space<hbm>>
    tpu.wait_dma2 semaphore(%dma_wait3A_2974 : memref<!tpu.dma_semaphore, #tpu.memory_space<semaphore_mem>>) src(%dma_wait3A_2981 : memref<128x64xf32, #tpu.memory_space<hbm>>) dst(%dma_wait3A_2978 : memref<128x64xf32, #tpu.memory_space<vmem>>)
    %dma_wait3A_2982 = arith.constant 1 : i32
    %dma_wait3A_2983 = arith.constant 1 : i32
    %dma_wait3A_2984 = arith.constant 0 : i32
    %dma_wait3A_2985 = arith.constant 0 : i32
    %dma_wait3A_2986 = tpu.memref_slice %arg11[%dma_wait3A_2982, %dma_wait3A_2984, %dma_wait3A_2985] : memref<2x128x64xf32, #tpu.memory_space<vmem>> -> memref<1x128x64xf32, #tpu.memory_space<vmem>>
    %dma_wait3A_2987 = tpu.memref_squeeze %dma_wait3A_2986 : memref<1x128x64xf32, #tpu.memory_space<vmem>> -> memref<128x64xf32, #tpu.memory_space<vmem>>
    %dma_wait3A_2988 = arith.constant 0 : i32
    %dma_wait3A_2989 = arith.constant 0 : i32
    %dma_wait3A_2990 = tpu.memref_slice %arg2[%dma_wait3A_2988, %dma_wait3A_2989] : memref<20000x64xf32, #tpu.memory_space<hbm>> -> memref<128x64xf32, #tpu.memory_space<hbm>>
    %dma_wait3A_2991 = tpu.memref_slice %arg18[%dma_wait3A_2983] : memref<2x!tpu.dma_semaphore, #tpu.memory_space<semaphore_mem>> -> memref<1x!tpu.dma_semaphore, #tpu.memory_space<semaphore_mem>>
    %dma_wait3A_2992 = tpu.memref_squeeze %dma_wait3A_2991 : memref<1x!tpu.dma_semaphore, #tpu.memory_space<semaphore_mem>> -> memref<!tpu.dma_semaphore, #tpu.memory_space<semaphore_mem>>
    %dma_wait3A_2993 = arith.constant 0 : i32
    %dma_wait3A_2994 = arith.constant 0 : i32
    %dma_wait3A_2995 = tpu.memref_slice %arg11[%dma_wait3A_2982, %dma_wait3A_2993, %dma_wait3A_2994] : memref<2x128x64xf32, #tpu.memory_space<vmem>> -> memref<1x128x64xf32, #tpu.memory_space<vmem>>
    %dma_wait3A_2996 = tpu.memref_squeeze %dma_wait3A_2995 : memref<1x128x64xf32, #tpu.memory_space<vmem>> -> memref<128x64xf32, #tpu.memory_space<vmem>>
    %dma_wait3A_2997 = arith.constant 0 : i32
    %dma_wait3A_2998 = arith.constant 0 : i32
    %dma_wait3A_2999 = tpu.memref_slice %arg2[%dma_wait3A_2997, %dma_wait3A_2998] : memref<20000x64xf32, #tpu.memory_space<hbm>> -> memref<128x64xf32, #tpu.memory_space<hbm>>
    tpu.wait_dma2 semaphore(%dma_wait3A_2992 : memref<!tpu.dma_semaphore, #tpu.memory_space<semaphore_mem>>) src(%dma_wait3A_2999 : memref<128x64xf32, #tpu.memory_space<hbm>>) dst(%dma_wait3A_2996 : memref<128x64xf32, #tpu.memory_space<vmem>>)
    %dma_wait3A_3000 = arith.constant 0 : i32
    %dma_wait3A_3001 = arith.constant 1 : i32
    %dma_wait3A_3002 = arith.constant 1 : i32
    %dma_wait3A_3003 = arith.constant 0 : i32
    %dma_wait3A_3004 = arith.constant 0 : i32
    %dma_wait3A_3005 = tpu.memref_slice %arg7[%dma_wait3A_3001, %dma_wait3A_3003, %dma_wait3A_3004] : memref<2x2x128xi32, #tpu.memory_space<vmem>> -> memref<1x2x128xi32, #tpu.memory_space<vmem>>
    %dma_wait3A_3006 = tpu.memref_squeeze %dma_wait3A_3005 : memref<1x2x128xi32, #tpu.memory_space<vmem>> -> memref<2x128xi32, #tpu.memory_space<vmem>>
    %dma_wait3A_3007 = arith.constant 0 : i32
    %dma_wait3A_3008 = arith.constant 0 : i32
    %dma_wait3A_3009 = tpu.memref_slice %arg3[%arg1, %dma_wait3A_3000, %dma_wait3A_3007, %dma_wait3A_3008] : memref<16x160x2x128xi32, #tpu.memory_space<hbm>> -> memref<1x1x2x128xi32, #tpu.memory_space<hbm>>
    %dma_wait3A_3010 = tpu.memref_squeeze %dma_wait3A_3009 : memref<1x1x2x128xi32, #tpu.memory_space<hbm>> -> memref<2x128xi32, #tpu.memory_space<hbm>>
    %dma_wait3A_3011 = tpu.memref_slice %arg16[%dma_wait3A_3002] : memref<2x!tpu.dma_semaphore, #tpu.memory_space<semaphore_mem>> -> memref<1x!tpu.dma_semaphore, #tpu.memory_space<semaphore_mem>>
    %dma_wait3A_3012 = tpu.memref_squeeze %dma_wait3A_3011 : memref<1x!tpu.dma_semaphore, #tpu.memory_space<semaphore_mem>> -> memref<!tpu.dma_semaphore, #tpu.memory_space<semaphore_mem>>
    %dma_wait3A_3013 = arith.constant 0 : i32
    %dma_wait3A_3014 = arith.constant 0 : i32
    %dma_wait3A_3015 = tpu.memref_slice %arg7[%dma_wait3A_3001, %dma_wait3A_3013, %dma_wait3A_3014] : memref<2x2x128xi32, #tpu.memory_space<vmem>> -> memref<1x2x128xi32, #tpu.memory_space<vmem>>
    %dma_wait3A_3016 = tpu.memref_squeeze %dma_wait3A_3015 : memref<1x2x128xi32, #tpu.memory_space<vmem>> -> memref<2x128xi32, #tpu.memory_space<vmem>>
    %dma_wait3A_3017 = arith.constant 0 : i32
    %dma_wait3A_3018 = arith.constant 0 : i32
    %dma_wait3A_3019 = tpu.memref_slice %arg3[%arg1, %dma_wait3A_3000, %dma_wait3A_3017, %dma_wait3A_3018] : memref<16x160x2x128xi32, #tpu.memory_space<hbm>> -> memref<1x1x2x128xi32, #tpu.memory_space<hbm>>
    %dma_wait3A_3020 = tpu.memref_squeeze %dma_wait3A_3019 : memref<1x1x2x128xi32, #tpu.memory_space<hbm>> -> memref<2x128xi32, #tpu.memory_space<hbm>>
    tpu.wait_dma2 semaphore(%dma_wait3A_3012 : memref<!tpu.dma_semaphore, #tpu.memory_space<semaphore_mem>>) src(%dma_wait3A_3020 : memref<2x128xi32, #tpu.memory_space<hbm>>) dst(%dma_wait3A_3016 : memref<2x128xi32, #tpu.memory_space<vmem>>)
    %barrier3A_3021 = arith.constant 0 : index
    tpu.barrier barrier_id(%barrier3A_3021)
    %mul3A_3022 = arith.constant 640 : i32
    %mul3A_3023 = arith.muli %arg1, %mul3A_3022 : i32
    "tpu.region"() ({
      %run_scoped3A = tpu.sem_alloc : memref<!tpu.dma_semaphore, #tpu.memory_space<semaphore_mem>>
      %dma_start3A_3024 = arith.constant 0 : i32
      %dma_start3A_3025 = tpu.memref_slice %arg5[%arg0, %mul3A_3023, %dma_start3A_3024] : memref<2x10240x64xf32, #tpu.memory_space<hbm>> -> memref<1x640x64xf32, #tpu.memory_space<hbm>>
      %dma_start3A_3026 = tpu.memref_squeeze %dma_start3A_3025 : memref<1x640x64xf32, #tpu.memory_space<hbm>> -> memref<640x64xf32, #tpu.memory_space<hbm>>
      %dma_start3A_3027 = arith.constant 0 : i32
      %dma_start3A_3028 = tpu.memref_slice %arg14[%mul3A_3023, %dma_start3A_3027] : memref<10240x64xf32, #tpu.memory_space<vmem_shared>> -> memref<640x64xf32, #tpu.memory_space<vmem_shared>>
      tpu.enqueue_dma source(%dma_start3A_3028 : memref<640x64xf32, #tpu.memory_space<vmem_shared>>) target(%dma_start3A_3026 : memref<640x64xf32, #tpu.memory_space<hbm>>) target_semaphore(%run_scoped3A : memref<!tpu.dma_semaphore, #tpu.memory_space<semaphore_mem>>)
      %dma_wait3A_3029 = arith.constant 0 : i32
      %dma_wait3A_3030 = tpu.memref_slice %arg5[%arg0, %mul3A_3023, %dma_wait3A_3029] : memref<2x10240x64xf32, #tpu.memory_space<hbm>> -> memref<1x640x64xf32, #tpu.memory_space<hbm>>
      %dma_wait3A_3031 = tpu.memref_squeeze %dma_wait3A_3030 : memref<1x640x64xf32, #tpu.memory_space<hbm>> -> memref<640x64xf32, #tpu.memory_space<hbm>>
      %dma_wait3A_3032 = arith.constant 0 : i32
      %dma_wait3A_3033 = tpu.memref_slice %arg14[%mul3A_3023, %dma_wait3A_3032] : memref<10240x64xf32, #tpu.memory_space<vmem_shared>> -> memref<640x64xf32, #tpu.memory_space<vmem_shared>>
      tpu.wait_dma2 semaphore(%run_scoped3A : memref<!tpu.dma_semaphore, #tpu.memory_space<semaphore_mem>>) src(%dma_wait3A_3033 : memref<640x64xf32, #tpu.memory_space<vmem_shared>>) dst(%dma_wait3A_3031 : memref<640x64xf32, #tpu.memory_space<hbm>>)
      tpu.yield
    }) : () -> ()
    "tpu.region"() ({
      %run_scoped3A = tpu.sem_alloc : memref<!tpu.dma_semaphore, #tpu.memory_space<semaphore_mem>>
      %dma_start3A_3024 = arith.constant 0 : i32
      %dma_start3A_3025 = tpu.memref_slice %arg6[%arg0, %mul3A_3023, %dma_start3A_3024] : memref<2x10240x64xf32, #tpu.memory_space<hbm>> -> memref<1x640x64xf32, #tpu.memory_space<hbm>>
      %dma_start3A_3026 = tpu.memref_squeeze %dma_start3A_3025 : memref<1x640x64xf32, #tpu.memory_space<hbm>> -> memref<640x64xf32, #tpu.memory_space<hbm>>
      %dma_start3A_3027 = arith.constant 0 : i32
      %dma_start3A_3028 = tpu.memref_slice %arg15[%mul3A_3023, %dma_start3A_3027] : memref<10240x64xf32, #tpu.memory_space<vmem_shared>> -> memref<640x64xf32, #tpu.memory_space<vmem_shared>>
      tpu.enqueue_dma source(%dma_start3A_3028 : memref<640x64xf32, #tpu.memory_space<vmem_shared>>) target(%dma_start3A_3026 : memref<640x64xf32, #tpu.memory_space<hbm>>) target_semaphore(%run_scoped3A : memref<!tpu.dma_semaphore, #tpu.memory_space<semaphore_mem>>)
      %dma_wait3A_3029 = arith.constant 0 : i32
      %dma_wait3A_3030 = tpu.memref_slice %arg6[%arg0, %mul3A_3023, %dma_wait3A_3029] : memref<2x10240x64xf32, #tpu.memory_space<hbm>> -> memref<1x640x64xf32, #tpu.memory_space<hbm>>
      %dma_wait3A_3031 = tpu.memref_squeeze %dma_wait3A_3030 : memref<1x640x64xf32, #tpu.memory_space<hbm>> -> memref<640x64xf32, #tpu.memory_space<hbm>>
      %dma_wait3A_3032 = arith.constant 0 : i32
      %dma_wait3A_3033 = tpu.memref_slice %arg15[%mul3A_3023, %dma_wait3A_3032] : memref<10240x64xf32, #tpu.memory_space<vmem_shared>> -> memref<640x64xf32, #tpu.memory_space<vmem_shared>>
      tpu.wait_dma2 semaphore(%run_scoped3A : memref<!tpu.dma_semaphore, #tpu.memory_space<semaphore_mem>>) src(%dma_wait3A_3033 : memref<640x64xf32, #tpu.memory_space<vmem_shared>>) dst(%dma_wait3A_3031 : memref<640x64xf32, #tpu.memory_space<hbm>>)
      tpu.yield
    }) : () -> ()
    return
  }
}

module attributes {stable_mosaic.version = 14 : i64} {
  func.func @_tc_body(%arg0: i32, %arg1: memref<1x1xf32, #tpu.memory_space<smem>>, %arg2: memref<1x1xf32, #tpu.memory_space<smem>>, %arg3: memref<1000x128xf32, #tpu.memory_space<vmem>>, %arg4: memref<2x1000x64xf32, #tpu.memory_space<vmem>>, %arg5: memref<2x1000x64xf32, #tpu.memory_space<vmem>>, %arg6: memref<128x128xf32, #tpu.memory_space<vmem>>, %arg7: memref<128x128xf32, #tpu.memory_space<vmem>>, %arg8: memref<128x128xf32, #tpu.memory_space<vmem>>, %arg9: memref<1000x384xf32, #tpu.memory_space<vmem>>) attributes {dimension_semantics = [#tpu.dimension_semantics<arbitrary>], iteration_bounds = array<i64: 10>, scalar_prefetch = 0 : i64, scratch_operands = 0 : i64, tpu.core_type = #tpu.core_type<tc>, window_params = [{transform_indices = @transform_0, window_bounds = array<i64: 1, 1>}, {transform_indices = @transform_1, window_bounds = array<i64: 1, 1>}, {transform_indices = @transform_2, window_bounds = array<i64: 1000, 128>}, {transform_indices = @transform_3, window_bounds = array<i64: 2, 1000, 64>}, {transform_indices = @transform_4, window_bounds = array<i64: 2, 1000, 64>}, {pipeline_mode = #tpu.pipeline_mode<synchronous>, transform_indices = @transform_5, window_bounds = array<i64: 128, 128>}, {pipeline_mode = #tpu.pipeline_mode<synchronous>, transform_indices = @transform_6, window_bounds = array<i64: 128, 128>}, {pipeline_mode = #tpu.pipeline_mode<synchronous>, transform_indices = @transform_7, window_bounds = array<i64: 128, 128>}, {transform_indices = @transform_8, window_bounds = array<i64: 1000, 384>}]} {
    %get3A = arith.constant 0 : index
    %get3A_0 = arith.constant 0 : index
    %get3A_1 = arith.constant 0 : index
    %get3A_2 = vector.load %arg4[%get3A, %get3A_0, %get3A_1] : memref<2x1000x64xf32, #tpu.memory_space<vmem>>, vector<1x1000x64xf32>
    %get3A_3 = vector.shape_cast %get3A_2 : vector<1x1000x64xf32> to vector<1000x64xf32>
    %get3A_4 = arith.constant 1 : index
    %get3A_5 = arith.constant 0 : index
    %get3A_6 = arith.constant 0 : index
    %get3A_7 = vector.load %arg4[%get3A_4, %get3A_5, %get3A_6] : memref<2x1000x64xf32, #tpu.memory_space<vmem>>, vector<1x1000x64xf32>
    %get3A_8 = vector.shape_cast %get3A_7 : vector<1x1000x64xf32> to vector<1000x64xf32>
    %concatenate3A = tpu.concatenate %get3A_3, %get3A_8 in 1 : vector<1000x64xf32>, vector<1000x64xf32> -> vector<1000x128xf32>
    %get3A_9 = arith.constant 0 : index
    %get3A_10 = arith.constant 0 : index
    %get3A_11 = arith.constant 0 : index
    %get3A_12 = vector.load %arg5[%get3A_9, %get3A_10, %get3A_11] : memref<2x1000x64xf32, #tpu.memory_space<vmem>>, vector<1x1000x64xf32>
    %get3A_13 = vector.shape_cast %get3A_12 : vector<1x1000x64xf32> to vector<1000x64xf32>
    %get3A_14 = arith.constant 1 : index
    %get3A_15 = arith.constant 0 : index
    %get3A_16 = arith.constant 0 : index
    %get3A_17 = vector.load %arg5[%get3A_14, %get3A_15, %get3A_16] : memref<2x1000x64xf32, #tpu.memory_space<vmem>>, vector<1x1000x64xf32>
    %get3A_18 = vector.shape_cast %get3A_17 : vector<1x1000x64xf32> to vector<1000x64xf32>
    %concatenate3A_19 = tpu.concatenate %get3A_13, %get3A_18 in 1 : vector<1000x64xf32>, vector<1000x64xf32> -> vector<1000x128xf32>
    %add3A = arith.addf %concatenate3A_19, %concatenate3A : vector<1000x128xf32>
    %get3A_20 = arith.constant 0 : index
    %get3A_21 = arith.constant 0 : index
    %get3A_22 = memref.load %arg1[%get3A_20, %get3A_21] : memref<1x1xf32, #tpu.memory_space<smem>>
    %get3A_23 = arith.constant 0 : index
    %get3A_24 = arith.constant 0 : index
    %get3A_25 = memref.load %arg2[%get3A_23, %get3A_24] : memref<1x1xf32, #tpu.memory_space<smem>>
    %get3A_26 = arith.constant 0 : index
    %get3A_27 = arith.constant 0 : index
    %get3A_28 = vector.load %arg3[%get3A_26, %get3A_27] : memref<1000x128xf32, #tpu.memory_space<vmem>>, vector<1000x128xf32>
    %add3A_29 = arith.constant 1.000000e+00 : f32
    %add3A_30 = arith.addf %add3A_29, %get3A_22 : f32
    %mul3A = vector.broadcast %add3A_30 : f32 to vector<1000x128xf32>
    %mul3A_31 = arith.mulf %mul3A, %add3A : vector<1000x128xf32>
    %add3A_32 = arith.addf %get3A_28, %mul3A_31 : vector<1000x128xf32>
    %add3A_33 = arith.constant 1.000000e+00 : f32
    %add3A_34 = arith.addf %add3A_33, %get3A_25 : f32
    %mul3A_35 = vector.broadcast %add3A_34 : f32 to vector<1000x128xf32>
    %mul3A_36 = arith.mulf %mul3A_35, %concatenate3A : vector<1000x128xf32>
    %add3A_37 = arith.addf %add3A_32, %mul3A_36 : vector<1000x128xf32>
    %get3A_38 = arith.constant 0 : index
    %get3A_39 = arith.constant 0 : index
    %get3A_40 = vector.load %arg6[%get3A_38, %get3A_39] : memref<128x128xf32, #tpu.memory_space<vmem>>, vector<128x128xf32>
    %dot_general3A = arith.constant dense<0.000000e+00> : vector<1000x128xf32>
    %dot_general3A_41 = tpu.matmul %add3A_37, %get3A_40, %dot_general3A {dimension_numbers = #tpu.dot_dimension_numbers<[1], [0], [0], [1], [0, 0, 1, 1], [], []>, transpose_lhs_hint = false} : vector<1000x128xf32>, vector<128x128xf32>, vector<1000x128xf32> -> vector<1000x128xf32>
    %get3A_42 = arith.constant 0 : index
    %get3A_43 = arith.constant 0 : index
    %get3A_44 = vector.load %arg7[%get3A_42, %get3A_43] : memref<128x128xf32, #tpu.memory_space<vmem>>, vector<128x128xf32>
    %dot_general3A_45 = arith.constant dense<0.000000e+00> : vector<1000x128xf32>
    %dot_general3A_46 = tpu.matmul %add3A, %get3A_44, %dot_general3A_45 {dimension_numbers = #tpu.dot_dimension_numbers<[1], [0], [0], [1], [0, 0, 1, 1], [], []>, transpose_lhs_hint = false} : vector<1000x128xf32>, vector<128x128xf32>, vector<1000x128xf32> -> vector<1000x128xf32>
    %get3A_47 = arith.constant 0 : index
    %get3A_48 = arith.constant 0 : index
    %get3A_49 = vector.load %arg8[%get3A_47, %get3A_48] : memref<128x128xf32, #tpu.memory_space<vmem>>, vector<128x128xf32>
    %dot_general3A_50 = arith.constant dense<0.000000e+00> : vector<1000x128xf32>
    %dot_general3A_51 = tpu.matmul %concatenate3A, %get3A_49, %dot_general3A_50 {dimension_numbers = #tpu.dot_dimension_numbers<[1], [0], [0], [1], [0, 0, 1, 1], [], []>, transpose_lhs_hint = false} : vector<1000x128xf32>, vector<128x128xf32>, vector<1000x128xf32> -> vector<1000x128xf32>
    %concatenate3A_52 = tpu.concatenate %dot_general3A_41, %dot_general3A_46, %dot_general3A_51 in 1 : vector<1000x128xf32>, vector<1000x128xf32>, vector<1000x128xf32> -> vector<1000x384xf32>
    %max3A = arith.constant 0.000000e+00 : f32
    %max3A_53 = vector.broadcast %max3A : f32 to vector<1000x384xf32>
    %max3A_54 = arith.maximumf %concatenate3A_52, %max3A_53 : vector<1000x384xf32>
    %swap3A = arith.constant 0 : index
    %swap3A_55 = arith.constant 0 : index
    %swap3A_56 = vector.load %arg9[%swap3A, %swap3A_55] : memref<1000x384xf32, #tpu.memory_space<vmem>>, vector<1000x384xf32>
    tpu.vector_store %arg9[%swap3A, %swap3A_55], %max3A_54 {strides = array<i32>} : memref<1000x384xf32, #tpu.memory_space<vmem>>, vector<1000x384xf32>,
    return
  }
  func.func @transform_0(%arg0: i32) -> (i32, i32) {
    %c0_i32 = arith.constant 0 : i32
    %c0_i32_0 = arith.constant 0 : i32
    %c0_i32_1 = arith.constant 0 : i32
    return %c0_i32, %c0_i32_0 : i32, i32
  }
  func.func @transform_1(%arg0: i32) -> (i32, i32) {
    %c0_i32 = arith.constant 0 : i32
    %c0_i32_0 = arith.constant 0 : i32
    %c0_i32_1 = arith.constant 0 : i32
    return %c0_i32, %c0_i32_0 : i32, i32
  }
  func.func @transform_2(%arg0: i32) -> (i32, i32) {
    %c0_i32 = arith.constant 0 : i32
    %c0_i32_0 = arith.constant 0 : i32
    return %arg0, %c0_i32 : i32, i32
  }
  func.func @transform_3(%arg0: i32) -> (i32, i32, i32) {
    %c0_i32 = arith.constant 0 : i32
    %c0_i32_0 = arith.constant 0 : i32
    %c0_i32_1 = arith.constant 0 : i32
    return %c0_i32, %arg0, %c0_i32_0 : i32, i32, i32
  }
  func.func @transform_4(%arg0: i32) -> (i32, i32, i32) {
    %c0_i32 = arith.constant 0 : i32
    %c0_i32_0 = arith.constant 0 : i32
    %c0_i32_1 = arith.constant 0 : i32
    return %c0_i32, %arg0, %c0_i32_0 : i32, i32, i32
  }
  func.func @transform_5(%arg0: i32) -> (i32, i32) {
    %c0_i32 = arith.constant 0 : i32
    %c0_i32_0 = arith.constant 0 : i32
    %c0_i32_1 = arith.constant 0 : i32
    return %c0_i32, %c0_i32_0 : i32, i32
  }
  func.func @transform_6(%arg0: i32) -> (i32, i32) {
    %c0_i32 = arith.constant 0 : i32
    %c0_i32_0 = arith.constant 0 : i32
    %c0_i32_1 = arith.constant 0 : i32
    return %c0_i32, %c0_i32_0 : i32, i32
  }
  func.func @transform_7(%arg0: i32) -> (i32, i32) {
    %c0_i32 = arith.constant 0 : i32
    %c0_i32_0 = arith.constant 0 : i32
    %c0_i32_1 = arith.constant 0 : i32
    return %c0_i32, %c0_i32_0 : i32, i32
  }
  func.func @transform_8(%arg0: i32) -> (i32, i32) {
    %c0_i32 = arith.constant 0 : i32
    %c0_i32_0 = arith.constant 0 : i32
    return %arg0, %c0_i32 : i32, i32
  }
}

</mosaic_0001>

<sc_bundles>
// kernel: kernel.4.cloned.1.call-start
scs
__scs_entry_jumppad:
0x0: {  	(pc) =	sbr.rel $0x88, $3  }
0x1: {  	(tag) =	ssettag $0x0;
	lr =	simm.s32 $0x1  }
0x2: {  	[smem:$0x3F99] =	sst lr;
	_ =	strace $0xD0000000  }
0x3: {  	_ = 	snop  }
0x4: {  	_ = 	snop  }
0x5: {  	_ = 	snop  }
0x6: {  	_ = 	snop  }
0x7: {  	_ = 	snop  }
__scs_overlays_trampoline_lowered:
0x8: {  	[smem:$0x3FA8] =	sst s0  }
0x9: {  	[smem:$0x3FA9] =	sst s1  }
0xa: {  	[smem:$0x3FAA] =	sst s2  }
0xb: {  	[smem:$0x3FAB] =	sst s3  }
0xc: {  	[smem:$0x3FAC] =	sst s4  }
0xd: {  	[smem:$0x3FAD] =	sst s5  }
0xe: {  	[smem:$0x3FAE] =	sst s6  }
0xf: {  	[smem:$0x3FAF] =	sst s7  }
0x10: {  	[smem:$0x3FB0] =	sst s8  }
0x11: {  	[smem:$0x3FB1] =	sst s9;
	s0 =	simm.s32 @!p0 $0x0  }
0x12: {  	s1 =	sld [smem:$0x3F97];
	s0 =	simm.s32 @p0 $0x1  }
0x13: {  	[smem:$0x3FB2] =	sst s0;
	s0 =	simm.s32 @!p1 $0x0  }
0x14: {  	s2 =	sld [smem:$0x3F96];
	s0 =	simm.s32 @p1 $0x1  }
0x15: {  	[smem:$0x3FB3] =	sst s0;
	s0 =	simm.s32 @!p2 $0x0  }
0x16: {  	s3 =	sld [smem:$0x3FDB];
	s0 =	simm.s32 @p2 $0x1  }
0x17: {  	s4 =	simm.s32 $0x1BF5;
	[smem:$0x3FB5] =	sst s0  }
0x18: {  	s0 =	sld [smem:$0x3F98];
	_ =	swait.ge [sflag:s4], $0x0  }
0x19: {  	s7 =	sld [smem:$0x3F99]  }
0x1a: {  	s8 =	sadd.s32 $0xFFFFE003, lr  }
0x1b: {  	s9 =	sadd.s32 $0xFFFFFEF7, lr;
	s5 =	simm.s32 $0xFFFFFFFF;
	p2 =	slt.u32 s8, $0xFFFFF086  }
0x1c: {  	p1 =	slt.u32 s9, $0xF7A;
	s5 =	simm.s32 @!p2 $0x0  }
0x1d: {  	s5 =	simm.s32 @p1 $0x1;
	p0 =	seq.s32 s7, s2  }
0x1e: {  	s7 =	smul.u32 @!p0 $0xF7A, s2;
	p2 =	seq.s32 @!p0 s5, $0x0  }
0x1f: {  	s9 =	smul.u32 $0xF7A, s1;
	s8 =	simm.s32 @!p0 $0x1BF5;
	p2 =	por !p2, p0  }
0x20: {  	[sflag:s8] =	ssyncset.s32 @!p0 $0xFFFFF086;
	s6 =	sadd.s32 @!p0 s3, s7;
	s7 =	simm.s32 @!p0 $0x108  }
0x21: {  	s3 =	sadd.s32 s3, s9;
	s6 =	sadd.s32 @!p0 $0x88, s6;
	s7 =	simm.s32 @p2 $0x1082  }
0x22: {  	[simem:s7], [sflag:s8] =	dma.local @!p0 [hbm:s6], $0xF7A  }
0x23: {  	s9 =	sor.u32 $0xD0000000, s2;
	s6 =	simm.s32 $0x108;
	_ =	swait.ge @!p0 [sflag:s8], $0x0  }
0x24: {  	s3 =	sadd.s32 $0x88, s3;
	s6 =	simm.s32 @!p1 $0x1082;
	[sflag:s4] =	ssyncset.s32 $0xFFFFF086  }
0x25: {  	[simem:s6], [sflag:s4] =	dma.local [hbm:s3], $0xF7A  }
0x26: {  	[smem:$0x3F99] =	sst s1;
	(tag) =	ssettag s2;
	_ =	strace s9  }
0x27: {  	s1 =	sld [smem:$0x3FA9]  }
0x28: {  	s2 =	sld [smem:$0x3FAA]  }
0x29: {  	s4 =	sld [smem:$0x3FAC]  }
0x2a: {  	p0 =	seq.s32 s5, $0x0;
	s5 =	sld [smem:$0x3FAD]  }
0x2b: {  	s6 =	sld [smem:$0x3FAE]  }
0x2c: {  	s7 =	sld [smem:$0x3FAF]  }
0x2d: {  	s3 =	simm.s32 $0x108;
	s8 =	sld [smem:$0x3FB0]  }
0x2e: {  	s3 =	simm.s32 @!p0 $0x1082;
	s9 =	sld [smem:$0x3FB1]  }
0x2f: {  	lr =	sadd.s32 s0, s3;
	s0 =	sld [smem:$0x3FA8]  }
0x30: {  	s3 =	sld [smem:$0x3FAB]  }
0x31: {  	[smem:$0x3FB4] =	sst s10  }
0x32: {  	s10 =	sld [smem:$0x3FB2];
	_ =	sdelay $0x3  }
0x33: {  	p0 =	seq.s32 s10, $0x1;
	s10 =	sld [smem:$0x3FB4];
	_ =	sdelay $0x3  }
0x34: {  	[smem:$0x3FB4] =	sst s10  }
0x35: {  	s10 =	sld [smem:$0x3FB3];
	_ =	sdelay $0x3  }
0x36: {  	p1 =	seq.s32 s10, $0x1;
	s10 =	sld [smem:$0x3FB4];
	_ =	sdelay $0x3  }
0x37: {  	[smem:$0x3FB4] =	sst s10  }
0x38: {  	s10 =	sld [smem:$0x3FB5]  }
0x39: {  	_ = 	snop;
	(pc) =	sbr.ind lr, $3  }
0x3a: {  	_ = 	snop  }
0x3b: {  	_ = 	snop  }
0x3c: {  	p2 =	seq.s32 s10, $0x1;
	s10 =	sld [smem:$0x3FB4]  }
0x3d: {  	_ =	shalt  }
0x3e: {  	_ =	shalt  }
0x3f: {  	_ =	shalt  }
0x40: {  	_ =	shalt  }
0x41: {  	_ =	shalt  }
0x42: {  	_ =	shalt  }
0x43: {  	_ =	shalt  }
0x44: {  	_ =	shalt  }
0x45: {  	_ =	shalt  }
0x46: {  	_ =	shalt  }
0x47: {  	_ =	shalt  }
0x48: {  	_ =	shalt  }
0x49: {  	_ =	shalt  }
0x4a: {  	_ =	shalt  }
0x4b: {  	_ =	shalt  }
0x4c: {  	_ =	shalt  }
0x4d: {  	_ =	shalt  }
0x4e: {  	_ =	shalt  }
0x4f: {  	_ =	shalt  }
0x50: {  	_ =	shalt  }
0x51: {  	_ =	shalt  }
0x52: {  	_ =	shalt  }
0x53: {  	_ =	shalt  }
0x54: {  	_ =	shalt  }
0x55: {  	_ =	shalt  }
0x56: {  	_ =	shalt  }
0x57: {  	_ =	shalt  }
0x58: {  	_ =	shalt  }
0x59: {  	_ =	shalt  }
0x5a: {  	_ =	shalt  }
0x5b: {  	_ =	shalt  }
0x5c: {  	_ =	shalt  }
0x5d: {  	_ =	shalt  }
0x5e: {  	_ =	shalt  }
0x5f: {  	_ =	shalt  }
0x60: {  	_ =	shalt  }
0x61: {  	_ =	shalt  }
0x62: {  	_ =	shalt  }
0x63: {  	_ =	shalt  }
0x64: {  	_ =	shalt  }
0x65: {  	_ =	shalt  }
0x66: {  	_ =	shalt  }
0x67: {  	_ =	shalt  }
0x68: {  	_ =	shalt  }
0x69: {  	_ =	shalt  }
0x6a: {  	_ =	shalt  }
0x6b: {  	_ =	shalt  }
0x6c: {  	_ =	shalt  }
0x6d: {  	_ =	shalt  }
0x6e: {  	_ =	shalt  }
0x6f: {  	_ =	shalt  }
0x70: {  	_ =	shalt  }
0x71: {  	_ =	shalt  }
0x72: {  	_ =	shalt  }
0x73: {  	_ =	shalt  }
0x74: {  	_ =	shalt  }
0x75: {  	_ =	shalt  }
0x76: {  	_ =	shalt  }
0x77: {  	_ =	shalt  }
0x78: {  	_ =	shalt  }
0x79: {  	_ =	shalt  }
0x7a: {  	_ =	shalt  }
0x7b: {  	_ =	shalt  }
0x7c: {  	_ =	shalt  }
0x7d: {  	_ =	shalt  }
0x7e: {  	_ =	shalt  }
0x7f: {  	_ =	shalt  }
0x80: {  	_ =	shalt  }
0x81: {  	_ =	shalt  }
0x82: {  	_ =	shalt  }
0x83: {  	_ =	shalt  }
0x84: {  	_ =	shalt  }
0x85: {  	_ =	shalt  }
0x86: {  	_ =	shalt  }
0x87: {  	_ =	shalt  }
.Lfunc_end0:
.L_simem_size_0:
called_computation_lowered:
.L_overlay_start_0:
0x88: {  	s2 =	sld [smem:$0x3FD9]  }
0x89: {  	s3 =	sld [smem:$0x3FFE];
	_ =	sdelay $0x1  }
0x8a: {  	s1 =	srdreg.scid  }
0x8b: {  	s0 =	sand.u32 $0x1, s1  }
0x8c: {  	s17 =	sshll.u32 s0, $0xA;
	s2 =	sadd.s32 s3, s2  }
0x8d: {  	s2 =	sadd.s32 s2, s17  }
0x8e: {  	[smem:$0x3FC0] =	sst s2  }
0x8f: {  	_ = 	snop  }
0x90: {  	s2 =	sld [smem:$0x3FC9]  }
0x91: {  	s18 =	sld [smem:$0x3FC7]  }
0x92: {  	s4 =	sld [smem:$0x3FD0];
	(tm) =	ssettm $0x1  }
0x93: {  	s5 =	sld [smem:$0x3FFB];
	_ =	sdelay $0x3  }
0x94: {  	_ =	strace s5  }
0x95: {  	s5 =	sld [smem:$0x3FFC];
	_ =	sdelay $0x3  }
0x96: {  	_ =	strace s5  }
0x97: {  	s5 =	sld [smem:$0x3FFD];
	_ =	sdelay $0x3  }
0x98: {  	_ =	strace s5  }
0x99: {  	_ =	strace $0x8FFFFFFF  }
0x9a: {  	s19 =	sld [smem:$0x3FDB];
	_ =	sdelay $0x1  }
0x9b: {  	s6 =	simm.s32 $_scs_section_size  }
0x9c: {  	s7 =	simm.s32 $_size__tile_overlayer_lowered;
	s8 =	simm.s32 $_tile_overlayer_lowered  }
0x9d: {  	s22 =	simm.s32 $0x1BFF;
	s21 =	sshll.u32 s8, $0x1;
	s5 =	sadd.s32 s6, s19  }
0x9e: {  	s9 =	simm.s32 $0x0;
	s20 =	sshll.u32 s7, $0x1;
	s7 =	sadd.s32 s21, s5  }
0x9f: {  	[timem:s9], [sflag:s22] =	dma.local [hbm:s7], s20  }
0xa0: {  	_ =	swait.ge [sflag:s22], s20  }
0xa1: {  	s6 =	ssub.s32 $0x0, s20;
	[sflag:s22] =	ssyncset.done $0x0  }
0xa2: {  	[sflag:s22] =	ssyncadd.s32 s6;
	_ =	sdelay $0x1  }
0xa3: {  	s23 =	simm.s32 $0x1B8B  }
0xa4: {  	_ =	swait.ge [sflag:s23], $0x1  }
0xa5: {  	[sflag:s23] =	ssyncset.done $0x0  }
0xa6: {  	s25 =	simm.s32 $0x1B8E;
	s24 =	sld [smem:$0x3FFE];
	[sflag:s23] =	ssyncadd.s32 $0xFFFFFFFF  }
0xa7: {  	s26 =	simm.s32 $execute0_lowered;
	[smem:$0x3FD2] =	sst s25  }
0xa8: {  	s7 =	sshll.u32 s26, $0x1;
	_ =	strace $0x80000046;
	[dreg:$0x1] =	wrdreg $0xFFFFFFFF  }
0xa9: {  	s28 =	simm.s32 $_size_execute0_lowered;
	s5 =	sadd.s32 s5, s7;
	[dreg:$0x0] =	wrdreg $0x0  }
0xaa: {  	s7 =	sshll.u32 s28, $0x1;
	[dreg:$0x2] =	wrdreg s5  }
0xab: {  	[dreg:$0x3] =	wrdreg s7  }
0xac: {  	[dreg:$0x4] =	wrdreg $0xC0  }
0xad: {  	_ =	task [dreg:s9], $0x5FFFF  }
0xae: {  	[dreg:$0x1] =	wrdreg $0xFFFFFFFF  }
0xaf: {  	[dreg:$0x0] =	wrdreg $0x60  }
0xb0: {  	[dreg:$0x2] =	wrdreg s2  }
0xb1: {  	[dreg:$0x3] =	wrdreg s24  }
0xb2: {  	[dreg:$0x4] =	wrdreg s18  }
0xb3: {  	[dreg:$0x5] =	wrdreg s4  }
0xb4: {  	[dreg:$0x6] =	wrdreg $0x8C100  }
0xb5: {  	[dreg:$0x7] =	wrdreg $0x12C100  }
0xb6: {  	[dreg:$0x8] =	wrdreg $0x9  }
0xb7: {  	_ =	task.clear_ibuf [dreg:s9], $0x9FFFF;
	_ =	strace $0x90000046  }
0xb8: {  	s29 =	simm.s32 $0x9;
	_ =	strace $0x80000048  }
0xb9: {  	_ =	swait.ge [sflag:s29], $0x1  }
0xba: {  	[sflag:s29] =	ssyncadd.s32 $0xFFFFFFFF  }
0xbb: {  	_ =	strace $0x90000048  }
0xbc: {  	_ =	sfence  }
0xbd: {  	s30 =	sld [smem:$0x0];
	_ =	sdelay $0x2  }
0xbe: {  	s31 =	sshll.u32 s1, $0xD;
	s1 =	sshrl.u32 s1, $0x2  }
0xbf: {  	s3 =	sand.u32 $0x4000, s31;
	s1 =	sadd.s32 s1, s30  }
0xc0: {  	s0 =	sor.u32 s3, s0;
	s1 =	sshll.u32 s1, $0x11  }
0xc1: {  	s0 =	sor.u32 s1, s0  }
0xc2: {  	s0 =	sadd.s32 $0x8F2B, s0  }
0xc3: {  	[sflag:s0] =	ssyncadd.remote.s32 $0x1  }
0xc4: {  	_ =	sfence.sel $0xFFFF  }
0xc5: {  	[dreg:$0x0] =	wrdreg $0xFFFFFFFF;
	(pc) =	sbr.abs _section_cstart, $3  }
0xc6: {  	[dreg:$0x1] =	wrdreg $0xFFFFFFFF  }
0xc7: {  	_ =	task.clear_ibuf [dreg:s9], $0x2FFFF;
	_ =	strace $0x9FFFFFFF  }
0xc8: {  	(tm) =	ssettm $0x7FFFFFFF  }
0xc9: {  	_ =	shalt  }
tec
execute0_lowered:
.L_overlay_start_1:
0x0: {  	(tag) =	ssettag $0x1  }
0x1: {  	s1 =	rddreg [dreg:$0x0]  }
0x2: {  	s0 =	rddreg [dreg:$0x1]  }
0x3: {  	s2 =	rddreg [dreg:$0x3]  }
0x4: {  	s4 =	rddreg [dreg:$0x4]  }
0x5: {  	s5 =	rddreg [dreg:$0x5];
	s3 =	srdreg.scid  }
0x6: {  	s15 =	stileid.u32;
	s6 =	simm.s32 $0x0;
	s28 =	simm.s32 $0x7  }
0x7: {  	s29 =	simm.s32 $0x4500;
	s30 =	simm.s32 $0x1;
	s31 =	simm.s32 $0x80  }
0x8: {  	s18 =	sand.u32 $0x1, s3;
	s26 =	smul.u32 $0xA000, s15;
	[smem:$0x7FF] =	sst s6  }
0x9: {  	s8 =	sadd.s32 $0x1200, s0;
	s23 =	smul.u32 $0x1400, s15;
	s15 =	simm.s32 $0x4  }
0xa: {  	s7 =	smul.u32 $0xA0000, s18;
	_ =	strace $0x80000047;
	s9 =	ssub.s32 $0x2, s18  }
0xb: {  	v0 =	vmov s18;
	s18 =	simm.s32 $0x5;
	s14 =	sshrl.u32 s9, $0x1;
	s10 =	sshrl.u32 s26, $0x3  }
0xc: {  	s13 =	sadd.s32 $0x2000, s26;
	s17 =	sadd.s32 $0x4000, s26;
	s20 =	sadd.s32 $0x6000, s26  }
0xd: {  	s3 =	sadd.s32 $0x8000, s26;
	s12 =	ssub.s32 s9, s14;
	s14 =	sadd.s32 s13, s4  }
0xe: {  	s7 =	sadd.s32 s26, s7;
	s13 =	sadd.s32 s13, s5;
	[dreg:$0x8] =	wrdreg s14  }
0xf: {  	s9 =	sadd.s32 s26, s4;
	s19 =	sadd.s32 s17, s4;
	[dreg:$0x9] =	wrdreg s13  }
0x10: {  	s21 =	sadd.s32 s20, s4;
	s22 =	sadd.s32 s3, s4;
	[dreg:$0xa] =	wrdreg s19  }
0x11: {  	s3 =	sadd.s32 s3, s5;
	s11 =	sshrl.u32 s7, $0x3;
	[dreg:$0xc] =	wrdreg s21  }
0x12: {  	s7 =	sadd.s32 s8, s10;
	s10 =	sadd.s32 s26, s5;
	[dreg:$0xe] =	wrdreg s22  }
0x13: {  	s14 =	sadd.s32 s17, s5;
	s13 =	sadd.s32 s20, s5;
	[dreg:$0xf] =	wrdreg s3  }
0x14: {  	s21 =	sadd.s32 s23, s8;
	s26 =	smax.u32 s12, $0x1;
	s3 =	simm.s32 $0x2  }
0x15: {  	s8 =	simm.s32 $0x280;
	s12 =	simm.s32 $0x3;
	[dreg:$0xb] =	wrdreg s14  }
0x16: {  	s17 =	simm.s32 $0x380;
	s19 =	simm.s32 $0x6;
	[dreg:$0xd] =	wrdreg s13  }
0x17: {  	s20 =	simm.s32 $0x0;
	s16 =	sadd.s32 $0x20, s7;
	[dreg:$0x14] =	wrdreg s26  }
0x18: {  	s0 =	sadd.s32 s11, s0;
	s2 =	sadd.s32 s2, s11;
	[dreg:$0x7] =	wrdreg s16  }
0x19: {  	s24 =	sadd.s32 $0x40, s7;
	s25 =	sadd.s32 $0x60, s7;
	[dreg:$0x10] =	wrdreg s2  }
0x1a: {  	s26 =	simm.s32 $0x6C10;
	s11 =	simm.s32 $0x2500;
	[dreg:$0x11] =	wrdreg s24  }
0x1b: {  	s13 =	simm.s32 $0x400;
	s14 =	simm.s32 $0x300;
	[dreg:$0x12] =	wrdreg s25  }
0x1c: {  	s0 =	sadd.s32 $0x15200, s0;
	s25 =	simm.s32 $0x100;
	s2 =	simm.s32 $0x500  }
0x1d: {  	v1 =	vimm.f32 $0.0e+00;
	s16 =	simm.s32 $0x480;
	[dreg:$0x13] =	wrdreg s0;
	s0 =	simm.s32 $0x200  }
.LBB2_1:
0x1e: {  	[tilespmem:s6], [sflag:$0x1] =	stream.linear.gather [hbm4b:s7+s6], $0x100, $0x38;
	[tilespmem:$0x1CC10] =	vst v63  }
0x1f: {  	s22 =	rddreg [dreg:$0x7]  }
0x20: {  	[tilespmem:s25], [sflag:$0x2] =	stream.linear.gather [hbm4b:s22+s6], $0x100, $0x38;
	[tilespmem:$0x1CC10] =	vst v63  }
0x21: {  	[tilespmem:$0x6C10] =	vst v1  }
0x22: {  	[tilespmem:$0x6C20] =	vst v1  }
0x23: {  	[tilespmem:$0x6C30] =	vst v1  }
0x24: {  	[tilespmem:$0x6C40] =	vst v1  }
0x25: {  	[tilespmem:$0x6C50] =	vst v1  }
0x26: {  	[tilespmem:$0x6C60] =	vst v1  }
0x27: {  	[tilespmem:$0x6C70] =	vst v1  }
0x28: {  	[tilespmem:$0x6C80] =	vst v1  }
0x29: {  	[tilespmem:$0x6C90] =	vst v1  }
0x2a: {  	[tilespmem:$0x6CA0] =	vst v1  }
0x2b: {  	[tilespmem:$0x6CB0] =	vst v1  }
0x2c: {  	[tilespmem:$0x6CC0] =	vst v1  }
0x2d: {  	[tilespmem:$0x6CD0] =	vst v1  }
0x2e: {  	[tilespmem:$0x6CE0] =	vst v1  }
0x2f: {  	[tilespmem:$0x6CF0] =	vst v1  }
0x30: {  	[tilespmem:$0x6D00] =	vst v1  }
0x31: {  	[tilespmem:$0x6D10] =	vst v1  }
0x32: {  	[tilespmem:$0x6D20] =	vst v1  }
0x33: {  	[tilespmem:$0x6D30] =	vst v1  }
0x34: {  	[tilespmem:$0x6D40] =	vst v1  }
0x35: {  	[tilespmem:$0x6D50] =	vst v1  }
0x36: {  	[tilespmem:$0x6D60] =	vst v1  }
0x37: {  	[tilespmem:$0x6D70] =	vst v1  }
0x38: {  	[tilespmem:$0x6D80] =	vst v1  }
0x39: {  	[tilespmem:$0x6D90] =	vst v1  }
0x3a: {  	[tilespmem:$0x6DA0] =	vst v1  }
0x3b: {  	[tilespmem:$0x6DB0] =	vst v1  }
0x3c: {  	[tilespmem:$0x6DC0] =	vst v1  }
0x3d: {  	[tilespmem:$0x6DD0] =	vst v1  }
0x3e: {  	[tilespmem:$0x6DE0] =	vst v1  }
0x3f: {  	[tilespmem:$0x6DF0] =	vst v1  }
0x40: {  	[tilespmem:$0x6E00] =	vst v1  }
0x41: {  	[tilespmem:$0x6E10] =	vst v1  }
0x42: {  	[tilespmem:$0x6E20] =	vst v1  }
0x43: {  	[tilespmem:$0x6E30] =	vst v1  }
0x44: {  	[tilespmem:$0x6E40] =	vst v1  }
0x45: {  	[tilespmem:$0x6E50] =	vst v1  }
0x46: {  	[tilespmem:$0x6E60] =	vst v1  }
0x47: {  	[tilespmem:$0x6E70] =	vst v1  }
0x48: {  	[tilespmem:$0x6E80] =	vst v1  }
0x49: {  	[tilespmem:$0x6E90] =	vst v1  }
0x4a: {  	[tilespmem:$0x6EA0] =	vst v1  }
0x4b: {  	[tilespmem:$0x6EB0] =	vst v1  }
0x4c: {  	[tilespmem:$0x6EC0] =	vst v1  }
0x4d: {  	[tilespmem:$0x6ED0] =	vst v1  }
0x4e: {  	[tilespmem:$0x6EE0] =	vst v1  }
0x4f: {  	[tilespmem:$0x6EF0] =	vst v1  }
0x50: {  	[tilespmem:$0x6F00] =	vst v1  }
0x51: {  	[tilespmem:$0x6F10] =	vst v1  }
0x52: {  	[tilespmem:$0x6F20] =	vst v1  }
0x53: {  	[tilespmem:$0x6F30] =	vst v1  }
0x54: {  	[tilespmem:$0x6F40] =	vst v1  }
0x55: {  	[tilespmem:$0x6F50] =	vst v1  }
0x56: {  	[tilespmem:$0x6F60] =	vst v1  }
0x57: {  	[tilespmem:$0x6F70] =	vst v1  }
0x58: {  	[tilespmem:$0x6F80] =	vst v1  }
0x59: {  	[tilespmem:$0x6F90] =	vst v1  }
0x5a: {  	[tilespmem:$0x6FA0] =	vst v1  }
0x5b: {  	[tilespmem:$0x6FB0] =	vst v1  }
0x5c: {  	[tilespmem:$0x6FC0] =	vst v1  }
0x5d: {  	[tilespmem:$0x6FD0] =	vst v1  }
0x5e: {  	[tilespmem:$0x6FE0] =	vst v1  }
0x5f: {  	[tilespmem:$0x6FF0] =	vst v1  }
0x60: {  	[tilespmem:$0x7000] =	vst v1  }
0x61: {  	[tilespmem:$0x7010] =	vst v1  }
0x62: {  	[tilespmem:$0x7020] =	vst v1  }
0x63: {  	[tilespmem:$0x7030] =	vst v1  }
0x64: {  	[tilespmem:$0x7040] =	vst v1  }
0x65: {  	[tilespmem:$0x7050] =	vst v1  }
0x66: {  	[tilespmem:$0x7060] =	vst v1  }
0x67: {  	[tilespmem:$0x7070] =	vst v1  }
0x68: {  	[tilespmem:$0x7080] =	vst v1  }
0x69: {  	[tilespmem:$0x7090] =	vst v1  }
0x6a: {  	[tilespmem:$0x70A0] =	vst v1  }
0x6b: {  	[tilespmem:$0x70B0] =	vst v1  }
0x6c: {  	[tilespmem:$0x70C0] =	vst v1  }
0x6d: {  	[tilespmem:$0x70D0] =	vst v1  }
0x6e: {  	[tilespmem:$0x70E0] =	vst v1  }
0x6f: {  	[tilespmem:$0x70F0] =	vst v1  }
0x70: {  	[tilespmem:$0x7100] =	vst v1  }
0x71: {  	[tilespmem:$0x7110] =	vst v1  }
0x72: {  	[tilespmem:$0x7120] =	vst v1  }
0x73: {  	[tilespmem:$0x7130] =	vst v1  }
0x74: {  	[tilespmem:$0x7140] =	vst v1  }
0x75: {  	[tilespmem:$0x7150] =	vst v1  }
0x76: {  	[tilespmem:$0x7160] =	vst v1  }
0x77: {  	[tilespmem:$0x7170] =	vst v1  }
0x78: {  	[tilespmem:$0x7180] =	vst v1  }
0x79: {  	[tilespmem:$0x7190] =	vst v1  }
0x7a: {  	[tilespmem:$0x71A0] =	vst v1  }
0x7b: {  	[tilespmem:$0x71B0] =	vst v1  }
0x7c: {  	[tilespmem:$0x71C0] =	vst v1  }
0x7d: {  	[tilespmem:$0x71D0] =	vst v1  }
0x7e: {  	[tilespmem:$0x71E0] =	vst v1  }
0x7f: {  	[tilespmem:$0x71F0] =	vst v1  }
0x80: {  	[tilespmem:$0x7200] =	vst v1  }
0x81: {  	[tilespmem:$0x7210] =	vst v1  }
0x82: {  	[tilespmem:$0x7220] =	vst v1  }
0x83: {  	[tilespmem:$0x7230] =	vst v1  }
0x84: {  	[tilespmem:$0x7240] =	vst v1  }
0x85: {  	[tilespmem:$0x7250] =	vst v1  }
0x86: {  	[tilespmem:$0x7260] =	vst v1  }
0x87: {  	[tilespmem:$0x7270] =	vst v1  }
0x88: {  	[tilespmem:$0x7280] =	vst v1  }
0x89: {  	[tilespmem:$0x7290] =	vst v1  }
0x8a: {  	[tilespmem:$0x72A0] =	vst v1  }
0x8b: {  	[tilespmem:$0x72B0] =	vst v1  }
0x8c: {  	[tilespmem:$0x72C0] =	vst v1  }
0x8d: {  	[tilespmem:$0x72D0] =	vst v1  }
0x8e: {  	[tilespmem:$0x72E0] =	vst v1  }
0x8f: {  	[tilespmem:$0x72F0] =	vst v1  }
0x90: {  	[tilespmem:$0x7300] =	vst v1  }
0x91: {  	[tilespmem:$0x7310] =	vst v1  }
0x92: {  	[tilespmem:$0x7320] =	vst v1  }
0x93: {  	[tilespmem:$0x7330] =	vst v1  }
0x94: {  	[tilespmem:$0x7340] =	vst v1  }
0x95: {  	[tilespmem:$0x7350] =	vst v1  }
0x96: {  	[tilespmem:$0x7360] =	vst v1  }
0x97: {  	[tilespmem:$0x7370] =	vst v1  }
0x98: {  	[tilespmem:$0x7380] =	vst v1  }
0x99: {  	[tilespmem:$0x7390] =	vst v1  }
0x9a: {  	[tilespmem:$0x73A0] =	vst v1  }
0x9b: {  	[tilespmem:$0x73B0] =	vst v1  }
0x9c: {  	[tilespmem:$0x73C0] =	vst v1  }
0x9d: {  	[tilespmem:$0x73D0] =	vst v1  }
0x9e: {  	[tilespmem:$0x73E0] =	vst v1  }
0x9f: {  	[tilespmem:$0x73F0] =	vst v1  }
0xa0: {  	[tilespmem:$0x7400] =	vst v1  }
0xa1: {  	[tilespmem:$0x7410] =	vst v1  }
0xa2: {  	[tilespmem:$0x7420] =	vst v1  }
0xa3: {  	[tilespmem:$0x7430] =	vst v1  }
0xa4: {  	[tilespmem:$0x7440] =	vst v1  }
0xa5: {  	[tilespmem:$0x7450] =	vst v1  }
0xa6: {  	[tilespmem:$0x7460] =	vst v1  }
0xa7: {  	[tilespmem:$0x7470] =	vst v1  }
0xa8: {  	[tilespmem:$0x7480] =	vst v1  }
0xa9: {  	[tilespmem:$0x7490] =	vst v1  }
0xaa: {  	[tilespmem:$0x74A0] =	vst v1  }
0xab: {  	[tilespmem:$0x74B0] =	vst v1  }
0xac: {  	[tilespmem:$0x74C0] =	vst v1  }
0xad: {  	[tilespmem:$0x74D0] =	vst v1  }
0xae: {  	[tilespmem:$0x74E0] =	vst v1  }
0xaf: {  	[tilespmem:$0x74F0] =	vst v1  }
0xb0: {  	[tilespmem:$0x7500] =	vst v1  }
0xb1: {  	[tilespmem:$0x7510] =	vst v1  }
0xb2: {  	[tilespmem:$0x7520] =	vst v1  }
0xb3: {  	[tilespmem:$0x7530] =	vst v1  }
0xb4: {  	[tilespmem:$0x7540] =	vst v1  }
0xb5: {  	[tilespmem:$0x7550] =	vst v1  }
0xb6: {  	[tilespmem:$0x7560] =	vst v1  }
0xb7: {  	[tilespmem:$0x7570] =	vst v1  }
0xb8: {  	[tilespmem:$0x7580] =	vst v1  }
0xb9: {  	[tilespmem:$0x7590] =	vst v1  }
0xba: {  	[tilespmem:$0x75A0] =	vst v1  }
0xbb: {  	[tilespmem:$0x75B0] =	vst v1  }
0xbc: {  	[tilespmem:$0x75C0] =	vst v1  }
0xbd: {  	[tilespmem:$0x75D0] =	vst v1  }
0xbe: {  	[tilespmem:$0x75E0] =	vst v1  }
0xbf: {  	[tilespmem:$0x75F0] =	vst v1  }
0xc0: {  	[tilespmem:$0x7600] =	vst v1  }
0xc1: {  	[tilespmem:$0x7610] =	vst v1  }
0xc2: {  	[tilespmem:$0x7620] =	vst v1  }
0xc3: {  	[tilespmem:$0x7630] =	vst v1  }
0xc4: {  	[tilespmem:$0x7640] =	vst v1  }
0xc5: {  	[tilespmem:$0x7650] =	vst v1  }
0xc6: {  	[tilespmem:$0x7660] =	vst v1  }
0xc7: {  	[tilespmem:$0x7670] =	vst v1  }
0xc8: {  	[tilespmem:$0x7680] =	vst v1  }
0xc9: {  	[tilespmem:$0x7690] =	vst v1  }
0xca: {  	[tilespmem:$0x76A0] =	vst v1  }
0xcb: {  	[tilespmem:$0x76B0] =	vst v1  }
0xcc: {  	[tilespmem:$0x76C0] =	vst v1  }
0xcd: {  	[tilespmem:$0x76D0] =	vst v1  }
0xce: {  	[tilespmem:$0x76E0] =	vst v1  }
0xcf: {  	[tilespmem:$0x76F0] =	vst v1  }
0xd0: {  	[tilespmem:$0x7700] =	vst v1  }
0xd1: {  	[tilespmem:$0x7710] =	vst v1  }
0xd2: {  	[tilespmem:$0x7720] =	vst v1  }
0xd3: {  	[tilespmem:$0x7730] =	vst v1  }
0xd4: {  	[tilespmem:$0x7740] =	vst v1  }
0xd5: {  	[tilespmem:$0x7750] =	vst v1  }
0xd6: {  	[tilespmem:$0x7760] =	vst v1  }
0xd7: {  	[tilespmem:$0x7770] =	vst v1  }
0xd8: {  	[tilespmem:$0x7780] =	vst v1  }
0xd9: {  	[tilespmem:$0x7790] =	vst v1  }
0xda: {  	[tilespmem:$0x77A0] =	vst v1  }
0xdb: {  	[tilespmem:$0x77B0] =	vst v1  }
0xdc: {  	[tilespmem:$0x77C0] =	vst v1  }
0xdd: {  	[tilespmem:$0x77D0] =	vst v1  }
0xde: {  	[tilespmem:$0x77E0] =	vst v1  }
0xdf: {  	[tilespmem:$0x77F0] =	vst v1  }
0xe0: {  	[tilespmem:$0x7800] =	vst v1  }
0xe1: {  	[tilespmem:$0x7810] =	vst v1  }
0xe2: {  	[tilespmem:$0x7820] =	vst v1  }
0xe3: {  	[tilespmem:$0x7830] =	vst v1  }
0xe4: {  	[tilespmem:$0x7840] =	vst v1  }
0xe5: {  	[tilespmem:$0x7850] =	vst v1  }
0xe6: {  	[tilespmem:$0x7860] =	vst v1  }
0xe7: {  	[tilespmem:$0x7870] =	vst v1  }
0xe8: {  	[tilespmem:$0x7880] =	vst v1  }
0xe9: {  	[tilespmem:$0x7890] =	vst v1  }
0xea: {  	[tilespmem:$0x78A0] =	vst v1  }
0xeb: {  	[tilespmem:$0x78B0] =	vst v1  }
0xec: {  	[tilespmem:$0x78C0] =	vst v1  }
0xed: {  	[tilespmem:$0x78D0] =	vst v1  }
0xee: {  	[tilespmem:$0x78E0] =	vst v1  }
0xef: {  	[tilespmem:$0x78F0] =	vst v1  }
0xf0: {  	[tilespmem:$0x7900] =	vst v1  }
0xf1: {  	[tilespmem:$0x7910] =	vst v1  }
0xf2: {  	[tilespmem:$0x7920] =	vst v1  }
0xf3: {  	[tilespmem:$0x7930] =	vst v1  }
0xf4: {  	[tilespmem:$0x7940] =	vst v1  }
0xf5: {  	[tilespmem:$0x7950] =	vst v1  }
0xf6: {  	[tilespmem:$0x7960] =	vst v1  }
0xf7: {  	[tilespmem:$0x7970] =	vst v1  }
0xf8: {  	[tilespmem:$0x7980] =	vst v1  }
0xf9: {  	[tilespmem:$0x7990] =	vst v1  }
0xfa: {  	[tilespmem:$0x79A0] =	vst v1  }
0xfb: {  	[tilespmem:$0x79B0] =	vst v1  }
0xfc: {  	[tilespmem:$0x79C0] =	vst v1  }
0xfd: {  	[tilespmem:$0x79D0] =	vst v1  }
0xfe: {  	[tilespmem:$0x79E0] =	vst v1  }
0xff: {  	[tilespmem:$0x79F0] =	vst v1  }
0x100: {  	[tilespmem:$0x7A00] =	vst v1  }
0x101: {  	[tilespmem:$0x7A10] =	vst v1  }
0x102: {  	[tilespmem:$0x7A20] =	vst v1  }
0x103: {  	[tilespmem:$0x7A30] =	vst v1  }
0x104: {  	[tilespmem:$0x7A40] =	vst v1  }
0x105: {  	[tilespmem:$0x7A50] =	vst v1  }
0x106: {  	[tilespmem:$0x7A60] =	vst v1  }
0x107: {  	[tilespmem:$0x7A70] =	vst v1  }
0x108: {  	[tilespmem:$0x7A80] =	vst v1  }
0x109: {  	[tilespmem:$0x7A90] =	vst v1  }
0x10a: {  	[tilespmem:$0x7AA0] =	vst v1  }
0x10b: {  	[tilespmem:$0x7AB0] =	vst v1  }
0x10c: {  	[tilespmem:$0x7AC0] =	vst v1  }
0x10d: {  	[tilespmem:$0x7AD0] =	vst v1  }
0x10e: {  	[tilespmem:$0x7AE0] =	vst v1  }
0x10f: {  	[tilespmem:$0x7AF0] =	vst v1  }
0x110: {  	[tilespmem:$0x7B00] =	vst v1  }
0x111: {  	[tilespmem:$0x7B10] =	vst v1  }
0x112: {  	[tilespmem:$0x7B20] =	vst v1  }
0x113: {  	[tilespmem:$0x7B30] =	vst v1  }
0x114: {  	[tilespmem:$0x7B40] =	vst v1  }
0x115: {  	[tilespmem:$0x7B50] =	vst v1  }
0x116: {  	[tilespmem:$0x7B60] =	vst v1  }
0x117: {  	[tilespmem:$0x7B70] =	vst v1  }
0x118: {  	[tilespmem:$0x7B80] =	vst v1  }
0x119: {  	[tilespmem:$0x7B90] =	vst v1  }
0x11a: {  	[tilespmem:$0x7BA0] =	vst v1  }
0x11b: {  	[tilespmem:$0x7BB0] =	vst v1  }
0x11c: {  	[tilespmem:$0x7BC0] =	vst v1  }
0x11d: {  	[tilespmem:$0x7BD0] =	vst v1  }
0x11e: {  	[tilespmem:$0x7BE0] =	vst v1  }
0x11f: {  	[tilespmem:$0x7BF0] =	vst v1  }
0x120: {  	[tilespmem:$0x7C00] =	vst v1  }
0x121: {  	[tilespmem:$0x7C10] =	vst v1  }
0x122: {  	[tilespmem:$0x7C20] =	vst v1  }
0x123: {  	[tilespmem:$0x7C30] =	vst v1  }
0x124: {  	[tilespmem:$0x7C40] =	vst v1  }
0x125: {  	[tilespmem:$0x7C50] =	vst v1  }
0x126: {  	[tilespmem:$0x7C60] =	vst v1  }
0x127: {  	[tilespmem:$0x7C70] =	vst v1  }
0x128: {  	[tilespmem:$0x7C80] =	vst v1  }
0x129: {  	[tilespmem:$0x7C90] =	vst v1  }
0x12a: {  	[tilespmem:$0x7CA0] =	vst v1  }
0x12b: {  	[tilespmem:$0x7CB0] =	vst v1  }
0x12c: {  	[tilespmem:$0x7CC0] =	vst v1  }
0x12d: {  	[tilespmem:$0x7CD0] =	vst v1  }
0x12e: {  	[tilespmem:$0x7CE0] =	vst v1  }
0x12f: {  	[tilespmem:$0x7CF0] =	vst v1  }
0x130: {  	[tilespmem:$0x7D00] =	vst v1  }
0x131: {  	[tilespmem:$0x7D10] =	vst v1  }
0x132: {  	[tilespmem:$0x7D20] =	vst v1  }
0x133: {  	[tilespmem:$0x7D30] =	vst v1  }
0x134: {  	[tilespmem:$0x7D40] =	vst v1  }
0x135: {  	[tilespmem:$0x7D50] =	vst v1  }
0x136: {  	[tilespmem:$0x7D60] =	vst v1  }
0x137: {  	[tilespmem:$0x7D70] =	vst v1  }
0x138: {  	[tilespmem:$0x7D80] =	vst v1  }
0x139: {  	[tilespmem:$0x7D90] =	vst v1  }
0x13a: {  	[tilespmem:$0x7DA0] =	vst v1  }
0x13b: {  	[tilespmem:$0x7DB0] =	vst v1  }
0x13c: {  	[tilespmem:$0x7DC0] =	vst v1  }
0x13d: {  	[tilespmem:$0x7DD0] =	vst v1  }
0x13e: {  	[tilespmem:$0x7DE0] =	vst v1  }
0x13f: {  	[tilespmem:$0x7DF0] =	vst v1  }
0x140: {  	[tilespmem:$0x7E00] =	vst v1  }
0x141: {  	[tilespmem:$0x7E10] =	vst v1  }
0x142: {  	[tilespmem:$0x7E20] =	vst v1  }
0x143: {  	[tilespmem:$0x7E30] =	vst v1  }
0x144: {  	[tilespmem:$0x7E40] =	vst v1  }
0x145: {  	[tilespmem:$0x7E50] =	vst v1  }
0x146: {  	[tilespmem:$0x7E60] =	vst v1  }
0x147: {  	[tilespmem:$0x7E70] =	vst v1  }
0x148: {  	[tilespmem:$0x7E80] =	vst v1  }
0x149: {  	[tilespmem:$0x7E90] =	vst v1  }
0x14a: {  	[tilespmem:$0x7EA0] =	vst v1  }
0x14b: {  	[tilespmem:$0x7EB0] =	vst v1  }
0x14c: {  	[tilespmem:$0x7EC0] =	vst v1  }
0x14d: {  	[tilespmem:$0x7ED0] =	vst v1  }
0x14e: {  	[tilespmem:$0x7EE0] =	vst v1  }
0x14f: {  	[tilespmem:$0x7EF0] =	vst v1  }
0x150: {  	[tilespmem:$0x7F00] =	vst v1  }
0x151: {  	[tilespmem:$0x7F10] =	vst v1  }
0x152: {  	[tilespmem:$0x7F20] =	vst v1  }
0x153: {  	[tilespmem:$0x7F30] =	vst v1  }
0x154: {  	[tilespmem:$0x7F40] =	vst v1  }
0x155: {  	[tilespmem:$0x7F50] =	vst v1  }
0x156: {  	[tilespmem:$0x7F60] =	vst v1  }
0x157: {  	[tilespmem:$0x7F70] =	vst v1  }
0x158: {  	[tilespmem:$0x7F80] =	vst v1  }
0x159: {  	[tilespmem:$0x7F90] =	vst v1  }
0x15a: {  	[tilespmem:$0x7FA0] =	vst v1  }
0x15b: {  	[tilespmem:$0x7FB0] =	vst v1  }
0x15c: {  	[tilespmem:$0x7FC0] =	vst v1  }
0x15d: {  	[tilespmem:$0x7FD0] =	vst v1  }
0x15e: {  	[tilespmem:$0x7FE0] =	vst v1  }
0x15f: {  	[tilespmem:$0x7FF0] =	vst v1  }
0x160: {  	[tilespmem:$0x8000] =	vst v1  }
0x161: {  	[tilespmem:$0x8010] =	vst v1  }
0x162: {  	[tilespmem:$0x8020] =	vst v1  }
0x163: {  	[tilespmem:$0x8030] =	vst v1  }
0x164: {  	[tilespmem:$0x8040] =	vst v1  }
0x165: {  	[tilespmem:$0x8050] =	vst v1  }
0x166: {  	[tilespmem:$0x8060] =	vst v1  }
0x167: {  	[tilespmem:$0x8070] =	vst v1  }
0x168: {  	[tilespmem:$0x8080] =	vst v1  }
0x169: {  	[tilespmem:$0x8090] =	vst v1  }
0x16a: {  	[tilespmem:$0x80A0] =	vst v1  }
0x16b: {  	[tilespmem:$0x80B0] =	vst v1  }
0x16c: {  	[tilespmem:$0x80C0] =	vst v1  }
0x16d: {  	[tilespmem:$0x80D0] =	vst v1  }
0x16e: {  	[tilespmem:$0x80E0] =	vst v1  }
0x16f: {  	[tilespmem:$0x80F0] =	vst v1  }
0x170: {  	[tilespmem:$0x8100] =	vst v1  }
0x171: {  	[tilespmem:$0x8110] =	vst v1  }
0x172: {  	[tilespmem:$0x8120] =	vst v1  }
0x173: {  	[tilespmem:$0x8130] =	vst v1  }
0x174: {  	[tilespmem:$0x8140] =	vst v1  }
0x175: {  	[tilespmem:$0x8150] =	vst v1  }
0x176: {  	[tilespmem:$0x8160] =	vst v1  }
0x177: {  	[tilespmem:$0x8170] =	vst v1  }
0x178: {  	[tilespmem:$0x8180] =	vst v1  }
0x179: {  	[tilespmem:$0x8190] =	vst v1  }
0x17a: {  	[tilespmem:$0x81A0] =	vst v1  }
0x17b: {  	[tilespmem:$0x81B0] =	vst v1  }
0x17c: {  	[tilespmem:$0x81C0] =	vst v1  }
0x17d: {  	[tilespmem:$0x81D0] =	vst v1  }
0x17e: {  	[tilespmem:$0x81E0] =	vst v1  }
0x17f: {  	[tilespmem:$0x81F0] =	vst v1  }
0x180: {  	[tilespmem:$0x8200] =	vst v1  }
0x181: {  	[tilespmem:$0x8210] =	vst v1  }
0x182: {  	[tilespmem:$0x8220] =	vst v1  }
0x183: {  	[tilespmem:$0x8230] =	vst v1  }
0x184: {  	[tilespmem:$0x8240] =	vst v1  }
0x185: {  	[tilespmem:$0x8250] =	vst v1  }
0x186: {  	[tilespmem:$0x8260] =	vst v1  }
0x187: {  	[tilespmem:$0x8270] =	vst v1  }
0x188: {  	[tilespmem:$0x8280] =	vst v1  }
0x189: {  	[tilespmem:$0x8290] =	vst v1  }
0x18a: {  	[tilespmem:$0x82A0] =	vst v1  }
0x18b: {  	[tilespmem:$0x82B0] =	vst v1  }
0x18c: {  	[tilespmem:$0x82C0] =	vst v1  }
0x18d: {  	[tilespmem:$0x82D0] =	vst v1  }
0x18e: {  	[tilespmem:$0x82E0] =	vst v1  }
0x18f: {  	[tilespmem:$0x82F0] =	vst v1  }
0x190: {  	[tilespmem:$0x8300] =	vst v1  }
0x191: {  	[tilespmem:$0x8310] =	vst v1  }
0x192: {  	[tilespmem:$0x8320] =	vst v1  }
0x193: {  	[tilespmem:$0x8330] =	vst v1  }
0x194: {  	[tilespmem:$0x8340] =	vst v1  }
0x195: {  	[tilespmem:$0x8350] =	vst v1  }
0x196: {  	[tilespmem:$0x8360] =	vst v1  }
0x197: {  	[tilespmem:$0x8370] =	vst v1  }
0x198: {  	[tilespmem:$0x8380] =	vst v1  }
0x199: {  	[tilespmem:$0x8390] =	vst v1  }
0x19a: {  	[tilespmem:$0x83A0] =	vst v1  }
0x19b: {  	[tilespmem:$0x83B0] =	vst v1  }
0x19c: {  	[tilespmem:$0x83C0] =	vst v1  }
0x19d: {  	[tilespmem:$0x83D0] =	vst v1  }
0x19e: {  	[tilespmem:$0x83E0] =	vst v1  }
0x19f: {  	[tilespmem:$0x83F0] =	vst v1  }
0x1a0: {  	[tilespmem:$0x8400] =	vst v1  }
0x1a1: {  	[tilespmem:$0x8410] =	vst v1  }
0x1a2: {  	[tilespmem:$0x8420] =	vst v1  }
0x1a3: {  	[tilespmem:$0x8430] =	vst v1  }
0x1a4: {  	[tilespmem:$0x8440] =	vst v1  }
0x1a5: {  	[tilespmem:$0x8450] =	vst v1  }
0x1a6: {  	[tilespmem:$0x8460] =	vst v1  }
0x1a7: {  	[tilespmem:$0x8470] =	vst v1  }
0x1a8: {  	[tilespmem:$0x8480] =	vst v1  }
0x1a9: {  	[tilespmem:$0x8490] =	vst v1  }
0x1aa: {  	[tilespmem:$0x84A0] =	vst v1  }
0x1ab: {  	[tilespmem:$0x84B0] =	vst v1  }
0x1ac: {  	[tilespmem:$0x84C0] =	vst v1  }
0x1ad: {  	[tilespmem:$0x84D0] =	vst v1  }
0x1ae: {  	[tilespmem:$0x84E0] =	vst v1  }
0x1af: {  	[tilespmem:$0x84F0] =	vst v1  }
0x1b0: {  	[tilespmem:$0x8500] =	vst v1  }
0x1b1: {  	[tilespmem:$0x8510] =	vst v1  }
0x1b2: {  	[tilespmem:$0x8520] =	vst v1  }
0x1b3: {  	[tilespmem:$0x8530] =	vst v1  }
0x1b4: {  	[tilespmem:$0x8540] =	vst v1  }
0x1b5: {  	[tilespmem:$0x8550] =	vst v1  }
0x1b6: {  	[tilespmem:$0x8560] =	vst v1  }
0x1b7: {  	[tilespmem:$0x8570] =	vst v1  }
0x1b8: {  	[tilespmem:$0x8580] =	vst v1  }
0x1b9: {  	[tilespmem:$0x8590] =	vst v1  }
0x1ba: {  	[tilespmem:$0x85A0] =	vst v1  }
0x1bb: {  	[tilespmem:$0x85B0] =	vst v1  }
0x1bc: {  	[tilespmem:$0x85C0] =	vst v1  }
0x1bd: {  	[tilespmem:$0x85D0] =	vst v1  }
0x1be: {  	[tilespmem:$0x8BF0] =	vst v1  }
0x1bf: {  	[tilespmem:$0x8BE0] =	vst v1  }
0x1c0: {  	[tilespmem:$0x8BD0] =	vst v1  }
0x1c1: {  	[tilespmem:$0x8BC0] =	vst v1  }
0x1c2: {  	[tilespmem:$0x8BB0] =	vst v1  }
0x1c3: {  	[tilespmem:$0x8BA0] =	vst v1  }
0x1c4: {  	[tilespmem:$0x8B90] =	vst v1  }
0x1c5: {  	[tilespmem:$0x8B80] =	vst v1  }
0x1c6: {  	[tilespmem:$0x8B70] =	vst v1  }
0x1c7: {  	[tilespmem:$0x8B60] =	vst v1  }
0x1c8: {  	[tilespmem:$0x8B50] =	vst v1  }
0x1c9: {  	[tilespmem:$0x85E0] =	vst v1  }
0x1ca: {  	[tilespmem:$0x85F0] =	vst v1  }
0x1cb: {  	[tilespmem:$0x8600] =	vst v1  }
0x1cc: {  	[tilespmem:$0x8610] =	vst v1  }
0x1cd: {  	[tilespmem:$0x8620] =	vst v1  }
0x1ce: {  	[tilespmem:$0x8630] =	vst v1  }
0x1cf: {  	[tilespmem:$0x8640] =	vst v1  }
0x1d0: {  	[tilespmem:$0x8650] =	vst v1  }
0x1d1: {  	[tilespmem:$0x8660] =	vst v1  }
0x1d2: {  	[tilespmem:$0x8670] =	vst v1  }
0x1d3: {  	[tilespmem:$0x8680] =	vst v1  }
0x1d4: {  	[tilespmem:$0x8690] =	vst v1  }
0x1d5: {  	[tilespmem:$0x86A0] =	vst v1  }
0x1d6: {  	[tilespmem:$0x86B0] =	vst v1  }
0x1d7: {  	[tilespmem:$0x86C0] =	vst v1  }
0x1d8: {  	[tilespmem:$0x86D0] =	vst v1  }
0x1d9: {  	[tilespmem:$0x86E0] =	vst v1  }
0x1da: {  	[tilespmem:$0x86F0] =	vst v1  }
0x1db: {  	[tilespmem:$0x8700] =	vst v1  }
0x1dc: {  	[tilespmem:$0x8710] =	vst v1  }
0x1dd: {  	[tilespmem:$0x8720] =	vst v1  }
0x1de: {  	[tilespmem:$0x8730] =	vst v1  }
0x1df: {  	[tilespmem:$0x8740] =	vst v1  }
0x1e0: {  	[tilespmem:$0x8750] =	vst v1  }
0x1e1: {  	[tilespmem:$0x8760] =	vst v1  }
0x1e2: {  	[tilespmem:$0x8770] =	vst v1  }
0x1e3: {  	[tilespmem:$0x8780] =	vst v1  }
0x1e4: {  	[tilespmem:$0x8790] =	vst v1  }
0x1e5: {  	[tilespmem:$0x87A0] =	vst v1  }
0x1e6: {  	[tilespmem:$0x87B0] =	vst v1  }
0x1e7: {  	[tilespmem:$0x87C0] =	vst v1  }
0x1e8: {  	[tilespmem:$0x87D0] =	vst v1  }
0x1e9: {  	[tilespmem:$0x87E0] =	vst v1  }
0x1ea: {  	[tilespmem:$0x87F0] =	vst v1  }
0x1eb: {  	[tilespmem:$0x8800] =	vst v1  }
0x1ec: {  	[tilespmem:$0x8810] =	vst v1  }
0x1ed: {  	[tilespmem:$0x8820] =	vst v1  }
0x1ee: {  	[tilespmem:$0x8830] =	vst v1  }
0x1ef: {  	[tilespmem:$0x8840] =	vst v1  }
0x1f0: {  	[tilespmem:$0x8850] =	vst v1  }
0x1f1: {  	[tilespmem:$0x8860] =	vst v1  }
0x1f2: {  	[tilespmem:$0x8870] =	vst v1  }
0x1f3: {  	[tilespmem:$0x8880] =	vst v1  }
0x1f4: {  	[tilespmem:$0x8890] =	vst v1  }
0x1f5: {  	[tilespmem:$0x88A0] =	vst v1  }
0x1f6: {  	[tilespmem:$0x88B0] =	vst v1  }
0x1f7: {  	[tilespmem:$0x88C0] =	vst v1  }
0x1f8: {  	[tilespmem:$0x88D0] =	vst v1  }
0x1f9: {  	[tilespmem:$0x88E0] =	vst v1  }
0x1fa: {  	[tilespmem:$0x88F0] =	vst v1  }
0x1fb: {  	[tilespmem:$0x8900] =	vst v1  }
0x1fc: {  	[tilespmem:$0x8910] =	vst v1  }
0x1fd: {  	[tilespmem:$0x8920] =	vst v1  }
0x1fe: {  	[tilespmem:$0x8930] =	vst v1  }
0x1ff: {  	[tilespmem:$0x8940] =	vst v1  }
0x200: {  	[tilespmem:$0x8950] =	vst v1  }
0x201: {  	[tilespmem:$0x8960] =	vst v1  }
0x202: {  	[tilespmem:$0x8970] =	vst v1  }
0x203: {  	[tilespmem:$0x8980] =	vst v1  }
0x204: {  	[tilespmem:$0x8990] =	vst v1  }
0x205: {  	[tilespmem:$0x89A0] =	vst v1  }
0x206: {  	[tilespmem:$0x89B0] =	vst v1  }
0x207: {  	[tilespmem:$0x89C0] =	vst v1  }
0x208: {  	[tilespmem:$0x89D0] =	vst v1  }
0x209: {  	[tilespmem:$0x89E0] =	vst v1  }
0x20a: {  	[tilespmem:$0x89F0] =	vst v1  }
0x20b: {  	[tilespmem:$0x8A00] =	vst v1  }
0x20c: {  	[tilespmem:$0x8A10] =	vst v1  }
0x20d: {  	[tilespmem:$0x8A20] =	vst v1  }
0x20e: {  	[tilespmem:$0x8A30] =	vst v1  }
0x20f: {  	[tilespmem:$0x8A40] =	vst v1  }
0x210: {  	[tilespmem:$0x8A50] =	vst v1  }
0x211: {  	[tilespmem:$0x8A60] =	vst v1  }
0x212: {  	[tilespmem:$0x8A70] =	vst v1  }
0x213: {  	[tilespmem:$0x8A80] =	vst v1  }
0x214: {  	[tilespmem:$0x8A90] =	vst v1  }
0x215: {  	[tilespmem:$0x8AA0] =	vst v1  }
0x216: {  	[tilespmem:$0x8AB0] =	vst v1  }
0x217: {  	[tilespmem:$0x8AC0] =	vst v1  }
0x218: {  	[tilespmem:$0x8AD0] =	vst v1  }
0x219: {  	[tilespmem:$0x8AE0] =	vst v1  }
0x21a: {  	[tilespmem:$0x8AF0] =	vst v1  }
0x21b: {  	[tilespmem:$0x8B00] =	vst v1  }
0x21c: {  	[tilespmem:$0x8B10] =	vst v1  }
0x21d: {  	[tilespmem:$0x8B20] =	vst v1  }
0x21e: {  	[tilespmem:$0x8B30] =	vst v1  }
0x21f: {  	[tilespmem:$0x8B40] =	vst v1  }
0x220: {  	[tilespmem:$0x8C00] =	vst v1  }
0x221: {  	[spmem:s9] =	stream.linear.scatter [tilespmem:s26], [sflag:$0x7], $0x2000, $0x38;
	[tilespmem:$0x1CC10] =	vst v63  }
0x222: {  	_ =	swait.ge [sflag:s28], $0x2000  }
0x223: {  	[sflag:s28] =	ssyncset.done $0x0  }
0x224: {  	[sflag:s28] =	ssyncadd.s32 $0xFFFFE000  }
0x225: {  	[spmem:s10] =	stream.linear.scatter [tilespmem:s26], [sflag:$0x7], $0x2000, $0x38;
	[tilespmem:$0x1CC10] =	vst v63  }
0x226: {  	_ =	swait.ge [sflag:s28], $0x2000  }
0x227: {  	[sflag:s28] =	ssyncset.done $0x0  }
0x228: {  	s24 =	rddreg [dreg:$0x8];
	[sflag:s28] =	ssyncadd.s32 $0xFFFFE000  }
0x229: {  	[spmem:s24] =	stream.linear.scatter [tilespmem:s26], [sflag:$0x7], $0x2000, $0x38;
	[tilespmem:$0x1CC10] =	vst v63  }
0x22a: {  	_ =	swait.ge [sflag:s28], $0x2000  }
0x22b: {  	[sflag:s28] =	ssyncset.done $0x0  }
0x22c: {  	s23 =	rddreg [dreg:$0x9];
	[sflag:s28] =	ssyncadd.s32 $0xFFFFE000  }
0x22d: {  	[spmem:s23] =	stream.linear.scatter [tilespmem:s26], [sflag:$0x7], $0x2000, $0x38;
	[tilespmem:$0x1CC10] =	vst v63  }
0x22e: {  	_ =	swait.ge [sflag:s28], $0x2000  }
0x22f: {  	[sflag:s28] =	ssyncset.done $0x0  }
0x230: {  	s24 =	rddreg [dreg:$0xa];
	[sflag:s28] =	ssyncadd.s32 $0xFFFFE000  }
0x231: {  	[spmem:s24] =	stream.linear.scatter [tilespmem:s26], [sflag:$0x7], $0x2000, $0x38;
	[tilespmem:$0x1CC10] =	vst v63  }
0x232: {  	_ =	swait.ge [sflag:s28], $0x2000  }
0x233: {  	[sflag:s28] =	ssyncset.done $0x0  }
0x234: {  	s23 =	rddreg [dreg:$0xb];
	[sflag:s28] =	ssyncadd.s32 $0xFFFFE000  }
0x235: {  	[spmem:s23] =	stream.linear.scatter [tilespmem:s26], [sflag:$0x7], $0x2000, $0x38;
	[tilespmem:$0x1CC10] =	vst v63  }
0x236: {  	_ =	swait.ge [sflag:s28], $0x2000  }
0x237: {  	[sflag:s28] =	ssyncset.done $0x0  }
0x238: {  	s24 =	rddreg [dreg:$0xc];
	[sflag:s28] =	ssyncadd.s32 $0xFFFFE000  }
0x239: {  	[spmem:s24] =	stream.linear.scatter [tilespmem:s26], [sflag:$0x7], $0x2000, $0x38;
	[tilespmem:$0x1CC10] =	vst v63  }
0x23a: {  	_ =	swait.ge [sflag:s28], $0x2000  }
0x23b: {  	[sflag:s28] =	ssyncset.done $0x0  }
0x23c: {  	s23 =	rddreg [dreg:$0xd];
	[sflag:s28] =	ssyncadd.s32 $0xFFFFE000  }
0x23d: {  	[spmem:s23] =	stream.linear.scatter [tilespmem:s26], [sflag:$0x7], $0x2000, $0x38;
	[tilespmem:$0x1CC10] =	vst v63  }
0x23e: {  	_ =	swait.ge [sflag:s28], $0x2000  }
0x23f: {  	[sflag:s28] =	ssyncset.done $0x0  }
0x240: {  	s24 =	rddreg [dreg:$0xe];
	[sflag:s28] =	ssyncadd.s32 $0xFFFFE000  }
0x241: {  	[spmem:s24] =	stream.linear.scatter [tilespmem:s26], [sflag:$0x7], $0x2000, $0x38;
	[tilespmem:$0x1CC10] =	vst v63  }
0x242: {  	_ =	swait.ge [sflag:s28], $0x2000  }
0x243: {  	[sflag:s28] =	ssyncset.done $0x0  }
0x244: {  	s23 =	rddreg [dreg:$0xf];
	[sflag:s28] =	ssyncadd.s32 $0xFFFFE000  }
0x245: {  	[spmem:s23] =	stream.linear.scatter [tilespmem:s26], [sflag:$0x7], $0x2000, $0x38;
	[tilespmem:$0x1CC10] =	vst v63  }
0x246: {  	_ =	swait.ge [sflag:s28], $0x2000  }
0x247: {  	[sflag:s28] =	ssyncset.done $0x0  }
0x248: {  	[sflag:s28] =	ssyncadd.s32 $0xFFFFE000  }
0x249: {  	s24 =	rddreg [dreg:$0x2]  }
0x24a: {  	[tilespmem:s29], [sflag:$0x7] =	stream.linear.gather [hbm4b:s24+s6], $0x2710, $0x38;
	[tilespmem:$0x1CC10] =	vst v63  }
0x24b: {  	_ =	swait.ge [sflag:s28], $0x2710  }
0x24c: {  	[sflag:s28] =	ssyncset.done $0x0  }
0x24d: {  	[sflag:s28] =	ssyncadd.s32 $0xFFFFD8F0  }
0x24e: {  	[bflag:$0x0] =	sbarrier.arrive $0xFFFF  }
0x24f: {  	_ =	swait.ge [sflag:s30], $0x100  }
0x250: {  	[sflag:s30] =	ssyncset.done $0x0  }
0x251: {  	[sflag:s30] =	ssyncadd.s32 $0xFFFFFF00  }
0x252: {  	v2 =	vld [tilespmem:$0x0];
	_ =	sdelay $0x5  }
0x253: {  	v4 =	vld [tilespmem:$0x10]  }
0x254: {  	v5 =	vld [tilespmem:$0x80]  }
0x255: {  	v3 =	vld.idx.msk [tilespmem:v2+s29+$0x0], $0xffff;
	_ =	sdelay $0x3  }
0x256: {  	v2 =	vshll.u32 v2, $0x1  }
0x257: {  	[tilespmem:$0x400] =	vst v5;
	v2 =	vor.u32 v0, v2;
	vm0 =	veq.s32 v3, $0x1  }
0x258: {  	v44 =	vld [tilespmem:$0x90];
	[tilespmem:$0x200] =	vst v2;
	v2 =	vnsel vm0, $0x2710, v5  }
0x259: {  	v3 =	vld [tilespmem:$0x20];
	[tilespmem:$0x300] =	vst v2  }
0x25a: {  	v2 =	vld.idx.msk [tilespmem:v4+s29+$0x0], $0xffff;
	_ =	sdelay $0x3  }
0x25b: {  	v4 =	vshll.u32 v4, $0x1  }
0x25c: {  	[tilespmem:$0x410] =	vst v44;
	v4 =	vor.u32 v0, v4;
	vm13 =	veq.s32 v2, $0x1  }
0x25d: {  	v45 =	vld [tilespmem:$0x30];
	[tilespmem:$0x210] =	vst v4;
	v2 =	vnsel vm13, $0x2710, v44  }
0x25e: {  	v46 =	vld [tilespmem:$0xA0];
	[tilespmem:$0x310] =	vst v2  }
0x25f: {  	v2 =	vld.idx.msk [tilespmem:v3+s29+$0x0], $0xffff;
	_ =	sdelay $0x3  }
0x260: {  	v3 =	vshll.u32 v3, $0x1  }
0x261: {  	[tilespmem:$0x420] =	vst v46;
	v3 =	vor.u32 v0, v3;
	vm14 =	veq.s32 v2, $0x1  }
0x262: {  	[tilespmem:$0x220] =	vst v3;
	v2 =	vnsel vm14, $0x2710, v46  }
0x263: {  	v3 =	vld [tilespmem:$0x40];
	[tilespmem:$0x320] =	vst v2  }
0x264: {  	v2 =	vld.idx.msk [tilespmem:v45+s29+$0x0], $0xffff  }
0x265: {  	v47 =	vld [tilespmem:$0xB0];
	_ =	sdelay $0x1  }
0x266: {  	v4 =	vshll.u32 v45, $0x1  }
0x267: {  	v4 =	vor.u32 v0, v4  }
0x268: {  	[tilespmem:$0x230] =	vst v4;
	vm15 =	veq.s32 v2, $0x1  }
0x269: {  	v48 =	vld [tilespmem:$0x50];
	[tilespmem:$0x430] =	vst v47;
	v2 =	vnsel vm15, $0x2710, v47  }
0x26a: {  	v49 =	vld [tilespmem:$0xC0];
	[tilespmem:$0x330] =	vst v2  }
0x26b: {  	v2 =	vld.idx.msk [tilespmem:v3+s29+$0x0], $0xffff;
	_ =	sdelay $0x3  }
0x26c: {  	v3 =	vshll.u32 v3, $0x1  }
0x26d: {  	[tilespmem:$0x440] =	vst v49;
	v3 =	vor.u32 v0, v3;
	vm4 =	veq.s32 v2, $0x1  }
0x26e: {  	[tilespmem:$0x240] =	vst v3;
	v2 =	vnsel vm4, $0x2710, v49  }
0x26f: {  	v3 =	vld [tilespmem:$0x60];
	[tilespmem:$0x340] =	vst v2  }
0x270: {  	v2 =	vld.idx.msk [tilespmem:v48+s29+$0x0], $0xffff  }
0x271: {  	v50 =	vld [tilespmem:$0xD0];
	_ =	sdelay $0x1  }
0x272: {  	v4 =	vshll.u32 v48, $0x1  }
0x273: {  	v4 =	vor.u32 v0, v4  }
0x274: {  	[tilespmem:$0x250] =	vst v4;
	vm5 =	veq.s32 v2, $0x1  }
0x275: {  	v51 =	vld [tilespmem:$0x70];
	[tilespmem:$0x450] =	vst v50;
	v2 =	vnsel vm5, $0x2710, v50  }
0x276: {  	v52 =	vld [tilespmem:$0xE0];
	[tilespmem:$0x350] =	vst v2  }
0x277: {  	v2 =	vld.idx.msk [tilespmem:v3+s29+$0x0], $0xffff;
	_ =	sdelay $0x3  }
0x278: {  	v3 =	vshll.u32 v3, $0x1  }
0x279: {  	[tilespmem:$0x460] =	vst v52;
	v3 =	vor.u32 v0, v3;
	vm6 =	veq.s32 v2, $0x1  }
0x27a: {  	[tilespmem:$0x260] =	vst v3;
	v2 =	vnsel vm6, $0x2710, v52  }
0x27b: {  	[tilespmem:$0x360] =	vst v2  }
0x27c: {  	v2 =	vld.idx.msk [tilespmem:v51+s29+$0x0], $0xffff  }
0x27d: {  	v3 =	vld [tilespmem:$0xF0];
	_ =	sdelay $0x1  }
0x27e: {  	v4 =	vshll.u32 v51, $0x1  }
0x27f: {  	v4 =	vor.u32 v0, v4  }
0x280: {  	[tilespmem:$0x270] =	vst v4;
	vm7 =	veq.s32 v2, $0x1  }
0x281: {  	[tilespmem:$0x470] =	vst v3;
	v2 =	vnsel vm7, $0x2710, v3  }
0x282: {  	s23 =	rddreg [dreg:$0x11];
	[tilespmem:$0x370] =	vst v2  }
0x283: {  	[tilespmem:s6], [sflag:$0x1] =	stream.linear.gather [hbm4b:s23+s6], $0x100, $0x38;
	[tilespmem:$0x1CC10] =	vst v63  }
0x284: {  	_ = 	snop  }
0x285: {  	[tilespmem:s2], [sflag:$0x3] =	stream.indirect.gather [hbm4b:s1+s31], $0x40, s0, s31, $0xb8;
	[tilespmem:$0x1CC10] =	vst v63  }
0x286: {  	_ =	swait.ge [sflag:s3], $0x100  }
0x287: {  	[sflag:s3] =	ssyncset.done $0x0  }
0x288: {  	[sflag:s3] =	ssyncadd.s32 $0xFFFFFF00  }
0x289: {  	v2 =	vld [tilespmem:$0x100];
	_ =	sdelay $0x5  }
0x28a: {  	v53 =	vld [tilespmem:$0x110]  }
0x28b: {  	v54 =	vld [tilespmem:$0x180]  }
0x28c: {  	v3 =	vld.idx.msk [tilespmem:v2+s29+$0x0], $0xffff;
	_ =	sdelay $0x3  }
0x28d: {  	v2 =	vshll.u32 v2, $0x1  }
0x28e: {  	[tilespmem:$0x480] =	vst v54;
	v2 =	vor.u32 v0, v2;
	vm8 =	veq.s32 v3, $0x1  }
0x28f: {  	[tilespmem:$0x280] =	vst v2;
	v2 =	vnsel vm8, $0x2710, v54  }
0x290: {  	v3 =	vld [tilespmem:$0x120];
	[tilespmem:$0x380] =	vst v2  }
0x291: {  	v2 =	vld.idx.msk [tilespmem:v53+s29+$0x0], $0xffff  }
0x292: {  	v55 =	vld [tilespmem:$0x190];
	_ =	sdelay $0x1  }
0x293: {  	v4 =	vshll.u32 v53, $0x1  }
0x294: {  	v4 =	vor.u32 v0, v4  }
0x295: {  	[tilespmem:$0x290] =	vst v4;
	vm9 =	veq.s32 v2, $0x1  }
0x296: {  	v56 =	vld [tilespmem:$0x130];
	[tilespmem:$0x490] =	vst v55;
	v2 =	vnsel vm9, $0x2710, v55  }
0x297: {  	v57 =	vld [tilespmem:$0x1A0];
	[tilespmem:$0x390] =	vst v2  }
0x298: {  	v2 =	vld.idx.msk [tilespmem:v3+s29+$0x0], $0xffff;
	_ =	sdelay $0x3  }
0x299: {  	v3 =	vshll.u32 v3, $0x1  }
0x29a: {  	[tilespmem:$0x4A0] =	vst v57;
	v3 =	vor.u32 v0, v3;
	vm10 =	veq.s32 v2, $0x1  }
0x29b: {  	[tilespmem:$0x2A0] =	vst v3;
	v2 =	vnsel vm10, $0x2710, v57  }
0x29c: {  	v3 =	vld [tilespmem:$0x140];
	[tilespmem:$0x3A0] =	vst v2  }
0x29d: {  	v2 =	vld.idx.msk [tilespmem:v56+s29+$0x0], $0xffff  }
0x29e: {  	v58 =	vld [tilespmem:$0x1B0];
	_ =	sdelay $0x1  }
0x29f: {  	v4 =	vshll.u32 v56, $0x1  }
0x2a0: {  	v4 =	vor.u32 v0, v4  }
0x2a1: {  	[tilespmem:$0x2B0] =	vst v4;
	vm11 =	veq.s32 v2, $0x1  }
0x2a2: {  	v59 =	vld [tilespmem:$0x150];
	[tilespmem:$0x4B0] =	vst v58;
	v2 =	vnsel vm11, $0x2710, v58  }
0x2a3: {  	v60 =	vld [tilespmem:$0x1C0];
	[tilespmem:$0x3B0] =	vst v2  }
0x2a4: {  	v2 =	vld.idx.msk [tilespmem:v3+s29+$0x0], $0xffff;
	_ =	sdelay $0x3  }
0x2a5: {  	v3 =	vshll.u32 v3, $0x1  }
0x2a6: {  	[tilespmem:$0x4C0] =	vst v60;
	v3 =	vor.u32 v0, v3;
	vm12 =	veq.s32 v2, $0x1  }
0x2a7: {  	[tilespmem:$0x2C0] =	vst v3;
	v2 =	vnsel vm12, $0x2710, v60  }
0x2a8: {  	v3 =	vld [tilespmem:$0x160];
	[tilespmem:$0x3C0] =	vst v2  }
0x2a9: {  	v2 =	vld.idx.msk [tilespmem:v59+s29+$0x0], $0xffff  }
0x2aa: {  	v61 =	vld [tilespmem:$0x1D0];
	_ =	sdelay $0x1  }
0x2ab: {  	v4 =	vshll.u32 v59, $0x1  }
0x2ac: {  	v4 =	vor.u32 v0, v4  }
0x2ad: {  	[tilespmem:$0x2D0] =	vst v4;
	vm13 =	veq.s32 v2, $0x1  }
0x2ae: {  	v62 =	vld [tilespmem:$0x170];
	[tilespmem:$0x4D0] =	vst v61;
	v2 =	vnsel vm13, $0x2710, v61  }
0x2af: {  	v63 =	vld [tilespmem:$0x1E0];
	[tilespmem:$0x3D0] =	vst v2  }
0x2b0: {  	v2 =	vld.idx.msk [tilespmem:v3+s29+$0x0], $0xffff;
	_ =	sdelay $0x3  }
0x2b1: {  	v3 =	vshll.u32 v3, $0x1  }
0x2b2: {  	[tilespmem:$0x4E0] =	vst v63;
	v3 =	vor.u32 v0, v3;
	vm14 =	veq.s32 v2, $0x1  }
0x2b3: {  	[tilespmem:$0x2E0] =	vst v3;
	v2 =	vnsel vm14, $0x2710, v63  }
0x2b4: {  	[tilespmem:$0x3E0] =	vst v2  }
0x2b5: {  	v2 =	vld.idx.msk [tilespmem:v62+s29+$0x0], $0xffff  }
0x2b6: {  	v3 =	vld [tilespmem:$0x1F0];
	_ =	sdelay $0x1  }
0x2b7: {  	v4 =	vshll.u32 v62, $0x1  }
0x2b8: {  	v4 =	vor.u32 v0, v4  }
0x2b9: {  	[tilespmem:$0x2F0] =	vst v4;
	vm15 =	veq.s32 v2, $0x1  }
0x2ba: {  	[tilespmem:$0x4F0] =	vst v3;
	v2 =	vnsel vm15, $0x2710, v3  }
0x2bb: {  	s24 =	rddreg [dreg:$0x12];
	[tilespmem:$0x3F0] =	vst v2  }
0x2bc: {  	[tilespmem:s25], [sflag:$0x2] =	stream.linear.gather [hbm4b:s24+s6], $0x100, $0x38;
	[tilespmem:$0x1CC10] =	vst v63  }
0x2bd: {  	_ = 	snop  }
0x2be: {  	[tilespmem:s11], [sflag:$0x4] =	stream.indirect.gather [hbm4b:s1+s31], $0x40, s8, s31, $0xb8;
	[tilespmem:$0x1CC10] =	vst v63  }
0x2bf: {  	_ =	swait.ge [sflag:s12], $0x2000  }
0x2c0: {  	[sflag:s12] =	ssyncset.done $0x0  }
0x2c1: {  	[sflag:s12] =	ssyncadd.s32 $0xFFFFE000  }
0x2c2: {  	[spmem:s5] =	stream.indirect.scatter.add.f32 [tilespmem:s2], [sflag:$0x5], $0x40, s13, s31, $0xb8;
	[tilespmem:$0x1CC10] =	vst v63  }
0x2c3: {  	_ = 	snop  }
0x2c4: {  	[spmem:s4] =	stream.indirect.scatter.add.f32 [tilespmem:s2], [sflag:$0x5], $0x40, s14, s31, $0xb8;
	[tilespmem:$0x1CC10] =	vst v63  }
0x2c5: {  	_ =	swait.ge [sflag:s15], $0x2000  }
0x2c6: {  	[sflag:s15] =	ssyncset.done $0x0  }
0x2c7: {  	[sflag:s15] =	ssyncadd.s32 $0xFFFFE000  }
0x2c8: {  	[spmem:s5] =	stream.indirect.scatter.add.f32 [tilespmem:s11], [sflag:$0x6], $0x40, s16, s31, $0xb8;
	[tilespmem:$0x1CC10] =	vst v63  }
0x2c9: {  	s22 =	simm.s32 $0xFFFFEC80  }
0x2ca: {  	[spmem:s4] =	stream.indirect.scatter.add.f32 [tilespmem:s11], [sflag:$0x6], $0x40, s17, s31, $0xb8;
	[tilespmem:$0x1CC10] =	vst v63  }
.LBB2_2:
0x2cb: {  	_ =	swait.ge [sflag:s30], $0x100  }
0x2cc: {  	[sflag:s30] =	ssyncset.done $0x0  }
0x2cd: {  	[sflag:s30] =	ssyncadd.s32 $0xFFFFFF00  }
0x2ce: {  	_ =	swait.ge [sflag:s18], $0x2000  }
0x2cf: {  	[sflag:s18] =	ssyncset.done $0x0  }
0x2d0: {  	[sflag:s18] =	ssyncadd.s32 $0xFFFFE000  }
0x2d1: {  	_ =	swait.ge [sflag:s18], $0x2000  }
0x2d2: {  	[sflag:s18] =	ssyncset.done $0x0  }
0x2d3: {  	[sflag:s18] =	ssyncadd.s32 $0xFFFFE000  }
0x2d4: {  	v2 =	vld [tilespmem:$0x0];
	_ =	sdelay $0x5  }
0x2d5: {  	v4 =	vld [tilespmem:$0x10]  }
0x2d6: {  	v5 =	vld [tilespmem:$0x80]  }
0x2d7: {  	v3 =	vld.idx.msk [tilespmem:v2+s29+$0x0], $0xffff;
	_ =	sdelay $0x3  }
0x2d8: {  	v2 =	vshll.u32 v2, $0x1  }
0x2d9: {  	[tilespmem:$0x400] =	vst v5;
	v2 =	vor.u32 v0, v2;
	vm0 =	veq.s32 v3, $0x1  }
0x2da: {  	v44 =	vld [tilespmem:$0x90];
	[tilespmem:$0x200] =	vst v2;
	v2 =	vnsel vm0, $0x2710, v5  }
0x2db: {  	v3 =	vld [tilespmem:$0x20];
	[tilespmem:$0x300] =	vst v2  }
0x2dc: {  	v2 =	vld.idx.msk [tilespmem:v4+s29+$0x0], $0xffff;
	_ =	sdelay $0x3  }
0x2dd: {  	v4 =	vshll.u32 v4, $0x1  }
0x2de: {  	[tilespmem:$0x410] =	vst v44;
	v4 =	vor.u32 v0, v4;
	vm13 =	veq.s32 v2, $0x1  }
0x2df: {  	v45 =	vld [tilespmem:$0x30];
	[tilespmem:$0x210] =	vst v4;
	v2 =	vnsel vm13, $0x2710, v44  }
0x2e0: {  	v46 =	vld [tilespmem:$0xA0];
	[tilespmem:$0x310] =	vst v2  }
0x2e1: {  	v2 =	vld.idx.msk [tilespmem:v3+s29+$0x0], $0xffff;
	_ =	sdelay $0x3  }
0x2e2: {  	v3 =	vshll.u32 v3, $0x1  }
0x2e3: {  	[tilespmem:$0x420] =	vst v46;
	v3 =	vor.u32 v0, v3;
	vm14 =	veq.s32 v2, $0x1  }
0x2e4: {  	[tilespmem:$0x220] =	vst v3;
	v2 =	vnsel vm14, $0x2710, v46  }
0x2e5: {  	v3 =	vld [tilespmem:$0x40];
	[tilespmem:$0x320] =	vst v2  }
0x2e6: {  	v2 =	vld.idx.msk [tilespmem:v45+s29+$0x0], $0xffff  }
0x2e7: {  	v47 =	vld [tilespmem:$0xB0];
	_ =	sdelay $0x1  }
0x2e8: {  	v4 =	vshll.u32 v45, $0x1  }
0x2e9: {  	v4 =	vor.u32 v0, v4  }
0x2ea: {  	[tilespmem:$0x230] =	vst v4;
	vm15 =	veq.s32 v2, $0x1  }
0x2eb: {  	v48 =	vld [tilespmem:$0x50];
	[tilespmem:$0x430] =	vst v47;
	v2 =	vnsel vm15, $0x2710, v47  }
0x2ec: {  	v49 =	vld [tilespmem:$0xC0];
	[tilespmem:$0x330] =	vst v2  }
0x2ed: {  	v2 =	vld.idx.msk [tilespmem:v3+s29+$0x0], $0xffff;
	_ =	sdelay $0x3  }
0x2ee: {  	v3 =	vshll.u32 v3, $0x1  }
0x2ef: {  	[tilespmem:$0x440] =	vst v49;
	v3 =	vor.u32 v0, v3;
	vm4 =	veq.s32 v2, $0x1  }
0x2f0: {  	[tilespmem:$0x240] =	vst v3;
	v2 =	vnsel vm4, $0x2710, v49  }
0x2f1: {  	v3 =	vld [tilespmem:$0x60];
	[tilespmem:$0x340] =	vst v2  }
0x2f2: {  	v2 =	vld.idx.msk [tilespmem:v48+s29+$0x0], $0xffff  }
0x2f3: {  	v50 =	vld [tilespmem:$0xD0];
	_ =	sdelay $0x1  }
0x2f4: {  	v4 =	vshll.u32 v48, $0x1  }
0x2f5: {  	v4 =	vor.u32 v0, v4  }
0x2f6: {  	[tilespmem:$0x250] =	vst v4;
	vm5 =	veq.s32 v2, $0x1  }
0x2f7: {  	v51 =	vld [tilespmem:$0x70];
	[tilespmem:$0x450] =	vst v50;
	v2 =	vnsel vm5, $0x2710, v50  }
0x2f8: {  	v52 =	vld [tilespmem:$0xE0];
	[tilespmem:$0x350] =	vst v2  }
0x2f9: {  	v2 =	vld.idx.msk [tilespmem:v3+s29+$0x0], $0xffff;
	_ =	sdelay $0x3  }
0x2fa: {  	v3 =	vshll.u32 v3, $0x1  }
0x2fb: {  	[tilespmem:$0x460] =	vst v52;
	v3 =	vor.u32 v0, v3;
	vm6 =	veq.s32 v2, $0x1  }
0x2fc: {  	[tilespmem:$0x260] =	vst v3;
	v2 =	vnsel vm6, $0x2710, v52  }
0x2fd: {  	[tilespmem:$0x360] =	vst v2  }
0x2fe: {  	v2 =	vld.idx.msk [tilespmem:v51+s29+$0x0], $0xffff  }
0x2ff: {  	v3 =	vld [tilespmem:$0xF0];
	_ =	sdelay $0x1  }
0x300: {  	v4 =	vshll.u32 v51, $0x1  }
0x301: {  	v4 =	vor.u32 v0, v4  }
0x302: {  	[tilespmem:$0x270] =	vst v4;
	vm7 =	veq.s32 v2, $0x1  }
0x303: {  	s23 =	sadd.s32 s22, s21;
	[tilespmem:$0x470] =	vst v3;
	v2 =	vnsel vm7, $0x2710, v3  }
0x304: {  	s24 =	sadd.s32 $0x1400, s23;
	[tilespmem:$0x370] =	vst v2  }
0x305: {  	[tilespmem:s6], [sflag:$0x1] =	stream.linear.gather [hbm4b:s24+s6], $0x100, $0x38;
	[tilespmem:$0x1CC10] =	vst v63  }
0x306: {  	_ = 	snop  }
0x307: {  	[tilespmem:s2], [sflag:$0x3] =	stream.indirect.gather [hbm4b:s1+s31], $0x40, s0, s31, $0xb8;
	[tilespmem:$0x1CC10] =	vst v63  }
0x308: {  	_ =	swait.ge [sflag:s3], $0x100  }
0x309: {  	[sflag:s3] =	ssyncset.done $0x0  }
0x30a: {  	[sflag:s3] =	ssyncadd.s32 $0xFFFFFF00  }
0x30b: {  	_ =	swait.ge [sflag:s19], $0x2000  }
0x30c: {  	[sflag:s19] =	ssyncset.done $0x0  }
0x30d: {  	[sflag:s19] =	ssyncadd.s32 $0xFFFFE000  }
0x30e: {  	_ =	swait.ge [sflag:s19], $0x2000  }
0x30f: {  	[sflag:s19] =	ssyncset.done $0x0  }
0x310: {  	[sflag:s19] =	ssyncadd.s32 $0xFFFFE000  }
0x311: {  	v2 =	vld [tilespmem:$0x100];
	_ =	sdelay $0x5  }
0x312: {  	v53 =	vld [tilespmem:$0x110]  }
0x313: {  	v54 =	vld [tilespmem:$0x180]  }
0x314: {  	v3 =	vld.idx.msk [tilespmem:v2+s29+$0x0], $0xffff;
	_ =	sdelay $0x3  }
0x315: {  	v2 =	vshll.u32 v2, $0x1  }
0x316: {  	[tilespmem:$0x480] =	vst v54;
	v2 =	vor.u32 v0, v2;
	vm8 =	veq.s32 v3, $0x1  }
0x317: {  	[tilespmem:$0x280] =	vst v2;
	v2 =	vnsel vm8, $0x2710, v54  }
0x318: {  	v3 =	vld [tilespmem:$0x120];
	[tilespmem:$0x380] =	vst v2  }
0x319: {  	v2 =	vld.idx.msk [tilespmem:v53+s29+$0x0], $0xffff  }
0x31a: {  	v55 =	vld [tilespmem:$0x190];
	_ =	sdelay $0x1  }
0x31b: {  	v4 =	vshll.u32 v53, $0x1  }
0x31c: {  	v4 =	vor.u32 v0, v4  }
0x31d: {  	[tilespmem:$0x290] =	vst v4;
	vm9 =	veq.s32 v2, $0x1  }
0x31e: {  	v56 =	vld [tilespmem:$0x130];
	[tilespmem:$0x490] =	vst v55;
	v2 =	vnsel vm9, $0x2710, v55  }
0x31f: {  	v57 =	vld [tilespmem:$0x1A0];
	[tilespmem:$0x390] =	vst v2  }
0x320: {  	v2 =	vld.idx.msk [tilespmem:v3+s29+$0x0], $0xffff;
	_ =	sdelay $0x3  }
0x321: {  	v3 =	vshll.u32 v3, $0x1  }
0x322: {  	[tilespmem:$0x4A0] =	vst v57;
	v3 =	vor.u32 v0, v3;
	vm10 =	veq.s32 v2, $0x1  }
0x323: {  	[tilespmem:$0x2A0] =	vst v3;
	v2 =	vnsel vm10, $0x2710, v57  }
0x324: {  	v3 =	vld [tilespmem:$0x140];
	[tilespmem:$0x3A0] =	vst v2  }
0x325: {  	v2 =	vld.idx.msk [tilespmem:v56+s29+$0x0], $0xffff  }
0x326: {  	v58 =	vld [tilespmem:$0x1B0];
	_ =	sdelay $0x1  }
0x327: {  	v4 =	vshll.u32 v56, $0x1  }
0x328: {  	v4 =	vor.u32 v0, v4  }
0x329: {  	[tilespmem:$0x2B0] =	vst v4;
	vm11 =	veq.s32 v2, $0x1  }
0x32a: {  	v59 =	vld [tilespmem:$0x150];
	[tilespmem:$0x4B0] =	vst v58;
	v2 =	vnsel vm11, $0x2710, v58  }
0x32b: {  	v60 =	vld [tilespmem:$0x1C0];
	[tilespmem:$0x3B0] =	vst v2  }
0x32c: {  	v2 =	vld.idx.msk [tilespmem:v3+s29+$0x0], $0xffff;
	_ =	sdelay $0x3  }
0x32d: {  	v3 =	vshll.u32 v3, $0x1  }
0x32e: {  	[tilespmem:$0x4C0] =	vst v60;
	v3 =	vor.u32 v0, v3;
	vm12 =	veq.s32 v2, $0x1  }
0x32f: {  	[tilespmem:$0x2C0] =	vst v3;
	v2 =	vnsel vm12, $0x2710, v60  }
0x330: {  	v3 =	vld [tilespmem:$0x160];
	[tilespmem:$0x3C0] =	vst v2  }
0x331: {  	v2 =	vld.idx.msk [tilespmem:v59+s29+$0x0], $0xffff  }
0x332: {  	v61 =	vld [tilespmem:$0x1D0];
	_ =	sdelay $0x1  }
0x333: {  	v4 =	vshll.u32 v59, $0x1  }
0x334: {  	v4 =	vor.u32 v0, v4  }
0x335: {  	[tilespmem:$0x2D0] =	vst v4;
	vm13 =	veq.s32 v2, $0x1  }
0x336: {  	v62 =	vld [tilespmem:$0x170];
	[tilespmem:$0x4D0] =	vst v61;
	v2 =	vnsel vm13, $0x2710, v61  }
0x337: {  	v63 =	vld [tilespmem:$0x1E0];
	[tilespmem:$0x3D0] =	vst v2  }
0x338: {  	v2 =	vld.idx.msk [tilespmem:v3+s29+$0x0], $0xffff;
	_ =	sdelay $0x3  }
0x339: {  	v3 =	vshll.u32 v3, $0x1  }
0x33a: {  	[tilespmem:$0x4E0] =	vst v63;
	v3 =	vor.u32 v0, v3;
	vm14 =	veq.s32 v2, $0x1  }
0x33b: {  	[tilespmem:$0x2E0] =	vst v3;
	v2 =	vnsel vm14, $0x2710, v63  }
0x33c: {  	[tilespmem:$0x3E0] =	vst v2  }
0x33d: {  	v2 =	vld.idx.msk [tilespmem:v62+s29+$0x0], $0xffff  }
0x33e: {  	v3 =	vld [tilespmem:$0x1F0];
	_ =	sdelay $0x1  }
0x33f: {  	v4 =	vshll.u32 v62, $0x1  }
0x340: {  	v4 =	vor.u32 v0, v4  }
0x341: {  	[tilespmem:$0x2F0] =	vst v4;
	vm15 =	veq.s32 v2, $0x1  }
0x342: {  	[tilespmem:$0x4F0] =	vst v3;
	v2 =	vnsel vm15, $0x2710, v3  }
0x343: {  	s23 =	sadd.s32 $0x1420, s23;
	[tilespmem:$0x3F0] =	vst v2  }
0x344: {  	[tilespmem:s25], [sflag:$0x2] =	stream.linear.gather [hbm4b:s23+s6], $0x100, $0x38;
	[tilespmem:$0x1CC10] =	vst v63  }
0x345: {  	_ = 	snop  }
0x346: {  	[tilespmem:s11], [sflag:$0x4] =	stream.indirect.gather [hbm4b:s1+s31], $0x40, s8, s31, $0xb8;
	[tilespmem:$0x1CC10] =	vst v63  }
0x347: {  	_ =	swait.ge [sflag:s12], $0x2000  }
0x348: {  	[sflag:s12] =	ssyncset.done $0x0  }
0x349: {  	[sflag:s12] =	ssyncadd.s32 $0xFFFFE000  }
0x34a: {  	[spmem:s5] =	stream.indirect.scatter.add.f32 [tilespmem:s2], [sflag:$0x5], $0x40, s13, s31, $0xb8;
	[tilespmem:$0x1CC10] =	vst v63  }
0x34b: {  	_ = 	snop  }
0x34c: {  	[spmem:s4] =	stream.indirect.scatter.add.f32 [tilespmem:s2], [sflag:$0x5], $0x40, s14, s31, $0xb8;
	[tilespmem:$0x1CC10] =	vst v63  }
0x34d: {  	p0 =	sne.s32 s22, $0xFFFFFFC0;
	_ =	swait.ge [sflag:s15], $0x2000  }
.Ltmp0:
0x34e: {  	[sflag:s15] =	ssyncset.done $0x0;
	(pc) =	sbr.rel @p0 .LBB2_2-.Ltmp0, $4  }
0x34f: {  	[sflag:s15] =	ssyncadd.s32 $0xFFFFE000  }
0x350: {  	[spmem:s5] =	stream.indirect.scatter.add.f32 [tilespmem:s11], [sflag:$0x6], $0x40, s16, s31, $0xb8;
	[tilespmem:$0x1CC10] =	vst v63  }
0x351: {  	s22 =	sadd.s32 $0x40, s22  }
0x352: {  	[spmem:s4] =	stream.indirect.scatter.add.f32 [tilespmem:s11], [sflag:$0x6], $0x40, s17, s31, $0xb8;
	[tilespmem:$0x1CC10] =	vst v63  }
0x353: {  	_ =	swait.ge [sflag:s18], $0x2000  }
0x354: {  	[sflag:s18] =	ssyncset.done $0x0  }
0x355: {  	[sflag:s18] =	ssyncadd.s32 $0xFFFFE000  }
0x356: {  	_ =	swait.ge [sflag:s18], $0x2000  }
0x357: {  	[sflag:s18] =	ssyncset.done $0x0  }
0x358: {  	[sflag:s18] =	ssyncadd.s32 $0xFFFFE000  }
0x359: {  	_ =	swait.ge [sflag:s30], $0x100  }
0x35a: {  	[sflag:s30] =	ssyncset.done $0x0  }
0x35b: {  	[sflag:s30] =	ssyncadd.s32 $0xFFFFFF00  }
0x35c: {  	_ =	swait.ge [sflag:s19], $0x2000  }
0x35d: {  	[sflag:s19] =	ssyncset.done $0x0  }
0x35e: {  	[sflag:s19] =	ssyncadd.s32 $0xFFFFE000  }
0x35f: {  	_ =	swait.ge [sflag:s19], $0x2000  }
0x360: {  	[sflag:s19] =	ssyncset.done $0x0  }
0x361: {  	[sflag:s19] =	ssyncadd.s32 $0xFFFFE000  }
0x362: {  	_ =	swait.ge [sflag:s3], $0x100  }
0x363: {  	[sflag:s3] =	ssyncset.done $0x0  }
0x364: {  	s22 =	stileid.u32;
	[sflag:s3] =	ssyncadd.s32 $0xFFFFFF00  }
0x365: {  	s22 =	sshll.u32 s22, $0x6;
	[bflag:$0x0] =	sbarrier.arrive $0xFFFF  }
0x366: {  	s23 =	sshrl.u32 s9, $0x3;
	s22 =	sor.u32 $0x1C07, s22;
	s24 =	rddreg [dreg:$0x10]  }
0x367: {  	[hbm:s24], [sflag:s22] =	dma.local [spmem:s23], $0x1400  }
0x368: {  	_ =	swait.ge [sflag:s28], $0x1400  }
0x369: {  	[sflag:s28] =	ssyncset.done $0x0  }
0x36a: {  	s23 =	sshrl.u32 s10, $0x3;
	s24 =	rddreg [dreg:$0x13];
	[sflag:s28] =	ssyncadd.s32 $0xFFFFEC00  }
0x36b: {  	[hbm:s24], [sflag:s22] =	dma.local [spmem:s23], $0x1400  }
0x36c: {  	_ =	swait.ge [sflag:s28], $0x1400  }
0x36d: {  	s20 =	sadd.s32 $0x1, s20;
	s24 =	rddreg [dreg:$0x14]  }
0x36e: {  	p0 =	sne.s32 s20, s24  }
.Ltmp1:
0x36f: {  	_ = 	snop;
	(pc) =	sbr.rel @p0 .LBB2_1-.Ltmp1, $3  }
0x370: {  	_ =	sdelay $0x1  }
0x371: {  	[sflag:s28] =	ssyncset.done $0x0  }
0x372: {  	[sflag:s28] =	ssyncadd.s32 $0xFFFFEC00  }
0x373: {  	_ =	sfence.sel $0x180000  }
0x374: {  	[bflag:$0x0] =	sbarrier.arrive $0xFFFF  }
0x375: {  	_ =	strace $0x90000047  }
0x376: {  	s0 =	stileid.u32;
	[bflag:$0x2] =	sbarrier.arrive $0xFFFF  }
0x377: {  	p0 =	sne.s32 s0, $0x0;
	s0 =	rddreg [dreg:$0x6]  }
0x378: {  	s0 =	sadd.s32 @!p0 $0x100000, s0  }
0x379: {  	[sflag:s0] =	ssyncadd.tile.s32 @!p0 $0x1;
	_ =	shalt  }
.Lfunc_end2:
_tile_overlayer_lowered:
.L_overlay_start_2:
0x37a: {  	(tag) =	ssettag $0x2  }
0x37b: {  	s0 =	rddreg [dreg:$0x0];
	s2 =	stileid.u32  }
0x37c: {  	s1 =	rddreg [dreg:$0x1];
	p0 =	sne.s32 s2, $0x0  }
0x37d: {  	s3 =	rddreg [dreg:$0x2];
	[bflag:$0x3] =	sbarrier.arrive $0xFFFF;
	s2 =	simm.s32 @!p0 $0x1C07  }
0x37e: {  	[timem:s3], [sflag:s2] =	dma.local @!p0 [hbm:s0], s1  }
0x37f: {  	s0 =	simm.s32 @!p0 $0x7  }
0x380: {  	_ =	swait.ge @!p0 [sflag:s0], s1  }
0x381: {  	s1 =	ssub.s32 @!p0 $0x0, s1;
	[sflag:s0] =	ssyncset.done @!p0 $0x0  }
0x382: {  	[sflag:s0] =	ssyncadd.s32 @!p0 s1  }
0x383: {  	[bflag:$0x3] =	sbarrier.arrive $0xFFFF  }
0x384: {  	_ =	shalt  }

</sc_bundles>
